<compile_context>
chip_gen: v7x
topology: tpu7x:2x2x1
jax: 0.10.2.dev20260603
libtpu: 0.0.44.dev20260713+nightly
codegen_flags: <defaults>
</compile_context>

<pallas_src>
import functools

import jax
import jax.numpy as jnp
from jax import lax
from jax.experimental import pallas as pl
from jax.experimental.pallas import tpu as pltpu
from jax.experimental.pallas import tpu_sc as plsc

_B, _D, _H, _W, _P, _J = 8, 32, 128, 128, 10, 17
_K = _P * _J
_C = _J * _D
_UPT = 5
_EPT = _UPT * _J * 16


def _sc_body(ebd_flat, kpts_flat, out_hbm,
             kpts_v, yx_v, idx_v, vecs_v, means_v, allm_v,
             pp_v, part_v, outv_v, sh_means, sh_part, sem):
    cid = lax.axis_index("c")
    sid = lax.axis_index("s")
    wid = cid * 16 + sid
    lanes = jnp.arange(16, dtype=jnp.int32)
    zero = jnp.zeros((16,), jnp.float32)

    g0 = (wid * _UPT) // 2
    start = jnp.minimum((2 * 17 * g0) // 8 * 8, 2 * _B * _K - 112)
    pltpu.sync_copy(kpts_flat.at[pl.ds(start, 112)], kpts_v)

    for i in range(4):
        off = 2 * (17 * g0 + i * 16) - start
        yf = plsc.load_gather(kpts_v, [jnp.minimum(off + 2 * lanes, 110)])
        xf = plsc.load_gather(kpts_v, [jnp.minimum(off + 2 * lanes + 1, 111)])
        yi = jnp.clip(yf * float(_H), 0.0, float(_H - 1)).astype(jnp.int32)
        xi = jnp.clip(xf * float(_W), 0.0, float(_W - 1)).astype(jnp.int32)
        yx_v[pl.ds(i * 16, 16)] = yi * _W + xi

    lane_off = lanes * (_H * _W)
    copies = []
    for r in range(_UPT):
        u = wid * _UPT + r
        g = u // 2
        dh = u - g * 2
        b = g // 10
        lkb = (g - g0) * _J
        ubase = (b * _C + dh * 16) * (_H * _W)
        for j in range(_J):
            yxs = plsc.load_gather(
                yx_v, [jnp.broadcast_to(lkb + j, (16,))])
            idx_v[pl.ds((r * _J + j) * 16, 16)] = (
                ubase + j * _D * (_H * _W) + lane_off + yxs)
        blk = r * 272
        for off, sz in ((0, 128), (128, 128), (256, 16)):
            copies.append(pltpu.async_copy(
                ebd_flat.at[idx_v.at[pl.ds(blk + off, sz)]],
                vecs_v.at[pl.ds(blk + off, sz)], sem))
    for cp in copies:
        cp.wait()

    pull_acc = zero
    for r in range(_UPT):
        vals = [vecs_v[pl.ds((r * _J + j) * 16, 16)] for j in range(_J)]
        acc = vals[0]
        for j in range(1, _J):
            acc = acc + vals[j]
        mean = acc * (1.0 / _J)
        means_v[pl.ds(r * 16, 16)] = mean
        for j in range(_J):
            pull_acc = pull_acc + jnp.abs(vals[j] - mean)

    pltpu.sync_copy(means_v, sh_means.at[pl.ds(sid * _UPT * 16, _UPT * 16)])
    plsc.subcore_barrier()
    pltpu.sync_copy(sh_means, allm_v)

    push_acc = zero
    for r in range(_UPT):
        uc = sid * _UPT + r
        u = wid * _UPT + r
        g = u // 2
        dh = u - g * 2
        b = g // 10
        mu = allm_v[pl.ds(uc * 16, 16)]
        for q in range(_P):
            quc = (b * 10 + q) * 2 + dh - cid * 80
            push_acc = push_acc + jnp.abs(mu - allm_v[pl.ds(quc * 16, 16)])

    pp_v[pl.ds(0, 16)] = pull_acc
    pp_v[pl.ds(16, 16)] = push_acc
    pltpu.sync_copy(pp_v, sh_part.at[pl.ds(sid * 32, 32)])
    plsc.subcore_barrier()

    @pl.when(sid == 0)
    def _():
        pltpu.sync_copy(sh_part, part_v)

        def acc_tiles(s, carry):
            pt, ph = carry
            return (pt + part_v[pl.ds(s * 32, 16)],
                    ph + part_v[pl.ds(s * 32 + 16, 16)])

        pt, ph = lax.fori_loop(0, 16, acc_tiles, (zero, zero))
        outv_v[...] = jnp.where(lanes == 0, jnp.sum(pt),
                                jnp.where(lanes == 1, jnp.sum(ph), 0.0))
        pltpu.sync_copy(outv_v, out_hbm.at[cid])


_sc_call = functools.partial(
    pl.kernel,
    out_type=jax.ShapeDtypeStruct((2, 16), jnp.float32),
    mesh=plsc.VectorSubcoreMesh(
        core_axis_name="c", subcore_axis_name="s", num_cores=2),
    compiler_params=pltpu.CompilerParams(
        needs_layout_passes=False, use_tc_tiling_on_sc=False,
        disable_bounds_checks=True, disable_semaphore_checks=True,
        skip_device_barrier=True),
    scratch_types=[
        pltpu.VMEM((112,), jnp.float32),
        pltpu.VMEM((64,), jnp.int32),
        pltpu.VMEM((_EPT,), jnp.int32),
        pltpu.VMEM((_EPT,), jnp.float32),
        pltpu.VMEM((_UPT * 16,), jnp.float32),
        pltpu.VMEM((80 * 16,), jnp.float32),
        pltpu.VMEM((32,), jnp.float32),
        pltpu.VMEM((512,), jnp.float32),
        pltpu.VMEM((16,), jnp.float32),
        pltpu.VMEM_SHARED((80 * 16,), jnp.float32),
        pltpu.VMEM_SHARED((512,), jnp.float32),
        pltpu.SemaphoreType.DMA,
    ],
)(_sc_body)


def kernel(ebd_batch, kpts, idxs, tags, n_people):
    del idxs, tags, n_people
    out = _sc_call(ebd_batch.reshape(-1), kpts.reshape(-1))
    pull_s = out[0, 0] + out[1, 0]
    push_s = out[0, 1] + out[1, 1]
    return (push_s * (1.0 / float(_P * _P * _D * _B))
            + pull_s * (1.0 / float(_J * _D * _B))) * 0.5

# --- scband reference (transcript-rebuilt; emitter-appended) ---
"""Pipeline reference for scband-aeloss-29094108463534 (READ-ONLY COPY).

The authoritative reference and input builder live on the scoring server;
editing this copy changes nothing except your own understanding.
"""

import jax, jax.numpy as jnp
import numpy as np

B, D, H, W, P, J = 8, 32, 128, 128, 10, 17
K = P * J


def setup_inputs(seed: int = 0) -> dict:
    key = jax.random.key(seed)
    k1, k2 = jax.random.split(key)
    ebd_batch = jax.random.normal(k1, (B, J * D, H, W), dtype=jnp.float32)
    kpts = jax.random.uniform(k2, (B, K, 2), dtype=jnp.float32)
    # one keypoint per (person, joint): joint index cycles 0..16, person id repeats 17x
    idxs = jnp.broadcast_to(jnp.tile(jnp.arange(J, dtype=jnp.int32), P), (B, K))
    tags = jnp.broadcast_to(jnp.repeat(jnp.arange(P, dtype=jnp.int32), J), (B, K))
    return {"ebd_batch": ebd_batch, "kpts": kpts, "idxs": idxs, "tags": tags, "n_people": P}


def reference(ebd_batch, kpts, idxs, tags, n_people):
    # AELoss: extract per-keypoint embedding vectors from the feature map,
    # pull keypoints of the same person toward their mean, push person means apart.
    ebd_dim = D
    b, C, h, w = ebd_batch.shape
    k = kpts.shape[1]
    scale = jnp.array([h, w], dtype=jnp.float32)
    pk = jnp.floor(kpts * scale).astype(jnp.int32)
    y = jnp.clip(pk[..., 0], 0, h - 1)
    x = jnp.clip(pk[..., 1], 0, w - 1)
    # channel block for each keypoint's joint index: ebds[idx*D:(idx+1)*D, y, x]
    chan = idxs[..., None].astype(jnp.int32) * ebd_dim + jnp.arange(ebd_dim, dtype=jnp.int32)[None, None, :]  # [B,K,D]
    b_idx = jnp.arange(b)[:, None, None]
    vecs = ebd_batch[b_idx, chan, y[..., None], x[..., None]]  # [B,K,D] gather
    # per-person means (segment mean over keypoints sharing a tag)
    n_static = k // J
    people_range = jnp.arange(n_static) + (jnp.asarray(n_people) - n_static).astype(jnp.int32)
    onehot = (tags[..., None] == people_range[None, None, :]).astype(jnp.float32)  # [B,K,P]
    counts = onehot.sum(axis=1)  # [B,P]
    sums = jnp.einsum('bkd,bkp->bpd', vecs, onehot)
    means = sums / jnp.maximum(counts, 1.0)[..., None]  # [B,P,D]
    # pull: mean |person_vecs - person_mean| per person, summed over persons
    mean_per_kpt = means[jnp.arange(b)[:, None], tags]  # [B,K,D]
    per_elem = jnp.sqrt((vecs - mean_per_kpt) ** 2)  # == abs, faithful to torch.sqrt(x**2)
    per_person_sum = jnp.einsum('bkd,bkp->bp', per_elem, onehot)
    per_person_mean = per_person_sum / jnp.maximum(counts * ebd_dim, 1.0)
    pull = per_person_sum.sum(axis=1) * 0.0 + per_person_mean.sum(axis=1)  # [B]
    # push: mean pairwise |mean_p - mean_q| over P x P x D
    A = means[:, None, :, :]
    Bm = means[:, :, None, :]
    push = jnp.sqrt((A - Bm) ** 2).mean(axis=(1, 2, 3))  # [B]
    return (push.mean() + pull.mean()) / 2.0

if __name__ == "__main__":
    import jax
    _d = setup_inputs()
    print(jax.jit(kernel)(*tuple(_d.values())))

</pallas_src>

<mosaic_0001>
#map = affine_map<(d0, d1) -> (0)>
#map1 = affine_map<(d0, d1) -> (0, 0)>
module attributes {stable_mosaic.version = 14 : i64} {
  func.func @_sc_body(%arg0: i32, %arg1: i32, %arg2: memref<71303168xf32, #tpu.memory_space<hbm>>, %arg3: memref<2720xf32, #tpu.memory_space<hbm>>, %arg4: memref<2x16xf32, #tpu.memory_space<hbm>>, %arg5: memref<112xf32, #tpu.memory_space<vmem>>, %arg6: memref<64xi32, #tpu.memory_space<vmem>>, %arg7: memref<1360xi32, #tpu.memory_space<vmem>>, %arg8: memref<1360xf32, #tpu.memory_space<vmem>>, %arg9: memref<80xf32, #tpu.memory_space<vmem>>, %arg10: memref<1280xf32, #tpu.memory_space<vmem>>, %arg11: memref<32xf32, #tpu.memory_space<vmem>>, %arg12: memref<512xf32, #tpu.memory_space<vmem>>, %arg13: memref<16xf32, #tpu.memory_space<vmem>>, %arg14: memref<1280xf32, #tpu.memory_space<vmem_shared>>, %arg15: memref<512xf32, #tpu.memory_space<vmem_shared>>, %arg16: memref<!tpu.dma_semaphore, #tpu.memory_space<semaphore_mem>>) attributes {dimension_semantics = [#tpu.dimension_semantics<core_parallel>, #tpu.dimension_semantics<subcore_parallel>], iteration_bounds = array<i64: 2, 16>, scalar_prefetch = 0 : i64, scratch_operands = 12 : i64, tpu.core_type = #tpu.core_type<sc_vector_subcore>, window_params = [{transform_indices = #map}, {transform_indices = #map}, {transform_indices = #map1}]} {
    %mul3A = arith.constant 16 : i32
    %mul3A_0 = arith.muli %arg0, %mul3A : i32
    %add3A = arith.addi %mul3A_0, %arg1 : i32
    %iota3A = tpu.iota {dimensions = array<i32: 0>} : vector<16xi32>
    %broadcast_in_dim3A = arith.constant 0.000000e+00 : f32
    %broadcast_in_dim3A_1 = vector.broadcast %broadcast_in_dim3A : f32 to vector<16xf32>
    %mul3A_2 = arith.constant 5 : i32
    %mul3A_3 = arith.muli %add3A, %mul3A_2 : i32
    %jit3A = arith.constant 2 : i32
    %div3A = arith.divsi %mul3A_3, %jit3A : i32
    %sign3A = arith.constant 0 : i32
    %sign3A_4 = arith.cmpi sgt, %mul3A_3, %sign3A : i32
    %sign3A_5 = arith.extui %sign3A_4 : i1 to i32
    %sign3A_6 = arith.constant 0 : i32
    %sign3A_7 = arith.cmpi slt, %mul3A_3, %sign3A_6 : i32
    %sign3A_8 = arith.extui %sign3A_7 : i1 to i32
    %sign3A_9 = arith.subi %sign3A_5, %sign3A_8 : i32
    %sign3A_10 = arith.constant 0 : i32
    %sign3A_11 = arith.cmpi sgt, %jit3A, %sign3A_10 : i32
    %sign3A_12 = arith.extui %sign3A_11 : i1 to i32
    %sign3A_13 = arith.constant 0 : i32
    %sign3A_14 = arith.cmpi slt, %jit3A, %sign3A_13 : i32
    %sign3A_15 = arith.extui %sign3A_14 : i1 to i32
    %sign3A_16 = arith.subi %sign3A_12, %sign3A_15 : i32
    %ne3A = arith.cmpi ne, %sign3A_9, %sign3A_16 : i32
    %rem3A = arith.remsi %mul3A_3, %jit3A : i32
    %ne3A_17 = arith.constant 0 : i32
    %ne3A_18 = arith.cmpi ne, %rem3A, %ne3A_17 : i32
    %and3A = arith.andi %ne3A, %ne3A_18 : i1
    %sub3A = arith.constant 1 : i32
    %sub3A_19 = arith.subi %div3A, %sub3A : i32
    %select_n3A = arith.select %and3A, %sub3A_19, %div3A : i32
    %mul3A_20 = arith.constant 34 : i32
    %mul3A_21 = arith.muli %mul3A_20, %select_n3A : i32
    %jit3A_22 = arith.constant 8 : i32
    %div3A_23 = arith.divsi %mul3A_21, %jit3A_22 : i32
    %sign3A_24 = arith.constant 0 : i32
    %sign3A_25 = arith.cmpi sgt, %mul3A_21, %sign3A_24 : i32
    %sign3A_26 = arith.extui %sign3A_25 : i1 to i32
    %sign3A_27 = arith.constant 0 : i32
    %sign3A_28 = arith.cmpi slt, %mul3A_21, %sign3A_27 : i32
    %sign3A_29 = arith.extui %sign3A_28 : i1 to i32
    %sign3A_30 = arith.subi %sign3A_26, %sign3A_29 : i32
    %sign3A_31 = arith.constant 0 : i32
    %sign3A_32 = arith.cmpi sgt, %jit3A_22, %sign3A_31 : i32
    %sign3A_33 = arith.extui %sign3A_32 : i1 to i32
    %sign3A_34 = arith.constant 0 : i32
    %sign3A_35 = arith.cmpi slt, %jit3A_22, %sign3A_34 : i32
    %sign3A_36 = arith.extui %sign3A_35 : i1 to i32
    %sign3A_37 = arith.subi %sign3A_33, %sign3A_36 : i32
    %ne3A_38 = arith.cmpi ne, %sign3A_30, %sign3A_37 : i32
    %rem3A_39 = arith.remsi %mul3A_21, %jit3A_22 : i32
    %ne3A_40 = arith.constant 0 : i32
    %ne3A_41 = arith.cmpi ne, %rem3A_39, %ne3A_40 : i32
    %and3A_42 = arith.andi %ne3A_38, %ne3A_41 : i1
    %sub3A_43 = arith.constant 1 : i32
    %sub3A_44 = arith.subi %div3A_23, %sub3A_43 : i32
    %select_n3A_45 = arith.select %and3A_42, %sub3A_44, %div3A_23 : i32
    %mul3A_46 = arith.constant 8 : i32
    %mul3A_47 = arith.muli %select_n3A_45, %mul3A_46 : i32
    %min3A = arith.constant 2608 : i32
    %min3A_48 = arith.minsi %mul3A_47, %min3A : i32
    "tpu.region"() ({
      %run_scoped3A = tpu.sem_alloc : memref<!tpu.dma_semaphore, #tpu.memory_space<semaphore_mem>>
      %dma_start3A_3409 = tpu.memref_slice %arg3[%min3A_48] : memref<2720xf32, #tpu.memory_space<hbm>> -> memref<112xf32, #tpu.memory_space<hbm>>
      %dma_start3A_3410 = tpu.memref_slice %arg3[%min3A_48] : memref<2720xf32, #tpu.memory_space<hbm>> -> memref<112xf32, #tpu.memory_space<hbm>>
      tpu.enqueue_dma source(%dma_start3A_3410 : memref<112xf32, #tpu.memory_space<hbm>>) target(%arg5 : memref<112xf32, #tpu.memory_space<vmem>>) target_semaphore(%run_scoped3A : memref<!tpu.dma_semaphore, #tpu.memory_space<semaphore_mem>>)
      %dma_wait3A_3411 = tpu.memref_slice %arg3[%min3A_48] : memref<2720xf32, #tpu.memory_space<hbm>> -> memref<112xf32, #tpu.memory_space<hbm>>
      %dma_wait3A_3412 = tpu.memref_slice %arg3[%min3A_48] : memref<2720xf32, #tpu.memory_space<hbm>> -> memref<112xf32, #tpu.memory_space<hbm>>
      tpu.wait_dma2 semaphore(%run_scoped3A : memref<!tpu.dma_semaphore, #tpu.memory_space<semaphore_mem>>) src(%dma_wait3A_3412 : memref<112xf32, #tpu.memory_space<hbm>>) dst(%arg5 : memref<112xf32, #tpu.memory_space<vmem>>)
      tpu.yield
    }) : () -> ()
    %mul3A_49 = arith.constant 17 : i32
    %mul3A_50 = arith.muli %mul3A_49, %select_n3A : i32
    %add3A_51 = arith.constant 0 : i32
    %add3A_52 = arith.addi %mul3A_50, %add3A_51 : i32
    %mul3A_53 = arith.constant 2 : i32
    %mul3A_54 = arith.muli %mul3A_53, %add3A_52 : i32
    %sub3A_55 = arith.subi %mul3A_54, %min3A_48 : i32
    %mul3A_56 = arith.constant 2 : i32
    %mul3A_57 = vector.broadcast %mul3A_56 : i32 to vector<16xi32>
    %mul3A_58 = arith.muli %mul3A_57, %iota3A : vector<16xi32>
    %add3A_59 = vector.broadcast %sub3A_55 : i32 to vector<16xi32>
    %add3A_60 = arith.addi %add3A_59, %mul3A_58 : vector<16xi32>
    %min3A_61 = arith.constant 110 : i32
    %min3A_62 = vector.broadcast %min3A_61 : i32 to vector<16xi32>
    %min3A_63 = arith.minsi %add3A_60, %min3A_62 : vector<16xi32>
    %gather3A = tpu.vector_load_idx %arg5[%min3A_63] : memref<112xf32, #tpu.memory_space<vmem>>[vector<16xi32>], vector<16xf32>,
    %mul3A_64 = arith.constant 2 : i32
    %mul3A_65 = vector.broadcast %mul3A_64 : i32 to vector<16xi32>
    %mul3A_66 = arith.muli %mul3A_65, %iota3A : vector<16xi32>
    %add3A_67 = vector.broadcast %sub3A_55 : i32 to vector<16xi32>
    %add3A_68 = arith.addi %add3A_67, %mul3A_66 : vector<16xi32>
    %add3A_69 = arith.constant 1 : i32
    %add3A_70 = vector.broadcast %add3A_69 : i32 to vector<16xi32>
    %add3A_71 = arith.addi %add3A_68, %add3A_70 : vector<16xi32>
    %min3A_72 = arith.constant 111 : i32
    %min3A_73 = vector.broadcast %min3A_72 : i32 to vector<16xi32>
    %min3A_74 = arith.minsi %add3A_71, %min3A_73 : vector<16xi32>
    %gather3A_75 = tpu.vector_load_idx %arg5[%min3A_74] : memref<112xf32, #tpu.memory_space<vmem>>[vector<16xi32>], vector<16xf32>,
    %mul3A_76 = arith.constant 1.280000e+02 : f32
    %mul3A_77 = vector.broadcast %mul3A_76 : f32 to vector<16xf32>
    %mul3A_78 = arith.mulf %gather3A, %mul3A_77 : vector<16xf32>
    %jit3A_79 = arith.constant 0.000000e+00 : f32
    %jit3A_80 = arith.constant 1.270000e+02 : f32
    %max3A = vector.broadcast %jit3A_79 : f32 to vector<16xf32>
    %max3A_81 = arith.maximumf %max3A, %mul3A_78 : vector<16xf32>
    %min3A_82 = vector.broadcast %jit3A_80 : f32 to vector<16xf32>
    %min3A_83 = arith.minimumf %min3A_82, %max3A_81 : vector<16xf32>
    %convert_element_type3A = arith.fptosi %min3A_83 : vector<16xf32> to vector<16xi32>
    %mul3A_84 = arith.constant 1.280000e+02 : f32
    %mul3A_85 = vector.broadcast %mul3A_84 : f32 to vector<16xf32>
    %mul3A_86 = arith.mulf %gather3A_75, %mul3A_85 : vector<16xf32>
    %jit3A_87 = arith.constant 0.000000e+00 : f32
    %jit3A_88 = arith.constant 1.270000e+02 : f32
    %max3A_89 = vector.broadcast %jit3A_87 : f32 to vector<16xf32>
    %max3A_90 = arith.maximumf %max3A_89, %mul3A_86 : vector<16xf32>
    %min3A_91 = vector.broadcast %jit3A_88 : f32 to vector<16xf32>
    %min3A_92 = arith.minimumf %min3A_91, %max3A_90 : vector<16xf32>
    %convert_element_type3A_93 = arith.fptosi %min3A_92 : vector<16xf32> to vector<16xi32>
    %mul3A_94 = arith.constant 128 : i32
    %mul3A_95 = vector.broadcast %mul3A_94 : i32 to vector<16xi32>
    %mul3A_96 = arith.muli %convert_element_type3A, %mul3A_95 : vector<16xi32>
    %add3A_97 = arith.addi %mul3A_96, %convert_element_type3A_93 : vector<16xi32>
    %swap3A = arith.constant 0 : index
    %swap3A_98 = tpu.vector_load %arg6[%swap3A] {strides = array<i32>} : memref<64xi32, #tpu.memory_space<vmem>>, vector<16xi32>,
    tpu.vector_store %arg6[%swap3A], %add3A_97 {strides = array<i32>} : memref<64xi32, #tpu.memory_space<vmem>>, vector<16xi32>,
    %mul3A_99 = arith.constant 17 : i32
    %mul3A_100 = arith.muli %mul3A_99, %select_n3A : i32
    %add3A_101 = arith.constant 16 : i32
    %add3A_102 = arith.addi %mul3A_100, %add3A_101 : i32
    %mul3A_103 = arith.constant 2 : i32
    %mul3A_104 = arith.muli %mul3A_103, %add3A_102 : i32
    %sub3A_105 = arith.subi %mul3A_104, %min3A_48 : i32
    %mul3A_106 = arith.constant 2 : i32
    %mul3A_107 = vector.broadcast %mul3A_106 : i32 to vector<16xi32>
    %mul3A_108 = arith.muli %mul3A_107, %iota3A : vector<16xi32>
    %add3A_109 = vector.broadcast %sub3A_105 : i32 to vector<16xi32>
    %add3A_110 = arith.addi %add3A_109, %mul3A_108 : vector<16xi32>
    %min3A_111 = arith.constant 110 : i32
    %min3A_112 = vector.broadcast %min3A_111 : i32 to vector<16xi32>
    %min3A_113 = arith.minsi %add3A_110, %min3A_112 : vector<16xi32>
    %gather3A_114 = tpu.vector_load_idx %arg5[%min3A_113] : memref<112xf32, #tpu.memory_space<vmem>>[vector<16xi32>], vector<16xf32>,
    %mul3A_115 = arith.constant 2 : i32
    %mul3A_116 = vector.broadcast %mul3A_115 : i32 to vector<16xi32>
    %mul3A_117 = arith.muli %mul3A_116, %iota3A : vector<16xi32>
    %add3A_118 = vector.broadcast %sub3A_105 : i32 to vector<16xi32>
    %add3A_119 = arith.addi %add3A_118, %mul3A_117 : vector<16xi32>
    %add3A_120 = arith.constant 1 : i32
    %add3A_121 = vector.broadcast %add3A_120 : i32 to vector<16xi32>
    %add3A_122 = arith.addi %add3A_119, %add3A_121 : vector<16xi32>
    %min3A_123 = arith.constant 111 : i32
    %min3A_124 = vector.broadcast %min3A_123 : i32 to vector<16xi32>
    %min3A_125 = arith.minsi %add3A_122, %min3A_124 : vector<16xi32>
    %gather3A_126 = tpu.vector_load_idx %arg5[%min3A_125] : memref<112xf32, #tpu.memory_space<vmem>>[vector<16xi32>], vector<16xf32>,
    %mul3A_127 = arith.constant 1.280000e+02 : f32
    %mul3A_128 = vector.broadcast %mul3A_127 : f32 to vector<16xf32>
    %mul3A_129 = arith.mulf %gather3A_114, %mul3A_128 : vector<16xf32>
    %jit3A_130 = arith.constant 0.000000e+00 : f32
    %jit3A_131 = arith.constant 1.270000e+02 : f32
    %max3A_132 = vector.broadcast %jit3A_130 : f32 to vector<16xf32>
    %max3A_133 = arith.maximumf %max3A_132, %mul3A_129 : vector<16xf32>
    %min3A_134 = vector.broadcast %jit3A_131 : f32 to vector<16xf32>
    %min3A_135 = arith.minimumf %min3A_134, %max3A_133 : vector<16xf32>
    %convert_element_type3A_136 = arith.fptosi %min3A_135 : vector<16xf32> to vector<16xi32>
    %mul3A_137 = arith.constant 1.280000e+02 : f32
    %mul3A_138 = vector.broadcast %mul3A_137 : f32 to vector<16xf32>
    %mul3A_139 = arith.mulf %gather3A_126, %mul3A_138 : vector<16xf32>
    %jit3A_140 = arith.constant 0.000000e+00 : f32
    %jit3A_141 = arith.constant 1.270000e+02 : f32
    %max3A_142 = vector.broadcast %jit3A_140 : f32 to vector<16xf32>
    %max3A_143 = arith.maximumf %max3A_142, %mul3A_139 : vector<16xf32>
    %min3A_144 = vector.broadcast %jit3A_141 : f32 to vector<16xf32>
    %min3A_145 = arith.minimumf %min3A_144, %max3A_143 : vector<16xf32>
    %convert_element_type3A_146 = arith.fptosi %min3A_145 : vector<16xf32> to vector<16xi32>
    %mul3A_147 = arith.constant 128 : i32
    %mul3A_148 = vector.broadcast %mul3A_147 : i32 to vector<16xi32>
    %mul3A_149 = arith.muli %convert_element_type3A_136, %mul3A_148 : vector<16xi32>
    %add3A_150 = arith.addi %mul3A_149, %convert_element_type3A_146 : vector<16xi32>
    %swap3A_151 = arith.constant 16 : index
    %swap3A_152 = tpu.vector_load %arg6[%swap3A_151] {strides = array<i32>} : memref<64xi32, #tpu.memory_space<vmem>>, vector<16xi32>,
    tpu.vector_store %arg6[%swap3A_151], %add3A_150 {strides = array<i32>} : memref<64xi32, #tpu.memory_space<vmem>>, vector<16xi32>,
    %mul3A_153 = arith.constant 17 : i32
    %mul3A_154 = arith.muli %mul3A_153, %select_n3A : i32
    %add3A_155 = arith.constant 32 : i32
    %add3A_156 = arith.addi %mul3A_154, %add3A_155 : i32
    %mul3A_157 = arith.constant 2 : i32
    %mul3A_158 = arith.muli %mul3A_157, %add3A_156 : i32
    %sub3A_159 = arith.subi %mul3A_158, %min3A_48 : i32
    %mul3A_160 = arith.constant 2 : i32
    %mul3A_161 = vector.broadcast %mul3A_160 : i32 to vector<16xi32>
    %mul3A_162 = arith.muli %mul3A_161, %iota3A : vector<16xi32>
    %add3A_163 = vector.broadcast %sub3A_159 : i32 to vector<16xi32>
    %add3A_164 = arith.addi %add3A_163, %mul3A_162 : vector<16xi32>
    %min3A_165 = arith.constant 110 : i32
    %min3A_166 = vector.broadcast %min3A_165 : i32 to vector<16xi32>
    %min3A_167 = arith.minsi %add3A_164, %min3A_166 : vector<16xi32>
    %gather3A_168 = tpu.vector_load_idx %arg5[%min3A_167] : memref<112xf32, #tpu.memory_space<vmem>>[vector<16xi32>], vector<16xf32>,
    %mul3A_169 = arith.constant 2 : i32
    %mul3A_170 = vector.broadcast %mul3A_169 : i32 to vector<16xi32>
    %mul3A_171 = arith.muli %mul3A_170, %iota3A : vector<16xi32>
    %add3A_172 = vector.broadcast %sub3A_159 : i32 to vector<16xi32>
    %add3A_173 = arith.addi %add3A_172, %mul3A_171 : vector<16xi32>
    %add3A_174 = arith.constant 1 : i32
    %add3A_175 = vector.broadcast %add3A_174 : i32 to vector<16xi32>
    %add3A_176 = arith.addi %add3A_173, %add3A_175 : vector<16xi32>
    %min3A_177 = arith.constant 111 : i32
    %min3A_178 = vector.broadcast %min3A_177 : i32 to vector<16xi32>
    %min3A_179 = arith.minsi %add3A_176, %min3A_178 : vector<16xi32>
    %gather3A_180 = tpu.vector_load_idx %arg5[%min3A_179] : memref<112xf32, #tpu.memory_space<vmem>>[vector<16xi32>], vector<16xf32>,
    %mul3A_181 = arith.constant 1.280000e+02 : f32
    %mul3A_182 = vector.broadcast %mul3A_181 : f32 to vector<16xf32>
    %mul3A_183 = arith.mulf %gather3A_168, %mul3A_182 : vector<16xf32>
    %jit3A_184 = arith.constant 0.000000e+00 : f32
    %jit3A_185 = arith.constant 1.270000e+02 : f32
    %max3A_186 = vector.broadcast %jit3A_184 : f32 to vector<16xf32>
    %max3A_187 = arith.maximumf %max3A_186, %mul3A_183 : vector<16xf32>
    %min3A_188 = vector.broadcast %jit3A_185 : f32 to vector<16xf32>
    %min3A_189 = arith.minimumf %min3A_188, %max3A_187 : vector<16xf32>
    %convert_element_type3A_190 = arith.fptosi %min3A_189 : vector<16xf32> to vector<16xi32>
    %mul3A_191 = arith.constant 1.280000e+02 : f32
    %mul3A_192 = vector.broadcast %mul3A_191 : f32 to vector<16xf32>
    %mul3A_193 = arith.mulf %gather3A_180, %mul3A_192 : vector<16xf32>
    %jit3A_194 = arith.constant 0.000000e+00 : f32
    %jit3A_195 = arith.constant 1.270000e+02 : f32
    %max3A_196 = vector.broadcast %jit3A_194 : f32 to vector<16xf32>
    %max3A_197 = arith.maximumf %max3A_196, %mul3A_193 : vector<16xf32>
    %min3A_198 = vector.broadcast %jit3A_195 : f32 to vector<16xf32>
    %min3A_199 = arith.minimumf %min3A_198, %max3A_197 : vector<16xf32>
    %convert_element_type3A_200 = arith.fptosi %min3A_199 : vector<16xf32> to vector<16xi32>
    %mul3A_201 = arith.constant 128 : i32
    %mul3A_202 = vector.broadcast %mul3A_201 : i32 to vector<16xi32>
    %mul3A_203 = arith.muli %convert_element_type3A_190, %mul3A_202 : vector<16xi32>
    %add3A_204 = arith.addi %mul3A_203, %convert_element_type3A_200 : vector<16xi32>
    %swap3A_205 = arith.constant 32 : index
    %swap3A_206 = tpu.vector_load %arg6[%swap3A_205] {strides = array<i32>} : memref<64xi32, #tpu.memory_space<vmem>>, vector<16xi32>,
    tpu.vector_store %arg6[%swap3A_205], %add3A_204 {strides = array<i32>} : memref<64xi32, #tpu.memory_space<vmem>>, vector<16xi32>,
    %mul3A_207 = arith.constant 17 : i32
    %mul3A_208 = arith.muli %mul3A_207, %select_n3A : i32
    %add3A_209 = arith.constant 48 : i32
    %add3A_210 = arith.addi %mul3A_208, %add3A_209 : i32
    %mul3A_211 = arith.constant 2 : i32
    %mul3A_212 = arith.muli %mul3A_211, %add3A_210 : i32
    %sub3A_213 = arith.subi %mul3A_212, %min3A_48 : i32
    %mul3A_214 = arith.constant 2 : i32
    %mul3A_215 = vector.broadcast %mul3A_214 : i32 to vector<16xi32>
    %mul3A_216 = arith.muli %mul3A_215, %iota3A : vector<16xi32>
    %add3A_217 = vector.broadcast %sub3A_213 : i32 to vector<16xi32>
    %add3A_218 = arith.addi %add3A_217, %mul3A_216 : vector<16xi32>
    %min3A_219 = arith.constant 110 : i32
    %min3A_220 = vector.broadcast %min3A_219 : i32 to vector<16xi32>
    %min3A_221 = arith.minsi %add3A_218, %min3A_220 : vector<16xi32>
    %gather3A_222 = tpu.vector_load_idx %arg5[%min3A_221] : memref<112xf32, #tpu.memory_space<vmem>>[vector<16xi32>], vector<16xf32>,
    %mul3A_223 = arith.constant 2 : i32
    %mul3A_224 = vector.broadcast %mul3A_223 : i32 to vector<16xi32>
    %mul3A_225 = arith.muli %mul3A_224, %iota3A : vector<16xi32>
    %add3A_226 = vector.broadcast %sub3A_213 : i32 to vector<16xi32>
    %add3A_227 = arith.addi %add3A_226, %mul3A_225 : vector<16xi32>
    %add3A_228 = arith.constant 1 : i32
    %add3A_229 = vector.broadcast %add3A_228 : i32 to vector<16xi32>
    %add3A_230 = arith.addi %add3A_227, %add3A_229 : vector<16xi32>
    %min3A_231 = arith.constant 111 : i32
    %min3A_232 = vector.broadcast %min3A_231 : i32 to vector<16xi32>
    %min3A_233 = arith.minsi %add3A_230, %min3A_232 : vector<16xi32>
    %gather3A_234 = tpu.vector_load_idx %arg5[%min3A_233] : memref<112xf32, #tpu.memory_space<vmem>>[vector<16xi32>], vector<16xf32>,
    %mul3A_235 = arith.constant 1.280000e+02 : f32
    %mul3A_236 = vector.broadcast %mul3A_235 : f32 to vector<16xf32>
    %mul3A_237 = arith.mulf %gather3A_222, %mul3A_236 : vector<16xf32>
    %jit3A_238 = arith.constant 0.000000e+00 : f32
    %jit3A_239 = arith.constant 1.270000e+02 : f32
    %max3A_240 = vector.broadcast %jit3A_238 : f32 to vector<16xf32>
    %max3A_241 = arith.maximumf %max3A_240, %mul3A_237 : vector<16xf32>
    %min3A_242 = vector.broadcast %jit3A_239 : f32 to vector<16xf32>
    %min3A_243 = arith.minimumf %min3A_242, %max3A_241 : vector<16xf32>
    %convert_element_type3A_244 = arith.fptosi %min3A_243 : vector<16xf32> to vector<16xi32>
    %mul3A_245 = arith.constant 1.280000e+02 : f32
    %mul3A_246 = vector.broadcast %mul3A_245 : f32 to vector<16xf32>
    %mul3A_247 = arith.mulf %gather3A_234, %mul3A_246 : vector<16xf32>
    %jit3A_248 = arith.constant 0.000000e+00 : f32
    %jit3A_249 = arith.constant 1.270000e+02 : f32
    %max3A_250 = vector.broadcast %jit3A_248 : f32 to vector<16xf32>
    %max3A_251 = arith.maximumf %max3A_250, %mul3A_247 : vector<16xf32>
    %min3A_252 = vector.broadcast %jit3A_249 : f32 to vector<16xf32>
    %min3A_253 = arith.minimumf %min3A_252, %max3A_251 : vector<16xf32>
    %convert_element_type3A_254 = arith.fptosi %min3A_253 : vector<16xf32> to vector<16xi32>
    %mul3A_255 = arith.constant 128 : i32
    %mul3A_256 = vector.broadcast %mul3A_255 : i32 to vector<16xi32>
    %mul3A_257 = arith.muli %convert_element_type3A_244, %mul3A_256 : vector<16xi32>
    %add3A_258 = arith.addi %mul3A_257, %convert_element_type3A_254 : vector<16xi32>
    %swap3A_259 = arith.constant 48 : index
    %swap3A_260 = tpu.vector_load %arg6[%swap3A_259] {strides = array<i32>} : memref<64xi32, #tpu.memory_space<vmem>>, vector<16xi32>,
    tpu.vector_store %arg6[%swap3A_259], %add3A_258 {strides = array<i32>} : memref<64xi32, #tpu.memory_space<vmem>>, vector<16xi32>,
    %mul3A_261 = arith.constant 16384 : i32
    %mul3A_262 = vector.broadcast %mul3A_261 : i32 to vector<16xi32>
    %mul3A_263 = arith.muli %iota3A, %mul3A_262 : vector<16xi32>
    %mul3A_264 = arith.constant 5 : i32
    %mul3A_265 = arith.muli %add3A, %mul3A_264 : i32
    %add3A_266 = arith.constant 0 : i32
    %add3A_267 = arith.addi %mul3A_265, %add3A_266 : i32
    %jit3A_268 = arith.constant 2 : i32
    %div3A_269 = arith.divsi %add3A_267, %jit3A_268 : i32
    %sign3A_270 = arith.constant 0 : i32
    %sign3A_271 = arith.cmpi sgt, %add3A_267, %sign3A_270 : i32
    %sign3A_272 = arith.extui %sign3A_271 : i1 to i32
    %sign3A_273 = arith.constant 0 : i32
    %sign3A_274 = arith.cmpi slt, %add3A_267, %sign3A_273 : i32
    %sign3A_275 = arith.extui %sign3A_274 : i1 to i32
    %sign3A_276 = arith.subi %sign3A_272, %sign3A_275 : i32
    %sign3A_277 = arith.constant 0 : i32
    %sign3A_278 = arith.cmpi sgt, %jit3A_268, %sign3A_277 : i32
    %sign3A_279 = arith.extui %sign3A_278 : i1 to i32
    %sign3A_280 = arith.constant 0 : i32
    %sign3A_281 = arith.cmpi slt, %jit3A_268, %sign3A_280 : i32
    %sign3A_282 = arith.extui %sign3A_281 : i1 to i32
    %sign3A_283 = arith.subi %sign3A_279, %sign3A_282 : i32
    %ne3A_284 = arith.cmpi ne, %sign3A_276, %sign3A_283 : i32
    %rem3A_285 = arith.remsi %add3A_267, %jit3A_268 : i32
    %ne3A_286 = arith.constant 0 : i32
    %ne3A_287 = arith.cmpi ne, %rem3A_285, %ne3A_286 : i32
    %and3A_288 = arith.andi %ne3A_284, %ne3A_287 : i1
    %sub3A_289 = arith.constant 1 : i32
    %sub3A_290 = arith.subi %div3A_269, %sub3A_289 : i32
    %select_n3A_291 = arith.select %and3A_288, %sub3A_290, %div3A_269 : i32
    %mul3A_292 = arith.constant 2 : i32
    %mul3A_293 = arith.muli %select_n3A_291, %mul3A_292 : i32
    %sub3A_294 = arith.subi %add3A_267, %mul3A_293 : i32
    %jit3A_295 = arith.constant 10 : i32
    %div3A_296 = arith.divsi %select_n3A_291, %jit3A_295 : i32
    %sign3A_297 = arith.constant 0 : i32
    %sign3A_298 = arith.cmpi sgt, %select_n3A_291, %sign3A_297 : i32
    %sign3A_299 = arith.extui %sign3A_298 : i1 to i32
    %sign3A_300 = arith.constant 0 : i32
    %sign3A_301 = arith.cmpi slt, %select_n3A_291, %sign3A_300 : i32
    %sign3A_302 = arith.extui %sign3A_301 : i1 to i32
    %sign3A_303 = arith.subi %sign3A_299, %sign3A_302 : i32
    %sign3A_304 = arith.constant 0 : i32
    %sign3A_305 = arith.cmpi sgt, %jit3A_295, %sign3A_304 : i32
    %sign3A_306 = arith.extui %sign3A_305 : i1 to i32
    %sign3A_307 = arith.constant 0 : i32
    %sign3A_308 = arith.cmpi slt, %jit3A_295, %sign3A_307 : i32
    %sign3A_309 = arith.extui %sign3A_308 : i1 to i32
    %sign3A_310 = arith.subi %sign3A_306, %sign3A_309 : i32
    %ne3A_311 = arith.cmpi ne, %sign3A_303, %sign3A_310 : i32
    %rem3A_312 = arith.remsi %select_n3A_291, %jit3A_295 : i32
    %ne3A_313 = arith.constant 0 : i32
    %ne3A_314 = arith.cmpi ne, %rem3A_312, %ne3A_313 : i32
    %and3A_315 = arith.andi %ne3A_311, %ne3A_314 : i1
    %sub3A_316 = arith.constant 1 : i32
    %sub3A_317 = arith.subi %div3A_296, %sub3A_316 : i32
    %select_n3A_318 = arith.select %and3A_315, %sub3A_317, %div3A_296 : i32
    %sub3A_319 = arith.subi %select_n3A_291, %select_n3A : i32
    %mul3A_320 = arith.constant 17 : i32
    %mul3A_321 = arith.muli %sub3A_319, %mul3A_320 : i32
    %mul3A_322 = arith.constant 544 : i32
    %mul3A_323 = arith.muli %select_n3A_318, %mul3A_322 : i32
    %mul3A_324 = arith.constant 16 : i32
    %mul3A_325 = arith.muli %sub3A_294, %mul3A_324 : i32
    %add3A_326 = arith.addi %mul3A_323, %mul3A_325 : i32
    %mul3A_327 = arith.constant 16384 : i32
    %mul3A_328 = arith.muli %add3A_326, %mul3A_327 : i32
    %add3A_329 = arith.constant 0 : i32
    %add3A_330 = arith.addi %mul3A_321, %add3A_329 : i32
    %broadcast_in_dim3A_331 = vector.broadcast %add3A_330 : i32 to vector<16xi32>
    %gather3A_332 = tpu.vector_load_idx %arg6[%broadcast_in_dim3A_331] : memref<64xi32, #tpu.memory_space<vmem>>[vector<16xi32>], vector<16xi32>,
    %add3A_333 = arith.constant 0 : i32
    %add3A_334 = arith.addi %mul3A_328, %add3A_333 : i32
    %add3A_335 = vector.broadcast %add3A_334 : i32 to vector<16xi32>
    %add3A_336 = arith.addi %add3A_335, %mul3A_263 : vector<16xi32>
    %add3A_337 = arith.addi %add3A_336, %gather3A_332 : vector<16xi32>
    %swap3A_338 = arith.constant 0 : index
    %swap3A_339 = tpu.vector_load %arg7[%swap3A_338] {strides = array<i32>} : memref<1360xi32, #tpu.memory_space<vmem>>, vector<16xi32>,
    tpu.vector_store %arg7[%swap3A_338], %add3A_337 {strides = array<i32>} : memref<1360xi32, #tpu.memory_space<vmem>>, vector<16xi32>,
    %add3A_340 = arith.constant 1 : i32
    %add3A_341 = arith.addi %mul3A_321, %add3A_340 : i32
    %broadcast_in_dim3A_342 = vector.broadcast %add3A_341 : i32 to vector<16xi32>
    %gather3A_343 = tpu.vector_load_idx %arg6[%broadcast_in_dim3A_342] : memref<64xi32, #tpu.memory_space<vmem>>[vector<16xi32>], vector<16xi32>,
    %add3A_344 = arith.constant 524288 : i32
    %add3A_345 = arith.addi %mul3A_328, %add3A_344 : i32
    %add3A_346 = vector.broadcast %add3A_345 : i32 to vector<16xi32>
    %add3A_347 = arith.addi %add3A_346, %mul3A_263 : vector<16xi32>
    %add3A_348 = arith.addi %add3A_347, %gather3A_343 : vector<16xi32>
    %swap3A_349 = arith.constant 16 : index
    %swap3A_350 = tpu.vector_load %arg7[%swap3A_349] {strides = array<i32>} : memref<1360xi32, #tpu.memory_space<vmem>>, vector<16xi32>,
    tpu.vector_store %arg7[%swap3A_349], %add3A_348 {strides = array<i32>} : memref<1360xi32, #tpu.memory_space<vmem>>, vector<16xi32>,
    %add3A_351 = arith.constant 2 : i32
    %add3A_352 = arith.addi %mul3A_321, %add3A_351 : i32
    %broadcast_in_dim3A_353 = vector.broadcast %add3A_352 : i32 to vector<16xi32>
    %gather3A_354 = tpu.vector_load_idx %arg6[%broadcast_in_dim3A_353] : memref<64xi32, #tpu.memory_space<vmem>>[vector<16xi32>], vector<16xi32>,
    %add3A_355 = arith.constant 1048576 : i32
    %add3A_356 = arith.addi %mul3A_328, %add3A_355 : i32
    %add3A_357 = vector.broadcast %add3A_356 : i32 to vector<16xi32>
    %add3A_358 = arith.addi %add3A_357, %mul3A_263 : vector<16xi32>
    %add3A_359 = arith.addi %add3A_358, %gather3A_354 : vector<16xi32>
    %swap3A_360 = arith.constant 32 : index
    %swap3A_361 = tpu.vector_load %arg7[%swap3A_360] {strides = array<i32>} : memref<1360xi32, #tpu.memory_space<vmem>>, vector<16xi32>,
    tpu.vector_store %arg7[%swap3A_360], %add3A_359 {strides = array<i32>} : memref<1360xi32, #tpu.memory_space<vmem>>, vector<16xi32>,
    %add3A_362 = arith.constant 3 : i32
    %add3A_363 = arith.addi %mul3A_321, %add3A_362 : i32
    %broadcast_in_dim3A_364 = vector.broadcast %add3A_363 : i32 to vector<16xi32>
    %gather3A_365 = tpu.vector_load_idx %arg6[%broadcast_in_dim3A_364] : memref<64xi32, #tpu.memory_space<vmem>>[vector<16xi32>], vector<16xi32>,
    %add3A_366 = arith.constant 1572864 : i32
    %add3A_367 = arith.addi %mul3A_328, %add3A_366 : i32
    %add3A_368 = vector.broadcast %add3A_367 : i32 to vector<16xi32>
    %add3A_369 = arith.addi %add3A_368, %mul3A_263 : vector<16xi32>
    %add3A_370 = arith.addi %add3A_369, %gather3A_365 : vector<16xi32>
    %swap3A_371 = arith.constant 48 : index
    %swap3A_372 = tpu.vector_load %arg7[%swap3A_371] {strides = array<i32>} : memref<1360xi32, #tpu.memory_space<vmem>>, vector<16xi32>,
    tpu.vector_store %arg7[%swap3A_371], %add3A_370 {strides = array<i32>} : memref<1360xi32, #tpu.memory_space<vmem>>, vector<16xi32>,
    %add3A_373 = arith.constant 4 : i32
    %add3A_374 = arith.addi %mul3A_321, %add3A_373 : i32
    %broadcast_in_dim3A_375 = vector.broadcast %add3A_374 : i32 to vector<16xi32>
    %gather3A_376 = tpu.vector_load_idx %arg6[%broadcast_in_dim3A_375] : memref<64xi32, #tpu.memory_space<vmem>>[vector<16xi32>], vector<16xi32>,
    %add3A_377 = arith.constant 2097152 : i32
    %add3A_378 = arith.addi %mul3A_328, %add3A_377 : i32
    %add3A_379 = vector.broadcast %add3A_378 : i32 to vector<16xi32>
    %add3A_380 = arith.addi %add3A_379, %mul3A_263 : vector<16xi32>
    %add3A_381 = arith.addi %add3A_380, %gather3A_376 : vector<16xi32>
    %swap3A_382 = arith.constant 64 : index
    %swap3A_383 = tpu.vector_load %arg7[%swap3A_382] {strides = array<i32>} : memref<1360xi32, #tpu.memory_space<vmem>>, vector<16xi32>,
    tpu.vector_store %arg7[%swap3A_382], %add3A_381 {strides = array<i32>} : memref<1360xi32, #tpu.memory_space<vmem>>, vector<16xi32>,
    %add3A_384 = arith.constant 5 : i32
    %add3A_385 = arith.addi %mul3A_321, %add3A_384 : i32
    %broadcast_in_dim3A_386 = vector.broadcast %add3A_385 : i32 to vector<16xi32>
    %gather3A_387 = tpu.vector_load_idx %arg6[%broadcast_in_dim3A_386] : memref<64xi32, #tpu.memory_space<vmem>>[vector<16xi32>], vector<16xi32>,
    %add3A_388 = arith.constant 2621440 : i32
    %add3A_389 = arith.addi %mul3A_328, %add3A_388 : i32
    %add3A_390 = vector.broadcast %add3A_389 : i32 to vector<16xi32>
    %add3A_391 = arith.addi %add3A_390, %mul3A_263 : vector<16xi32>
    %add3A_392 = arith.addi %add3A_391, %gather3A_387 : vector<16xi32>
    %swap3A_393 = arith.constant 80 : index
    %swap3A_394 = tpu.vector_load %arg7[%swap3A_393] {strides = array<i32>} : memref<1360xi32, #tpu.memory_space<vmem>>, vector<16xi32>,
    tpu.vector_store %arg7[%swap3A_393], %add3A_392 {strides = array<i32>} : memref<1360xi32, #tpu.memory_space<vmem>>, vector<16xi32>,
    %add3A_395 = arith.constant 6 : i32
    %add3A_396 = arith.addi %mul3A_321, %add3A_395 : i32
    %broadcast_in_dim3A_397 = vector.broadcast %add3A_396 : i32 to vector<16xi32>
    %gather3A_398 = tpu.vector_load_idx %arg6[%broadcast_in_dim3A_397] : memref<64xi32, #tpu.memory_space<vmem>>[vector<16xi32>], vector<16xi32>,
    %add3A_399 = arith.constant 3145728 : i32
    %add3A_400 = arith.addi %mul3A_328, %add3A_399 : i32
    %add3A_401 = vector.broadcast %add3A_400 : i32 to vector<16xi32>
    %add3A_402 = arith.addi %add3A_401, %mul3A_263 : vector<16xi32>
    %add3A_403 = arith.addi %add3A_402, %gather3A_398 : vector<16xi32>
    %swap3A_404 = arith.constant 96 : index
    %swap3A_405 = tpu.vector_load %arg7[%swap3A_404] {strides = array<i32>} : memref<1360xi32, #tpu.memory_space<vmem>>, vector<16xi32>,
    tpu.vector_store %arg7[%swap3A_404], %add3A_403 {strides = array<i32>} : memref<1360xi32, #tpu.memory_space<vmem>>, vector<16xi32>,
    %add3A_406 = arith.constant 7 : i32
    %add3A_407 = arith.addi %mul3A_321, %add3A_406 : i32
    %broadcast_in_dim3A_408 = vector.broadcast %add3A_407 : i32 to vector<16xi32>
    %gather3A_409 = tpu.vector_load_idx %arg6[%broadcast_in_dim3A_408] : memref<64xi32, #tpu.memory_space<vmem>>[vector<16xi32>], vector<16xi32>,
    %add3A_410 = arith.constant 3670016 : i32
    %add3A_411 = arith.addi %mul3A_328, %add3A_410 : i32
    %add3A_412 = vector.broadcast %add3A_411 : i32 to vector<16xi32>
    %add3A_413 = arith.addi %add3A_412, %mul3A_263 : vector<16xi32>
    %add3A_414 = arith.addi %add3A_413, %gather3A_409 : vector<16xi32>
    %swap3A_415 = arith.constant 112 : index
    %swap3A_416 = tpu.vector_load %arg7[%swap3A_415] {strides = array<i32>} : memref<1360xi32, #tpu.memory_space<vmem>>, vector<16xi32>,
    tpu.vector_store %arg7[%swap3A_415], %add3A_414 {strides = array<i32>} : memref<1360xi32, #tpu.memory_space<vmem>>, vector<16xi32>,
    %add3A_417 = arith.constant 8 : i32
    %add3A_418 = arith.addi %mul3A_321, %add3A_417 : i32
    %broadcast_in_dim3A_419 = vector.broadcast %add3A_418 : i32 to vector<16xi32>
    %gather3A_420 = tpu.vector_load_idx %arg6[%broadcast_in_dim3A_419] : memref<64xi32, #tpu.memory_space<vmem>>[vector<16xi32>], vector<16xi32>,
    %add3A_421 = arith.constant 4194304 : i32
    %add3A_422 = arith.addi %mul3A_328, %add3A_421 : i32
    %add3A_423 = vector.broadcast %add3A_422 : i32 to vector<16xi32>
    %add3A_424 = arith.addi %add3A_423, %mul3A_263 : vector<16xi32>
    %add3A_425 = arith.addi %add3A_424, %gather3A_420 : vector<16xi32>
    %swap3A_426 = arith.constant 128 : index
    %swap3A_427 = tpu.vector_load %arg7[%swap3A_426] {strides = array<i32>} : memref<1360xi32, #tpu.memory_space<vmem>>, vector<16xi32>,
    tpu.vector_store %arg7[%swap3A_426], %add3A_425 {strides = array<i32>} : memref<1360xi32, #tpu.memory_space<vmem>>, vector<16xi32>,
    %add3A_428 = arith.constant 9 : i32
    %add3A_429 = arith.addi %mul3A_321, %add3A_428 : i32
    %broadcast_in_dim3A_430 = vector.broadcast %add3A_429 : i32 to vector<16xi32>
    %gather3A_431 = tpu.vector_load_idx %arg6[%broadcast_in_dim3A_430] : memref<64xi32, #tpu.memory_space<vmem>>[vector<16xi32>], vector<16xi32>,
    %add3A_432 = arith.constant 4718592 : i32
    %add3A_433 = arith.addi %mul3A_328, %add3A_432 : i32
    %add3A_434 = vector.broadcast %add3A_433 : i32 to vector<16xi32>
    %add3A_435 = arith.addi %add3A_434, %mul3A_263 : vector<16xi32>
    %add3A_436 = arith.addi %add3A_435, %gather3A_431 : vector<16xi32>
    %swap3A_437 = arith.constant 144 : index
    %swap3A_438 = tpu.vector_load %arg7[%swap3A_437] {strides = array<i32>} : memref<1360xi32, #tpu.memory_space<vmem>>, vector<16xi32>,
    tpu.vector_store %arg7[%swap3A_437], %add3A_436 {strides = array<i32>} : memref<1360xi32, #tpu.memory_space<vmem>>, vector<16xi32>,
    %add3A_439 = arith.constant 10 : i32
    %add3A_440 = arith.addi %mul3A_321, %add3A_439 : i32
    %broadcast_in_dim3A_441 = vector.broadcast %add3A_440 : i32 to vector<16xi32>
    %gather3A_442 = tpu.vector_load_idx %arg6[%broadcast_in_dim3A_441] : memref<64xi32, #tpu.memory_space<vmem>>[vector<16xi32>], vector<16xi32>,
    %add3A_443 = arith.constant 5242880 : i32
    %add3A_444 = arith.addi %mul3A_328, %add3A_443 : i32
    %add3A_445 = vector.broadcast %add3A_444 : i32 to vector<16xi32>
    %add3A_446 = arith.addi %add3A_445, %mul3A_263 : vector<16xi32>
    %add3A_447 = arith.addi %add3A_446, %gather3A_442 : vector<16xi32>
    %swap3A_448 = arith.constant 160 : index
    %swap3A_449 = tpu.vector_load %arg7[%swap3A_448] {strides = array<i32>} : memref<1360xi32, #tpu.memory_space<vmem>>, vector<16xi32>,
    tpu.vector_store %arg7[%swap3A_448], %add3A_447 {strides = array<i32>} : memref<1360xi32, #tpu.memory_space<vmem>>, vector<16xi32>,
    %add3A_450 = arith.constant 11 : i32
    %add3A_451 = arith.addi %mul3A_321, %add3A_450 : i32
    %broadcast_in_dim3A_452 = vector.broadcast %add3A_451 : i32 to vector<16xi32>
    %gather3A_453 = tpu.vector_load_idx %arg6[%broadcast_in_dim3A_452] : memref<64xi32, #tpu.memory_space<vmem>>[vector<16xi32>], vector<16xi32>,
    %add3A_454 = arith.constant 5767168 : i32
    %add3A_455 = arith.addi %mul3A_328, %add3A_454 : i32
    %add3A_456 = vector.broadcast %add3A_455 : i32 to vector<16xi32>
    %add3A_457 = arith.addi %add3A_456, %mul3A_263 : vector<16xi32>
    %add3A_458 = arith.addi %add3A_457, %gather3A_453 : vector<16xi32>
    %swap3A_459 = arith.constant 176 : index
    %swap3A_460 = tpu.vector_load %arg7[%swap3A_459] {strides = array<i32>} : memref<1360xi32, #tpu.memory_space<vmem>>, vector<16xi32>,
    tpu.vector_store %arg7[%swap3A_459], %add3A_458 {strides = array<i32>} : memref<1360xi32, #tpu.memory_space<vmem>>, vector<16xi32>,
    %add3A_461 = arith.constant 12 : i32
    %add3A_462 = arith.addi %mul3A_321, %add3A_461 : i32
    %broadcast_in_dim3A_463 = vector.broadcast %add3A_462 : i32 to vector<16xi32>
    %gather3A_464 = tpu.vector_load_idx %arg6[%broadcast_in_dim3A_463] : memref<64xi32, #tpu.memory_space<vmem>>[vector<16xi32>], vector<16xi32>,
    %add3A_465 = arith.constant 6291456 : i32
    %add3A_466 = arith.addi %mul3A_328, %add3A_465 : i32
    %add3A_467 = vector.broadcast %add3A_466 : i32 to vector<16xi32>
    %add3A_468 = arith.addi %add3A_467, %mul3A_263 : vector<16xi32>
    %add3A_469 = arith.addi %add3A_468, %gather3A_464 : vector<16xi32>
    %swap3A_470 = arith.constant 192 : index
    %swap3A_471 = tpu.vector_load %arg7[%swap3A_470] {strides = array<i32>} : memref<1360xi32, #tpu.memory_space<vmem>>, vector<16xi32>,
    tpu.vector_store %arg7[%swap3A_470], %add3A_469 {strides = array<i32>} : memref<1360xi32, #tpu.memory_space<vmem>>, vector<16xi32>,
    %add3A_472 = arith.constant 13 : i32
    %add3A_473 = arith.addi %mul3A_321, %add3A_472 : i32
    %broadcast_in_dim3A_474 = vector.broadcast %add3A_473 : i32 to vector<16xi32>
    %gather3A_475 = tpu.vector_load_idx %arg6[%broadcast_in_dim3A_474] : memref<64xi32, #tpu.memory_space<vmem>>[vector<16xi32>], vector<16xi32>,
    %add3A_476 = arith.constant 6815744 : i32
    %add3A_477 = arith.addi %mul3A_328, %add3A_476 : i32
    %add3A_478 = vector.broadcast %add3A_477 : i32 to vector<16xi32>
    %add3A_479 = arith.addi %add3A_478, %mul3A_263 : vector<16xi32>
    %add3A_480 = arith.addi %add3A_479, %gather3A_475 : vector<16xi32>
    %swap3A_481 = arith.constant 208 : index
    %swap3A_482 = tpu.vector_load %arg7[%swap3A_481] {strides = array<i32>} : memref<1360xi32, #tpu.memory_space<vmem>>, vector<16xi32>,
    tpu.vector_store %arg7[%swap3A_481], %add3A_480 {strides = array<i32>} : memref<1360xi32, #tpu.memory_space<vmem>>, vector<16xi32>,
    %add3A_483 = arith.constant 14 : i32
    %add3A_484 = arith.addi %mul3A_321, %add3A_483 : i32
    %broadcast_in_dim3A_485 = vector.broadcast %add3A_484 : i32 to vector<16xi32>
    %gather3A_486 = tpu.vector_load_idx %arg6[%broadcast_in_dim3A_485] : memref<64xi32, #tpu.memory_space<vmem>>[vector<16xi32>], vector<16xi32>,
    %add3A_487 = arith.constant 7340032 : i32
    %add3A_488 = arith.addi %mul3A_328, %add3A_487 : i32
    %add3A_489 = vector.broadcast %add3A_488 : i32 to vector<16xi32>
    %add3A_490 = arith.addi %add3A_489, %mul3A_263 : vector<16xi32>
    %add3A_491 = arith.addi %add3A_490, %gather3A_486 : vector<16xi32>
    %swap3A_492 = arith.constant 224 : index
    %swap3A_493 = tpu.vector_load %arg7[%swap3A_492] {strides = array<i32>} : memref<1360xi32, #tpu.memory_space<vmem>>, vector<16xi32>,
    tpu.vector_store %arg7[%swap3A_492], %add3A_491 {strides = array<i32>} : memref<1360xi32, #tpu.memory_space<vmem>>, vector<16xi32>,
    %add3A_494 = arith.constant 15 : i32
    %add3A_495 = arith.addi %mul3A_321, %add3A_494 : i32
    %broadcast_in_dim3A_496 = vector.broadcast %add3A_495 : i32 to vector<16xi32>
    %gather3A_497 = tpu.vector_load_idx %arg6[%broadcast_in_dim3A_496] : memref<64xi32, #tpu.memory_space<vmem>>[vector<16xi32>], vector<16xi32>,
    %add3A_498 = arith.constant 7864320 : i32
    %add3A_499 = arith.addi %mul3A_328, %add3A_498 : i32
    %add3A_500 = vector.broadcast %add3A_499 : i32 to vector<16xi32>
    %add3A_501 = arith.addi %add3A_500, %mul3A_263 : vector<16xi32>
    %add3A_502 = arith.addi %add3A_501, %gather3A_497 : vector<16xi32>
    %swap3A_503 = arith.constant 240 : index
    %swap3A_504 = tpu.vector_load %arg7[%swap3A_503] {strides = array<i32>} : memref<1360xi32, #tpu.memory_space<vmem>>, vector<16xi32>,
    tpu.vector_store %arg7[%swap3A_503], %add3A_502 {strides = array<i32>} : memref<1360xi32, #tpu.memory_space<vmem>>, vector<16xi32>,
    %add3A_505 = arith.constant 16 : i32
    %add3A_506 = arith.addi %mul3A_321, %add3A_505 : i32
    %broadcast_in_dim3A_507 = vector.broadcast %add3A_506 : i32 to vector<16xi32>
    %gather3A_508 = tpu.vector_load_idx %arg6[%broadcast_in_dim3A_507] : memref<64xi32, #tpu.memory_space<vmem>>[vector<16xi32>], vector<16xi32>,
    %add3A_509 = arith.constant 8388608 : i32
    %add3A_510 = arith.addi %mul3A_328, %add3A_509 : i32
    %add3A_511 = vector.broadcast %add3A_510 : i32 to vector<16xi32>
    %add3A_512 = arith.addi %add3A_511, %mul3A_263 : vector<16xi32>
    %add3A_513 = arith.addi %add3A_512, %gather3A_508 : vector<16xi32>
    %swap3A_514 = arith.constant 256 : index
    %swap3A_515 = tpu.vector_load %arg7[%swap3A_514] {strides = array<i32>} : memref<1360xi32, #tpu.memory_space<vmem>>, vector<16xi32>,
    tpu.vector_store %arg7[%swap3A_514], %add3A_513 {strides = array<i32>} : memref<1360xi32, #tpu.memory_space<vmem>>, vector<16xi32>,
    %dma_start3A = arith.constant 0 : i32
    %dma_start3A_516 = tpu.memref_slice %arg8[%dma_start3A] : memref<1360xf32, #tpu.memory_space<vmem>> -> memref<128xf32, #tpu.memory_space<vmem>>
    %dma_start3A_517 = arith.constant 0 : i32
    %dma_start3A_518 = tpu.memref_slice %arg7[%dma_start3A_517] : memref<1360xi32, #tpu.memory_space<vmem>> -> memref<128xi32, #tpu.memory_space<vmem>>
    %dma_start3A_519 = arith.constant 0 : i32
    %dma_start3A_520 = tpu.memref_slice %arg2[%dma_start3A_519] : memref<71303168xf32, #tpu.memory_space<hbm>> -> memref<71303168xf32, #tpu.memory_space<hbm>>
    tpu.enqueue_indirect_dma source(%dma_start3A_520 : memref<71303168xf32, #tpu.memory_space<hbm>>) target(%dma_start3A_516 : memref<128xf32, #tpu.memory_space<vmem>>) offsets(%dma_start3A_518 : memref<128xi32, #tpu.memory_space<vmem>>) semaphore(%arg16 : memref<!tpu.dma_semaphore, #tpu.memory_space<semaphore_mem>>)
    %dma_start3A_521 = arith.constant 128 : i32
    %dma_start3A_522 = tpu.memref_slice %arg8[%dma_start3A_521] : memref<1360xf32, #tpu.memory_space<vmem>> -> memref<128xf32, #tpu.memory_space<vmem>>
    %dma_start3A_523 = arith.constant 128 : i32
    %dma_start3A_524 = tpu.memref_slice %arg7[%dma_start3A_523] : memref<1360xi32, #tpu.memory_space<vmem>> -> memref<128xi32, #tpu.memory_space<vmem>>
    %dma_start3A_525 = arith.constant 0 : i32
    %dma_start3A_526 = tpu.memref_slice %arg2[%dma_start3A_525] : memref<71303168xf32, #tpu.memory_space<hbm>> -> memref<71303168xf32, #tpu.memory_space<hbm>>
    tpu.enqueue_indirect_dma source(%dma_start3A_526 : memref<71303168xf32, #tpu.memory_space<hbm>>) target(%dma_start3A_522 : memref<128xf32, #tpu.memory_space<vmem>>) offsets(%dma_start3A_524 : memref<128xi32, #tpu.memory_space<vmem>>) semaphore(%arg16 : memref<!tpu.dma_semaphore, #tpu.memory_space<semaphore_mem>>)
    %dma_start3A_527 = arith.constant 256 : i32
    %dma_start3A_528 = tpu.memref_slice %arg8[%dma_start3A_527] : memref<1360xf32, #tpu.memory_space<vmem>> -> memref<16xf32, #tpu.memory_space<vmem>>
    %dma_start3A_529 = arith.constant 256 : i32
    %dma_start3A_530 = tpu.memref_slice %arg7[%dma_start3A_529] : memref<1360xi32, #tpu.memory_space<vmem>> -> memref<16xi32, #tpu.memory_space<vmem>>
    %dma_start3A_531 = arith.constant 0 : i32
    %dma_start3A_532 = tpu.memref_slice %arg2[%dma_start3A_531] : memref<71303168xf32, #tpu.memory_space<hbm>> -> memref<71303168xf32, #tpu.memory_space<hbm>>
    tpu.enqueue_indirect_dma source(%dma_start3A_532 : memref<71303168xf32, #tpu.memory_space<hbm>>) target(%dma_start3A_528 : memref<16xf32, #tpu.memory_space<vmem>>) offsets(%dma_start3A_530 : memref<16xi32, #tpu.memory_space<vmem>>) semaphore(%arg16 : memref<!tpu.dma_semaphore, #tpu.memory_space<semaphore_mem>>)
    %mul3A_533 = arith.constant 5 : i32
    %mul3A_534 = arith.muli %add3A, %mul3A_533 : i32
    %add3A_535 = arith.constant 1 : i32
    %add3A_536 = arith.addi %mul3A_534, %add3A_535 : i32
    %jit3A_537 = arith.constant 2 : i32
    %div3A_538 = arith.divsi %add3A_536, %jit3A_537 : i32
    %sign3A_539 = arith.constant 0 : i32
    %sign3A_540 = arith.cmpi sgt, %add3A_536, %sign3A_539 : i32
    %sign3A_541 = arith.extui %sign3A_540 : i1 to i32
    %sign3A_542 = arith.constant 0 : i32
    %sign3A_543 = arith.cmpi slt, %add3A_536, %sign3A_542 : i32
    %sign3A_544 = arith.extui %sign3A_543 : i1 to i32
    %sign3A_545 = arith.subi %sign3A_541, %sign3A_544 : i32
    %sign3A_546 = arith.constant 0 : i32
    %sign3A_547 = arith.cmpi sgt, %jit3A_537, %sign3A_546 : i32
    %sign3A_548 = arith.extui %sign3A_547 : i1 to i32
    %sign3A_549 = arith.constant 0 : i32
    %sign3A_550 = arith.cmpi slt, %jit3A_537, %sign3A_549 : i32
    %sign3A_551 = arith.extui %sign3A_550 : i1 to i32
    %sign3A_552 = arith.subi %sign3A_548, %sign3A_551 : i32
    %ne3A_553 = arith.cmpi ne, %sign3A_545, %sign3A_552 : i32
    %rem3A_554 = arith.remsi %add3A_536, %jit3A_537 : i32
    %ne3A_555 = arith.constant 0 : i32
    %ne3A_556 = arith.cmpi ne, %rem3A_554, %ne3A_555 : i32
    %and3A_557 = arith.andi %ne3A_553, %ne3A_556 : i1
    %sub3A_558 = arith.constant 1 : i32
    %sub3A_559 = arith.subi %div3A_538, %sub3A_558 : i32
    %select_n3A_560 = arith.select %and3A_557, %sub3A_559, %div3A_538 : i32
    %mul3A_561 = arith.constant 2 : i32
    %mul3A_562 = arith.muli %select_n3A_560, %mul3A_561 : i32
    %sub3A_563 = arith.subi %add3A_536, %mul3A_562 : i32
    %jit3A_564 = arith.constant 10 : i32
    %div3A_565 = arith.divsi %select_n3A_560, %jit3A_564 : i32
    %sign3A_566 = arith.constant 0 : i32
    %sign3A_567 = arith.cmpi sgt, %select_n3A_560, %sign3A_566 : i32
    %sign3A_568 = arith.extui %sign3A_567 : i1 to i32
    %sign3A_569 = arith.constant 0 : i32
    %sign3A_570 = arith.cmpi slt, %select_n3A_560, %sign3A_569 : i32
    %sign3A_571 = arith.extui %sign3A_570 : i1 to i32
    %sign3A_572 = arith.subi %sign3A_568, %sign3A_571 : i32
    %sign3A_573 = arith.constant 0 : i32
    %sign3A_574 = arith.cmpi sgt, %jit3A_564, %sign3A_573 : i32
    %sign3A_575 = arith.extui %sign3A_574 : i1 to i32
    %sign3A_576 = arith.constant 0 : i32
    %sign3A_577 = arith.cmpi slt, %jit3A_564, %sign3A_576 : i32
    %sign3A_578 = arith.extui %sign3A_577 : i1 to i32
    %sign3A_579 = arith.subi %sign3A_575, %sign3A_578 : i32
    %ne3A_580 = arith.cmpi ne, %sign3A_572, %sign3A_579 : i32
    %rem3A_581 = arith.remsi %select_n3A_560, %jit3A_564 : i32
    %ne3A_582 = arith.constant 0 : i32
    %ne3A_583 = arith.cmpi ne, %rem3A_581, %ne3A_582 : i32
    %and3A_584 = arith.andi %ne3A_580, %ne3A_583 : i1
    %sub3A_585 = arith.constant 1 : i32
    %sub3A_586 = arith.subi %div3A_565, %sub3A_585 : i32
    %select_n3A_587 = arith.select %and3A_584, %sub3A_586, %div3A_565 : i32
    %sub3A_588 = arith.subi %select_n3A_560, %select_n3A : i32
    %mul3A_589 = arith.constant 17 : i32
    %mul3A_590 = arith.muli %sub3A_588, %mul3A_589 : i32
    %mul3A_591 = arith.constant 544 : i32
    %mul3A_592 = arith.muli %select_n3A_587, %mul3A_591 : i32
    %mul3A_593 = arith.constant 16 : i32
    %mul3A_594 = arith.muli %sub3A_563, %mul3A_593 : i32
    %add3A_595 = arith.addi %mul3A_592, %mul3A_594 : i32
    %mul3A_596 = arith.constant 16384 : i32
    %mul3A_597 = arith.muli %add3A_595, %mul3A_596 : i32
    %add3A_598 = arith.constant 0 : i32
    %add3A_599 = arith.addi %mul3A_590, %add3A_598 : i32
    %broadcast_in_dim3A_600 = vector.broadcast %add3A_599 : i32 to vector<16xi32>
    %gather3A_601 = tpu.vector_load_idx %arg6[%broadcast_in_dim3A_600] : memref<64xi32, #tpu.memory_space<vmem>>[vector<16xi32>], vector<16xi32>,
    %add3A_602 = arith.constant 0 : i32
    %add3A_603 = arith.addi %mul3A_597, %add3A_602 : i32
    %add3A_604 = vector.broadcast %add3A_603 : i32 to vector<16xi32>
    %add3A_605 = arith.addi %add3A_604, %mul3A_263 : vector<16xi32>
    %add3A_606 = arith.addi %add3A_605, %gather3A_601 : vector<16xi32>
    %swap3A_607 = arith.constant 272 : index
    %swap3A_608 = tpu.vector_load %arg7[%swap3A_607] {strides = array<i32>} : memref<1360xi32, #tpu.memory_space<vmem>>, vector<16xi32>,
    tpu.vector_store %arg7[%swap3A_607], %add3A_606 {strides = array<i32>} : memref<1360xi32, #tpu.memory_space<vmem>>, vector<16xi32>,
    %add3A_609 = arith.constant 1 : i32
    %add3A_610 = arith.addi %mul3A_590, %add3A_609 : i32
    %broadcast_in_dim3A_611 = vector.broadcast %add3A_610 : i32 to vector<16xi32>
    %gather3A_612 = tpu.vector_load_idx %arg6[%broadcast_in_dim3A_611] : memref<64xi32, #tpu.memory_space<vmem>>[vector<16xi32>], vector<16xi32>,
    %add3A_613 = arith.constant 524288 : i32
    %add3A_614 = arith.addi %mul3A_597, %add3A_613 : i32
    %add3A_615 = vector.broadcast %add3A_614 : i32 to vector<16xi32>
    %add3A_616 = arith.addi %add3A_615, %mul3A_263 : vector<16xi32>
    %add3A_617 = arith.addi %add3A_616, %gather3A_612 : vector<16xi32>
    %swap3A_618 = arith.constant 288 : index
    %swap3A_619 = tpu.vector_load %arg7[%swap3A_618] {strides = array<i32>} : memref<1360xi32, #tpu.memory_space<vmem>>, vector<16xi32>,
    tpu.vector_store %arg7[%swap3A_618], %add3A_617 {strides = array<i32>} : memref<1360xi32, #tpu.memory_space<vmem>>, vector<16xi32>,
    %add3A_620 = arith.constant 2 : i32
    %add3A_621 = arith.addi %mul3A_590, %add3A_620 : i32
    %broadcast_in_dim3A_622 = vector.broadcast %add3A_621 : i32 to vector<16xi32>
    %gather3A_623 = tpu.vector_load_idx %arg6[%broadcast_in_dim3A_622] : memref<64xi32, #tpu.memory_space<vmem>>[vector<16xi32>], vector<16xi32>,
    %add3A_624 = arith.constant 1048576 : i32
    %add3A_625 = arith.addi %mul3A_597, %add3A_624 : i32
    %add3A_626 = vector.broadcast %add3A_625 : i32 to vector<16xi32>
    %add3A_627 = arith.addi %add3A_626, %mul3A_263 : vector<16xi32>
    %add3A_628 = arith.addi %add3A_627, %gather3A_623 : vector<16xi32>
    %swap3A_629 = arith.constant 304 : index
    %swap3A_630 = tpu.vector_load %arg7[%swap3A_629] {strides = array<i32>} : memref<1360xi32, #tpu.memory_space<vmem>>, vector<16xi32>,
    tpu.vector_store %arg7[%swap3A_629], %add3A_628 {strides = array<i32>} : memref<1360xi32, #tpu.memory_space<vmem>>, vector<16xi32>,
    %add3A_631 = arith.constant 3 : i32
    %add3A_632 = arith.addi %mul3A_590, %add3A_631 : i32
    %broadcast_in_dim3A_633 = vector.broadcast %add3A_632 : i32 to vector<16xi32>
    %gather3A_634 = tpu.vector_load_idx %arg6[%broadcast_in_dim3A_633] : memref<64xi32, #tpu.memory_space<vmem>>[vector<16xi32>], vector<16xi32>,
    %add3A_635 = arith.constant 1572864 : i32
    %add3A_636 = arith.addi %mul3A_597, %add3A_635 : i32
    %add3A_637 = vector.broadcast %add3A_636 : i32 to vector<16xi32>
    %add3A_638 = arith.addi %add3A_637, %mul3A_263 : vector<16xi32>
    %add3A_639 = arith.addi %add3A_638, %gather3A_634 : vector<16xi32>
    %swap3A_640 = arith.constant 320 : index
    %swap3A_641 = tpu.vector_load %arg7[%swap3A_640] {strides = array<i32>} : memref<1360xi32, #tpu.memory_space<vmem>>, vector<16xi32>,
    tpu.vector_store %arg7[%swap3A_640], %add3A_639 {strides = array<i32>} : memref<1360xi32, #tpu.memory_space<vmem>>, vector<16xi32>,
    %add3A_642 = arith.constant 4 : i32
    %add3A_643 = arith.addi %mul3A_590, %add3A_642 : i32
    %broadcast_in_dim3A_644 = vector.broadcast %add3A_643 : i32 to vector<16xi32>
    %gather3A_645 = tpu.vector_load_idx %arg6[%broadcast_in_dim3A_644] : memref<64xi32, #tpu.memory_space<vmem>>[vector<16xi32>], vector<16xi32>,
    %add3A_646 = arith.constant 2097152 : i32
    %add3A_647 = arith.addi %mul3A_597, %add3A_646 : i32
    %add3A_648 = vector.broadcast %add3A_647 : i32 to vector<16xi32>
    %add3A_649 = arith.addi %add3A_648, %mul3A_263 : vector<16xi32>
    %add3A_650 = arith.addi %add3A_649, %gather3A_645 : vector<16xi32>
    %swap3A_651 = arith.constant 336 : index
    %swap3A_652 = tpu.vector_load %arg7[%swap3A_651] {strides = array<i32>} : memref<1360xi32, #tpu.memory_space<vmem>>, vector<16xi32>,
    tpu.vector_store %arg7[%swap3A_651], %add3A_650 {strides = array<i32>} : memref<1360xi32, #tpu.memory_space<vmem>>, vector<16xi32>,
    %add3A_653 = arith.constant 5 : i32
    %add3A_654 = arith.addi %mul3A_590, %add3A_653 : i32
    %broadcast_in_dim3A_655 = vector.broadcast %add3A_654 : i32 to vector<16xi32>
    %gather3A_656 = tpu.vector_load_idx %arg6[%broadcast_in_dim3A_655] : memref<64xi32, #tpu.memory_space<vmem>>[vector<16xi32>], vector<16xi32>,
    %add3A_657 = arith.constant 2621440 : i32
    %add3A_658 = arith.addi %mul3A_597, %add3A_657 : i32
    %add3A_659 = vector.broadcast %add3A_658 : i32 to vector<16xi32>
    %add3A_660 = arith.addi %add3A_659, %mul3A_263 : vector<16xi32>
    %add3A_661 = arith.addi %add3A_660, %gather3A_656 : vector<16xi32>
    %swap3A_662 = arith.constant 352 : index
    %swap3A_663 = tpu.vector_load %arg7[%swap3A_662] {strides = array<i32>} : memref<1360xi32, #tpu.memory_space<vmem>>, vector<16xi32>,
    tpu.vector_store %arg7[%swap3A_662], %add3A_661 {strides = array<i32>} : memref<1360xi32, #tpu.memory_space<vmem>>, vector<16xi32>,
    %add3A_664 = arith.constant 6 : i32
    %add3A_665 = arith.addi %mul3A_590, %add3A_664 : i32
    %broadcast_in_dim3A_666 = vector.broadcast %add3A_665 : i32 to vector<16xi32>
    %gather3A_667 = tpu.vector_load_idx %arg6[%broadcast_in_dim3A_666] : memref<64xi32, #tpu.memory_space<vmem>>[vector<16xi32>], vector<16xi32>,
    %add3A_668 = arith.constant 3145728 : i32
    %add3A_669 = arith.addi %mul3A_597, %add3A_668 : i32
    %add3A_670 = vector.broadcast %add3A_669 : i32 to vector<16xi32>
    %add3A_671 = arith.addi %add3A_670, %mul3A_263 : vector<16xi32>
    %add3A_672 = arith.addi %add3A_671, %gather3A_667 : vector<16xi32>
    %swap3A_673 = arith.constant 368 : index
    %swap3A_674 = tpu.vector_load %arg7[%swap3A_673] {strides = array<i32>} : memref<1360xi32, #tpu.memory_space<vmem>>, vector<16xi32>,
    tpu.vector_store %arg7[%swap3A_673], %add3A_672 {strides = array<i32>} : memref<1360xi32, #tpu.memory_space<vmem>>, vector<16xi32>,
    %add3A_675 = arith.constant 7 : i32
    %add3A_676 = arith.addi %mul3A_590, %add3A_675 : i32
    %broadcast_in_dim3A_677 = vector.broadcast %add3A_676 : i32 to vector<16xi32>
    %gather3A_678 = tpu.vector_load_idx %arg6[%broadcast_in_dim3A_677] : memref<64xi32, #tpu.memory_space<vmem>>[vector<16xi32>], vector<16xi32>,
    %add3A_679 = arith.constant 3670016 : i32
    %add3A_680 = arith.addi %mul3A_597, %add3A_679 : i32
    %add3A_681 = vector.broadcast %add3A_680 : i32 to vector<16xi32>
    %add3A_682 = arith.addi %add3A_681, %mul3A_263 : vector<16xi32>
    %add3A_683 = arith.addi %add3A_682, %gather3A_678 : vector<16xi32>
    %swap3A_684 = arith.constant 384 : index
    %swap3A_685 = tpu.vector_load %arg7[%swap3A_684] {strides = array<i32>} : memref<1360xi32, #tpu.memory_space<vmem>>, vector<16xi32>,
    tpu.vector_store %arg7[%swap3A_684], %add3A_683 {strides = array<i32>} : memref<1360xi32, #tpu.memory_space<vmem>>, vector<16xi32>,
    %add3A_686 = arith.constant 8 : i32
    %add3A_687 = arith.addi %mul3A_590, %add3A_686 : i32
    %broadcast_in_dim3A_688 = vector.broadcast %add3A_687 : i32 to vector<16xi32>
    %gather3A_689 = tpu.vector_load_idx %arg6[%broadcast_in_dim3A_688] : memref<64xi32, #tpu.memory_space<vmem>>[vector<16xi32>], vector<16xi32>,
    %add3A_690 = arith.constant 4194304 : i32
    %add3A_691 = arith.addi %mul3A_597, %add3A_690 : i32
    %add3A_692 = vector.broadcast %add3A_691 : i32 to vector<16xi32>
    %add3A_693 = arith.addi %add3A_692, %mul3A_263 : vector<16xi32>
    %add3A_694 = arith.addi %add3A_693, %gather3A_689 : vector<16xi32>
    %swap3A_695 = arith.constant 400 : index
    %swap3A_696 = tpu.vector_load %arg7[%swap3A_695] {strides = array<i32>} : memref<1360xi32, #tpu.memory_space<vmem>>, vector<16xi32>,
    tpu.vector_store %arg7[%swap3A_695], %add3A_694 {strides = array<i32>} : memref<1360xi32, #tpu.memory_space<vmem>>, vector<16xi32>,
    %add3A_697 = arith.constant 9 : i32
    %add3A_698 = arith.addi %mul3A_590, %add3A_697 : i32
    %broadcast_in_dim3A_699 = vector.broadcast %add3A_698 : i32 to vector<16xi32>
    %gather3A_700 = tpu.vector_load_idx %arg6[%broadcast_in_dim3A_699] : memref<64xi32, #tpu.memory_space<vmem>>[vector<16xi32>], vector<16xi32>,
    %add3A_701 = arith.constant 4718592 : i32
    %add3A_702 = arith.addi %mul3A_597, %add3A_701 : i32
    %add3A_703 = vector.broadcast %add3A_702 : i32 to vector<16xi32>
    %add3A_704 = arith.addi %add3A_703, %mul3A_263 : vector<16xi32>
    %add3A_705 = arith.addi %add3A_704, %gather3A_700 : vector<16xi32>
    %swap3A_706 = arith.constant 416 : index
    %swap3A_707 = tpu.vector_load %arg7[%swap3A_706] {strides = array<i32>} : memref<1360xi32, #tpu.memory_space<vmem>>, vector<16xi32>,
    tpu.vector_store %arg7[%swap3A_706], %add3A_705 {strides = array<i32>} : memref<1360xi32, #tpu.memory_space<vmem>>, vector<16xi32>,
    %add3A_708 = arith.constant 10 : i32
    %add3A_709 = arith.addi %mul3A_590, %add3A_708 : i32
    %broadcast_in_dim3A_710 = vector.broadcast %add3A_709 : i32 to vector<16xi32>
    %gather3A_711 = tpu.vector_load_idx %arg6[%broadcast_in_dim3A_710] : memref<64xi32, #tpu.memory_space<vmem>>[vector<16xi32>], vector<16xi32>,
    %add3A_712 = arith.constant 5242880 : i32
    %add3A_713 = arith.addi %mul3A_597, %add3A_712 : i32
    %add3A_714 = vector.broadcast %add3A_713 : i32 to vector<16xi32>
    %add3A_715 = arith.addi %add3A_714, %mul3A_263 : vector<16xi32>
    %add3A_716 = arith.addi %add3A_715, %gather3A_711 : vector<16xi32>
    %swap3A_717 = arith.constant 432 : index
    %swap3A_718 = tpu.vector_load %arg7[%swap3A_717] {strides = array<i32>} : memref<1360xi32, #tpu.memory_space<vmem>>, vector<16xi32>,
    tpu.vector_store %arg7[%swap3A_717], %add3A_716 {strides = array<i32>} : memref<1360xi32, #tpu.memory_space<vmem>>, vector<16xi32>,
    %add3A_719 = arith.constant 11 : i32
    %add3A_720 = arith.addi %mul3A_590, %add3A_719 : i32
    %broadcast_in_dim3A_721 = vector.broadcast %add3A_720 : i32 to vector<16xi32>
    %gather3A_722 = tpu.vector_load_idx %arg6[%broadcast_in_dim3A_721] : memref<64xi32, #tpu.memory_space<vmem>>[vector<16xi32>], vector<16xi32>,
    %add3A_723 = arith.constant 5767168 : i32
    %add3A_724 = arith.addi %mul3A_597, %add3A_723 : i32
    %add3A_725 = vector.broadcast %add3A_724 : i32 to vector<16xi32>
    %add3A_726 = arith.addi %add3A_725, %mul3A_263 : vector<16xi32>
    %add3A_727 = arith.addi %add3A_726, %gather3A_722 : vector<16xi32>
    %swap3A_728 = arith.constant 448 : index
    %swap3A_729 = tpu.vector_load %arg7[%swap3A_728] {strides = array<i32>} : memref<1360xi32, #tpu.memory_space<vmem>>, vector<16xi32>,
    tpu.vector_store %arg7[%swap3A_728], %add3A_727 {strides = array<i32>} : memref<1360xi32, #tpu.memory_space<vmem>>, vector<16xi32>,
    %add3A_730 = arith.constant 12 : i32
    %add3A_731 = arith.addi %mul3A_590, %add3A_730 : i32
    %broadcast_in_dim3A_732 = vector.broadcast %add3A_731 : i32 to vector<16xi32>
    %gather3A_733 = tpu.vector_load_idx %arg6[%broadcast_in_dim3A_732] : memref<64xi32, #tpu.memory_space<vmem>>[vector<16xi32>], vector<16xi32>,
    %add3A_734 = arith.constant 6291456 : i32
    %add3A_735 = arith.addi %mul3A_597, %add3A_734 : i32
    %add3A_736 = vector.broadcast %add3A_735 : i32 to vector<16xi32>
    %add3A_737 = arith.addi %add3A_736, %mul3A_263 : vector<16xi32>
    %add3A_738 = arith.addi %add3A_737, %gather3A_733 : vector<16xi32>
    %swap3A_739 = arith.constant 464 : index
    %swap3A_740 = tpu.vector_load %arg7[%swap3A_739] {strides = array<i32>} : memref<1360xi32, #tpu.memory_space<vmem>>, vector<16xi32>,
    tpu.vector_store %arg7[%swap3A_739], %add3A_738 {strides = array<i32>} : memref<1360xi32, #tpu.memory_space<vmem>>, vector<16xi32>,
    %add3A_741 = arith.constant 13 : i32
    %add3A_742 = arith.addi %mul3A_590, %add3A_741 : i32
    %broadcast_in_dim3A_743 = vector.broadcast %add3A_742 : i32 to vector<16xi32>
    %gather3A_744 = tpu.vector_load_idx %arg6[%broadcast_in_dim3A_743] : memref<64xi32, #tpu.memory_space<vmem>>[vector<16xi32>], vector<16xi32>,
    %add3A_745 = arith.constant 6815744 : i32
    %add3A_746 = arith.addi %mul3A_597, %add3A_745 : i32
    %add3A_747 = vector.broadcast %add3A_746 : i32 to vector<16xi32>
    %add3A_748 = arith.addi %add3A_747, %mul3A_263 : vector<16xi32>
    %add3A_749 = arith.addi %add3A_748, %gather3A_744 : vector<16xi32>
    %swap3A_750 = arith.constant 480 : index
    %swap3A_751 = tpu.vector_load %arg7[%swap3A_750] {strides = array<i32>} : memref<1360xi32, #tpu.memory_space<vmem>>, vector<16xi32>,
    tpu.vector_store %arg7[%swap3A_750], %add3A_749 {strides = array<i32>} : memref<1360xi32, #tpu.memory_space<vmem>>, vector<16xi32>,
    %add3A_752 = arith.constant 14 : i32
    %add3A_753 = arith.addi %mul3A_590, %add3A_752 : i32
    %broadcast_in_dim3A_754 = vector.broadcast %add3A_753 : i32 to vector<16xi32>
    %gather3A_755 = tpu.vector_load_idx %arg6[%broadcast_in_dim3A_754] : memref<64xi32, #tpu.memory_space<vmem>>[vector<16xi32>], vector<16xi32>,
    %add3A_756 = arith.constant 7340032 : i32
    %add3A_757 = arith.addi %mul3A_597, %add3A_756 : i32
    %add3A_758 = vector.broadcast %add3A_757 : i32 to vector<16xi32>
    %add3A_759 = arith.addi %add3A_758, %mul3A_263 : vector<16xi32>
    %add3A_760 = arith.addi %add3A_759, %gather3A_755 : vector<16xi32>
    %swap3A_761 = arith.constant 496 : index
    %swap3A_762 = tpu.vector_load %arg7[%swap3A_761] {strides = array<i32>} : memref<1360xi32, #tpu.memory_space<vmem>>, vector<16xi32>,
    tpu.vector_store %arg7[%swap3A_761], %add3A_760 {strides = array<i32>} : memref<1360xi32, #tpu.memory_space<vmem>>, vector<16xi32>,
    %add3A_763 = arith.constant 15 : i32
    %add3A_764 = arith.addi %mul3A_590, %add3A_763 : i32
    %broadcast_in_dim3A_765 = vector.broadcast %add3A_764 : i32 to vector<16xi32>
    %gather3A_766 = tpu.vector_load_idx %arg6[%broadcast_in_dim3A_765] : memref<64xi32, #tpu.memory_space<vmem>>[vector<16xi32>], vector<16xi32>,
    %add3A_767 = arith.constant 7864320 : i32
    %add3A_768 = arith.addi %mul3A_597, %add3A_767 : i32
    %add3A_769 = vector.broadcast %add3A_768 : i32 to vector<16xi32>
    %add3A_770 = arith.addi %add3A_769, %mul3A_263 : vector<16xi32>
    %add3A_771 = arith.addi %add3A_770, %gather3A_766 : vector<16xi32>
    %swap3A_772 = arith.constant 512 : index
    %swap3A_773 = tpu.vector_load %arg7[%swap3A_772] {strides = array<i32>} : memref<1360xi32, #tpu.memory_space<vmem>>, vector<16xi32>,
    tpu.vector_store %arg7[%swap3A_772], %add3A_771 {strides = array<i32>} : memref<1360xi32, #tpu.memory_space<vmem>>, vector<16xi32>,
    %add3A_774 = arith.constant 16 : i32
    %add3A_775 = arith.addi %mul3A_590, %add3A_774 : i32
    %broadcast_in_dim3A_776 = vector.broadcast %add3A_775 : i32 to vector<16xi32>
    %gather3A_777 = tpu.vector_load_idx %arg6[%broadcast_in_dim3A_776] : memref<64xi32, #tpu.memory_space<vmem>>[vector<16xi32>], vector<16xi32>,
    %add3A_778 = arith.constant 8388608 : i32
    %add3A_779 = arith.addi %mul3A_597, %add3A_778 : i32
    %add3A_780 = vector.broadcast %add3A_779 : i32 to vector<16xi32>
    %add3A_781 = arith.addi %add3A_780, %mul3A_263 : vector<16xi32>
    %add3A_782 = arith.addi %add3A_781, %gather3A_777 : vector<16xi32>
    %swap3A_783 = arith.constant 528 : index
    %swap3A_784 = tpu.vector_load %arg7[%swap3A_783] {strides = array<i32>} : memref<1360xi32, #tpu.memory_space<vmem>>, vector<16xi32>,
    tpu.vector_store %arg7[%swap3A_783], %add3A_782 {strides = array<i32>} : memref<1360xi32, #tpu.memory_space<vmem>>, vector<16xi32>,
    %dma_start3A_785 = arith.constant 272 : i32
    %dma_start3A_786 = tpu.memref_slice %arg8[%dma_start3A_785] : memref<1360xf32, #tpu.memory_space<vmem>> -> memref<128xf32, #tpu.memory_space<vmem>>
    %dma_start3A_787 = arith.constant 272 : i32
    %dma_start3A_788 = tpu.memref_slice %arg7[%dma_start3A_787] : memref<1360xi32, #tpu.memory_space<vmem>> -> memref<128xi32, #tpu.memory_space<vmem>>
    %dma_start3A_789 = arith.constant 0 : i32
    %dma_start3A_790 = tpu.memref_slice %arg2[%dma_start3A_789] : memref<71303168xf32, #tpu.memory_space<hbm>> -> memref<71303168xf32, #tpu.memory_space<hbm>>
    tpu.enqueue_indirect_dma source(%dma_start3A_790 : memref<71303168xf32, #tpu.memory_space<hbm>>) target(%dma_start3A_786 : memref<128xf32, #tpu.memory_space<vmem>>) offsets(%dma_start3A_788 : memref<128xi32, #tpu.memory_space<vmem>>) semaphore(%arg16 : memref<!tpu.dma_semaphore, #tpu.memory_space<semaphore_mem>>)
    %dma_start3A_791 = arith.constant 400 : i32
    %dma_start3A_792 = tpu.memref_slice %arg8[%dma_start3A_791] : memref<1360xf32, #tpu.memory_space<vmem>> -> memref<128xf32, #tpu.memory_space<vmem>>
    %dma_start3A_793 = arith.constant 400 : i32
    %dma_start3A_794 = tpu.memref_slice %arg7[%dma_start3A_793] : memref<1360xi32, #tpu.memory_space<vmem>> -> memref<128xi32, #tpu.memory_space<vmem>>
    %dma_start3A_795 = arith.constant 0 : i32
    %dma_start3A_796 = tpu.memref_slice %arg2[%dma_start3A_795] : memref<71303168xf32, #tpu.memory_space<hbm>> -> memref<71303168xf32, #tpu.memory_space<hbm>>
    tpu.enqueue_indirect_dma source(%dma_start3A_796 : memref<71303168xf32, #tpu.memory_space<hbm>>) target(%dma_start3A_792 : memref<128xf32, #tpu.memory_space<vmem>>) offsets(%dma_start3A_794 : memref<128xi32, #tpu.memory_space<vmem>>) semaphore(%arg16 : memref<!tpu.dma_semaphore, #tpu.memory_space<semaphore_mem>>)
    %dma_start3A_797 = arith.constant 528 : i32
    %dma_start3A_798 = tpu.memref_slice %arg8[%dma_start3A_797] : memref<1360xf32, #tpu.memory_space<vmem>> -> memref<16xf32, #tpu.memory_space<vmem>>
    %dma_start3A_799 = arith.constant 528 : i32
    %dma_start3A_800 = tpu.memref_slice %arg7[%dma_start3A_799] : memref<1360xi32, #tpu.memory_space<vmem>> -> memref<16xi32, #tpu.memory_space<vmem>>
    %dma_start3A_801 = arith.constant 0 : i32
    %dma_start3A_802 = tpu.memref_slice %arg2[%dma_start3A_801] : memref<71303168xf32, #tpu.memory_space<hbm>> -> memref<71303168xf32, #tpu.memory_space<hbm>>
    tpu.enqueue_indirect_dma source(%dma_start3A_802 : memref<71303168xf32, #tpu.memory_space<hbm>>) target(%dma_start3A_798 : memref<16xf32, #tpu.memory_space<vmem>>) offsets(%dma_start3A_800 : memref<16xi32, #tpu.memory_space<vmem>>) semaphore(%arg16 : memref<!tpu.dma_semaphore, #tpu.memory_space<semaphore_mem>>)
    %mul3A_803 = arith.constant 5 : i32
    %mul3A_804 = arith.muli %add3A, %mul3A_803 : i32
    %add3A_805 = arith.constant 2 : i32
    %add3A_806 = arith.addi %mul3A_804, %add3A_805 : i32
    %jit3A_807 = arith.constant 2 : i32
    %div3A_808 = arith.divsi %add3A_806, %jit3A_807 : i32
    %sign3A_809 = arith.constant 0 : i32
    %sign3A_810 = arith.cmpi sgt, %add3A_806, %sign3A_809 : i32
    %sign3A_811 = arith.extui %sign3A_810 : i1 to i32
    %sign3A_812 = arith.constant 0 : i32
    %sign3A_813 = arith.cmpi slt, %add3A_806, %sign3A_812 : i32
    %sign3A_814 = arith.extui %sign3A_813 : i1 to i32
    %sign3A_815 = arith.subi %sign3A_811, %sign3A_814 : i32
    %sign3A_816 = arith.constant 0 : i32
    %sign3A_817 = arith.cmpi sgt, %jit3A_807, %sign3A_816 : i32
    %sign3A_818 = arith.extui %sign3A_817 : i1 to i32
    %sign3A_819 = arith.constant 0 : i32
    %sign3A_820 = arith.cmpi slt, %jit3A_807, %sign3A_819 : i32
    %sign3A_821 = arith.extui %sign3A_820 : i1 to i32
    %sign3A_822 = arith.subi %sign3A_818, %sign3A_821 : i32
    %ne3A_823 = arith.cmpi ne, %sign3A_815, %sign3A_822 : i32
    %rem3A_824 = arith.remsi %add3A_806, %jit3A_807 : i32
    %ne3A_825 = arith.constant 0 : i32
    %ne3A_826 = arith.cmpi ne, %rem3A_824, %ne3A_825 : i32
    %and3A_827 = arith.andi %ne3A_823, %ne3A_826 : i1
    %sub3A_828 = arith.constant 1 : i32
    %sub3A_829 = arith.subi %div3A_808, %sub3A_828 : i32
    %select_n3A_830 = arith.select %and3A_827, %sub3A_829, %div3A_808 : i32
    %mul3A_831 = arith.constant 2 : i32
    %mul3A_832 = arith.muli %select_n3A_830, %mul3A_831 : i32
    %sub3A_833 = arith.subi %add3A_806, %mul3A_832 : i32
    %jit3A_834 = arith.constant 10 : i32
    %div3A_835 = arith.divsi %select_n3A_830, %jit3A_834 : i32
    %sign3A_836 = arith.constant 0 : i32
    %sign3A_837 = arith.cmpi sgt, %select_n3A_830, %sign3A_836 : i32
    %sign3A_838 = arith.extui %sign3A_837 : i1 to i32
    %sign3A_839 = arith.constant 0 : i32
    %sign3A_840 = arith.cmpi slt, %select_n3A_830, %sign3A_839 : i32
    %sign3A_841 = arith.extui %sign3A_840 : i1 to i32
    %sign3A_842 = arith.subi %sign3A_838, %sign3A_841 : i32
    %sign3A_843 = arith.constant 0 : i32
    %sign3A_844 = arith.cmpi sgt, %jit3A_834, %sign3A_843 : i32
    %sign3A_845 = arith.extui %sign3A_844 : i1 to i32
    %sign3A_846 = arith.constant 0 : i32
    %sign3A_847 = arith.cmpi slt, %jit3A_834, %sign3A_846 : i32
    %sign3A_848 = arith.extui %sign3A_847 : i1 to i32
    %sign3A_849 = arith.subi %sign3A_845, %sign3A_848 : i32
    %ne3A_850 = arith.cmpi ne, %sign3A_842, %sign3A_849 : i32
    %rem3A_851 = arith.remsi %select_n3A_830, %jit3A_834 : i32
    %ne3A_852 = arith.constant 0 : i32
    %ne3A_853 = arith.cmpi ne, %rem3A_851, %ne3A_852 : i32
    %and3A_854 = arith.andi %ne3A_850, %ne3A_853 : i1
    %sub3A_855 = arith.constant 1 : i32
    %sub3A_856 = arith.subi %div3A_835, %sub3A_855 : i32
    %select_n3A_857 = arith.select %and3A_854, %sub3A_856, %div3A_835 : i32
    %sub3A_858 = arith.subi %select_n3A_830, %select_n3A : i32
    %mul3A_859 = arith.constant 17 : i32
    %mul3A_860 = arith.muli %sub3A_858, %mul3A_859 : i32
    %mul3A_861 = arith.constant 544 : i32
    %mul3A_862 = arith.muli %select_n3A_857, %mul3A_861 : i32
    %mul3A_863 = arith.constant 16 : i32
    %mul3A_864 = arith.muli %sub3A_833, %mul3A_863 : i32
    %add3A_865 = arith.addi %mul3A_862, %mul3A_864 : i32
    %mul3A_866 = arith.constant 16384 : i32
    %mul3A_867 = arith.muli %add3A_865, %mul3A_866 : i32
    %add3A_868 = arith.constant 0 : i32
    %add3A_869 = arith.addi %mul3A_860, %add3A_868 : i32
    %broadcast_in_dim3A_870 = vector.broadcast %add3A_869 : i32 to vector<16xi32>
    %gather3A_871 = tpu.vector_load_idx %arg6[%broadcast_in_dim3A_870] : memref<64xi32, #tpu.memory_space<vmem>>[vector<16xi32>], vector<16xi32>,
    %add3A_872 = arith.constant 0 : i32
    %add3A_873 = arith.addi %mul3A_867, %add3A_872 : i32
    %add3A_874 = vector.broadcast %add3A_873 : i32 to vector<16xi32>
    %add3A_875 = arith.addi %add3A_874, %mul3A_263 : vector<16xi32>
    %add3A_876 = arith.addi %add3A_875, %gather3A_871 : vector<16xi32>
    %swap3A_877 = arith.constant 544 : index
    %swap3A_878 = tpu.vector_load %arg7[%swap3A_877] {strides = array<i32>} : memref<1360xi32, #tpu.memory_space<vmem>>, vector<16xi32>,
    tpu.vector_store %arg7[%swap3A_877], %add3A_876 {strides = array<i32>} : memref<1360xi32, #tpu.memory_space<vmem>>, vector<16xi32>,
    %add3A_879 = arith.constant 1 : i32
    %add3A_880 = arith.addi %mul3A_860, %add3A_879 : i32
    %broadcast_in_dim3A_881 = vector.broadcast %add3A_880 : i32 to vector<16xi32>
    %gather3A_882 = tpu.vector_load_idx %arg6[%broadcast_in_dim3A_881] : memref<64xi32, #tpu.memory_space<vmem>>[vector<16xi32>], vector<16xi32>,
    %add3A_883 = arith.constant 524288 : i32
    %add3A_884 = arith.addi %mul3A_867, %add3A_883 : i32
    %add3A_885 = vector.broadcast %add3A_884 : i32 to vector<16xi32>
    %add3A_886 = arith.addi %add3A_885, %mul3A_263 : vector<16xi32>
    %add3A_887 = arith.addi %add3A_886, %gather3A_882 : vector<16xi32>
    %swap3A_888 = arith.constant 560 : index
    %swap3A_889 = tpu.vector_load %arg7[%swap3A_888] {strides = array<i32>} : memref<1360xi32, #tpu.memory_space<vmem>>, vector<16xi32>,
    tpu.vector_store %arg7[%swap3A_888], %add3A_887 {strides = array<i32>} : memref<1360xi32, #tpu.memory_space<vmem>>, vector<16xi32>,
    %add3A_890 = arith.constant 2 : i32
    %add3A_891 = arith.addi %mul3A_860, %add3A_890 : i32
    %broadcast_in_dim3A_892 = vector.broadcast %add3A_891 : i32 to vector<16xi32>
    %gather3A_893 = tpu.vector_load_idx %arg6[%broadcast_in_dim3A_892] : memref<64xi32, #tpu.memory_space<vmem>>[vector<16xi32>], vector<16xi32>,
    %add3A_894 = arith.constant 1048576 : i32
    %add3A_895 = arith.addi %mul3A_867, %add3A_894 : i32
    %add3A_896 = vector.broadcast %add3A_895 : i32 to vector<16xi32>
    %add3A_897 = arith.addi %add3A_896, %mul3A_263 : vector<16xi32>
    %add3A_898 = arith.addi %add3A_897, %gather3A_893 : vector<16xi32>
    %swap3A_899 = arith.constant 576 : index
    %swap3A_900 = tpu.vector_load %arg7[%swap3A_899] {strides = array<i32>} : memref<1360xi32, #tpu.memory_space<vmem>>, vector<16xi32>,
    tpu.vector_store %arg7[%swap3A_899], %add3A_898 {strides = array<i32>} : memref<1360xi32, #tpu.memory_space<vmem>>, vector<16xi32>,
    %add3A_901 = arith.constant 3 : i32
    %add3A_902 = arith.addi %mul3A_860, %add3A_901 : i32
    %broadcast_in_dim3A_903 = vector.broadcast %add3A_902 : i32 to vector<16xi32>
    %gather3A_904 = tpu.vector_load_idx %arg6[%broadcast_in_dim3A_903] : memref<64xi32, #tpu.memory_space<vmem>>[vector<16xi32>], vector<16xi32>,
    %add3A_905 = arith.constant 1572864 : i32
    %add3A_906 = arith.addi %mul3A_867, %add3A_905 : i32
    %add3A_907 = vector.broadcast %add3A_906 : i32 to vector<16xi32>
    %add3A_908 = arith.addi %add3A_907, %mul3A_263 : vector<16xi32>
    %add3A_909 = arith.addi %add3A_908, %gather3A_904 : vector<16xi32>
    %swap3A_910 = arith.constant 592 : index
    %swap3A_911 = tpu.vector_load %arg7[%swap3A_910] {strides = array<i32>} : memref<1360xi32, #tpu.memory_space<vmem>>, vector<16xi32>,
    tpu.vector_store %arg7[%swap3A_910], %add3A_909 {strides = array<i32>} : memref<1360xi32, #tpu.memory_space<vmem>>, vector<16xi32>,
    %add3A_912 = arith.constant 4 : i32
    %add3A_913 = arith.addi %mul3A_860, %add3A_912 : i32
    %broadcast_in_dim3A_914 = vector.broadcast %add3A_913 : i32 to vector<16xi32>
    %gather3A_915 = tpu.vector_load_idx %arg6[%broadcast_in_dim3A_914] : memref<64xi32, #tpu.memory_space<vmem>>[vector<16xi32>], vector<16xi32>,
    %add3A_916 = arith.constant 2097152 : i32
    %add3A_917 = arith.addi %mul3A_867, %add3A_916 : i32
    %add3A_918 = vector.broadcast %add3A_917 : i32 to vector<16xi32>
    %add3A_919 = arith.addi %add3A_918, %mul3A_263 : vector<16xi32>
    %add3A_920 = arith.addi %add3A_919, %gather3A_915 : vector<16xi32>
    %swap3A_921 = arith.constant 608 : index
    %swap3A_922 = tpu.vector_load %arg7[%swap3A_921] {strides = array<i32>} : memref<1360xi32, #tpu.memory_space<vmem>>, vector<16xi32>,
    tpu.vector_store %arg7[%swap3A_921], %add3A_920 {strides = array<i32>} : memref<1360xi32, #tpu.memory_space<vmem>>, vector<16xi32>,
    %add3A_923 = arith.constant 5 : i32
    %add3A_924 = arith.addi %mul3A_860, %add3A_923 : i32
    %broadcast_in_dim3A_925 = vector.broadcast %add3A_924 : i32 to vector<16xi32>
    %gather3A_926 = tpu.vector_load_idx %arg6[%broadcast_in_dim3A_925] : memref<64xi32, #tpu.memory_space<vmem>>[vector<16xi32>], vector<16xi32>,
    %add3A_927 = arith.constant 2621440 : i32
    %add3A_928 = arith.addi %mul3A_867, %add3A_927 : i32
    %add3A_929 = vector.broadcast %add3A_928 : i32 to vector<16xi32>
    %add3A_930 = arith.addi %add3A_929, %mul3A_263 : vector<16xi32>
    %add3A_931 = arith.addi %add3A_930, %gather3A_926 : vector<16xi32>
    %swap3A_932 = arith.constant 624 : index
    %swap3A_933 = tpu.vector_load %arg7[%swap3A_932] {strides = array<i32>} : memref<1360xi32, #tpu.memory_space<vmem>>, vector<16xi32>,
    tpu.vector_store %arg7[%swap3A_932], %add3A_931 {strides = array<i32>} : memref<1360xi32, #tpu.memory_space<vmem>>, vector<16xi32>,
    %add3A_934 = arith.constant 6 : i32
    %add3A_935 = arith.addi %mul3A_860, %add3A_934 : i32
    %broadcast_in_dim3A_936 = vector.broadcast %add3A_935 : i32 to vector<16xi32>
    %gather3A_937 = tpu.vector_load_idx %arg6[%broadcast_in_dim3A_936] : memref<64xi32, #tpu.memory_space<vmem>>[vector<16xi32>], vector<16xi32>,
    %add3A_938 = arith.constant 3145728 : i32
    %add3A_939 = arith.addi %mul3A_867, %add3A_938 : i32
    %add3A_940 = vector.broadcast %add3A_939 : i32 to vector<16xi32>
    %add3A_941 = arith.addi %add3A_940, %mul3A_263 : vector<16xi32>
    %add3A_942 = arith.addi %add3A_941, %gather3A_937 : vector<16xi32>
    %swap3A_943 = arith.constant 640 : index
    %swap3A_944 = tpu.vector_load %arg7[%swap3A_943] {strides = array<i32>} : memref<1360xi32, #tpu.memory_space<vmem>>, vector<16xi32>,
    tpu.vector_store %arg7[%swap3A_943], %add3A_942 {strides = array<i32>} : memref<1360xi32, #tpu.memory_space<vmem>>, vector<16xi32>,
    %add3A_945 = arith.constant 7 : i32
    %add3A_946 = arith.addi %mul3A_860, %add3A_945 : i32
    %broadcast_in_dim3A_947 = vector.broadcast %add3A_946 : i32 to vector<16xi32>
    %gather3A_948 = tpu.vector_load_idx %arg6[%broadcast_in_dim3A_947] : memref<64xi32, #tpu.memory_space<vmem>>[vector<16xi32>], vector<16xi32>,
    %add3A_949 = arith.constant 3670016 : i32
    %add3A_950 = arith.addi %mul3A_867, %add3A_949 : i32
    %add3A_951 = vector.broadcast %add3A_950 : i32 to vector<16xi32>
    %add3A_952 = arith.addi %add3A_951, %mul3A_263 : vector<16xi32>
    %add3A_953 = arith.addi %add3A_952, %gather3A_948 : vector<16xi32>
    %swap3A_954 = arith.constant 656 : index
    %swap3A_955 = tpu.vector_load %arg7[%swap3A_954] {strides = array<i32>} : memref<1360xi32, #tpu.memory_space<vmem>>, vector<16xi32>,
    tpu.vector_store %arg7[%swap3A_954], %add3A_953 {strides = array<i32>} : memref<1360xi32, #tpu.memory_space<vmem>>, vector<16xi32>,
    %add3A_956 = arith.constant 8 : i32
    %add3A_957 = arith.addi %mul3A_860, %add3A_956 : i32
    %broadcast_in_dim3A_958 = vector.broadcast %add3A_957 : i32 to vector<16xi32>
    %gather3A_959 = tpu.vector_load_idx %arg6[%broadcast_in_dim3A_958] : memref<64xi32, #tpu.memory_space<vmem>>[vector<16xi32>], vector<16xi32>,
    %add3A_960 = arith.constant 4194304 : i32
    %add3A_961 = arith.addi %mul3A_867, %add3A_960 : i32
    %add3A_962 = vector.broadcast %add3A_961 : i32 to vector<16xi32>
    %add3A_963 = arith.addi %add3A_962, %mul3A_263 : vector<16xi32>
    %add3A_964 = arith.addi %add3A_963, %gather3A_959 : vector<16xi32>
    %swap3A_965 = arith.constant 672 : index
    %swap3A_966 = tpu.vector_load %arg7[%swap3A_965] {strides = array<i32>} : memref<1360xi32, #tpu.memory_space<vmem>>, vector<16xi32>,
    tpu.vector_store %arg7[%swap3A_965], %add3A_964 {strides = array<i32>} : memref<1360xi32, #tpu.memory_space<vmem>>, vector<16xi32>,
    %add3A_967 = arith.constant 9 : i32
    %add3A_968 = arith.addi %mul3A_860, %add3A_967 : i32
    %broadcast_in_dim3A_969 = vector.broadcast %add3A_968 : i32 to vector<16xi32>
    %gather3A_970 = tpu.vector_load_idx %arg6[%broadcast_in_dim3A_969] : memref<64xi32, #tpu.memory_space<vmem>>[vector<16xi32>], vector<16xi32>,
    %add3A_971 = arith.constant 4718592 : i32
    %add3A_972 = arith.addi %mul3A_867, %add3A_971 : i32
    %add3A_973 = vector.broadcast %add3A_972 : i32 to vector<16xi32>
    %add3A_974 = arith.addi %add3A_973, %mul3A_263 : vector<16xi32>
    %add3A_975 = arith.addi %add3A_974, %gather3A_970 : vector<16xi32>
    %swap3A_976 = arith.constant 688 : index
    %swap3A_977 = tpu.vector_load %arg7[%swap3A_976] {strides = array<i32>} : memref<1360xi32, #tpu.memory_space<vmem>>, vector<16xi32>,
    tpu.vector_store %arg7[%swap3A_976], %add3A_975 {strides = array<i32>} : memref<1360xi32, #tpu.memory_space<vmem>>, vector<16xi32>,
    %add3A_978 = arith.constant 10 : i32
    %add3A_979 = arith.addi %mul3A_860, %add3A_978 : i32
    %broadcast_in_dim3A_980 = vector.broadcast %add3A_979 : i32 to vector<16xi32>
    %gather3A_981 = tpu.vector_load_idx %arg6[%broadcast_in_dim3A_980] : memref<64xi32, #tpu.memory_space<vmem>>[vector<16xi32>], vector<16xi32>,
    %add3A_982 = arith.constant 5242880 : i32
    %add3A_983 = arith.addi %mul3A_867, %add3A_982 : i32
    %add3A_984 = vector.broadcast %add3A_983 : i32 to vector<16xi32>
    %add3A_985 = arith.addi %add3A_984, %mul3A_263 : vector<16xi32>
    %add3A_986 = arith.addi %add3A_985, %gather3A_981 : vector<16xi32>
    %swap3A_987 = arith.constant 704 : index
    %swap3A_988 = tpu.vector_load %arg7[%swap3A_987] {strides = array<i32>} : memref<1360xi32, #tpu.memory_space<vmem>>, vector<16xi32>,
    tpu.vector_store %arg7[%swap3A_987], %add3A_986 {strides = array<i32>} : memref<1360xi32, #tpu.memory_space<vmem>>, vector<16xi32>,
    %add3A_989 = arith.constant 11 : i32
    %add3A_990 = arith.addi %mul3A_860, %add3A_989 : i32
    %broadcast_in_dim3A_991 = vector.broadcast %add3A_990 : i32 to vector<16xi32>
    %gather3A_992 = tpu.vector_load_idx %arg6[%broadcast_in_dim3A_991] : memref<64xi32, #tpu.memory_space<vmem>>[vector<16xi32>], vector<16xi32>,
    %add3A_993 = arith.constant 5767168 : i32
    %add3A_994 = arith.addi %mul3A_867, %add3A_993 : i32
    %add3A_995 = vector.broadcast %add3A_994 : i32 to vector<16xi32>
    %add3A_996 = arith.addi %add3A_995, %mul3A_263 : vector<16xi32>
    %add3A_997 = arith.addi %add3A_996, %gather3A_992 : vector<16xi32>
    %swap3A_998 = arith.constant 720 : index
    %swap3A_999 = tpu.vector_load %arg7[%swap3A_998] {strides = array<i32>} : memref<1360xi32, #tpu.memory_space<vmem>>, vector<16xi32>,
    tpu.vector_store %arg7[%swap3A_998], %add3A_997 {strides = array<i32>} : memref<1360xi32, #tpu.memory_space<vmem>>, vector<16xi32>,
    %add3A_1000 = arith.constant 12 : i32
    %add3A_1001 = arith.addi %mul3A_860, %add3A_1000 : i32
    %broadcast_in_dim3A_1002 = vector.broadcast %add3A_1001 : i32 to vector<16xi32>
    %gather3A_1003 = tpu.vector_load_idx %arg6[%broadcast_in_dim3A_1002] : memref<64xi32, #tpu.memory_space<vmem>>[vector<16xi32>], vector<16xi32>,
    %add3A_1004 = arith.constant 6291456 : i32
    %add3A_1005 = arith.addi %mul3A_867, %add3A_1004 : i32
    %add3A_1006 = vector.broadcast %add3A_1005 : i32 to vector<16xi32>
    %add3A_1007 = arith.addi %add3A_1006, %mul3A_263 : vector<16xi32>
    %add3A_1008 = arith.addi %add3A_1007, %gather3A_1003 : vector<16xi32>
    %swap3A_1009 = arith.constant 736 : index
    %swap3A_1010 = tpu.vector_load %arg7[%swap3A_1009] {strides = array<i32>} : memref<1360xi32, #tpu.memory_space<vmem>>, vector<16xi32>,
    tpu.vector_store %arg7[%swap3A_1009], %add3A_1008 {strides = array<i32>} : memref<1360xi32, #tpu.memory_space<vmem>>, vector<16xi32>,
    %add3A_1011 = arith.constant 13 : i32
    %add3A_1012 = arith.addi %mul3A_860, %add3A_1011 : i32
    %broadcast_in_dim3A_1013 = vector.broadcast %add3A_1012 : i32 to vector<16xi32>
    %gather3A_1014 = tpu.vector_load_idx %arg6[%broadcast_in_dim3A_1013] : memref<64xi32, #tpu.memory_space<vmem>>[vector<16xi32>], vector<16xi32>,
    %add3A_1015 = arith.constant 6815744 : i32
    %add3A_1016 = arith.addi %mul3A_867, %add3A_1015 : i32
    %add3A_1017 = vector.broadcast %add3A_1016 : i32 to vector<16xi32>
    %add3A_1018 = arith.addi %add3A_1017, %mul3A_263 : vector<16xi32>
    %add3A_1019 = arith.addi %add3A_1018, %gather3A_1014 : vector<16xi32>
    %swap3A_1020 = arith.constant 752 : index
    %swap3A_1021 = tpu.vector_load %arg7[%swap3A_1020] {strides = array<i32>} : memref<1360xi32, #tpu.memory_space<vmem>>, vector<16xi32>,
    tpu.vector_store %arg7[%swap3A_1020], %add3A_1019 {strides = array<i32>} : memref<1360xi32, #tpu.memory_space<vmem>>, vector<16xi32>,
    %add3A_1022 = arith.constant 14 : i32
    %add3A_1023 = arith.addi %mul3A_860, %add3A_1022 : i32
    %broadcast_in_dim3A_1024 = vector.broadcast %add3A_1023 : i32 to vector<16xi32>
    %gather3A_1025 = tpu.vector_load_idx %arg6[%broadcast_in_dim3A_1024] : memref<64xi32, #tpu.memory_space<vmem>>[vector<16xi32>], vector<16xi32>,
    %add3A_1026 = arith.constant 7340032 : i32
    %add3A_1027 = arith.addi %mul3A_867, %add3A_1026 : i32
    %add3A_1028 = vector.broadcast %add3A_1027 : i32 to vector<16xi32>
    %add3A_1029 = arith.addi %add3A_1028, %mul3A_263 : vector<16xi32>
    %add3A_1030 = arith.addi %add3A_1029, %gather3A_1025 : vector<16xi32>
    %swap3A_1031 = arith.constant 768 : index
    %swap3A_1032 = tpu.vector_load %arg7[%swap3A_1031] {strides = array<i32>} : memref<1360xi32, #tpu.memory_space<vmem>>, vector<16xi32>,
    tpu.vector_store %arg7[%swap3A_1031], %add3A_1030 {strides = array<i32>} : memref<1360xi32, #tpu.memory_space<vmem>>, vector<16xi32>,
    %add3A_1033 = arith.constant 15 : i32
    %add3A_1034 = arith.addi %mul3A_860, %add3A_1033 : i32
    %broadcast_in_dim3A_1035 = vector.broadcast %add3A_1034 : i32 to vector<16xi32>
    %gather3A_1036 = tpu.vector_load_idx %arg6[%broadcast_in_dim3A_1035] : memref<64xi32, #tpu.memory_space<vmem>>[vector<16xi32>], vector<16xi32>,
    %add3A_1037 = arith.constant 7864320 : i32
    %add3A_1038 = arith.addi %mul3A_867, %add3A_1037 : i32
    %add3A_1039 = vector.broadcast %add3A_1038 : i32 to vector<16xi32>
    %add3A_1040 = arith.addi %add3A_1039, %mul3A_263 : vector<16xi32>
    %add3A_1041 = arith.addi %add3A_1040, %gather3A_1036 : vector<16xi32>
    %swap3A_1042 = arith.constant 784 : index
    %swap3A_1043 = tpu.vector_load %arg7[%swap3A_1042] {strides = array<i32>} : memref<1360xi32, #tpu.memory_space<vmem>>, vector<16xi32>,
    tpu.vector_store %arg7[%swap3A_1042], %add3A_1041 {strides = array<i32>} : memref<1360xi32, #tpu.memory_space<vmem>>, vector<16xi32>,
    %add3A_1044 = arith.constant 16 : i32
    %add3A_1045 = arith.addi %mul3A_860, %add3A_1044 : i32
    %broadcast_in_dim3A_1046 = vector.broadcast %add3A_1045 : i32 to vector<16xi32>
    %gather3A_1047 = tpu.vector_load_idx %arg6[%broadcast_in_dim3A_1046] : memref<64xi32, #tpu.memory_space<vmem>>[vector<16xi32>], vector<16xi32>,
    %add3A_1048 = arith.constant 8388608 : i32
    %add3A_1049 = arith.addi %mul3A_867, %add3A_1048 : i32
    %add3A_1050 = vector.broadcast %add3A_1049 : i32 to vector<16xi32>
    %add3A_1051 = arith.addi %add3A_1050, %mul3A_263 : vector<16xi32>
    %add3A_1052 = arith.addi %add3A_1051, %gather3A_1047 : vector<16xi32>
    %swap3A_1053 = arith.constant 800 : index
    %swap3A_1054 = tpu.vector_load %arg7[%swap3A_1053] {strides = array<i32>} : memref<1360xi32, #tpu.memory_space<vmem>>, vector<16xi32>,
    tpu.vector_store %arg7[%swap3A_1053], %add3A_1052 {strides = array<i32>} : memref<1360xi32, #tpu.memory_space<vmem>>, vector<16xi32>,
    %dma_start3A_1055 = arith.constant 544 : i32
    %dma_start3A_1056 = tpu.memref_slice %arg8[%dma_start3A_1055] : memref<1360xf32, #tpu.memory_space<vmem>> -> memref<128xf32, #tpu.memory_space<vmem>>
    %dma_start3A_1057 = arith.constant 544 : i32
    %dma_start3A_1058 = tpu.memref_slice %arg7[%dma_start3A_1057] : memref<1360xi32, #tpu.memory_space<vmem>> -> memref<128xi32, #tpu.memory_space<vmem>>
    %dma_start3A_1059 = arith.constant 0 : i32
    %dma_start3A_1060 = tpu.memref_slice %arg2[%dma_start3A_1059] : memref<71303168xf32, #tpu.memory_space<hbm>> -> memref<71303168xf32, #tpu.memory_space<hbm>>
    tpu.enqueue_indirect_dma source(%dma_start3A_1060 : memref<71303168xf32, #tpu.memory_space<hbm>>) target(%dma_start3A_1056 : memref<128xf32, #tpu.memory_space<vmem>>) offsets(%dma_start3A_1058 : memref<128xi32, #tpu.memory_space<vmem>>) semaphore(%arg16 : memref<!tpu.dma_semaphore, #tpu.memory_space<semaphore_mem>>)
    %dma_start3A_1061 = arith.constant 672 : i32
    %dma_start3A_1062 = tpu.memref_slice %arg8[%dma_start3A_1061] : memref<1360xf32, #tpu.memory_space<vmem>> -> memref<128xf32, #tpu.memory_space<vmem>>
    %dma_start3A_1063 = arith.constant 672 : i32
    %dma_start3A_1064 = tpu.memref_slice %arg7[%dma_start3A_1063] : memref<1360xi32, #tpu.memory_space<vmem>> -> memref<128xi32, #tpu.memory_space<vmem>>
    %dma_start3A_1065 = arith.constant 0 : i32
    %dma_start3A_1066 = tpu.memref_slice %arg2[%dma_start3A_1065] : memref<71303168xf32, #tpu.memory_space<hbm>> -> memref<71303168xf32, #tpu.memory_space<hbm>>
    tpu.enqueue_indirect_dma source(%dma_start3A_1066 : memref<71303168xf32, #tpu.memory_space<hbm>>) target(%dma_start3A_1062 : memref<128xf32, #tpu.memory_space<vmem>>) offsets(%dma_start3A_1064 : memref<128xi32, #tpu.memory_space<vmem>>) semaphore(%arg16 : memref<!tpu.dma_semaphore, #tpu.memory_space<semaphore_mem>>)
    %dma_start3A_1067 = arith.constant 800 : i32
    %dma_start3A_1068 = tpu.memref_slice %arg8[%dma_start3A_1067] : memref<1360xf32, #tpu.memory_space<vmem>> -> memref<16xf32, #tpu.memory_space<vmem>>
    %dma_start3A_1069 = arith.constant 800 : i32
    %dma_start3A_1070 = tpu.memref_slice %arg7[%dma_start3A_1069] : memref<1360xi32, #tpu.memory_space<vmem>> -> memref<16xi32, #tpu.memory_space<vmem>>
    %dma_start3A_1071 = arith.constant 0 : i32
    %dma_start3A_1072 = tpu.memref_slice %arg2[%dma_start3A_1071] : memref<71303168xf32, #tpu.memory_space<hbm>> -> memref<71303168xf32, #tpu.memory_space<hbm>>
    tpu.enqueue_indirect_dma source(%dma_start3A_1072 : memref<71303168xf32, #tpu.memory_space<hbm>>) target(%dma_start3A_1068 : memref<16xf32, #tpu.memory_space<vmem>>) offsets(%dma_start3A_1070 : memref<16xi32, #tpu.memory_space<vmem>>) semaphore(%arg16 : memref<!tpu.dma_semaphore, #tpu.memory_space<semaphore_mem>>)
    %mul3A_1073 = arith.constant 5 : i32
    %mul3A_1074 = arith.muli %add3A, %mul3A_1073 : i32
    %add3A_1075 = arith.constant 3 : i32
    %add3A_1076 = arith.addi %mul3A_1074, %add3A_1075 : i32
    %jit3A_1077 = arith.constant 2 : i32
    %div3A_1078 = arith.divsi %add3A_1076, %jit3A_1077 : i32
    %sign3A_1079 = arith.constant 0 : i32
    %sign3A_1080 = arith.cmpi sgt, %add3A_1076, %sign3A_1079 : i32
    %sign3A_1081 = arith.extui %sign3A_1080 : i1 to i32
    %sign3A_1082 = arith.constant 0 : i32
    %sign3A_1083 = arith.cmpi slt, %add3A_1076, %sign3A_1082 : i32
    %sign3A_1084 = arith.extui %sign3A_1083 : i1 to i32
    %sign3A_1085 = arith.subi %sign3A_1081, %sign3A_1084 : i32
    %sign3A_1086 = arith.constant 0 : i32
    %sign3A_1087 = arith.cmpi sgt, %jit3A_1077, %sign3A_1086 : i32
    %sign3A_1088 = arith.extui %sign3A_1087 : i1 to i32
    %sign3A_1089 = arith.constant 0 : i32
    %sign3A_1090 = arith.cmpi slt, %jit3A_1077, %sign3A_1089 : i32
    %sign3A_1091 = arith.extui %sign3A_1090 : i1 to i32
    %sign3A_1092 = arith.subi %sign3A_1088, %sign3A_1091 : i32
    %ne3A_1093 = arith.cmpi ne, %sign3A_1085, %sign3A_1092 : i32
    %rem3A_1094 = arith.remsi %add3A_1076, %jit3A_1077 : i32
    %ne3A_1095 = arith.constant 0 : i32
    %ne3A_1096 = arith.cmpi ne, %rem3A_1094, %ne3A_1095 : i32
    %and3A_1097 = arith.andi %ne3A_1093, %ne3A_1096 : i1
    %sub3A_1098 = arith.constant 1 : i32
    %sub3A_1099 = arith.subi %div3A_1078, %sub3A_1098 : i32
    %select_n3A_1100 = arith.select %and3A_1097, %sub3A_1099, %div3A_1078 : i32
    %mul3A_1101 = arith.constant 2 : i32
    %mul3A_1102 = arith.muli %select_n3A_1100, %mul3A_1101 : i32
    %sub3A_1103 = arith.subi %add3A_1076, %mul3A_1102 : i32
    %jit3A_1104 = arith.constant 10 : i32
    %div3A_1105 = arith.divsi %select_n3A_1100, %jit3A_1104 : i32
    %sign3A_1106 = arith.constant 0 : i32
    %sign3A_1107 = arith.cmpi sgt, %select_n3A_1100, %sign3A_1106 : i32
    %sign3A_1108 = arith.extui %sign3A_1107 : i1 to i32
    %sign3A_1109 = arith.constant 0 : i32
    %sign3A_1110 = arith.cmpi slt, %select_n3A_1100, %sign3A_1109 : i32
    %sign3A_1111 = arith.extui %sign3A_1110 : i1 to i32
    %sign3A_1112 = arith.subi %sign3A_1108, %sign3A_1111 : i32
    %sign3A_1113 = arith.constant 0 : i32
    %sign3A_1114 = arith.cmpi sgt, %jit3A_1104, %sign3A_1113 : i32
    %sign3A_1115 = arith.extui %sign3A_1114 : i1 to i32
    %sign3A_1116 = arith.constant 0 : i32
    %sign3A_1117 = arith.cmpi slt, %jit3A_1104, %sign3A_1116 : i32
    %sign3A_1118 = arith.extui %sign3A_1117 : i1 to i32
    %sign3A_1119 = arith.subi %sign3A_1115, %sign3A_1118 : i32
    %ne3A_1120 = arith.cmpi ne, %sign3A_1112, %sign3A_1119 : i32
    %rem3A_1121 = arith.remsi %select_n3A_1100, %jit3A_1104 : i32
    %ne3A_1122 = arith.constant 0 : i32
    %ne3A_1123 = arith.cmpi ne, %rem3A_1121, %ne3A_1122 : i32
    %and3A_1124 = arith.andi %ne3A_1120, %ne3A_1123 : i1
    %sub3A_1125 = arith.constant 1 : i32
    %sub3A_1126 = arith.subi %div3A_1105, %sub3A_1125 : i32
    %select_n3A_1127 = arith.select %and3A_1124, %sub3A_1126, %div3A_1105 : i32
    %sub3A_1128 = arith.subi %select_n3A_1100, %select_n3A : i32
    %mul3A_1129 = arith.constant 17 : i32
    %mul3A_1130 = arith.muli %sub3A_1128, %mul3A_1129 : i32
    %mul3A_1131 = arith.constant 544 : i32
    %mul3A_1132 = arith.muli %select_n3A_1127, %mul3A_1131 : i32
    %mul3A_1133 = arith.constant 16 : i32
    %mul3A_1134 = arith.muli %sub3A_1103, %mul3A_1133 : i32
    %add3A_1135 = arith.addi %mul3A_1132, %mul3A_1134 : i32
    %mul3A_1136 = arith.constant 16384 : i32
    %mul3A_1137 = arith.muli %add3A_1135, %mul3A_1136 : i32
    %add3A_1138 = arith.constant 0 : i32
    %add3A_1139 = arith.addi %mul3A_1130, %add3A_1138 : i32
    %broadcast_in_dim3A_1140 = vector.broadcast %add3A_1139 : i32 to vector<16xi32>
    %gather3A_1141 = tpu.vector_load_idx %arg6[%broadcast_in_dim3A_1140] : memref<64xi32, #tpu.memory_space<vmem>>[vector<16xi32>], vector<16xi32>,
    %add3A_1142 = arith.constant 0 : i32
    %add3A_1143 = arith.addi %mul3A_1137, %add3A_1142 : i32
    %add3A_1144 = vector.broadcast %add3A_1143 : i32 to vector<16xi32>
    %add3A_1145 = arith.addi %add3A_1144, %mul3A_263 : vector<16xi32>
    %add3A_1146 = arith.addi %add3A_1145, %gather3A_1141 : vector<16xi32>
    %swap3A_1147 = arith.constant 816 : index
    %swap3A_1148 = tpu.vector_load %arg7[%swap3A_1147] {strides = array<i32>} : memref<1360xi32, #tpu.memory_space<vmem>>, vector<16xi32>,
    tpu.vector_store %arg7[%swap3A_1147], %add3A_1146 {strides = array<i32>} : memref<1360xi32, #tpu.memory_space<vmem>>, vector<16xi32>,
    %add3A_1149 = arith.constant 1 : i32
    %add3A_1150 = arith.addi %mul3A_1130, %add3A_1149 : i32
    %broadcast_in_dim3A_1151 = vector.broadcast %add3A_1150 : i32 to vector<16xi32>
    %gather3A_1152 = tpu.vector_load_idx %arg6[%broadcast_in_dim3A_1151] : memref<64xi32, #tpu.memory_space<vmem>>[vector<16xi32>], vector<16xi32>,
    %add3A_1153 = arith.constant 524288 : i32
    %add3A_1154 = arith.addi %mul3A_1137, %add3A_1153 : i32
    %add3A_1155 = vector.broadcast %add3A_1154 : i32 to vector<16xi32>
    %add3A_1156 = arith.addi %add3A_1155, %mul3A_263 : vector<16xi32>
    %add3A_1157 = arith.addi %add3A_1156, %gather3A_1152 : vector<16xi32>
    %swap3A_1158 = arith.constant 832 : index
    %swap3A_1159 = tpu.vector_load %arg7[%swap3A_1158] {strides = array<i32>} : memref<1360xi32, #tpu.memory_space<vmem>>, vector<16xi32>,
    tpu.vector_store %arg7[%swap3A_1158], %add3A_1157 {strides = array<i32>} : memref<1360xi32, #tpu.memory_space<vmem>>, vector<16xi32>,
    %add3A_1160 = arith.constant 2 : i32
    %add3A_1161 = arith.addi %mul3A_1130, %add3A_1160 : i32
    %broadcast_in_dim3A_1162 = vector.broadcast %add3A_1161 : i32 to vector<16xi32>
    %gather3A_1163 = tpu.vector_load_idx %arg6[%broadcast_in_dim3A_1162] : memref<64xi32, #tpu.memory_space<vmem>>[vector<16xi32>], vector<16xi32>,
    %add3A_1164 = arith.constant 1048576 : i32
    %add3A_1165 = arith.addi %mul3A_1137, %add3A_1164 : i32
    %add3A_1166 = vector.broadcast %add3A_1165 : i32 to vector<16xi32>
    %add3A_1167 = arith.addi %add3A_1166, %mul3A_263 : vector<16xi32>
    %add3A_1168 = arith.addi %add3A_1167, %gather3A_1163 : vector<16xi32>
    %swap3A_1169 = arith.constant 848 : index
    %swap3A_1170 = tpu.vector_load %arg7[%swap3A_1169] {strides = array<i32>} : memref<1360xi32, #tpu.memory_space<vmem>>, vector<16xi32>,
    tpu.vector_store %arg7[%swap3A_1169], %add3A_1168 {strides = array<i32>} : memref<1360xi32, #tpu.memory_space<vmem>>, vector<16xi32>,
    %add3A_1171 = arith.constant 3 : i32
    %add3A_1172 = arith.addi %mul3A_1130, %add3A_1171 : i32
    %broadcast_in_dim3A_1173 = vector.broadcast %add3A_1172 : i32 to vector<16xi32>
    %gather3A_1174 = tpu.vector_load_idx %arg6[%broadcast_in_dim3A_1173] : memref<64xi32, #tpu.memory_space<vmem>>[vector<16xi32>], vector<16xi32>,
    %add3A_1175 = arith.constant 1572864 : i32
    %add3A_1176 = arith.addi %mul3A_1137, %add3A_1175 : i32
    %add3A_1177 = vector.broadcast %add3A_1176 : i32 to vector<16xi32>
    %add3A_1178 = arith.addi %add3A_1177, %mul3A_263 : vector<16xi32>
    %add3A_1179 = arith.addi %add3A_1178, %gather3A_1174 : vector<16xi32>
    %swap3A_1180 = arith.constant 864 : index
    %swap3A_1181 = tpu.vector_load %arg7[%swap3A_1180] {strides = array<i32>} : memref<1360xi32, #tpu.memory_space<vmem>>, vector<16xi32>,
    tpu.vector_store %arg7[%swap3A_1180], %add3A_1179 {strides = array<i32>} : memref<1360xi32, #tpu.memory_space<vmem>>, vector<16xi32>,
    %add3A_1182 = arith.constant 4 : i32
    %add3A_1183 = arith.addi %mul3A_1130, %add3A_1182 : i32
    %broadcast_in_dim3A_1184 = vector.broadcast %add3A_1183 : i32 to vector<16xi32>
    %gather3A_1185 = tpu.vector_load_idx %arg6[%broadcast_in_dim3A_1184] : memref<64xi32, #tpu.memory_space<vmem>>[vector<16xi32>], vector<16xi32>,
    %add3A_1186 = arith.constant 2097152 : i32
    %add3A_1187 = arith.addi %mul3A_1137, %add3A_1186 : i32
    %add3A_1188 = vector.broadcast %add3A_1187 : i32 to vector<16xi32>
    %add3A_1189 = arith.addi %add3A_1188, %mul3A_263 : vector<16xi32>
    %add3A_1190 = arith.addi %add3A_1189, %gather3A_1185 : vector<16xi32>
    %swap3A_1191 = arith.constant 880 : index
    %swap3A_1192 = tpu.vector_load %arg7[%swap3A_1191] {strides = array<i32>} : memref<1360xi32, #tpu.memory_space<vmem>>, vector<16xi32>,
    tpu.vector_store %arg7[%swap3A_1191], %add3A_1190 {strides = array<i32>} : memref<1360xi32, #tpu.memory_space<vmem>>, vector<16xi32>,
    %add3A_1193 = arith.constant 5 : i32
    %add3A_1194 = arith.addi %mul3A_1130, %add3A_1193 : i32
    %broadcast_in_dim3A_1195 = vector.broadcast %add3A_1194 : i32 to vector<16xi32>
    %gather3A_1196 = tpu.vector_load_idx %arg6[%broadcast_in_dim3A_1195] : memref<64xi32, #tpu.memory_space<vmem>>[vector<16xi32>], vector<16xi32>,
    %add3A_1197 = arith.constant 2621440 : i32
    %add3A_1198 = arith.addi %mul3A_1137, %add3A_1197 : i32
    %add3A_1199 = vector.broadcast %add3A_1198 : i32 to vector<16xi32>
    %add3A_1200 = arith.addi %add3A_1199, %mul3A_263 : vector<16xi32>
    %add3A_1201 = arith.addi %add3A_1200, %gather3A_1196 : vector<16xi32>
    %swap3A_1202 = arith.constant 896 : index
    %swap3A_1203 = tpu.vector_load %arg7[%swap3A_1202] {strides = array<i32>} : memref<1360xi32, #tpu.memory_space<vmem>>, vector<16xi32>,
    tpu.vector_store %arg7[%swap3A_1202], %add3A_1201 {strides = array<i32>} : memref<1360xi32, #tpu.memory_space<vmem>>, vector<16xi32>,
    %add3A_1204 = arith.constant 6 : i32
    %add3A_1205 = arith.addi %mul3A_1130, %add3A_1204 : i32
    %broadcast_in_dim3A_1206 = vector.broadcast %add3A_1205 : i32 to vector<16xi32>
    %gather3A_1207 = tpu.vector_load_idx %arg6[%broadcast_in_dim3A_1206] : memref<64xi32, #tpu.memory_space<vmem>>[vector<16xi32>], vector<16xi32>,
    %add3A_1208 = arith.constant 3145728 : i32
    %add3A_1209 = arith.addi %mul3A_1137, %add3A_1208 : i32
    %add3A_1210 = vector.broadcast %add3A_1209 : i32 to vector<16xi32>
    %add3A_1211 = arith.addi %add3A_1210, %mul3A_263 : vector<16xi32>
    %add3A_1212 = arith.addi %add3A_1211, %gather3A_1207 : vector<16xi32>
    %swap3A_1213 = arith.constant 912 : index
    %swap3A_1214 = tpu.vector_load %arg7[%swap3A_1213] {strides = array<i32>} : memref<1360xi32, #tpu.memory_space<vmem>>, vector<16xi32>,
    tpu.vector_store %arg7[%swap3A_1213], %add3A_1212 {strides = array<i32>} : memref<1360xi32, #tpu.memory_space<vmem>>, vector<16xi32>,
    %add3A_1215 = arith.constant 7 : i32
    %add3A_1216 = arith.addi %mul3A_1130, %add3A_1215 : i32
    %broadcast_in_dim3A_1217 = vector.broadcast %add3A_1216 : i32 to vector<16xi32>
    %gather3A_1218 = tpu.vector_load_idx %arg6[%broadcast_in_dim3A_1217] : memref<64xi32, #tpu.memory_space<vmem>>[vector<16xi32>], vector<16xi32>,
    %add3A_1219 = arith.constant 3670016 : i32
    %add3A_1220 = arith.addi %mul3A_1137, %add3A_1219 : i32
    %add3A_1221 = vector.broadcast %add3A_1220 : i32 to vector<16xi32>
    %add3A_1222 = arith.addi %add3A_1221, %mul3A_263 : vector<16xi32>
    %add3A_1223 = arith.addi %add3A_1222, %gather3A_1218 : vector<16xi32>
    %swap3A_1224 = arith.constant 928 : index
    %swap3A_1225 = tpu.vector_load %arg7[%swap3A_1224] {strides = array<i32>} : memref<1360xi32, #tpu.memory_space<vmem>>, vector<16xi32>,
    tpu.vector_store %arg7[%swap3A_1224], %add3A_1223 {strides = array<i32>} : memref<1360xi32, #tpu.memory_space<vmem>>, vector<16xi32>,
    %add3A_1226 = arith.constant 8 : i32
    %add3A_1227 = arith.addi %mul3A_1130, %add3A_1226 : i32
    %broadcast_in_dim3A_1228 = vector.broadcast %add3A_1227 : i32 to vector<16xi32>
    %gather3A_1229 = tpu.vector_load_idx %arg6[%broadcast_in_dim3A_1228] : memref<64xi32, #tpu.memory_space<vmem>>[vector<16xi32>], vector<16xi32>,
    %add3A_1230 = arith.constant 4194304 : i32
    %add3A_1231 = arith.addi %mul3A_1137, %add3A_1230 : i32
    %add3A_1232 = vector.broadcast %add3A_1231 : i32 to vector<16xi32>
    %add3A_1233 = arith.addi %add3A_1232, %mul3A_263 : vector<16xi32>
    %add3A_1234 = arith.addi %add3A_1233, %gather3A_1229 : vector<16xi32>
    %swap3A_1235 = arith.constant 944 : index
    %swap3A_1236 = tpu.vector_load %arg7[%swap3A_1235] {strides = array<i32>} : memref<1360xi32, #tpu.memory_space<vmem>>, vector<16xi32>,
    tpu.vector_store %arg7[%swap3A_1235], %add3A_1234 {strides = array<i32>} : memref<1360xi32, #tpu.memory_space<vmem>>, vector<16xi32>,
    %add3A_1237 = arith.constant 9 : i32
    %add3A_1238 = arith.addi %mul3A_1130, %add3A_1237 : i32
    %broadcast_in_dim3A_1239 = vector.broadcast %add3A_1238 : i32 to vector<16xi32>
    %gather3A_1240 = tpu.vector_load_idx %arg6[%broadcast_in_dim3A_1239] : memref<64xi32, #tpu.memory_space<vmem>>[vector<16xi32>], vector<16xi32>,
    %add3A_1241 = arith.constant 4718592 : i32
    %add3A_1242 = arith.addi %mul3A_1137, %add3A_1241 : i32
    %add3A_1243 = vector.broadcast %add3A_1242 : i32 to vector<16xi32>
    %add3A_1244 = arith.addi %add3A_1243, %mul3A_263 : vector<16xi32>
    %add3A_1245 = arith.addi %add3A_1244, %gather3A_1240 : vector<16xi32>
    %swap3A_1246 = arith.constant 960 : index
    %swap3A_1247 = tpu.vector_load %arg7[%swap3A_1246] {strides = array<i32>} : memref<1360xi32, #tpu.memory_space<vmem>>, vector<16xi32>,
    tpu.vector_store %arg7[%swap3A_1246], %add3A_1245 {strides = array<i32>} : memref<1360xi32, #tpu.memory_space<vmem>>, vector<16xi32>,
    %add3A_1248 = arith.constant 10 : i32
    %add3A_1249 = arith.addi %mul3A_1130, %add3A_1248 : i32
    %broadcast_in_dim3A_1250 = vector.broadcast %add3A_1249 : i32 to vector<16xi32>
    %gather3A_1251 = tpu.vector_load_idx %arg6[%broadcast_in_dim3A_1250] : memref<64xi32, #tpu.memory_space<vmem>>[vector<16xi32>], vector<16xi32>,
    %add3A_1252 = arith.constant 5242880 : i32
    %add3A_1253 = arith.addi %mul3A_1137, %add3A_1252 : i32
    %add3A_1254 = vector.broadcast %add3A_1253 : i32 to vector<16xi32>
    %add3A_1255 = arith.addi %add3A_1254, %mul3A_263 : vector<16xi32>
    %add3A_1256 = arith.addi %add3A_1255, %gather3A_1251 : vector<16xi32>
    %swap3A_1257 = arith.constant 976 : index
    %swap3A_1258 = tpu.vector_load %arg7[%swap3A_1257] {strides = array<i32>} : memref<1360xi32, #tpu.memory_space<vmem>>, vector<16xi32>,
    tpu.vector_store %arg7[%swap3A_1257], %add3A_1256 {strides = array<i32>} : memref<1360xi32, #tpu.memory_space<vmem>>, vector<16xi32>,
    %add3A_1259 = arith.constant 11 : i32
    %add3A_1260 = arith.addi %mul3A_1130, %add3A_1259 : i32
    %broadcast_in_dim3A_1261 = vector.broadcast %add3A_1260 : i32 to vector<16xi32>
    %gather3A_1262 = tpu.vector_load_idx %arg6[%broadcast_in_dim3A_1261] : memref<64xi32, #tpu.memory_space<vmem>>[vector<16xi32>], vector<16xi32>,
    %add3A_1263 = arith.constant 5767168 : i32
    %add3A_1264 = arith.addi %mul3A_1137, %add3A_1263 : i32
    %add3A_1265 = vector.broadcast %add3A_1264 : i32 to vector<16xi32>
    %add3A_1266 = arith.addi %add3A_1265, %mul3A_263 : vector<16xi32>
    %add3A_1267 = arith.addi %add3A_1266, %gather3A_1262 : vector<16xi32>
    %swap3A_1268 = arith.constant 992 : index
    %swap3A_1269 = tpu.vector_load %arg7[%swap3A_1268] {strides = array<i32>} : memref<1360xi32, #tpu.memory_space<vmem>>, vector<16xi32>,
    tpu.vector_store %arg7[%swap3A_1268], %add3A_1267 {strides = array<i32>} : memref<1360xi32, #tpu.memory_space<vmem>>, vector<16xi32>,
    %add3A_1270 = arith.constant 12 : i32
    %add3A_1271 = arith.addi %mul3A_1130, %add3A_1270 : i32
    %broadcast_in_dim3A_1272 = vector.broadcast %add3A_1271 : i32 to vector<16xi32>
    %gather3A_1273 = tpu.vector_load_idx %arg6[%broadcast_in_dim3A_1272] : memref<64xi32, #tpu.memory_space<vmem>>[vector<16xi32>], vector<16xi32>,
    %add3A_1274 = arith.constant 6291456 : i32
    %add3A_1275 = arith.addi %mul3A_1137, %add3A_1274 : i32
    %add3A_1276 = vector.broadcast %add3A_1275 : i32 to vector<16xi32>
    %add3A_1277 = arith.addi %add3A_1276, %mul3A_263 : vector<16xi32>
    %add3A_1278 = arith.addi %add3A_1277, %gather3A_1273 : vector<16xi32>
    %swap3A_1279 = arith.constant 1008 : index
    %swap3A_1280 = tpu.vector_load %arg7[%swap3A_1279] {strides = array<i32>} : memref<1360xi32, #tpu.memory_space<vmem>>, vector<16xi32>,
    tpu.vector_store %arg7[%swap3A_1279], %add3A_1278 {strides = array<i32>} : memref<1360xi32, #tpu.memory_space<vmem>>, vector<16xi32>,
    %add3A_1281 = arith.constant 13 : i32
    %add3A_1282 = arith.addi %mul3A_1130, %add3A_1281 : i32
    %broadcast_in_dim3A_1283 = vector.broadcast %add3A_1282 : i32 to vector<16xi32>
    %gather3A_1284 = tpu.vector_load_idx %arg6[%broadcast_in_dim3A_1283] : memref<64xi32, #tpu.memory_space<vmem>>[vector<16xi32>], vector<16xi32>,
    %add3A_1285 = arith.constant 6815744 : i32
    %add3A_1286 = arith.addi %mul3A_1137, %add3A_1285 : i32
    %add3A_1287 = vector.broadcast %add3A_1286 : i32 to vector<16xi32>
    %add3A_1288 = arith.addi %add3A_1287, %mul3A_263 : vector<16xi32>
    %add3A_1289 = arith.addi %add3A_1288, %gather3A_1284 : vector<16xi32>
    %swap3A_1290 = arith.constant 1024 : index
    %swap3A_1291 = tpu.vector_load %arg7[%swap3A_1290] {strides = array<i32>} : memref<1360xi32, #tpu.memory_space<vmem>>, vector<16xi32>,
    tpu.vector_store %arg7[%swap3A_1290], %add3A_1289 {strides = array<i32>} : memref<1360xi32, #tpu.memory_space<vmem>>, vector<16xi32>,
    %add3A_1292 = arith.constant 14 : i32
    %add3A_1293 = arith.addi %mul3A_1130, %add3A_1292 : i32
    %broadcast_in_dim3A_1294 = vector.broadcast %add3A_1293 : i32 to vector<16xi32>
    %gather3A_1295 = tpu.vector_load_idx %arg6[%broadcast_in_dim3A_1294] : memref<64xi32, #tpu.memory_space<vmem>>[vector<16xi32>], vector<16xi32>,
    %add3A_1296 = arith.constant 7340032 : i32
    %add3A_1297 = arith.addi %mul3A_1137, %add3A_1296 : i32
    %add3A_1298 = vector.broadcast %add3A_1297 : i32 to vector<16xi32>
    %add3A_1299 = arith.addi %add3A_1298, %mul3A_263 : vector<16xi32>
    %add3A_1300 = arith.addi %add3A_1299, %gather3A_1295 : vector<16xi32>
    %swap3A_1301 = arith.constant 1040 : index
    %swap3A_1302 = tpu.vector_load %arg7[%swap3A_1301] {strides = array<i32>} : memref<1360xi32, #tpu.memory_space<vmem>>, vector<16xi32>,
    tpu.vector_store %arg7[%swap3A_1301], %add3A_1300 {strides = array<i32>} : memref<1360xi32, #tpu.memory_space<vmem>>, vector<16xi32>,
    %add3A_1303 = arith.constant 15 : i32
    %add3A_1304 = arith.addi %mul3A_1130, %add3A_1303 : i32
    %broadcast_in_dim3A_1305 = vector.broadcast %add3A_1304 : i32 to vector<16xi32>
    %gather3A_1306 = tpu.vector_load_idx %arg6[%broadcast_in_dim3A_1305] : memref<64xi32, #tpu.memory_space<vmem>>[vector<16xi32>], vector<16xi32>,
    %add3A_1307 = arith.constant 7864320 : i32
    %add3A_1308 = arith.addi %mul3A_1137, %add3A_1307 : i32
    %add3A_1309 = vector.broadcast %add3A_1308 : i32 to vector<16xi32>
    %add3A_1310 = arith.addi %add3A_1309, %mul3A_263 : vector<16xi32>
    %add3A_1311 = arith.addi %add3A_1310, %gather3A_1306 : vector<16xi32>
    %swap3A_1312 = arith.constant 1056 : index
    %swap3A_1313 = tpu.vector_load %arg7[%swap3A_1312] {strides = array<i32>} : memref<1360xi32, #tpu.memory_space<vmem>>, vector<16xi32>,
    tpu.vector_store %arg7[%swap3A_1312], %add3A_1311 {strides = array<i32>} : memref<1360xi32, #tpu.memory_space<vmem>>, vector<16xi32>,
    %add3A_1314 = arith.constant 16 : i32
    %add3A_1315 = arith.addi %mul3A_1130, %add3A_1314 : i32
    %broadcast_in_dim3A_1316 = vector.broadcast %add3A_1315 : i32 to vector<16xi32>
    %gather3A_1317 = tpu.vector_load_idx %arg6[%broadcast_in_dim3A_1316] : memref<64xi32, #tpu.memory_space<vmem>>[vector<16xi32>], vector<16xi32>,
    %add3A_1318 = arith.constant 8388608 : i32
    %add3A_1319 = arith.addi %mul3A_1137, %add3A_1318 : i32
    %add3A_1320 = vector.broadcast %add3A_1319 : i32 to vector<16xi32>
    %add3A_1321 = arith.addi %add3A_1320, %mul3A_263 : vector<16xi32>
    %add3A_1322 = arith.addi %add3A_1321, %gather3A_1317 : vector<16xi32>
    %swap3A_1323 = arith.constant 1072 : index
    %swap3A_1324 = tpu.vector_load %arg7[%swap3A_1323] {strides = array<i32>} : memref<1360xi32, #tpu.memory_space<vmem>>, vector<16xi32>,
    tpu.vector_store %arg7[%swap3A_1323], %add3A_1322 {strides = array<i32>} : memref<1360xi32, #tpu.memory_space<vmem>>, vector<16xi32>,
    %dma_start3A_1325 = arith.constant 816 : i32
    %dma_start3A_1326 = tpu.memref_slice %arg8[%dma_start3A_1325] : memref<1360xf32, #tpu.memory_space<vmem>> -> memref<128xf32, #tpu.memory_space<vmem>>
    %dma_start3A_1327 = arith.constant 816 : i32
    %dma_start3A_1328 = tpu.memref_slice %arg7[%dma_start3A_1327] : memref<1360xi32, #tpu.memory_space<vmem>> -> memref<128xi32, #tpu.memory_space<vmem>>
    %dma_start3A_1329 = arith.constant 0 : i32
    %dma_start3A_1330 = tpu.memref_slice %arg2[%dma_start3A_1329] : memref<71303168xf32, #tpu.memory_space<hbm>> -> memref<71303168xf32, #tpu.memory_space<hbm>>
    tpu.enqueue_indirect_dma source(%dma_start3A_1330 : memref<71303168xf32, #tpu.memory_space<hbm>>) target(%dma_start3A_1326 : memref<128xf32, #tpu.memory_space<vmem>>) offsets(%dma_start3A_1328 : memref<128xi32, #tpu.memory_space<vmem>>) semaphore(%arg16 : memref<!tpu.dma_semaphore, #tpu.memory_space<semaphore_mem>>)
    %dma_start3A_1331 = arith.constant 944 : i32
    %dma_start3A_1332 = tpu.memref_slice %arg8[%dma_start3A_1331] : memref<1360xf32, #tpu.memory_space<vmem>> -> memref<128xf32, #tpu.memory_space<vmem>>
    %dma_start3A_1333 = arith.constant 944 : i32
    %dma_start3A_1334 = tpu.memref_slice %arg7[%dma_start3A_1333] : memref<1360xi32, #tpu.memory_space<vmem>> -> memref<128xi32, #tpu.memory_space<vmem>>
    %dma_start3A_1335 = arith.constant 0 : i32
    %dma_start3A_1336 = tpu.memref_slice %arg2[%dma_start3A_1335] : memref<71303168xf32, #tpu.memory_space<hbm>> -> memref<71303168xf32, #tpu.memory_space<hbm>>
    tpu.enqueue_indirect_dma source(%dma_start3A_1336 : memref<71303168xf32, #tpu.memory_space<hbm>>) target(%dma_start3A_1332 : memref<128xf32, #tpu.memory_space<vmem>>) offsets(%dma_start3A_1334 : memref<128xi32, #tpu.memory_space<vmem>>) semaphore(%arg16 : memref<!tpu.dma_semaphore, #tpu.memory_space<semaphore_mem>>)
    %dma_start3A_1337 = arith.constant 1072 : i32
    %dma_start3A_1338 = tpu.memref_slice %arg8[%dma_start3A_1337] : memref<1360xf32, #tpu.memory_space<vmem>> -> memref<16xf32, #tpu.memory_space<vmem>>
    %dma_start3A_1339 = arith.constant 1072 : i32
    %dma_start3A_1340 = tpu.memref_slice %arg7[%dma_start3A_1339] : memref<1360xi32, #tpu.memory_space<vmem>> -> memref<16xi32, #tpu.memory_space<vmem>>
    %dma_start3A_1341 = arith.constant 0 : i32
    %dma_start3A_1342 = tpu.memref_slice %arg2[%dma_start3A_1341] : memref<71303168xf32, #tpu.memory_space<hbm>> -> memref<71303168xf32, #tpu.memory_space<hbm>>
    tpu.enqueue_indirect_dma source(%dma_start3A_1342 : memref<71303168xf32, #tpu.memory_space<hbm>>) target(%dma_start3A_1338 : memref<16xf32, #tpu.memory_space<vmem>>) offsets(%dma_start3A_1340 : memref<16xi32, #tpu.memory_space<vmem>>) semaphore(%arg16 : memref<!tpu.dma_semaphore, #tpu.memory_space<semaphore_mem>>)
    %mul3A_1343 = arith.constant 5 : i32
    %mul3A_1344 = arith.muli %add3A, %mul3A_1343 : i32
    %add3A_1345 = arith.constant 4 : i32
    %add3A_1346 = arith.addi %mul3A_1344, %add3A_1345 : i32
    %jit3A_1347 = arith.constant 2 : i32
    %div3A_1348 = arith.divsi %add3A_1346, %jit3A_1347 : i32
    %sign3A_1349 = arith.constant 0 : i32
    %sign3A_1350 = arith.cmpi sgt, %add3A_1346, %sign3A_1349 : i32
    %sign3A_1351 = arith.extui %sign3A_1350 : i1 to i32
    %sign3A_1352 = arith.constant 0 : i32
    %sign3A_1353 = arith.cmpi slt, %add3A_1346, %sign3A_1352 : i32
    %sign3A_1354 = arith.extui %sign3A_1353 : i1 to i32
    %sign3A_1355 = arith.subi %sign3A_1351, %sign3A_1354 : i32
    %sign3A_1356 = arith.constant 0 : i32
    %sign3A_1357 = arith.cmpi sgt, %jit3A_1347, %sign3A_1356 : i32
    %sign3A_1358 = arith.extui %sign3A_1357 : i1 to i32
    %sign3A_1359 = arith.constant 0 : i32
    %sign3A_1360 = arith.cmpi slt, %jit3A_1347, %sign3A_1359 : i32
    %sign3A_1361 = arith.extui %sign3A_1360 : i1 to i32
    %sign3A_1362 = arith.subi %sign3A_1358, %sign3A_1361 : i32
    %ne3A_1363 = arith.cmpi ne, %sign3A_1355, %sign3A_1362 : i32
    %rem3A_1364 = arith.remsi %add3A_1346, %jit3A_1347 : i32
    %ne3A_1365 = arith.constant 0 : i32
    %ne3A_1366 = arith.cmpi ne, %rem3A_1364, %ne3A_1365 : i32
    %and3A_1367 = arith.andi %ne3A_1363, %ne3A_1366 : i1
    %sub3A_1368 = arith.constant 1 : i32
    %sub3A_1369 = arith.subi %div3A_1348, %sub3A_1368 : i32
    %select_n3A_1370 = arith.select %and3A_1367, %sub3A_1369, %div3A_1348 : i32
    %mul3A_1371 = arith.constant 2 : i32
    %mul3A_1372 = arith.muli %select_n3A_1370, %mul3A_1371 : i32
    %sub3A_1373 = arith.subi %add3A_1346, %mul3A_1372 : i32
    %jit3A_1374 = arith.constant 10 : i32
    %div3A_1375 = arith.divsi %select_n3A_1370, %jit3A_1374 : i32
    %sign3A_1376 = arith.constant 0 : i32
    %sign3A_1377 = arith.cmpi sgt, %select_n3A_1370, %sign3A_1376 : i32
    %sign3A_1378 = arith.extui %sign3A_1377 : i1 to i32
    %sign3A_1379 = arith.constant 0 : i32
    %sign3A_1380 = arith.cmpi slt, %select_n3A_1370, %sign3A_1379 : i32
    %sign3A_1381 = arith.extui %sign3A_1380 : i1 to i32
    %sign3A_1382 = arith.subi %sign3A_1378, %sign3A_1381 : i32
    %sign3A_1383 = arith.constant 0 : i32
    %sign3A_1384 = arith.cmpi sgt, %jit3A_1374, %sign3A_1383 : i32
    %sign3A_1385 = arith.extui %sign3A_1384 : i1 to i32
    %sign3A_1386 = arith.constant 0 : i32
    %sign3A_1387 = arith.cmpi slt, %jit3A_1374, %sign3A_1386 : i32
    %sign3A_1388 = arith.extui %sign3A_1387 : i1 to i32
    %sign3A_1389 = arith.subi %sign3A_1385, %sign3A_1388 : i32
    %ne3A_1390 = arith.cmpi ne, %sign3A_1382, %sign3A_1389 : i32
    %rem3A_1391 = arith.remsi %select_n3A_1370, %jit3A_1374 : i32
    %ne3A_1392 = arith.constant 0 : i32
    %ne3A_1393 = arith.cmpi ne, %rem3A_1391, %ne3A_1392 : i32
    %and3A_1394 = arith.andi %ne3A_1390, %ne3A_1393 : i1
    %sub3A_1395 = arith.constant 1 : i32
    %sub3A_1396 = arith.subi %div3A_1375, %sub3A_1395 : i32
    %select_n3A_1397 = arith.select %and3A_1394, %sub3A_1396, %div3A_1375 : i32
    %sub3A_1398 = arith.subi %select_n3A_1370, %select_n3A : i32
    %mul3A_1399 = arith.constant 17 : i32
    %mul3A_1400 = arith.muli %sub3A_1398, %mul3A_1399 : i32
    %mul3A_1401 = arith.constant 544 : i32
    %mul3A_1402 = arith.muli %select_n3A_1397, %mul3A_1401 : i32
    %mul3A_1403 = arith.constant 16 : i32
    %mul3A_1404 = arith.muli %sub3A_1373, %mul3A_1403 : i32
    %add3A_1405 = arith.addi %mul3A_1402, %mul3A_1404 : i32
    %mul3A_1406 = arith.constant 16384 : i32
    %mul3A_1407 = arith.muli %add3A_1405, %mul3A_1406 : i32
    %add3A_1408 = arith.constant 0 : i32
    %add3A_1409 = arith.addi %mul3A_1400, %add3A_1408 : i32
    %broadcast_in_dim3A_1410 = vector.broadcast %add3A_1409 : i32 to vector<16xi32>
    %gather3A_1411 = tpu.vector_load_idx %arg6[%broadcast_in_dim3A_1410] : memref<64xi32, #tpu.memory_space<vmem>>[vector<16xi32>], vector<16xi32>,
    %add3A_1412 = arith.constant 0 : i32
    %add3A_1413 = arith.addi %mul3A_1407, %add3A_1412 : i32
    %add3A_1414 = vector.broadcast %add3A_1413 : i32 to vector<16xi32>
    %add3A_1415 = arith.addi %add3A_1414, %mul3A_263 : vector<16xi32>
    %add3A_1416 = arith.addi %add3A_1415, %gather3A_1411 : vector<16xi32>
    %swap3A_1417 = arith.constant 1088 : index
    %swap3A_1418 = tpu.vector_load %arg7[%swap3A_1417] {strides = array<i32>} : memref<1360xi32, #tpu.memory_space<vmem>>, vector<16xi32>,
    tpu.vector_store %arg7[%swap3A_1417], %add3A_1416 {strides = array<i32>} : memref<1360xi32, #tpu.memory_space<vmem>>, vector<16xi32>,
    %add3A_1419 = arith.constant 1 : i32
    %add3A_1420 = arith.addi %mul3A_1400, %add3A_1419 : i32
    %broadcast_in_dim3A_1421 = vector.broadcast %add3A_1420 : i32 to vector<16xi32>
    %gather3A_1422 = tpu.vector_load_idx %arg6[%broadcast_in_dim3A_1421] : memref<64xi32, #tpu.memory_space<vmem>>[vector<16xi32>], vector<16xi32>,
    %add3A_1423 = arith.constant 524288 : i32
    %add3A_1424 = arith.addi %mul3A_1407, %add3A_1423 : i32
    %add3A_1425 = vector.broadcast %add3A_1424 : i32 to vector<16xi32>
    %add3A_1426 = arith.addi %add3A_1425, %mul3A_263 : vector<16xi32>
    %add3A_1427 = arith.addi %add3A_1426, %gather3A_1422 : vector<16xi32>
    %swap3A_1428 = arith.constant 1104 : index
    %swap3A_1429 = tpu.vector_load %arg7[%swap3A_1428] {strides = array<i32>} : memref<1360xi32, #tpu.memory_space<vmem>>, vector<16xi32>,
    tpu.vector_store %arg7[%swap3A_1428], %add3A_1427 {strides = array<i32>} : memref<1360xi32, #tpu.memory_space<vmem>>, vector<16xi32>,
    %add3A_1430 = arith.constant 2 : i32
    %add3A_1431 = arith.addi %mul3A_1400, %add3A_1430 : i32
    %broadcast_in_dim3A_1432 = vector.broadcast %add3A_1431 : i32 to vector<16xi32>
    %gather3A_1433 = tpu.vector_load_idx %arg6[%broadcast_in_dim3A_1432] : memref<64xi32, #tpu.memory_space<vmem>>[vector<16xi32>], vector<16xi32>,
    %add3A_1434 = arith.constant 1048576 : i32
    %add3A_1435 = arith.addi %mul3A_1407, %add3A_1434 : i32
    %add3A_1436 = vector.broadcast %add3A_1435 : i32 to vector<16xi32>
    %add3A_1437 = arith.addi %add3A_1436, %mul3A_263 : vector<16xi32>
    %add3A_1438 = arith.addi %add3A_1437, %gather3A_1433 : vector<16xi32>
    %swap3A_1439 = arith.constant 1120 : index
    %swap3A_1440 = tpu.vector_load %arg7[%swap3A_1439] {strides = array<i32>} : memref<1360xi32, #tpu.memory_space<vmem>>, vector<16xi32>,
    tpu.vector_store %arg7[%swap3A_1439], %add3A_1438 {strides = array<i32>} : memref<1360xi32, #tpu.memory_space<vmem>>, vector<16xi32>,
    %add3A_1441 = arith.constant 3 : i32
    %add3A_1442 = arith.addi %mul3A_1400, %add3A_1441 : i32
    %broadcast_in_dim3A_1443 = vector.broadcast %add3A_1442 : i32 to vector<16xi32>
    %gather3A_1444 = tpu.vector_load_idx %arg6[%broadcast_in_dim3A_1443] : memref<64xi32, #tpu.memory_space<vmem>>[vector<16xi32>], vector<16xi32>,
    %add3A_1445 = arith.constant 1572864 : i32
    %add3A_1446 = arith.addi %mul3A_1407, %add3A_1445 : i32
    %add3A_1447 = vector.broadcast %add3A_1446 : i32 to vector<16xi32>
    %add3A_1448 = arith.addi %add3A_1447, %mul3A_263 : vector<16xi32>
    %add3A_1449 = arith.addi %add3A_1448, %gather3A_1444 : vector<16xi32>
    %swap3A_1450 = arith.constant 1136 : index
    %swap3A_1451 = tpu.vector_load %arg7[%swap3A_1450] {strides = array<i32>} : memref<1360xi32, #tpu.memory_space<vmem>>, vector<16xi32>,
    tpu.vector_store %arg7[%swap3A_1450], %add3A_1449 {strides = array<i32>} : memref<1360xi32, #tpu.memory_space<vmem>>, vector<16xi32>,
    %add3A_1452 = arith.constant 4 : i32
    %add3A_1453 = arith.addi %mul3A_1400, %add3A_1452 : i32
    %broadcast_in_dim3A_1454 = vector.broadcast %add3A_1453 : i32 to vector<16xi32>
    %gather3A_1455 = tpu.vector_load_idx %arg6[%broadcast_in_dim3A_1454] : memref<64xi32, #tpu.memory_space<vmem>>[vector<16xi32>], vector<16xi32>,
    %add3A_1456 = arith.constant 2097152 : i32
    %add3A_1457 = arith.addi %mul3A_1407, %add3A_1456 : i32
    %add3A_1458 = vector.broadcast %add3A_1457 : i32 to vector<16xi32>
    %add3A_1459 = arith.addi %add3A_1458, %mul3A_263 : vector<16xi32>
    %add3A_1460 = arith.addi %add3A_1459, %gather3A_1455 : vector<16xi32>
    %swap3A_1461 = arith.constant 1152 : index
    %swap3A_1462 = tpu.vector_load %arg7[%swap3A_1461] {strides = array<i32>} : memref<1360xi32, #tpu.memory_space<vmem>>, vector<16xi32>,
    tpu.vector_store %arg7[%swap3A_1461], %add3A_1460 {strides = array<i32>} : memref<1360xi32, #tpu.memory_space<vmem>>, vector<16xi32>,
    %add3A_1463 = arith.constant 5 : i32
    %add3A_1464 = arith.addi %mul3A_1400, %add3A_1463 : i32
    %broadcast_in_dim3A_1465 = vector.broadcast %add3A_1464 : i32 to vector<16xi32>
    %gather3A_1466 = tpu.vector_load_idx %arg6[%broadcast_in_dim3A_1465] : memref<64xi32, #tpu.memory_space<vmem>>[vector<16xi32>], vector<16xi32>,
    %add3A_1467 = arith.constant 2621440 : i32
    %add3A_1468 = arith.addi %mul3A_1407, %add3A_1467 : i32
    %add3A_1469 = vector.broadcast %add3A_1468 : i32 to vector<16xi32>
    %add3A_1470 = arith.addi %add3A_1469, %mul3A_263 : vector<16xi32>
    %add3A_1471 = arith.addi %add3A_1470, %gather3A_1466 : vector<16xi32>
    %swap3A_1472 = arith.constant 1168 : index
    %swap3A_1473 = tpu.vector_load %arg7[%swap3A_1472] {strides = array<i32>} : memref<1360xi32, #tpu.memory_space<vmem>>, vector<16xi32>,
    tpu.vector_store %arg7[%swap3A_1472], %add3A_1471 {strides = array<i32>} : memref<1360xi32, #tpu.memory_space<vmem>>, vector<16xi32>,
    %add3A_1474 = arith.constant 6 : i32
    %add3A_1475 = arith.addi %mul3A_1400, %add3A_1474 : i32
    %broadcast_in_dim3A_1476 = vector.broadcast %add3A_1475 : i32 to vector<16xi32>
    %gather3A_1477 = tpu.vector_load_idx %arg6[%broadcast_in_dim3A_1476] : memref<64xi32, #tpu.memory_space<vmem>>[vector<16xi32>], vector<16xi32>,
    %add3A_1478 = arith.constant 3145728 : i32
    %add3A_1479 = arith.addi %mul3A_1407, %add3A_1478 : i32
    %add3A_1480 = vector.broadcast %add3A_1479 : i32 to vector<16xi32>
    %add3A_1481 = arith.addi %add3A_1480, %mul3A_263 : vector<16xi32>
    %add3A_1482 = arith.addi %add3A_1481, %gather3A_1477 : vector<16xi32>
    %swap3A_1483 = arith.constant 1184 : index
    %swap3A_1484 = tpu.vector_load %arg7[%swap3A_1483] {strides = array<i32>} : memref<1360xi32, #tpu.memory_space<vmem>>, vector<16xi32>,
    tpu.vector_store %arg7[%swap3A_1483], %add3A_1482 {strides = array<i32>} : memref<1360xi32, #tpu.memory_space<vmem>>, vector<16xi32>,
    %add3A_1485 = arith.constant 7 : i32
    %add3A_1486 = arith.addi %mul3A_1400, %add3A_1485 : i32
    %broadcast_in_dim3A_1487 = vector.broadcast %add3A_1486 : i32 to vector<16xi32>
    %gather3A_1488 = tpu.vector_load_idx %arg6[%broadcast_in_dim3A_1487] : memref<64xi32, #tpu.memory_space<vmem>>[vector<16xi32>], vector<16xi32>,
    %add3A_1489 = arith.constant 3670016 : i32
    %add3A_1490 = arith.addi %mul3A_1407, %add3A_1489 : i32
    %add3A_1491 = vector.broadcast %add3A_1490 : i32 to vector<16xi32>
    %add3A_1492 = arith.addi %add3A_1491, %mul3A_263 : vector<16xi32>
    %add3A_1493 = arith.addi %add3A_1492, %gather3A_1488 : vector<16xi32>
    %swap3A_1494 = arith.constant 1200 : index
    %swap3A_1495 = tpu.vector_load %arg7[%swap3A_1494] {strides = array<i32>} : memref<1360xi32, #tpu.memory_space<vmem>>, vector<16xi32>,
    tpu.vector_store %arg7[%swap3A_1494], %add3A_1493 {strides = array<i32>} : memref<1360xi32, #tpu.memory_space<vmem>>, vector<16xi32>,
    %add3A_1496 = arith.constant 8 : i32
    %add3A_1497 = arith.addi %mul3A_1400, %add3A_1496 : i32
    %broadcast_in_dim3A_1498 = vector.broadcast %add3A_1497 : i32 to vector<16xi32>
    %gather3A_1499 = tpu.vector_load_idx %arg6[%broadcast_in_dim3A_1498] : memref<64xi32, #tpu.memory_space<vmem>>[vector<16xi32>], vector<16xi32>,
    %add3A_1500 = arith.constant 4194304 : i32
    %add3A_1501 = arith.addi %mul3A_1407, %add3A_1500 : i32
    %add3A_1502 = vector.broadcast %add3A_1501 : i32 to vector<16xi32>
    %add3A_1503 = arith.addi %add3A_1502, %mul3A_263 : vector<16xi32>
    %add3A_1504 = arith.addi %add3A_1503, %gather3A_1499 : vector<16xi32>
    %swap3A_1505 = arith.constant 1216 : index
    %swap3A_1506 = tpu.vector_load %arg7[%swap3A_1505] {strides = array<i32>} : memref<1360xi32, #tpu.memory_space<vmem>>, vector<16xi32>,
    tpu.vector_store %arg7[%swap3A_1505], %add3A_1504 {strides = array<i32>} : memref<1360xi32, #tpu.memory_space<vmem>>, vector<16xi32>,
    %add3A_1507 = arith.constant 9 : i32
    %add3A_1508 = arith.addi %mul3A_1400, %add3A_1507 : i32
    %broadcast_in_dim3A_1509 = vector.broadcast %add3A_1508 : i32 to vector<16xi32>
    %gather3A_1510 = tpu.vector_load_idx %arg6[%broadcast_in_dim3A_1509] : memref<64xi32, #tpu.memory_space<vmem>>[vector<16xi32>], vector<16xi32>,
    %add3A_1511 = arith.constant 4718592 : i32
    %add3A_1512 = arith.addi %mul3A_1407, %add3A_1511 : i32
    %add3A_1513 = vector.broadcast %add3A_1512 : i32 to vector<16xi32>
    %add3A_1514 = arith.addi %add3A_1513, %mul3A_263 : vector<16xi32>
    %add3A_1515 = arith.addi %add3A_1514, %gather3A_1510 : vector<16xi32>
    %swap3A_1516 = arith.constant 1232 : index
    %swap3A_1517 = tpu.vector_load %arg7[%swap3A_1516] {strides = array<i32>} : memref<1360xi32, #tpu.memory_space<vmem>>, vector<16xi32>,
    tpu.vector_store %arg7[%swap3A_1516], %add3A_1515 {strides = array<i32>} : memref<1360xi32, #tpu.memory_space<vmem>>, vector<16xi32>,
    %add3A_1518 = arith.constant 10 : i32
    %add3A_1519 = arith.addi %mul3A_1400, %add3A_1518 : i32
    %broadcast_in_dim3A_1520 = vector.broadcast %add3A_1519 : i32 to vector<16xi32>
    %gather3A_1521 = tpu.vector_load_idx %arg6[%broadcast_in_dim3A_1520] : memref<64xi32, #tpu.memory_space<vmem>>[vector<16xi32>], vector<16xi32>,
    %add3A_1522 = arith.constant 5242880 : i32
    %add3A_1523 = arith.addi %mul3A_1407, %add3A_1522 : i32
    %add3A_1524 = vector.broadcast %add3A_1523 : i32 to vector<16xi32>
    %add3A_1525 = arith.addi %add3A_1524, %mul3A_263 : vector<16xi32>
    %add3A_1526 = arith.addi %add3A_1525, %gather3A_1521 : vector<16xi32>
    %swap3A_1527 = arith.constant 1248 : index
    %swap3A_1528 = tpu.vector_load %arg7[%swap3A_1527] {strides = array<i32>} : memref<1360xi32, #tpu.memory_space<vmem>>, vector<16xi32>,
    tpu.vector_store %arg7[%swap3A_1527], %add3A_1526 {strides = array<i32>} : memref<1360xi32, #tpu.memory_space<vmem>>, vector<16xi32>,
    %add3A_1529 = arith.constant 11 : i32
    %add3A_1530 = arith.addi %mul3A_1400, %add3A_1529 : i32
    %broadcast_in_dim3A_1531 = vector.broadcast %add3A_1530 : i32 to vector<16xi32>
    %gather3A_1532 = tpu.vector_load_idx %arg6[%broadcast_in_dim3A_1531] : memref<64xi32, #tpu.memory_space<vmem>>[vector<16xi32>], vector<16xi32>,
    %add3A_1533 = arith.constant 5767168 : i32
    %add3A_1534 = arith.addi %mul3A_1407, %add3A_1533 : i32
    %add3A_1535 = vector.broadcast %add3A_1534 : i32 to vector<16xi32>
    %add3A_1536 = arith.addi %add3A_1535, %mul3A_263 : vector<16xi32>
    %add3A_1537 = arith.addi %add3A_1536, %gather3A_1532 : vector<16xi32>
    %swap3A_1538 = arith.constant 1264 : index
    %swap3A_1539 = tpu.vector_load %arg7[%swap3A_1538] {strides = array<i32>} : memref<1360xi32, #tpu.memory_space<vmem>>, vector<16xi32>,
    tpu.vector_store %arg7[%swap3A_1538], %add3A_1537 {strides = array<i32>} : memref<1360xi32, #tpu.memory_space<vmem>>, vector<16xi32>,
    %add3A_1540 = arith.constant 12 : i32
    %add3A_1541 = arith.addi %mul3A_1400, %add3A_1540 : i32
    %broadcast_in_dim3A_1542 = vector.broadcast %add3A_1541 : i32 to vector<16xi32>
    %gather3A_1543 = tpu.vector_load_idx %arg6[%broadcast_in_dim3A_1542] : memref<64xi32, #tpu.memory_space<vmem>>[vector<16xi32>], vector<16xi32>,
    %add3A_1544 = arith.constant 6291456 : i32
    %add3A_1545 = arith.addi %mul3A_1407, %add3A_1544 : i32
    %add3A_1546 = vector.broadcast %add3A_1545 : i32 to vector<16xi32>
    %add3A_1547 = arith.addi %add3A_1546, %mul3A_263 : vector<16xi32>
    %add3A_1548 = arith.addi %add3A_1547, %gather3A_1543 : vector<16xi32>
    %swap3A_1549 = arith.constant 1280 : index
    %swap3A_1550 = tpu.vector_load %arg7[%swap3A_1549] {strides = array<i32>} : memref<1360xi32, #tpu.memory_space<vmem>>, vector<16xi32>,
    tpu.vector_store %arg7[%swap3A_1549], %add3A_1548 {strides = array<i32>} : memref<1360xi32, #tpu.memory_space<vmem>>, vector<16xi32>,
    %add3A_1551 = arith.constant 13 : i32
    %add3A_1552 = arith.addi %mul3A_1400, %add3A_1551 : i32
    %broadcast_in_dim3A_1553 = vector.broadcast %add3A_1552 : i32 to vector<16xi32>
    %gather3A_1554 = tpu.vector_load_idx %arg6[%broadcast_in_dim3A_1553] : memref<64xi32, #tpu.memory_space<vmem>>[vector<16xi32>], vector<16xi32>,
    %add3A_1555 = arith.constant 6815744 : i32
    %add3A_1556 = arith.addi %mul3A_1407, %add3A_1555 : i32
    %add3A_1557 = vector.broadcast %add3A_1556 : i32 to vector<16xi32>
    %add3A_1558 = arith.addi %add3A_1557, %mul3A_263 : vector<16xi32>
    %add3A_1559 = arith.addi %add3A_1558, %gather3A_1554 : vector<16xi32>
    %swap3A_1560 = arith.constant 1296 : index
    %swap3A_1561 = tpu.vector_load %arg7[%swap3A_1560] {strides = array<i32>} : memref<1360xi32, #tpu.memory_space<vmem>>, vector<16xi32>,
    tpu.vector_store %arg7[%swap3A_1560], %add3A_1559 {strides = array<i32>} : memref<1360xi32, #tpu.memory_space<vmem>>, vector<16xi32>,
    %add3A_1562 = arith.constant 14 : i32
    %add3A_1563 = arith.addi %mul3A_1400, %add3A_1562 : i32
    %broadcast_in_dim3A_1564 = vector.broadcast %add3A_1563 : i32 to vector<16xi32>
    %gather3A_1565 = tpu.vector_load_idx %arg6[%broadcast_in_dim3A_1564] : memref<64xi32, #tpu.memory_space<vmem>>[vector<16xi32>], vector<16xi32>,
    %add3A_1566 = arith.constant 7340032 : i32
    %add3A_1567 = arith.addi %mul3A_1407, %add3A_1566 : i32
    %add3A_1568 = vector.broadcast %add3A_1567 : i32 to vector<16xi32>
    %add3A_1569 = arith.addi %add3A_1568, %mul3A_263 : vector<16xi32>
    %add3A_1570 = arith.addi %add3A_1569, %gather3A_1565 : vector<16xi32>
    %swap3A_1571 = arith.constant 1312 : index
    %swap3A_1572 = tpu.vector_load %arg7[%swap3A_1571] {strides = array<i32>} : memref<1360xi32, #tpu.memory_space<vmem>>, vector<16xi32>,
    tpu.vector_store %arg7[%swap3A_1571], %add3A_1570 {strides = array<i32>} : memref<1360xi32, #tpu.memory_space<vmem>>, vector<16xi32>,
    %add3A_1573 = arith.constant 15 : i32
    %add3A_1574 = arith.addi %mul3A_1400, %add3A_1573 : i32
    %broadcast_in_dim3A_1575 = vector.broadcast %add3A_1574 : i32 to vector<16xi32>
    %gather3A_1576 = tpu.vector_load_idx %arg6[%broadcast_in_dim3A_1575] : memref<64xi32, #tpu.memory_space<vmem>>[vector<16xi32>], vector<16xi32>,
    %add3A_1577 = arith.constant 7864320 : i32
    %add3A_1578 = arith.addi %mul3A_1407, %add3A_1577 : i32
    %add3A_1579 = vector.broadcast %add3A_1578 : i32 to vector<16xi32>
    %add3A_1580 = arith.addi %add3A_1579, %mul3A_263 : vector<16xi32>
    %add3A_1581 = arith.addi %add3A_1580, %gather3A_1576 : vector<16xi32>
    %swap3A_1582 = arith.constant 1328 : index
    %swap3A_1583 = tpu.vector_load %arg7[%swap3A_1582] {strides = array<i32>} : memref<1360xi32, #tpu.memory_space<vmem>>, vector<16xi32>,
    tpu.vector_store %arg7[%swap3A_1582], %add3A_1581 {strides = array<i32>} : memref<1360xi32, #tpu.memory_space<vmem>>, vector<16xi32>,
    %add3A_1584 = arith.constant 16 : i32
    %add3A_1585 = arith.addi %mul3A_1400, %add3A_1584 : i32
    %broadcast_in_dim3A_1586 = vector.broadcast %add3A_1585 : i32 to vector<16xi32>
    %gather3A_1587 = tpu.vector_load_idx %arg6[%broadcast_in_dim3A_1586] : memref<64xi32, #tpu.memory_space<vmem>>[vector<16xi32>], vector<16xi32>,
    %add3A_1588 = arith.constant 8388608 : i32
    %add3A_1589 = arith.addi %mul3A_1407, %add3A_1588 : i32
    %add3A_1590 = vector.broadcast %add3A_1589 : i32 to vector<16xi32>
    %add3A_1591 = arith.addi %add3A_1590, %mul3A_263 : vector<16xi32>
    %add3A_1592 = arith.addi %add3A_1591, %gather3A_1587 : vector<16xi32>
    %swap3A_1593 = arith.constant 1344 : index
    %swap3A_1594 = tpu.vector_load %arg7[%swap3A_1593] {strides = array<i32>} : memref<1360xi32, #tpu.memory_space<vmem>>, vector<16xi32>,
    tpu.vector_store %arg7[%swap3A_1593], %add3A_1592 {strides = array<i32>} : memref<1360xi32, #tpu.memory_space<vmem>>, vector<16xi32>,
    %dma_start3A_1595 = arith.constant 1088 : i32
    %dma_start3A_1596 = tpu.memref_slice %arg8[%dma_start3A_1595] : memref<1360xf32, #tpu.memory_space<vmem>> -> memref<128xf32, #tpu.memory_space<vmem>>
    %dma_start3A_1597 = arith.constant 1088 : i32
    %dma_start3A_1598 = tpu.memref_slice %arg7[%dma_start3A_1597] : memref<1360xi32, #tpu.memory_space<vmem>> -> memref<128xi32, #tpu.memory_space<vmem>>
    %dma_start3A_1599 = arith.constant 0 : i32
    %dma_start3A_1600 = tpu.memref_slice %arg2[%dma_start3A_1599] : memref<71303168xf32, #tpu.memory_space<hbm>> -> memref<71303168xf32, #tpu.memory_space<hbm>>
    tpu.enqueue_indirect_dma source(%dma_start3A_1600 : memref<71303168xf32, #tpu.memory_space<hbm>>) target(%dma_start3A_1596 : memref<128xf32, #tpu.memory_space<vmem>>) offsets(%dma_start3A_1598 : memref<128xi32, #tpu.memory_space<vmem>>) semaphore(%arg16 : memref<!tpu.dma_semaphore, #tpu.memory_space<semaphore_mem>>)
    %dma_start3A_1601 = arith.constant 1216 : i32
    %dma_start3A_1602 = tpu.memref_slice %arg8[%dma_start3A_1601] : memref<1360xf32, #tpu.memory_space<vmem>> -> memref<128xf32, #tpu.memory_space<vmem>>
    %dma_start3A_1603 = arith.constant 1216 : i32
    %dma_start3A_1604 = tpu.memref_slice %arg7[%dma_start3A_1603] : memref<1360xi32, #tpu.memory_space<vmem>> -> memref<128xi32, #tpu.memory_space<vmem>>
    %dma_start3A_1605 = arith.constant 0 : i32
    %dma_start3A_1606 = tpu.memref_slice %arg2[%dma_start3A_1605] : memref<71303168xf32, #tpu.memory_space<hbm>> -> memref<71303168xf32, #tpu.memory_space<hbm>>
    tpu.enqueue_indirect_dma source(%dma_start3A_1606 : memref<71303168xf32, #tpu.memory_space<hbm>>) target(%dma_start3A_1602 : memref<128xf32, #tpu.memory_space<vmem>>) offsets(%dma_start3A_1604 : memref<128xi32, #tpu.memory_space<vmem>>) semaphore(%arg16 : memref<!tpu.dma_semaphore, #tpu.memory_space<semaphore_mem>>)
    %dma_start3A_1607 = arith.constant 1344 : i32
    %dma_start3A_1608 = tpu.memref_slice %arg8[%dma_start3A_1607] : memref<1360xf32, #tpu.memory_space<vmem>> -> memref<16xf32, #tpu.memory_space<vmem>>
    %dma_start3A_1609 = arith.constant 1344 : i32
    %dma_start3A_1610 = tpu.memref_slice %arg7[%dma_start3A_1609] : memref<1360xi32, #tpu.memory_space<vmem>> -> memref<16xi32, #tpu.memory_space<vmem>>
    %dma_start3A_1611 = arith.constant 0 : i32
    %dma_start3A_1612 = tpu.memref_slice %arg2[%dma_start3A_1611] : memref<71303168xf32, #tpu.memory_space<hbm>> -> memref<71303168xf32, #tpu.memory_space<hbm>>
    tpu.enqueue_indirect_dma source(%dma_start3A_1612 : memref<71303168xf32, #tpu.memory_space<hbm>>) target(%dma_start3A_1608 : memref<16xf32, #tpu.memory_space<vmem>>) offsets(%dma_start3A_1610 : memref<16xi32, #tpu.memory_space<vmem>>) semaphore(%arg16 : memref<!tpu.dma_semaphore, #tpu.memory_space<semaphore_mem>>)
    %dma_wait3A = arith.constant 0 : i32
    %dma_wait3A_1613 = tpu.memref_slice %arg8[%dma_wait3A] : memref<1360xf32, #tpu.memory_space<vmem>> -> memref<128xf32, #tpu.memory_space<vmem>>
    %dma_wait3A_1614 = arith.constant 0 : i32
    %dma_wait3A_1615 = tpu.memref_slice %arg7[%dma_wait3A_1614] : memref<1360xi32, #tpu.memory_space<vmem>> -> memref<128xi32, #tpu.memory_space<vmem>>
    %dma_wait3A_1616 = arith.constant 0 : i32
    %dma_wait3A_1617 = tpu.memref_slice %arg2[%dma_wait3A_1616] : memref<71303168xf32, #tpu.memory_space<hbm>> -> memref<71303168xf32, #tpu.memory_space<hbm>>
    tpu.wait_indirect_dma semaphore(%arg16 : memref<!tpu.dma_semaphore, #tpu.memory_space<semaphore_mem>>) src(%dma_wait3A_1617 : memref<71303168xf32, #tpu.memory_space<hbm>>) dst(%dma_wait3A_1613 : memref<128xf32, #tpu.memory_space<vmem>>)
    %dma_wait3A_1618 = arith.constant 128 : i32
    %dma_wait3A_1619 = tpu.memref_slice %arg8[%dma_wait3A_1618] : memref<1360xf32, #tpu.memory_space<vmem>> -> memref<128xf32, #tpu.memory_space<vmem>>
    %dma_wait3A_1620 = arith.constant 128 : i32
    %dma_wait3A_1621 = tpu.memref_slice %arg7[%dma_wait3A_1620] : memref<1360xi32, #tpu.memory_space<vmem>> -> memref<128xi32, #tpu.memory_space<vmem>>
    %dma_wait3A_1622 = arith.constant 0 : i32
    %dma_wait3A_1623 = tpu.memref_slice %arg2[%dma_wait3A_1622] : memref<71303168xf32, #tpu.memory_space<hbm>> -> memref<71303168xf32, #tpu.memory_space<hbm>>
    tpu.wait_indirect_dma semaphore(%arg16 : memref<!tpu.dma_semaphore, #tpu.memory_space<semaphore_mem>>) src(%dma_wait3A_1623 : memref<71303168xf32, #tpu.memory_space<hbm>>) dst(%dma_wait3A_1619 : memref<128xf32, #tpu.memory_space<vmem>>)
    %dma_wait3A_1624 = arith.constant 256 : i32
    %dma_wait3A_1625 = tpu.memref_slice %arg8[%dma_wait3A_1624] : memref<1360xf32, #tpu.memory_space<vmem>> -> memref<16xf32, #tpu.memory_space<vmem>>
    %dma_wait3A_1626 = arith.constant 256 : i32
    %dma_wait3A_1627 = tpu.memref_slice %arg7[%dma_wait3A_1626] : memref<1360xi32, #tpu.memory_space<vmem>> -> memref<16xi32, #tpu.memory_space<vmem>>
    %dma_wait3A_1628 = arith.constant 0 : i32
    %dma_wait3A_1629 = tpu.memref_slice %arg2[%dma_wait3A_1628] : memref<71303168xf32, #tpu.memory_space<hbm>> -> memref<71303168xf32, #tpu.memory_space<hbm>>
    tpu.wait_indirect_dma semaphore(%arg16 : memref<!tpu.dma_semaphore, #tpu.memory_space<semaphore_mem>>) src(%dma_wait3A_1629 : memref<71303168xf32, #tpu.memory_space<hbm>>) dst(%dma_wait3A_1625 : memref<16xf32, #tpu.memory_space<vmem>>)
    %dma_wait3A_1630 = arith.constant 272 : i32
    %dma_wait3A_1631 = tpu.memref_slice %arg8[%dma_wait3A_1630] : memref<1360xf32, #tpu.memory_space<vmem>> -> memref<128xf32, #tpu.memory_space<vmem>>
    %dma_wait3A_1632 = arith.constant 272 : i32
    %dma_wait3A_1633 = tpu.memref_slice %arg7[%dma_wait3A_1632] : memref<1360xi32, #tpu.memory_space<vmem>> -> memref<128xi32, #tpu.memory_space<vmem>>
    %dma_wait3A_1634 = arith.constant 0 : i32
    %dma_wait3A_1635 = tpu.memref_slice %arg2[%dma_wait3A_1634] : memref<71303168xf32, #tpu.memory_space<hbm>> -> memref<71303168xf32, #tpu.memory_space<hbm>>
    tpu.wait_indirect_dma semaphore(%arg16 : memref<!tpu.dma_semaphore, #tpu.memory_space<semaphore_mem>>) src(%dma_wait3A_1635 : memref<71303168xf32, #tpu.memory_space<hbm>>) dst(%dma_wait3A_1631 : memref<128xf32, #tpu.memory_space<vmem>>)
    %dma_wait3A_1636 = arith.constant 400 : i32
    %dma_wait3A_1637 = tpu.memref_slice %arg8[%dma_wait3A_1636] : memref<1360xf32, #tpu.memory_space<vmem>> -> memref<128xf32, #tpu.memory_space<vmem>>
    %dma_wait3A_1638 = arith.constant 400 : i32
    %dma_wait3A_1639 = tpu.memref_slice %arg7[%dma_wait3A_1638] : memref<1360xi32, #tpu.memory_space<vmem>> -> memref<128xi32, #tpu.memory_space<vmem>>
    %dma_wait3A_1640 = arith.constant 0 : i32
    %dma_wait3A_1641 = tpu.memref_slice %arg2[%dma_wait3A_1640] : memref<71303168xf32, #tpu.memory_space<hbm>> -> memref<71303168xf32, #tpu.memory_space<hbm>>
    tpu.wait_indirect_dma semaphore(%arg16 : memref<!tpu.dma_semaphore, #tpu.memory_space<semaphore_mem>>) src(%dma_wait3A_1641 : memref<71303168xf32, #tpu.memory_space<hbm>>) dst(%dma_wait3A_1637 : memref<128xf32, #tpu.memory_space<vmem>>)
    %dma_wait3A_1642 = arith.constant 528 : i32
    %dma_wait3A_1643 = tpu.memref_slice %arg8[%dma_wait3A_1642] : memref<1360xf32, #tpu.memory_space<vmem>> -> memref<16xf32, #tpu.memory_space<vmem>>
    %dma_wait3A_1644 = arith.constant 528 : i32
    %dma_wait3A_1645 = tpu.memref_slice %arg7[%dma_wait3A_1644] : memref<1360xi32, #tpu.memory_space<vmem>> -> memref<16xi32, #tpu.memory_space<vmem>>
    %dma_wait3A_1646 = arith.constant 0 : i32
    %dma_wait3A_1647 = tpu.memref_slice %arg2[%dma_wait3A_1646] : memref<71303168xf32, #tpu.memory_space<hbm>> -> memref<71303168xf32, #tpu.memory_space<hbm>>
    tpu.wait_indirect_dma semaphore(%arg16 : memref<!tpu.dma_semaphore, #tpu.memory_space<semaphore_mem>>) src(%dma_wait3A_1647 : memref<71303168xf32, #tpu.memory_space<hbm>>) dst(%dma_wait3A_1643 : memref<16xf32, #tpu.memory_space<vmem>>)
    %dma_wait3A_1648 = arith.constant 544 : i32
    %dma_wait3A_1649 = tpu.memref_slice %arg8[%dma_wait3A_1648] : memref<1360xf32, #tpu.memory_space<vmem>> -> memref<128xf32, #tpu.memory_space<vmem>>
    %dma_wait3A_1650 = arith.constant 544 : i32
    %dma_wait3A_1651 = tpu.memref_slice %arg7[%dma_wait3A_1650] : memref<1360xi32, #tpu.memory_space<vmem>> -> memref<128xi32, #tpu.memory_space<vmem>>
    %dma_wait3A_1652 = arith.constant 0 : i32
    %dma_wait3A_1653 = tpu.memref_slice %arg2[%dma_wait3A_1652] : memref<71303168xf32, #tpu.memory_space<hbm>> -> memref<71303168xf32, #tpu.memory_space<hbm>>
    tpu.wait_indirect_dma semaphore(%arg16 : memref<!tpu.dma_semaphore, #tpu.memory_space<semaphore_mem>>) src(%dma_wait3A_1653 : memref<71303168xf32, #tpu.memory_space<hbm>>) dst(%dma_wait3A_1649 : memref<128xf32, #tpu.memory_space<vmem>>)
    %dma_wait3A_1654 = arith.constant 672 : i32
    %dma_wait3A_1655 = tpu.memref_slice %arg8[%dma_wait3A_1654] : memref<1360xf32, #tpu.memory_space<vmem>> -> memref<128xf32, #tpu.memory_space<vmem>>
    %dma_wait3A_1656 = arith.constant 672 : i32
    %dma_wait3A_1657 = tpu.memref_slice %arg7[%dma_wait3A_1656] : memref<1360xi32, #tpu.memory_space<vmem>> -> memref<128xi32, #tpu.memory_space<vmem>>
    %dma_wait3A_1658 = arith.constant 0 : i32
    %dma_wait3A_1659 = tpu.memref_slice %arg2[%dma_wait3A_1658] : memref<71303168xf32, #tpu.memory_space<hbm>> -> memref<71303168xf32, #tpu.memory_space<hbm>>
    tpu.wait_indirect_dma semaphore(%arg16 : memref<!tpu.dma_semaphore, #tpu.memory_space<semaphore_mem>>) src(%dma_wait3A_1659 : memref<71303168xf32, #tpu.memory_space<hbm>>) dst(%dma_wait3A_1655 : memref<128xf32, #tpu.memory_space<vmem>>)
    %dma_wait3A_1660 = arith.constant 800 : i32
    %dma_wait3A_1661 = tpu.memref_slice %arg8[%dma_wait3A_1660] : memref<1360xf32, #tpu.memory_space<vmem>> -> memref<16xf32, #tpu.memory_space<vmem>>
    %dma_wait3A_1662 = arith.constant 800 : i32
    %dma_wait3A_1663 = tpu.memref_slice %arg7[%dma_wait3A_1662] : memref<1360xi32, #tpu.memory_space<vmem>> -> memref<16xi32, #tpu.memory_space<vmem>>
    %dma_wait3A_1664 = arith.constant 0 : i32
    %dma_wait3A_1665 = tpu.memref_slice %arg2[%dma_wait3A_1664] : memref<71303168xf32, #tpu.memory_space<hbm>> -> memref<71303168xf32, #tpu.memory_space<hbm>>
    tpu.wait_indirect_dma semaphore(%arg16 : memref<!tpu.dma_semaphore, #tpu.memory_space<semaphore_mem>>) src(%dma_wait3A_1665 : memref<71303168xf32, #tpu.memory_space<hbm>>) dst(%dma_wait3A_1661 : memref<16xf32, #tpu.memory_space<vmem>>)
    %dma_wait3A_1666 = arith.constant 816 : i32
    %dma_wait3A_1667 = tpu.memref_slice %arg8[%dma_wait3A_1666] : memref<1360xf32, #tpu.memory_space<vmem>> -> memref<128xf32, #tpu.memory_space<vmem>>
    %dma_wait3A_1668 = arith.constant 816 : i32
    %dma_wait3A_1669 = tpu.memref_slice %arg7[%dma_wait3A_1668] : memref<1360xi32, #tpu.memory_space<vmem>> -> memref<128xi32, #tpu.memory_space<vmem>>
    %dma_wait3A_1670 = arith.constant 0 : i32
    %dma_wait3A_1671 = tpu.memref_slice %arg2[%dma_wait3A_1670] : memref<71303168xf32, #tpu.memory_space<hbm>> -> memref<71303168xf32, #tpu.memory_space<hbm>>
    tpu.wait_indirect_dma semaphore(%arg16 : memref<!tpu.dma_semaphore, #tpu.memory_space<semaphore_mem>>) src(%dma_wait3A_1671 : memref<71303168xf32, #tpu.memory_space<hbm>>) dst(%dma_wait3A_1667 : memref<128xf32, #tpu.memory_space<vmem>>)
    %dma_wait3A_1672 = arith.constant 944 : i32
    %dma_wait3A_1673 = tpu.memref_slice %arg8[%dma_wait3A_1672] : memref<1360xf32, #tpu.memory_space<vmem>> -> memref<128xf32, #tpu.memory_space<vmem>>
    %dma_wait3A_1674 = arith.constant 944 : i32
    %dma_wait3A_1675 = tpu.memref_slice %arg7[%dma_wait3A_1674] : memref<1360xi32, #tpu.memory_space<vmem>> -> memref<128xi32, #tpu.memory_space<vmem>>
    %dma_wait3A_1676 = arith.constant 0 : i32
    %dma_wait3A_1677 = tpu.memref_slice %arg2[%dma_wait3A_1676] : memref<71303168xf32, #tpu.memory_space<hbm>> -> memref<71303168xf32, #tpu.memory_space<hbm>>
    tpu.wait_indirect_dma semaphore(%arg16 : memref<!tpu.dma_semaphore, #tpu.memory_space<semaphore_mem>>) src(%dma_wait3A_1677 : memref<71303168xf32, #tpu.memory_space<hbm>>) dst(%dma_wait3A_1673 : memref<128xf32, #tpu.memory_space<vmem>>)
    %dma_wait3A_1678 = arith.constant 1072 : i32
    %dma_wait3A_1679 = tpu.memref_slice %arg8[%dma_wait3A_1678] : memref<1360xf32, #tpu.memory_space<vmem>> -> memref<16xf32, #tpu.memory_space<vmem>>
    %dma_wait3A_1680 = arith.constant 1072 : i32
    %dma_wait3A_1681 = tpu.memref_slice %arg7[%dma_wait3A_1680] : memref<1360xi32, #tpu.memory_space<vmem>> -> memref<16xi32, #tpu.memory_space<vmem>>
    %dma_wait3A_1682 = arith.constant 0 : i32
    %dma_wait3A_1683 = tpu.memref_slice %arg2[%dma_wait3A_1682] : memref<71303168xf32, #tpu.memory_space<hbm>> -> memref<71303168xf32, #tpu.memory_space<hbm>>
    tpu.wait_indirect_dma semaphore(%arg16 : memref<!tpu.dma_semaphore, #tpu.memory_space<semaphore_mem>>) src(%dma_wait3A_1683 : memref<71303168xf32, #tpu.memory_space<hbm>>) dst(%dma_wait3A_1679 : memref<16xf32, #tpu.memory_space<vmem>>)
    %dma_wait3A_1684 = arith.constant 1088 : i32
    %dma_wait3A_1685 = tpu.memref_slice %arg8[%dma_wait3A_1684] : memref<1360xf32, #tpu.memory_space<vmem>> -> memref<128xf32, #tpu.memory_space<vmem>>
    %dma_wait3A_1686 = arith.constant 1088 : i32
    %dma_wait3A_1687 = tpu.memref_slice %arg7[%dma_wait3A_1686] : memref<1360xi32, #tpu.memory_space<vmem>> -> memref<128xi32, #tpu.memory_space<vmem>>
    %dma_wait3A_1688 = arith.constant 0 : i32
    %dma_wait3A_1689 = tpu.memref_slice %arg2[%dma_wait3A_1688] : memref<71303168xf32, #tpu.memory_space<hbm>> -> memref<71303168xf32, #tpu.memory_space<hbm>>
    tpu.wait_indirect_dma semaphore(%arg16 : memref<!tpu.dma_semaphore, #tpu.memory_space<semaphore_mem>>) src(%dma_wait3A_1689 : memref<71303168xf32, #tpu.memory_space<hbm>>) dst(%dma_wait3A_1685 : memref<128xf32, #tpu.memory_space<vmem>>)
    %dma_wait3A_1690 = arith.constant 1216 : i32
    %dma_wait3A_1691 = tpu.memref_slice %arg8[%dma_wait3A_1690] : memref<1360xf32, #tpu.memory_space<vmem>> -> memref<128xf32, #tpu.memory_space<vmem>>
    %dma_wait3A_1692 = arith.constant 1216 : i32
    %dma_wait3A_1693 = tpu.memref_slice %arg7[%dma_wait3A_1692] : memref<1360xi32, #tpu.memory_space<vmem>> -> memref<128xi32, #tpu.memory_space<vmem>>
    %dma_wait3A_1694 = arith.constant 0 : i32
    %dma_wait3A_1695 = tpu.memref_slice %arg2[%dma_wait3A_1694] : memref<71303168xf32, #tpu.memory_space<hbm>> -> memref<71303168xf32, #tpu.memory_space<hbm>>
    tpu.wait_indirect_dma semaphore(%arg16 : memref<!tpu.dma_semaphore, #tpu.memory_space<semaphore_mem>>) src(%dma_wait3A_1695 : memref<71303168xf32, #tpu.memory_space<hbm>>) dst(%dma_wait3A_1691 : memref<128xf32, #tpu.memory_space<vmem>>)
    %dma_wait3A_1696 = arith.constant 1344 : i32
    %dma_wait3A_1697 = tpu.memref_slice %arg8[%dma_wait3A_1696] : memref<1360xf32, #tpu.memory_space<vmem>> -> memref<16xf32, #tpu.memory_space<vmem>>
    %dma_wait3A_1698 = arith.constant 1344 : i32
    %dma_wait3A_1699 = tpu.memref_slice %arg7[%dma_wait3A_1698] : memref<1360xi32, #tpu.memory_space<vmem>> -> memref<16xi32, #tpu.memory_space<vmem>>
    %dma_wait3A_1700 = arith.constant 0 : i32
    %dma_wait3A_1701 = tpu.memref_slice %arg2[%dma_wait3A_1700] : memref<71303168xf32, #tpu.memory_space<hbm>> -> memref<71303168xf32, #tpu.memory_space<hbm>>
    tpu.wait_indirect_dma semaphore(%arg16 : memref<!tpu.dma_semaphore, #tpu.memory_space<semaphore_mem>>) src(%dma_wait3A_1701 : memref<71303168xf32, #tpu.memory_space<hbm>>) dst(%dma_wait3A_1697 : memref<16xf32, #tpu.memory_space<vmem>>)
    %get3A = arith.constant 0 : index
    %get3A_1702 = tpu.vector_load %arg8[%get3A] {strides = array<i32>} : memref<1360xf32, #tpu.memory_space<vmem>>, vector<16xf32>,
    %get3A_1703 = arith.constant 16 : index
    %get3A_1704 = tpu.vector_load %arg8[%get3A_1703] {strides = array<i32>} : memref<1360xf32, #tpu.memory_space<vmem>>, vector<16xf32>,
    %get3A_1705 = arith.constant 32 : index
    %get3A_1706 = tpu.vector_load %arg8[%get3A_1705] {strides = array<i32>} : memref<1360xf32, #tpu.memory_space<vmem>>, vector<16xf32>,
    %get3A_1707 = arith.constant 48 : index
    %get3A_1708 = tpu.vector_load %arg8[%get3A_1707] {strides = array<i32>} : memref<1360xf32, #tpu.memory_space<vmem>>, vector<16xf32>,
    %get3A_1709 = arith.constant 64 : index
    %get3A_1710 = tpu.vector_load %arg8[%get3A_1709] {strides = array<i32>} : memref<1360xf32, #tpu.memory_space<vmem>>, vector<16xf32>,
    %get3A_1711 = arith.constant 80 : index
    %get3A_1712 = tpu.vector_load %arg8[%get3A_1711] {strides = array<i32>} : memref<1360xf32, #tpu.memory_space<vmem>>, vector<16xf32>,
    %get3A_1713 = arith.constant 96 : index
    %get3A_1714 = tpu.vector_load %arg8[%get3A_1713] {strides = array<i32>} : memref<1360xf32, #tpu.memory_space<vmem>>, vector<16xf32>,
    %get3A_1715 = arith.constant 112 : index
    %get3A_1716 = tpu.vector_load %arg8[%get3A_1715] {strides = array<i32>} : memref<1360xf32, #tpu.memory_space<vmem>>, vector<16xf32>,
    %get3A_1717 = arith.constant 128 : index
    %get3A_1718 = tpu.vector_load %arg8[%get3A_1717] {strides = array<i32>} : memref<1360xf32, #tpu.memory_space<vmem>>, vector<16xf32>,
    %get3A_1719 = arith.constant 144 : index
    %get3A_1720 = tpu.vector_load %arg8[%get3A_1719] {strides = array<i32>} : memref<1360xf32, #tpu.memory_space<vmem>>, vector<16xf32>,
    %get3A_1721 = arith.constant 160 : index
    %get3A_1722 = tpu.vector_load %arg8[%get3A_1721] {strides = array<i32>} : memref<1360xf32, #tpu.memory_space<vmem>>, vector<16xf32>,
    %get3A_1723 = arith.constant 176 : index
    %get3A_1724 = tpu.vector_load %arg8[%get3A_1723] {strides = array<i32>} : memref<1360xf32, #tpu.memory_space<vmem>>, vector<16xf32>,
    %get3A_1725 = arith.constant 192 : index
    %get3A_1726 = tpu.vector_load %arg8[%get3A_1725] {strides = array<i32>} : memref<1360xf32, #tpu.memory_space<vmem>>, vector<16xf32>,
    %get3A_1727 = arith.constant 208 : index
    %get3A_1728 = tpu.vector_load %arg8[%get3A_1727] {strides = array<i32>} : memref<1360xf32, #tpu.memory_space<vmem>>, vector<16xf32>,
    %get3A_1729 = arith.constant 224 : index
    %get3A_1730 = tpu.vector_load %arg8[%get3A_1729] {strides = array<i32>} : memref<1360xf32, #tpu.memory_space<vmem>>, vector<16xf32>,
    %get3A_1731 = arith.constant 240 : index
    %get3A_1732 = tpu.vector_load %arg8[%get3A_1731] {strides = array<i32>} : memref<1360xf32, #tpu.memory_space<vmem>>, vector<16xf32>,
    %get3A_1733 = arith.constant 256 : index
    %get3A_1734 = tpu.vector_load %arg8[%get3A_1733] {strides = array<i32>} : memref<1360xf32, #tpu.memory_space<vmem>>, vector<16xf32>,
    %add3A_1735 = arith.addf %get3A_1702, %get3A_1704 : vector<16xf32>
    %add3A_1736 = arith.addf %add3A_1735, %get3A_1706 : vector<16xf32>
    %add3A_1737 = arith.addf %add3A_1736, %get3A_1708 : vector<16xf32>
    %add3A_1738 = arith.addf %add3A_1737, %get3A_1710 : vector<16xf32>
    %add3A_1739 = arith.addf %add3A_1738, %get3A_1712 : vector<16xf32>
    %add3A_1740 = arith.addf %add3A_1739, %get3A_1714 : vector<16xf32>
    %add3A_1741 = arith.addf %add3A_1740, %get3A_1716 : vector<16xf32>
    %add3A_1742 = arith.addf %add3A_1741, %get3A_1718 : vector<16xf32>
    %add3A_1743 = arith.addf %add3A_1742, %get3A_1720 : vector<16xf32>
    %add3A_1744 = arith.addf %add3A_1743, %get3A_1722 : vector<16xf32>
    %add3A_1745 = arith.addf %add3A_1744, %get3A_1724 : vector<16xf32>
    %add3A_1746 = arith.addf %add3A_1745, %get3A_1726 : vector<16xf32>
    %add3A_1747 = arith.addf %add3A_1746, %get3A_1728 : vector<16xf32>
    %add3A_1748 = arith.addf %add3A_1747, %get3A_1730 : vector<16xf32>
    %add3A_1749 = arith.addf %add3A_1748, %get3A_1732 : vector<16xf32>
    %add3A_1750 = arith.addf %add3A_1749, %get3A_1734 : vector<16xf32>
    %mul3A_1751 = arith.constant 0.0588235296 : f32
    %mul3A_1752 = vector.broadcast %mul3A_1751 : f32 to vector<16xf32>
    %mul3A_1753 = arith.mulf %add3A_1750, %mul3A_1752 : vector<16xf32>
    %swap3A_1754 = arith.constant 0 : index
    %swap3A_1755 = tpu.vector_load %arg9[%swap3A_1754] {strides = array<i32>} : memref<80xf32, #tpu.memory_space<vmem>>, vector<16xf32>,
    tpu.vector_store %arg9[%swap3A_1754], %mul3A_1753 {strides = array<i32>} : memref<80xf32, #tpu.memory_space<vmem>>, vector<16xf32>,
    %sub3A_1756 = arith.subf %get3A_1702, %mul3A_1753 : vector<16xf32>
    %abs3A = math.absf %sub3A_1756 : vector<16xf32>
    %add3A_1757 = arith.addf %broadcast_in_dim3A_1, %abs3A : vector<16xf32>
    %sub3A_1758 = arith.subf %get3A_1704, %mul3A_1753 : vector<16xf32>
    %abs3A_1759 = math.absf %sub3A_1758 : vector<16xf32>
    %add3A_1760 = arith.addf %add3A_1757, %abs3A_1759 : vector<16xf32>
    %sub3A_1761 = arith.subf %get3A_1706, %mul3A_1753 : vector<16xf32>
    %abs3A_1762 = math.absf %sub3A_1761 : vector<16xf32>
    %add3A_1763 = arith.addf %add3A_1760, %abs3A_1762 : vector<16xf32>
    %sub3A_1764 = arith.subf %get3A_1708, %mul3A_1753 : vector<16xf32>
    %abs3A_1765 = math.absf %sub3A_1764 : vector<16xf32>
    %add3A_1766 = arith.addf %add3A_1763, %abs3A_1765 : vector<16xf32>
    %sub3A_1767 = arith.subf %get3A_1710, %mul3A_1753 : vector<16xf32>
    %abs3A_1768 = math.absf %sub3A_1767 : vector<16xf32>
    %add3A_1769 = arith.addf %add3A_1766, %abs3A_1768 : vector<16xf32>
    %sub3A_1770 = arith.subf %get3A_1712, %mul3A_1753 : vector<16xf32>
    %abs3A_1771 = math.absf %sub3A_1770 : vector<16xf32>
    %add3A_1772 = arith.addf %add3A_1769, %abs3A_1771 : vector<16xf32>
    %sub3A_1773 = arith.subf %get3A_1714, %mul3A_1753 : vector<16xf32>
    %abs3A_1774 = math.absf %sub3A_1773 : vector<16xf32>
    %add3A_1775 = arith.addf %add3A_1772, %abs3A_1774 : vector<16xf32>
    %sub3A_1776 = arith.subf %get3A_1716, %mul3A_1753 : vector<16xf32>
    %abs3A_1777 = math.absf %sub3A_1776 : vector<16xf32>
    %add3A_1778 = arith.addf %add3A_1775, %abs3A_1777 : vector<16xf32>
    %sub3A_1779 = arith.subf %get3A_1718, %mul3A_1753 : vector<16xf32>
    %abs3A_1780 = math.absf %sub3A_1779 : vector<16xf32>
    %add3A_1781 = arith.addf %add3A_1778, %abs3A_1780 : vector<16xf32>
    %sub3A_1782 = arith.subf %get3A_1720, %mul3A_1753 : vector<16xf32>
    %abs3A_1783 = math.absf %sub3A_1782 : vector<16xf32>
    %add3A_1784 = arith.addf %add3A_1781, %abs3A_1783 : vector<16xf32>
    %sub3A_1785 = arith.subf %get3A_1722, %mul3A_1753 : vector<16xf32>
    %abs3A_1786 = math.absf %sub3A_1785 : vector<16xf32>
    %add3A_1787 = arith.addf %add3A_1784, %abs3A_1786 : vector<16xf32>
    %sub3A_1788 = arith.subf %get3A_1724, %mul3A_1753 : vector<16xf32>
    %abs3A_1789 = math.absf %sub3A_1788 : vector<16xf32>
    %add3A_1790 = arith.addf %add3A_1787, %abs3A_1789 : vector<16xf32>
    %sub3A_1791 = arith.subf %get3A_1726, %mul3A_1753 : vector<16xf32>
    %abs3A_1792 = math.absf %sub3A_1791 : vector<16xf32>
    %add3A_1793 = arith.addf %add3A_1790, %abs3A_1792 : vector<16xf32>
    %sub3A_1794 = arith.subf %get3A_1728, %mul3A_1753 : vector<16xf32>
    %abs3A_1795 = math.absf %sub3A_1794 : vector<16xf32>
    %add3A_1796 = arith.addf %add3A_1793, %abs3A_1795 : vector<16xf32>
    %sub3A_1797 = arith.subf %get3A_1730, %mul3A_1753 : vector<16xf32>
    %abs3A_1798 = math.absf %sub3A_1797 : vector<16xf32>
    %add3A_1799 = arith.addf %add3A_1796, %abs3A_1798 : vector<16xf32>
    %sub3A_1800 = arith.subf %get3A_1732, %mul3A_1753 : vector<16xf32>
    %abs3A_1801 = math.absf %sub3A_1800 : vector<16xf32>
    %add3A_1802 = arith.addf %add3A_1799, %abs3A_1801 : vector<16xf32>
    %sub3A_1803 = arith.subf %get3A_1734, %mul3A_1753 : vector<16xf32>
    %abs3A_1804 = math.absf %sub3A_1803 : vector<16xf32>
    %add3A_1805 = arith.addf %add3A_1802, %abs3A_1804 : vector<16xf32>
    %get3A_1806 = arith.constant 272 : index
    %get3A_1807 = tpu.vector_load %arg8[%get3A_1806] {strides = array<i32>} : memref<1360xf32, #tpu.memory_space<vmem>>, vector<16xf32>,
    %get3A_1808 = arith.constant 288 : index
    %get3A_1809 = tpu.vector_load %arg8[%get3A_1808] {strides = array<i32>} : memref<1360xf32, #tpu.memory_space<vmem>>, vector<16xf32>,
    %get3A_1810 = arith.constant 304 : index
    %get3A_1811 = tpu.vector_load %arg8[%get3A_1810] {strides = array<i32>} : memref<1360xf32, #tpu.memory_space<vmem>>, vector<16xf32>,
    %get3A_1812 = arith.constant 320 : index
    %get3A_1813 = tpu.vector_load %arg8[%get3A_1812] {strides = array<i32>} : memref<1360xf32, #tpu.memory_space<vmem>>, vector<16xf32>,
    %get3A_1814 = arith.constant 336 : index
    %get3A_1815 = tpu.vector_load %arg8[%get3A_1814] {strides = array<i32>} : memref<1360xf32, #tpu.memory_space<vmem>>, vector<16xf32>,
    %get3A_1816 = arith.constant 352 : index
    %get3A_1817 = tpu.vector_load %arg8[%get3A_1816] {strides = array<i32>} : memref<1360xf32, #tpu.memory_space<vmem>>, vector<16xf32>,
    %get3A_1818 = arith.constant 368 : index
    %get3A_1819 = tpu.vector_load %arg8[%get3A_1818] {strides = array<i32>} : memref<1360xf32, #tpu.memory_space<vmem>>, vector<16xf32>,
    %get3A_1820 = arith.constant 384 : index
    %get3A_1821 = tpu.vector_load %arg8[%get3A_1820] {strides = array<i32>} : memref<1360xf32, #tpu.memory_space<vmem>>, vector<16xf32>,
    %get3A_1822 = arith.constant 400 : index
    %get3A_1823 = tpu.vector_load %arg8[%get3A_1822] {strides = array<i32>} : memref<1360xf32, #tpu.memory_space<vmem>>, vector<16xf32>,
    %get3A_1824 = arith.constant 416 : index
    %get3A_1825 = tpu.vector_load %arg8[%get3A_1824] {strides = array<i32>} : memref<1360xf32, #tpu.memory_space<vmem>>, vector<16xf32>,
    %get3A_1826 = arith.constant 432 : index
    %get3A_1827 = tpu.vector_load %arg8[%get3A_1826] {strides = array<i32>} : memref<1360xf32, #tpu.memory_space<vmem>>, vector<16xf32>,
    %get3A_1828 = arith.constant 448 : index
    %get3A_1829 = tpu.vector_load %arg8[%get3A_1828] {strides = array<i32>} : memref<1360xf32, #tpu.memory_space<vmem>>, vector<16xf32>,
    %get3A_1830 = arith.constant 464 : index
    %get3A_1831 = tpu.vector_load %arg8[%get3A_1830] {strides = array<i32>} : memref<1360xf32, #tpu.memory_space<vmem>>, vector<16xf32>,
    %get3A_1832 = arith.constant 480 : index
    %get3A_1833 = tpu.vector_load %arg8[%get3A_1832] {strides = array<i32>} : memref<1360xf32, #tpu.memory_space<vmem>>, vector<16xf32>,
    %get3A_1834 = arith.constant 496 : index
    %get3A_1835 = tpu.vector_load %arg8[%get3A_1834] {strides = array<i32>} : memref<1360xf32, #tpu.memory_space<vmem>>, vector<16xf32>,
    %get3A_1836 = arith.constant 512 : index
    %get3A_1837 = tpu.vector_load %arg8[%get3A_1836] {strides = array<i32>} : memref<1360xf32, #tpu.memory_space<vmem>>, vector<16xf32>,
    %get3A_1838 = arith.constant 528 : index
    %get3A_1839 = tpu.vector_load %arg8[%get3A_1838] {strides = array<i32>} : memref<1360xf32, #tpu.memory_space<vmem>>, vector<16xf32>,
    %add3A_1840 = arith.addf %get3A_1807, %get3A_1809 : vector<16xf32>
    %add3A_1841 = arith.addf %add3A_1840, %get3A_1811 : vector<16xf32>
    %add3A_1842 = arith.addf %add3A_1841, %get3A_1813 : vector<16xf32>
    %add3A_1843 = arith.addf %add3A_1842, %get3A_1815 : vector<16xf32>
    %add3A_1844 = arith.addf %add3A_1843, %get3A_1817 : vector<16xf32>
    %add3A_1845 = arith.addf %add3A_1844, %get3A_1819 : vector<16xf32>
    %add3A_1846 = arith.addf %add3A_1845, %get3A_1821 : vector<16xf32>
    %add3A_1847 = arith.addf %add3A_1846, %get3A_1823 : vector<16xf32>
    %add3A_1848 = arith.addf %add3A_1847, %get3A_1825 : vector<16xf32>
    %add3A_1849 = arith.addf %add3A_1848, %get3A_1827 : vector<16xf32>
    %add3A_1850 = arith.addf %add3A_1849, %get3A_1829 : vector<16xf32>
    %add3A_1851 = arith.addf %add3A_1850, %get3A_1831 : vector<16xf32>
    %add3A_1852 = arith.addf %add3A_1851, %get3A_1833 : vector<16xf32>
    %add3A_1853 = arith.addf %add3A_1852, %get3A_1835 : vector<16xf32>
    %add3A_1854 = arith.addf %add3A_1853, %get3A_1837 : vector<16xf32>
    %add3A_1855 = arith.addf %add3A_1854, %get3A_1839 : vector<16xf32>
    %mul3A_1856 = arith.constant 0.0588235296 : f32
    %mul3A_1857 = vector.broadcast %mul3A_1856 : f32 to vector<16xf32>
    %mul3A_1858 = arith.mulf %add3A_1855, %mul3A_1857 : vector<16xf32>
    %swap3A_1859 = arith.constant 16 : index
    %swap3A_1860 = tpu.vector_load %arg9[%swap3A_1859] {strides = array<i32>} : memref<80xf32, #tpu.memory_space<vmem>>, vector<16xf32>,
    tpu.vector_store %arg9[%swap3A_1859], %mul3A_1858 {strides = array<i32>} : memref<80xf32, #tpu.memory_space<vmem>>, vector<16xf32>,
    %sub3A_1861 = arith.subf %get3A_1807, %mul3A_1858 : vector<16xf32>
    %abs3A_1862 = math.absf %sub3A_1861 : vector<16xf32>
    %add3A_1863 = arith.addf %add3A_1805, %abs3A_1862 : vector<16xf32>
    %sub3A_1864 = arith.subf %get3A_1809, %mul3A_1858 : vector<16xf32>
    %abs3A_1865 = math.absf %sub3A_1864 : vector<16xf32>
    %add3A_1866 = arith.addf %add3A_1863, %abs3A_1865 : vector<16xf32>
    %sub3A_1867 = arith.subf %get3A_1811, %mul3A_1858 : vector<16xf32>
    %abs3A_1868 = math.absf %sub3A_1867 : vector<16xf32>
    %add3A_1869 = arith.addf %add3A_1866, %abs3A_1868 : vector<16xf32>
    %sub3A_1870 = arith.subf %get3A_1813, %mul3A_1858 : vector<16xf32>
    %abs3A_1871 = math.absf %sub3A_1870 : vector<16xf32>
    %add3A_1872 = arith.addf %add3A_1869, %abs3A_1871 : vector<16xf32>
    %sub3A_1873 = arith.subf %get3A_1815, %mul3A_1858 : vector<16xf32>
    %abs3A_1874 = math.absf %sub3A_1873 : vector<16xf32>
    %add3A_1875 = arith.addf %add3A_1872, %abs3A_1874 : vector<16xf32>
    %sub3A_1876 = arith.subf %get3A_1817, %mul3A_1858 : vector<16xf32>
    %abs3A_1877 = math.absf %sub3A_1876 : vector<16xf32>
    %add3A_1878 = arith.addf %add3A_1875, %abs3A_1877 : vector<16xf32>
    %sub3A_1879 = arith.subf %get3A_1819, %mul3A_1858 : vector<16xf32>
    %abs3A_1880 = math.absf %sub3A_1879 : vector<16xf32>
    %add3A_1881 = arith.addf %add3A_1878, %abs3A_1880 : vector<16xf32>
    %sub3A_1882 = arith.subf %get3A_1821, %mul3A_1858 : vector<16xf32>
    %abs3A_1883 = math.absf %sub3A_1882 : vector<16xf32>
    %add3A_1884 = arith.addf %add3A_1881, %abs3A_1883 : vector<16xf32>
    %sub3A_1885 = arith.subf %get3A_1823, %mul3A_1858 : vector<16xf32>
    %abs3A_1886 = math.absf %sub3A_1885 : vector<16xf32>
    %add3A_1887 = arith.addf %add3A_1884, %abs3A_1886 : vector<16xf32>
    %sub3A_1888 = arith.subf %get3A_1825, %mul3A_1858 : vector<16xf32>
    %abs3A_1889 = math.absf %sub3A_1888 : vector<16xf32>
    %add3A_1890 = arith.addf %add3A_1887, %abs3A_1889 : vector<16xf32>
    %sub3A_1891 = arith.subf %get3A_1827, %mul3A_1858 : vector<16xf32>
    %abs3A_1892 = math.absf %sub3A_1891 : vector<16xf32>
    %add3A_1893 = arith.addf %add3A_1890, %abs3A_1892 : vector<16xf32>
    %sub3A_1894 = arith.subf %get3A_1829, %mul3A_1858 : vector<16xf32>
    %abs3A_1895 = math.absf %sub3A_1894 : vector<16xf32>
    %add3A_1896 = arith.addf %add3A_1893, %abs3A_1895 : vector<16xf32>
    %sub3A_1897 = arith.subf %get3A_1831, %mul3A_1858 : vector<16xf32>
    %abs3A_1898 = math.absf %sub3A_1897 : vector<16xf32>
    %add3A_1899 = arith.addf %add3A_1896, %abs3A_1898 : vector<16xf32>
    %sub3A_1900 = arith.subf %get3A_1833, %mul3A_1858 : vector<16xf32>
    %abs3A_1901 = math.absf %sub3A_1900 : vector<16xf32>
    %add3A_1902 = arith.addf %add3A_1899, %abs3A_1901 : vector<16xf32>
    %sub3A_1903 = arith.subf %get3A_1835, %mul3A_1858 : vector<16xf32>
    %abs3A_1904 = math.absf %sub3A_1903 : vector<16xf32>
    %add3A_1905 = arith.addf %add3A_1902, %abs3A_1904 : vector<16xf32>
    %sub3A_1906 = arith.subf %get3A_1837, %mul3A_1858 : vector<16xf32>
    %abs3A_1907 = math.absf %sub3A_1906 : vector<16xf32>
    %add3A_1908 = arith.addf %add3A_1905, %abs3A_1907 : vector<16xf32>
    %sub3A_1909 = arith.subf %get3A_1839, %mul3A_1858 : vector<16xf32>
    %abs3A_1910 = math.absf %sub3A_1909 : vector<16xf32>
    %add3A_1911 = arith.addf %add3A_1908, %abs3A_1910 : vector<16xf32>
    %get3A_1912 = arith.constant 544 : index
    %get3A_1913 = tpu.vector_load %arg8[%get3A_1912] {strides = array<i32>} : memref<1360xf32, #tpu.memory_space<vmem>>, vector<16xf32>,
    %get3A_1914 = arith.constant 560 : index
    %get3A_1915 = tpu.vector_load %arg8[%get3A_1914] {strides = array<i32>} : memref<1360xf32, #tpu.memory_space<vmem>>, vector<16xf32>,
    %get3A_1916 = arith.constant 576 : index
    %get3A_1917 = tpu.vector_load %arg8[%get3A_1916] {strides = array<i32>} : memref<1360xf32, #tpu.memory_space<vmem>>, vector<16xf32>,
    %get3A_1918 = arith.constant 592 : index
    %get3A_1919 = tpu.vector_load %arg8[%get3A_1918] {strides = array<i32>} : memref<1360xf32, #tpu.memory_space<vmem>>, vector<16xf32>,
    %get3A_1920 = arith.constant 608 : index
    %get3A_1921 = tpu.vector_load %arg8[%get3A_1920] {strides = array<i32>} : memref<1360xf32, #tpu.memory_space<vmem>>, vector<16xf32>,
    %get3A_1922 = arith.constant 624 : index
    %get3A_1923 = tpu.vector_load %arg8[%get3A_1922] {strides = array<i32>} : memref<1360xf32, #tpu.memory_space<vmem>>, vector<16xf32>,
    %get3A_1924 = arith.constant 640 : index
    %get3A_1925 = tpu.vector_load %arg8[%get3A_1924] {strides = array<i32>} : memref<1360xf32, #tpu.memory_space<vmem>>, vector<16xf32>,
    %get3A_1926 = arith.constant 656 : index
    %get3A_1927 = tpu.vector_load %arg8[%get3A_1926] {strides = array<i32>} : memref<1360xf32, #tpu.memory_space<vmem>>, vector<16xf32>,
    %get3A_1928 = arith.constant 672 : index
    %get3A_1929 = tpu.vector_load %arg8[%get3A_1928] {strides = array<i32>} : memref<1360xf32, #tpu.memory_space<vmem>>, vector<16xf32>,
    %get3A_1930 = arith.constant 688 : index
    %get3A_1931 = tpu.vector_load %arg8[%get3A_1930] {strides = array<i32>} : memref<1360xf32, #tpu.memory_space<vmem>>, vector<16xf32>,
    %get3A_1932 = arith.constant 704 : index
    %get3A_1933 = tpu.vector_load %arg8[%get3A_1932] {strides = array<i32>} : memref<1360xf32, #tpu.memory_space<vmem>>, vector<16xf32>,
    %get3A_1934 = arith.constant 720 : index
    %get3A_1935 = tpu.vector_load %arg8[%get3A_1934] {strides = array<i32>} : memref<1360xf32, #tpu.memory_space<vmem>>, vector<16xf32>,
    %get3A_1936 = arith.constant 736 : index
    %get3A_1937 = tpu.vector_load %arg8[%get3A_1936] {strides = array<i32>} : memref<1360xf32, #tpu.memory_space<vmem>>, vector<16xf32>,
    %get3A_1938 = arith.constant 752 : index
    %get3A_1939 = tpu.vector_load %arg8[%get3A_1938] {strides = array<i32>} : memref<1360xf32, #tpu.memory_space<vmem>>, vector<16xf32>,
    %get3A_1940 = arith.constant 768 : index
    %get3A_1941 = tpu.vector_load %arg8[%get3A_1940] {strides = array<i32>} : memref<1360xf32, #tpu.memory_space<vmem>>, vector<16xf32>,
    %get3A_1942 = arith.constant 784 : index
    %get3A_1943 = tpu.vector_load %arg8[%get3A_1942] {strides = array<i32>} : memref<1360xf32, #tpu.memory_space<vmem>>, vector<16xf32>,
    %get3A_1944 = arith.constant 800 : index
    %get3A_1945 = tpu.vector_load %arg8[%get3A_1944] {strides = array<i32>} : memref<1360xf32, #tpu.memory_space<vmem>>, vector<16xf32>,
    %add3A_1946 = arith.addf %get3A_1913, %get3A_1915 : vector<16xf32>
    %add3A_1947 = arith.addf %add3A_1946, %get3A_1917 : vector<16xf32>
    %add3A_1948 = arith.addf %add3A_1947, %get3A_1919 : vector<16xf32>
    %add3A_1949 = arith.addf %add3A_1948, %get3A_1921 : vector<16xf32>
    %add3A_1950 = arith.addf %add3A_1949, %get3A_1923 : vector<16xf32>
    %add3A_1951 = arith.addf %add3A_1950, %get3A_1925 : vector<16xf32>
    %add3A_1952 = arith.addf %add3A_1951, %get3A_1927 : vector<16xf32>
    %add3A_1953 = arith.addf %add3A_1952, %get3A_1929 : vector<16xf32>
    %add3A_1954 = arith.addf %add3A_1953, %get3A_1931 : vector<16xf32>
    %add3A_1955 = arith.addf %add3A_1954, %get3A_1933 : vector<16xf32>
    %add3A_1956 = arith.addf %add3A_1955, %get3A_1935 : vector<16xf32>
    %add3A_1957 = arith.addf %add3A_1956, %get3A_1937 : vector<16xf32>
    %add3A_1958 = arith.addf %add3A_1957, %get3A_1939 : vector<16xf32>
    %add3A_1959 = arith.addf %add3A_1958, %get3A_1941 : vector<16xf32>
    %add3A_1960 = arith.addf %add3A_1959, %get3A_1943 : vector<16xf32>
    %add3A_1961 = arith.addf %add3A_1960, %get3A_1945 : vector<16xf32>
    %mul3A_1962 = arith.constant 0.0588235296 : f32
    %mul3A_1963 = vector.broadcast %mul3A_1962 : f32 to vector<16xf32>
    %mul3A_1964 = arith.mulf %add3A_1961, %mul3A_1963 : vector<16xf32>
    %swap3A_1965 = arith.constant 32 : index
    %swap3A_1966 = tpu.vector_load %arg9[%swap3A_1965] {strides = array<i32>} : memref<80xf32, #tpu.memory_space<vmem>>, vector<16xf32>,
    tpu.vector_store %arg9[%swap3A_1965], %mul3A_1964 {strides = array<i32>} : memref<80xf32, #tpu.memory_space<vmem>>, vector<16xf32>,
    %sub3A_1967 = arith.subf %get3A_1913, %mul3A_1964 : vector<16xf32>
    %abs3A_1968 = math.absf %sub3A_1967 : vector<16xf32>
    %add3A_1969 = arith.addf %add3A_1911, %abs3A_1968 : vector<16xf32>
    %sub3A_1970 = arith.subf %get3A_1915, %mul3A_1964 : vector<16xf32>
    %abs3A_1971 = math.absf %sub3A_1970 : vector<16xf32>
    %add3A_1972 = arith.addf %add3A_1969, %abs3A_1971 : vector<16xf32>
    %sub3A_1973 = arith.subf %get3A_1917, %mul3A_1964 : vector<16xf32>
    %abs3A_1974 = math.absf %sub3A_1973 : vector<16xf32>
    %add3A_1975 = arith.addf %add3A_1972, %abs3A_1974 : vector<16xf32>
    %sub3A_1976 = arith.subf %get3A_1919, %mul3A_1964 : vector<16xf32>
    %abs3A_1977 = math.absf %sub3A_1976 : vector<16xf32>
    %add3A_1978 = arith.addf %add3A_1975, %abs3A_1977 : vector<16xf32>
    %sub3A_1979 = arith.subf %get3A_1921, %mul3A_1964 : vector<16xf32>
    %abs3A_1980 = math.absf %sub3A_1979 : vector<16xf32>
    %add3A_1981 = arith.addf %add3A_1978, %abs3A_1980 : vector<16xf32>
    %sub3A_1982 = arith.subf %get3A_1923, %mul3A_1964 : vector<16xf32>
    %abs3A_1983 = math.absf %sub3A_1982 : vector<16xf32>
    %add3A_1984 = arith.addf %add3A_1981, %abs3A_1983 : vector<16xf32>
    %sub3A_1985 = arith.subf %get3A_1925, %mul3A_1964 : vector<16xf32>
    %abs3A_1986 = math.absf %sub3A_1985 : vector<16xf32>
    %add3A_1987 = arith.addf %add3A_1984, %abs3A_1986 : vector<16xf32>
    %sub3A_1988 = arith.subf %get3A_1927, %mul3A_1964 : vector<16xf32>
    %abs3A_1989 = math.absf %sub3A_1988 : vector<16xf32>
    %add3A_1990 = arith.addf %add3A_1987, %abs3A_1989 : vector<16xf32>
    %sub3A_1991 = arith.subf %get3A_1929, %mul3A_1964 : vector<16xf32>
    %abs3A_1992 = math.absf %sub3A_1991 : vector<16xf32>
    %add3A_1993 = arith.addf %add3A_1990, %abs3A_1992 : vector<16xf32>
    %sub3A_1994 = arith.subf %get3A_1931, %mul3A_1964 : vector<16xf32>
    %abs3A_1995 = math.absf %sub3A_1994 : vector<16xf32>
    %add3A_1996 = arith.addf %add3A_1993, %abs3A_1995 : vector<16xf32>
    %sub3A_1997 = arith.subf %get3A_1933, %mul3A_1964 : vector<16xf32>
    %abs3A_1998 = math.absf %sub3A_1997 : vector<16xf32>
    %add3A_1999 = arith.addf %add3A_1996, %abs3A_1998 : vector<16xf32>
    %sub3A_2000 = arith.subf %get3A_1935, %mul3A_1964 : vector<16xf32>
    %abs3A_2001 = math.absf %sub3A_2000 : vector<16xf32>
    %add3A_2002 = arith.addf %add3A_1999, %abs3A_2001 : vector<16xf32>
    %sub3A_2003 = arith.subf %get3A_1937, %mul3A_1964 : vector<16xf32>
    %abs3A_2004 = math.absf %sub3A_2003 : vector<16xf32>
    %add3A_2005 = arith.addf %add3A_2002, %abs3A_2004 : vector<16xf32>
    %sub3A_2006 = arith.subf %get3A_1939, %mul3A_1964 : vector<16xf32>
    %abs3A_2007 = math.absf %sub3A_2006 : vector<16xf32>
    %add3A_2008 = arith.addf %add3A_2005, %abs3A_2007 : vector<16xf32>
    %sub3A_2009 = arith.subf %get3A_1941, %mul3A_1964 : vector<16xf32>
    %abs3A_2010 = math.absf %sub3A_2009 : vector<16xf32>
    %add3A_2011 = arith.addf %add3A_2008, %abs3A_2010 : vector<16xf32>
    %sub3A_2012 = arith.subf %get3A_1943, %mul3A_1964 : vector<16xf32>
    %abs3A_2013 = math.absf %sub3A_2012 : vector<16xf32>
    %add3A_2014 = arith.addf %add3A_2011, %abs3A_2013 : vector<16xf32>
    %sub3A_2015 = arith.subf %get3A_1945, %mul3A_1964 : vector<16xf32>
    %abs3A_2016 = math.absf %sub3A_2015 : vector<16xf32>
    %add3A_2017 = arith.addf %add3A_2014, %abs3A_2016 : vector<16xf32>
    %get3A_2018 = arith.constant 816 : index
    %get3A_2019 = tpu.vector_load %arg8[%get3A_2018] {strides = array<i32>} : memref<1360xf32, #tpu.memory_space<vmem>>, vector<16xf32>,
    %get3A_2020 = arith.constant 832 : index
    %get3A_2021 = tpu.vector_load %arg8[%get3A_2020] {strides = array<i32>} : memref<1360xf32, #tpu.memory_space<vmem>>, vector<16xf32>,
    %get3A_2022 = arith.constant 848 : index
    %get3A_2023 = tpu.vector_load %arg8[%get3A_2022] {strides = array<i32>} : memref<1360xf32, #tpu.memory_space<vmem>>, vector<16xf32>,
    %get3A_2024 = arith.constant 864 : index
    %get3A_2025 = tpu.vector_load %arg8[%get3A_2024] {strides = array<i32>} : memref<1360xf32, #tpu.memory_space<vmem>>, vector<16xf32>,
    %get3A_2026 = arith.constant 880 : index
    %get3A_2027 = tpu.vector_load %arg8[%get3A_2026] {strides = array<i32>} : memref<1360xf32, #tpu.memory_space<vmem>>, vector<16xf32>,
    %get3A_2028 = arith.constant 896 : index
    %get3A_2029 = tpu.vector_load %arg8[%get3A_2028] {strides = array<i32>} : memref<1360xf32, #tpu.memory_space<vmem>>, vector<16xf32>,
    %get3A_2030 = arith.constant 912 : index
    %get3A_2031 = tpu.vector_load %arg8[%get3A_2030] {strides = array<i32>} : memref<1360xf32, #tpu.memory_space<vmem>>, vector<16xf32>,
    %get3A_2032 = arith.constant 928 : index
    %get3A_2033 = tpu.vector_load %arg8[%get3A_2032] {strides = array<i32>} : memref<1360xf32, #tpu.memory_space<vmem>>, vector<16xf32>,
    %get3A_2034 = arith.constant 944 : index
    %get3A_2035 = tpu.vector_load %arg8[%get3A_2034] {strides = array<i32>} : memref<1360xf32, #tpu.memory_space<vmem>>, vector<16xf32>,
    %get3A_2036 = arith.constant 960 : index
    %get3A_2037 = tpu.vector_load %arg8[%get3A_2036] {strides = array<i32>} : memref<1360xf32, #tpu.memory_space<vmem>>, vector<16xf32>,
    %get3A_2038 = arith.constant 976 : index
    %get3A_2039 = tpu.vector_load %arg8[%get3A_2038] {strides = array<i32>} : memref<1360xf32, #tpu.memory_space<vmem>>, vector<16xf32>,
    %get3A_2040 = arith.constant 992 : index
    %get3A_2041 = tpu.vector_load %arg8[%get3A_2040] {strides = array<i32>} : memref<1360xf32, #tpu.memory_space<vmem>>, vector<16xf32>,
    %get3A_2042 = arith.constant 1008 : index
    %get3A_2043 = tpu.vector_load %arg8[%get3A_2042] {strides = array<i32>} : memref<1360xf32, #tpu.memory_space<vmem>>, vector<16xf32>,
    %get3A_2044 = arith.constant 1024 : index
    %get3A_2045 = tpu.vector_load %arg8[%get3A_2044] {strides = array<i32>} : memref<1360xf32, #tpu.memory_space<vmem>>, vector<16xf32>,
    %get3A_2046 = arith.constant 1040 : index
    %get3A_2047 = tpu.vector_load %arg8[%get3A_2046] {strides = array<i32>} : memref<1360xf32, #tpu.memory_space<vmem>>, vector<16xf32>,
    %get3A_2048 = arith.constant 1056 : index
    %get3A_2049 = tpu.vector_load %arg8[%get3A_2048] {strides = array<i32>} : memref<1360xf32, #tpu.memory_space<vmem>>, vector<16xf32>,
    %get3A_2050 = arith.constant 1072 : index
    %get3A_2051 = tpu.vector_load %arg8[%get3A_2050] {strides = array<i32>} : memref<1360xf32, #tpu.memory_space<vmem>>, vector<16xf32>,
    %add3A_2052 = arith.addf %get3A_2019, %get3A_2021 : vector<16xf32>
    %add3A_2053 = arith.addf %add3A_2052, %get3A_2023 : vector<16xf32>
    %add3A_2054 = arith.addf %add3A_2053, %get3A_2025 : vector<16xf32>
    %add3A_2055 = arith.addf %add3A_2054, %get3A_2027 : vector<16xf32>
    %add3A_2056 = arith.addf %add3A_2055, %get3A_2029 : vector<16xf32>
    %add3A_2057 = arith.addf %add3A_2056, %get3A_2031 : vector<16xf32>
    %add3A_2058 = arith.addf %add3A_2057, %get3A_2033 : vector<16xf32>
    %add3A_2059 = arith.addf %add3A_2058, %get3A_2035 : vector<16xf32>
    %add3A_2060 = arith.addf %add3A_2059, %get3A_2037 : vector<16xf32>
    %add3A_2061 = arith.addf %add3A_2060, %get3A_2039 : vector<16xf32>
    %add3A_2062 = arith.addf %add3A_2061, %get3A_2041 : vector<16xf32>
    %add3A_2063 = arith.addf %add3A_2062, %get3A_2043 : vector<16xf32>
    %add3A_2064 = arith.addf %add3A_2063, %get3A_2045 : vector<16xf32>
    %add3A_2065 = arith.addf %add3A_2064, %get3A_2047 : vector<16xf32>
    %add3A_2066 = arith.addf %add3A_2065, %get3A_2049 : vector<16xf32>
    %add3A_2067 = arith.addf %add3A_2066, %get3A_2051 : vector<16xf32>
    %mul3A_2068 = arith.constant 0.0588235296 : f32
    %mul3A_2069 = vector.broadcast %mul3A_2068 : f32 to vector<16xf32>
    %mul3A_2070 = arith.mulf %add3A_2067, %mul3A_2069 : vector<16xf32>
    %swap3A_2071 = arith.constant 48 : index
    %swap3A_2072 = tpu.vector_load %arg9[%swap3A_2071] {strides = array<i32>} : memref<80xf32, #tpu.memory_space<vmem>>, vector<16xf32>,
    tpu.vector_store %arg9[%swap3A_2071], %mul3A_2070 {strides = array<i32>} : memref<80xf32, #tpu.memory_space<vmem>>, vector<16xf32>,
    %sub3A_2073 = arith.subf %get3A_2019, %mul3A_2070 : vector<16xf32>
    %abs3A_2074 = math.absf %sub3A_2073 : vector<16xf32>
    %add3A_2075 = arith.addf %add3A_2017, %abs3A_2074 : vector<16xf32>
    %sub3A_2076 = arith.subf %get3A_2021, %mul3A_2070 : vector<16xf32>
    %abs3A_2077 = math.absf %sub3A_2076 : vector<16xf32>
    %add3A_2078 = arith.addf %add3A_2075, %abs3A_2077 : vector<16xf32>
    %sub3A_2079 = arith.subf %get3A_2023, %mul3A_2070 : vector<16xf32>
    %abs3A_2080 = math.absf %sub3A_2079 : vector<16xf32>
    %add3A_2081 = arith.addf %add3A_2078, %abs3A_2080 : vector<16xf32>
    %sub3A_2082 = arith.subf %get3A_2025, %mul3A_2070 : vector<16xf32>
    %abs3A_2083 = math.absf %sub3A_2082 : vector<16xf32>
    %add3A_2084 = arith.addf %add3A_2081, %abs3A_2083 : vector<16xf32>
    %sub3A_2085 = arith.subf %get3A_2027, %mul3A_2070 : vector<16xf32>
    %abs3A_2086 = math.absf %sub3A_2085 : vector<16xf32>
    %add3A_2087 = arith.addf %add3A_2084, %abs3A_2086 : vector<16xf32>
    %sub3A_2088 = arith.subf %get3A_2029, %mul3A_2070 : vector<16xf32>
    %abs3A_2089 = math.absf %sub3A_2088 : vector<16xf32>
    %add3A_2090 = arith.addf %add3A_2087, %abs3A_2089 : vector<16xf32>
    %sub3A_2091 = arith.subf %get3A_2031, %mul3A_2070 : vector<16xf32>
    %abs3A_2092 = math.absf %sub3A_2091 : vector<16xf32>
    %add3A_2093 = arith.addf %add3A_2090, %abs3A_2092 : vector<16xf32>
    %sub3A_2094 = arith.subf %get3A_2033, %mul3A_2070 : vector<16xf32>
    %abs3A_2095 = math.absf %sub3A_2094 : vector<16xf32>
    %add3A_2096 = arith.addf %add3A_2093, %abs3A_2095 : vector<16xf32>
    %sub3A_2097 = arith.subf %get3A_2035, %mul3A_2070 : vector<16xf32>
    %abs3A_2098 = math.absf %sub3A_2097 : vector<16xf32>
    %add3A_2099 = arith.addf %add3A_2096, %abs3A_2098 : vector<16xf32>
    %sub3A_2100 = arith.subf %get3A_2037, %mul3A_2070 : vector<16xf32>
    %abs3A_2101 = math.absf %sub3A_2100 : vector<16xf32>
    %add3A_2102 = arith.addf %add3A_2099, %abs3A_2101 : vector<16xf32>
    %sub3A_2103 = arith.subf %get3A_2039, %mul3A_2070 : vector<16xf32>
    %abs3A_2104 = math.absf %sub3A_2103 : vector<16xf32>
    %add3A_2105 = arith.addf %add3A_2102, %abs3A_2104 : vector<16xf32>
    %sub3A_2106 = arith.subf %get3A_2041, %mul3A_2070 : vector<16xf32>
    %abs3A_2107 = math.absf %sub3A_2106 : vector<16xf32>
    %add3A_2108 = arith.addf %add3A_2105, %abs3A_2107 : vector<16xf32>
    %sub3A_2109 = arith.subf %get3A_2043, %mul3A_2070 : vector<16xf32>
    %abs3A_2110 = math.absf %sub3A_2109 : vector<16xf32>
    %add3A_2111 = arith.addf %add3A_2108, %abs3A_2110 : vector<16xf32>
    %sub3A_2112 = arith.subf %get3A_2045, %mul3A_2070 : vector<16xf32>
    %abs3A_2113 = math.absf %sub3A_2112 : vector<16xf32>
    %add3A_2114 = arith.addf %add3A_2111, %abs3A_2113 : vector<16xf32>
    %sub3A_2115 = arith.subf %get3A_2047, %mul3A_2070 : vector<16xf32>
    %abs3A_2116 = math.absf %sub3A_2115 : vector<16xf32>
    %add3A_2117 = arith.addf %add3A_2114, %abs3A_2116 : vector<16xf32>
    %sub3A_2118 = arith.subf %get3A_2049, %mul3A_2070 : vector<16xf32>
    %abs3A_2119 = math.absf %sub3A_2118 : vector<16xf32>
    %add3A_2120 = arith.addf %add3A_2117, %abs3A_2119 : vector<16xf32>
    %sub3A_2121 = arith.subf %get3A_2051, %mul3A_2070 : vector<16xf32>
    %abs3A_2122 = math.absf %sub3A_2121 : vector<16xf32>
    %add3A_2123 = arith.addf %add3A_2120, %abs3A_2122 : vector<16xf32>
    %get3A_2124 = arith.constant 1088 : index
    %get3A_2125 = tpu.vector_load %arg8[%get3A_2124] {strides = array<i32>} : memref<1360xf32, #tpu.memory_space<vmem>>, vector<16xf32>,
    %get3A_2126 = arith.constant 1104 : index
    %get3A_2127 = tpu.vector_load %arg8[%get3A_2126] {strides = array<i32>} : memref<1360xf32, #tpu.memory_space<vmem>>, vector<16xf32>,
    %get3A_2128 = arith.constant 1120 : index
    %get3A_2129 = tpu.vector_load %arg8[%get3A_2128] {strides = array<i32>} : memref<1360xf32, #tpu.memory_space<vmem>>, vector<16xf32>,
    %get3A_2130 = arith.constant 1136 : index
    %get3A_2131 = tpu.vector_load %arg8[%get3A_2130] {strides = array<i32>} : memref<1360xf32, #tpu.memory_space<vmem>>, vector<16xf32>,
    %get3A_2132 = arith.constant 1152 : index
    %get3A_2133 = tpu.vector_load %arg8[%get3A_2132] {strides = array<i32>} : memref<1360xf32, #tpu.memory_space<vmem>>, vector<16xf32>,
    %get3A_2134 = arith.constant 1168 : index
    %get3A_2135 = tpu.vector_load %arg8[%get3A_2134] {strides = array<i32>} : memref<1360xf32, #tpu.memory_space<vmem>>, vector<16xf32>,
    %get3A_2136 = arith.constant 1184 : index
    %get3A_2137 = tpu.vector_load %arg8[%get3A_2136] {strides = array<i32>} : memref<1360xf32, #tpu.memory_space<vmem>>, vector<16xf32>,
    %get3A_2138 = arith.constant 1200 : index
    %get3A_2139 = tpu.vector_load %arg8[%get3A_2138] {strides = array<i32>} : memref<1360xf32, #tpu.memory_space<vmem>>, vector<16xf32>,
    %get3A_2140 = arith.constant 1216 : index
    %get3A_2141 = tpu.vector_load %arg8[%get3A_2140] {strides = array<i32>} : memref<1360xf32, #tpu.memory_space<vmem>>, vector<16xf32>,
    %get3A_2142 = arith.constant 1232 : index
    %get3A_2143 = tpu.vector_load %arg8[%get3A_2142] {strides = array<i32>} : memref<1360xf32, #tpu.memory_space<vmem>>, vector<16xf32>,
    %get3A_2144 = arith.constant 1248 : index
    %get3A_2145 = tpu.vector_load %arg8[%get3A_2144] {strides = array<i32>} : memref<1360xf32, #tpu.memory_space<vmem>>, vector<16xf32>,
    %get3A_2146 = arith.constant 1264 : index
    %get3A_2147 = tpu.vector_load %arg8[%get3A_2146] {strides = array<i32>} : memref<1360xf32, #tpu.memory_space<vmem>>, vector<16xf32>,
    %get3A_2148 = arith.constant 1280 : index
    %get3A_2149 = tpu.vector_load %arg8[%get3A_2148] {strides = array<i32>} : memref<1360xf32, #tpu.memory_space<vmem>>, vector<16xf32>,
    %get3A_2150 = arith.constant 1296 : index
    %get3A_2151 = tpu.vector_load %arg8[%get3A_2150] {strides = array<i32>} : memref<1360xf32, #tpu.memory_space<vmem>>, vector<16xf32>,
    %get3A_2152 = arith.constant 1312 : index
    %get3A_2153 = tpu.vector_load %arg8[%get3A_2152] {strides = array<i32>} : memref<1360xf32, #tpu.memory_space<vmem>>, vector<16xf32>,
    %get3A_2154 = arith.constant 1328 : index
    %get3A_2155 = tpu.vector_load %arg8[%get3A_2154] {strides = array<i32>} : memref<1360xf32, #tpu.memory_space<vmem>>, vector<16xf32>,
    %get3A_2156 = arith.constant 1344 : index
    %get3A_2157 = tpu.vector_load %arg8[%get3A_2156] {strides = array<i32>} : memref<1360xf32, #tpu.memory_space<vmem>>, vector<16xf32>,
    %add3A_2158 = arith.addf %get3A_2125, %get3A_2127 : vector<16xf32>
    %add3A_2159 = arith.addf %add3A_2158, %get3A_2129 : vector<16xf32>
    %add3A_2160 = arith.addf %add3A_2159, %get3A_2131 : vector<16xf32>
    %add3A_2161 = arith.addf %add3A_2160, %get3A_2133 : vector<16xf32>
    %add3A_2162 = arith.addf %add3A_2161, %get3A_2135 : vector<16xf32>
    %add3A_2163 = arith.addf %add3A_2162, %get3A_2137 : vector<16xf32>
    %add3A_2164 = arith.addf %add3A_2163, %get3A_2139 : vector<16xf32>
    %add3A_2165 = arith.addf %add3A_2164, %get3A_2141 : vector<16xf32>
    %add3A_2166 = arith.addf %add3A_2165, %get3A_2143 : vector<16xf32>
    %add3A_2167 = arith.addf %add3A_2166, %get3A_2145 : vector<16xf32>
    %add3A_2168 = arith.addf %add3A_2167, %get3A_2147 : vector<16xf32>
    %add3A_2169 = arith.addf %add3A_2168, %get3A_2149 : vector<16xf32>
    %add3A_2170 = arith.addf %add3A_2169, %get3A_2151 : vector<16xf32>
    %add3A_2171 = arith.addf %add3A_2170, %get3A_2153 : vector<16xf32>
    %add3A_2172 = arith.addf %add3A_2171, %get3A_2155 : vector<16xf32>
    %add3A_2173 = arith.addf %add3A_2172, %get3A_2157 : vector<16xf32>
    %mul3A_2174 = arith.constant 0.0588235296 : f32
    %mul3A_2175 = vector.broadcast %mul3A_2174 : f32 to vector<16xf32>
    %mul3A_2176 = arith.mulf %add3A_2173, %mul3A_2175 : vector<16xf32>
    %swap3A_2177 = arith.constant 64 : index
    %swap3A_2178 = tpu.vector_load %arg9[%swap3A_2177] {strides = array<i32>} : memref<80xf32, #tpu.memory_space<vmem>>, vector<16xf32>,
    tpu.vector_store %arg9[%swap3A_2177], %mul3A_2176 {strides = array<i32>} : memref<80xf32, #tpu.memory_space<vmem>>, vector<16xf32>,
    %sub3A_2179 = arith.subf %get3A_2125, %mul3A_2176 : vector<16xf32>
    %abs3A_2180 = math.absf %sub3A_2179 : vector<16xf32>
    %add3A_2181 = arith.addf %add3A_2123, %abs3A_2180 : vector<16xf32>
    %sub3A_2182 = arith.subf %get3A_2127, %mul3A_2176 : vector<16xf32>
    %abs3A_2183 = math.absf %sub3A_2182 : vector<16xf32>
    %add3A_2184 = arith.addf %add3A_2181, %abs3A_2183 : vector<16xf32>
    %sub3A_2185 = arith.subf %get3A_2129, %mul3A_2176 : vector<16xf32>
    %abs3A_2186 = math.absf %sub3A_2185 : vector<16xf32>
    %add3A_2187 = arith.addf %add3A_2184, %abs3A_2186 : vector<16xf32>
    %sub3A_2188 = arith.subf %get3A_2131, %mul3A_2176 : vector<16xf32>
    %abs3A_2189 = math.absf %sub3A_2188 : vector<16xf32>
    %add3A_2190 = arith.addf %add3A_2187, %abs3A_2189 : vector<16xf32>
    %sub3A_2191 = arith.subf %get3A_2133, %mul3A_2176 : vector<16xf32>
    %abs3A_2192 = math.absf %sub3A_2191 : vector<16xf32>
    %add3A_2193 = arith.addf %add3A_2190, %abs3A_2192 : vector<16xf32>
    %sub3A_2194 = arith.subf %get3A_2135, %mul3A_2176 : vector<16xf32>
    %abs3A_2195 = math.absf %sub3A_2194 : vector<16xf32>
    %add3A_2196 = arith.addf %add3A_2193, %abs3A_2195 : vector<16xf32>
    %sub3A_2197 = arith.subf %get3A_2137, %mul3A_2176 : vector<16xf32>
    %abs3A_2198 = math.absf %sub3A_2197 : vector<16xf32>
    %add3A_2199 = arith.addf %add3A_2196, %abs3A_2198 : vector<16xf32>
    %sub3A_2200 = arith.subf %get3A_2139, %mul3A_2176 : vector<16xf32>
    %abs3A_2201 = math.absf %sub3A_2200 : vector<16xf32>
    %add3A_2202 = arith.addf %add3A_2199, %abs3A_2201 : vector<16xf32>
    %sub3A_2203 = arith.subf %get3A_2141, %mul3A_2176 : vector<16xf32>
    %abs3A_2204 = math.absf %sub3A_2203 : vector<16xf32>
    %add3A_2205 = arith.addf %add3A_2202, %abs3A_2204 : vector<16xf32>
    %sub3A_2206 = arith.subf %get3A_2143, %mul3A_2176 : vector<16xf32>
    %abs3A_2207 = math.absf %sub3A_2206 : vector<16xf32>
    %add3A_2208 = arith.addf %add3A_2205, %abs3A_2207 : vector<16xf32>
    %sub3A_2209 = arith.subf %get3A_2145, %mul3A_2176 : vector<16xf32>
    %abs3A_2210 = math.absf %sub3A_2209 : vector<16xf32>
    %add3A_2211 = arith.addf %add3A_2208, %abs3A_2210 : vector<16xf32>
    %sub3A_2212 = arith.subf %get3A_2147, %mul3A_2176 : vector<16xf32>
    %abs3A_2213 = math.absf %sub3A_2212 : vector<16xf32>
    %add3A_2214 = arith.addf %add3A_2211, %abs3A_2213 : vector<16xf32>
    %sub3A_2215 = arith.subf %get3A_2149, %mul3A_2176 : vector<16xf32>
    %abs3A_2216 = math.absf %sub3A_2215 : vector<16xf32>
    %add3A_2217 = arith.addf %add3A_2214, %abs3A_2216 : vector<16xf32>
    %sub3A_2218 = arith.subf %get3A_2151, %mul3A_2176 : vector<16xf32>
    %abs3A_2219 = math.absf %sub3A_2218 : vector<16xf32>
    %add3A_2220 = arith.addf %add3A_2217, %abs3A_2219 : vector<16xf32>
    %sub3A_2221 = arith.subf %get3A_2153, %mul3A_2176 : vector<16xf32>
    %abs3A_2222 = math.absf %sub3A_2221 : vector<16xf32>
    %add3A_2223 = arith.addf %add3A_2220, %abs3A_2222 : vector<16xf32>
    %sub3A_2224 = arith.subf %get3A_2155, %mul3A_2176 : vector<16xf32>
    %abs3A_2225 = math.absf %sub3A_2224 : vector<16xf32>
    %add3A_2226 = arith.addf %add3A_2223, %abs3A_2225 : vector<16xf32>
    %sub3A_2227 = arith.subf %get3A_2157, %mul3A_2176 : vector<16xf32>
    %abs3A_2228 = math.absf %sub3A_2227 : vector<16xf32>
    %add3A_2229 = arith.addf %add3A_2226, %abs3A_2228 : vector<16xf32>
    %mul3A_2230 = arith.constant 5 : i32
    %mul3A_2231 = arith.muli %arg1, %mul3A_2230 : i32
    %mul3A_2232 = arith.constant 16 : i32
    %mul3A_2233 = arith.muli %mul3A_2231, %mul3A_2232 : i32
    "tpu.region"() ({
      %run_scoped3A = tpu.sem_alloc : memref<!tpu.dma_semaphore, #tpu.memory_space<semaphore_mem>>
      %dma_start3A_3409 = tpu.memref_slice %arg14[%mul3A_2233] : memref<1280xf32, #tpu.memory_space<vmem_shared>> -> memref<80xf32, #tpu.memory_space<vmem_shared>>
      %dma_start3A_3410 = tpu.memref_slice %arg14[%mul3A_2233] : memref<1280xf32, #tpu.memory_space<vmem_shared>> -> memref<80xf32, #tpu.memory_space<vmem_shared>>
      tpu.enqueue_dma source(%arg9 : memref<80xf32, #tpu.memory_space<vmem>>) target(%dma_start3A_3410 : memref<80xf32, #tpu.memory_space<vmem_shared>>) target_semaphore(%run_scoped3A : memref<!tpu.dma_semaphore, #tpu.memory_space<semaphore_mem>>)
      %dma_wait3A_3411 = tpu.memref_slice %arg14[%mul3A_2233] : memref<1280xf32, #tpu.memory_space<vmem_shared>> -> memref<80xf32, #tpu.memory_space<vmem_shared>>
      %dma_wait3A_3412 = tpu.memref_slice %arg14[%mul3A_2233] : memref<1280xf32, #tpu.memory_space<vmem_shared>> -> memref<80xf32, #tpu.memory_space<vmem_shared>>
      tpu.wait_dma2 semaphore(%run_scoped3A : memref<!tpu.dma_semaphore, #tpu.memory_space<semaphore_mem>>) src(%arg9 : memref<80xf32, #tpu.memory_space<vmem>>) dst(%dma_wait3A_3412 : memref<80xf32, #tpu.memory_space<vmem_shared>>)
      tpu.yield
    }) : () -> ()
    %barrier3A = arith.constant 0 : index
    tpu.barrier barrier_id(%barrier3A)
    "tpu.region"() ({
      %run_scoped3A = tpu.sem_alloc : memref<!tpu.dma_semaphore, #tpu.memory_space<semaphore_mem>>
      tpu.enqueue_dma source(%arg14 : memref<1280xf32, #tpu.memory_space<vmem_shared>>) target(%arg10 : memref<1280xf32, #tpu.memory_space<vmem>>) target_semaphore(%run_scoped3A : memref<!tpu.dma_semaphore, #tpu.memory_space<semaphore_mem>>)
      tpu.wait_dma2 semaphore(%run_scoped3A : memref<!tpu.dma_semaphore, #tpu.memory_space<semaphore_mem>>) src(%arg14 : memref<1280xf32, #tpu.memory_space<vmem_shared>>) dst(%arg10 : memref<1280xf32, #tpu.memory_space<vmem>>)
      tpu.yield
    }) : () -> ()
    %mul3A_2234 = arith.constant 5 : i32
    %mul3A_2235 = arith.muli %arg1, %mul3A_2234 : i32
    %add3A_2236 = arith.constant 0 : i32
    %add3A_2237 = arith.addi %mul3A_2235, %add3A_2236 : i32
    %mul3A_2238 = arith.constant 5 : i32
    %mul3A_2239 = arith.muli %add3A, %mul3A_2238 : i32
    %add3A_2240 = arith.constant 0 : i32
    %add3A_2241 = arith.addi %mul3A_2239, %add3A_2240 : i32
    %jit3A_2242 = arith.constant 2 : i32
    %div3A_2243 = arith.divsi %add3A_2241, %jit3A_2242 : i32
    %sign3A_2244 = arith.constant 0 : i32
    %sign3A_2245 = arith.cmpi sgt, %add3A_2241, %sign3A_2244 : i32
    %sign3A_2246 = arith.extui %sign3A_2245 : i1 to i32
    %sign3A_2247 = arith.constant 0 : i32
    %sign3A_2248 = arith.cmpi slt, %add3A_2241, %sign3A_2247 : i32
    %sign3A_2249 = arith.extui %sign3A_2248 : i1 to i32
    %sign3A_2250 = arith.subi %sign3A_2246, %sign3A_2249 : i32
    %sign3A_2251 = arith.constant 0 : i32
    %sign3A_2252 = arith.cmpi sgt, %jit3A_2242, %sign3A_2251 : i32
    %sign3A_2253 = arith.extui %sign3A_2252 : i1 to i32
    %sign3A_2254 = arith.constant 0 : i32
    %sign3A_2255 = arith.cmpi slt, %jit3A_2242, %sign3A_2254 : i32
    %sign3A_2256 = arith.extui %sign3A_2255 : i1 to i32
    %sign3A_2257 = arith.subi %sign3A_2253, %sign3A_2256 : i32
    %ne3A_2258 = arith.cmpi ne, %sign3A_2250, %sign3A_2257 : i32
    %rem3A_2259 = arith.remsi %add3A_2241, %jit3A_2242 : i32
    %ne3A_2260 = arith.constant 0 : i32
    %ne3A_2261 = arith.cmpi ne, %rem3A_2259, %ne3A_2260 : i32
    %and3A_2262 = arith.andi %ne3A_2258, %ne3A_2261 : i1
    %sub3A_2263 = arith.constant 1 : i32
    %sub3A_2264 = arith.subi %div3A_2243, %sub3A_2263 : i32
    %select_n3A_2265 = arith.select %and3A_2262, %sub3A_2264, %div3A_2243 : i32
    %mul3A_2266 = arith.constant 2 : i32
    %mul3A_2267 = arith.muli %select_n3A_2265, %mul3A_2266 : i32
    %sub3A_2268 = arith.subi %add3A_2241, %mul3A_2267 : i32
    %jit3A_2269 = arith.constant 10 : i32
    %div3A_2270 = arith.divsi %select_n3A_2265, %jit3A_2269 : i32
    %sign3A_2271 = arith.constant 0 : i32
    %sign3A_2272 = arith.cmpi sgt, %select_n3A_2265, %sign3A_2271 : i32
    %sign3A_2273 = arith.extui %sign3A_2272 : i1 to i32
    %sign3A_2274 = arith.constant 0 : i32
    %sign3A_2275 = arith.cmpi slt, %select_n3A_2265, %sign3A_2274 : i32
    %sign3A_2276 = arith.extui %sign3A_2275 : i1 to i32
    %sign3A_2277 = arith.subi %sign3A_2273, %sign3A_2276 : i32
    %sign3A_2278 = arith.constant 0 : i32
    %sign3A_2279 = arith.cmpi sgt, %jit3A_2269, %sign3A_2278 : i32
    %sign3A_2280 = arith.extui %sign3A_2279 : i1 to i32
    %sign3A_2281 = arith.constant 0 : i32
    %sign3A_2282 = arith.cmpi slt, %jit3A_2269, %sign3A_2281 : i32
    %sign3A_2283 = arith.extui %sign3A_2282 : i1 to i32
    %sign3A_2284 = arith.subi %sign3A_2280, %sign3A_2283 : i32
    %ne3A_2285 = arith.cmpi ne, %sign3A_2277, %sign3A_2284 : i32
    %rem3A_2286 = arith.remsi %select_n3A_2265, %jit3A_2269 : i32
    %ne3A_2287 = arith.constant 0 : i32
    %ne3A_2288 = arith.cmpi ne, %rem3A_2286, %ne3A_2287 : i32
    %and3A_2289 = arith.andi %ne3A_2285, %ne3A_2288 : i1
    %sub3A_2290 = arith.constant 1 : i32
    %sub3A_2291 = arith.subi %div3A_2270, %sub3A_2290 : i32
    %select_n3A_2292 = arith.select %and3A_2289, %sub3A_2291, %div3A_2270 : i32
    %mul3A_2293 = arith.constant 16 : i32
    %mul3A_2294 = arith.muli %add3A_2237, %mul3A_2293 : i32
    %get3A_2295 = arith.index_cast %mul3A_2294 : i32 to index
    %get3A_2296 = tpu.vector_load %arg10[%get3A_2295] {strides = array<i32>} : memref<1280xf32, #tpu.memory_space<vmem>>, vector<16xf32>,
    %mul3A_2297 = arith.constant 10 : i32
    %mul3A_2298 = arith.muli %select_n3A_2292, %mul3A_2297 : i32
    %add3A_2299 = arith.constant 0 : i32
    %add3A_2300 = arith.addi %mul3A_2298, %add3A_2299 : i32
    %mul3A_2301 = arith.constant 2 : i32
    %mul3A_2302 = arith.muli %add3A_2300, %mul3A_2301 : i32
    %add3A_2303 = arith.addi %mul3A_2302, %sub3A_2268 : i32
    %mul3A_2304 = arith.constant 80 : i32
    %mul3A_2305 = arith.muli %arg0, %mul3A_2304 : i32
    %sub3A_2306 = arith.subi %add3A_2303, %mul3A_2305 : i32
    %mul3A_2307 = arith.constant 16 : i32
    %mul3A_2308 = arith.muli %sub3A_2306, %mul3A_2307 : i32
    %get3A_2309 = arith.index_cast %mul3A_2308 : i32 to index
    %get3A_2310 = tpu.vector_load %arg10[%get3A_2309] {strides = array<i32>} : memref<1280xf32, #tpu.memory_space<vmem>>, vector<16xf32>,
    %sub3A_2311 = arith.subf %get3A_2296, %get3A_2310 : vector<16xf32>
    %abs3A_2312 = math.absf %sub3A_2311 : vector<16xf32>
    %add3A_2313 = arith.addf %broadcast_in_dim3A_1, %abs3A_2312 : vector<16xf32>
    %mul3A_2314 = arith.constant 10 : i32
    %mul3A_2315 = arith.muli %select_n3A_2292, %mul3A_2314 : i32
    %add3A_2316 = arith.constant 1 : i32
    %add3A_2317 = arith.addi %mul3A_2315, %add3A_2316 : i32
    %mul3A_2318 = arith.constant 2 : i32
    %mul3A_2319 = arith.muli %add3A_2317, %mul3A_2318 : i32
    %add3A_2320 = arith.addi %mul3A_2319, %sub3A_2268 : i32
    %mul3A_2321 = arith.constant 80 : i32
    %mul3A_2322 = arith.muli %arg0, %mul3A_2321 : i32
    %sub3A_2323 = arith.subi %add3A_2320, %mul3A_2322 : i32
    %mul3A_2324 = arith.constant 16 : i32
    %mul3A_2325 = arith.muli %sub3A_2323, %mul3A_2324 : i32
    %get3A_2326 = arith.index_cast %mul3A_2325 : i32 to index
    %get3A_2327 = tpu.vector_load %arg10[%get3A_2326] {strides = array<i32>} : memref<1280xf32, #tpu.memory_space<vmem>>, vector<16xf32>,
    %sub3A_2328 = arith.subf %get3A_2296, %get3A_2327 : vector<16xf32>
    %abs3A_2329 = math.absf %sub3A_2328 : vector<16xf32>
    %add3A_2330 = arith.addf %add3A_2313, %abs3A_2329 : vector<16xf32>
    %mul3A_2331 = arith.constant 10 : i32
    %mul3A_2332 = arith.muli %select_n3A_2292, %mul3A_2331 : i32
    %add3A_2333 = arith.constant 2 : i32
    %add3A_2334 = arith.addi %mul3A_2332, %add3A_2333 : i32
    %mul3A_2335 = arith.constant 2 : i32
    %mul3A_2336 = arith.muli %add3A_2334, %mul3A_2335 : i32
    %add3A_2337 = arith.addi %mul3A_2336, %sub3A_2268 : i32
    %mul3A_2338 = arith.constant 80 : i32
    %mul3A_2339 = arith.muli %arg0, %mul3A_2338 : i32
    %sub3A_2340 = arith.subi %add3A_2337, %mul3A_2339 : i32
    %mul3A_2341 = arith.constant 16 : i32
    %mul3A_2342 = arith.muli %sub3A_2340, %mul3A_2341 : i32
    %get3A_2343 = arith.index_cast %mul3A_2342 : i32 to index
    %get3A_2344 = tpu.vector_load %arg10[%get3A_2343] {strides = array<i32>} : memref<1280xf32, #tpu.memory_space<vmem>>, vector<16xf32>,
    %sub3A_2345 = arith.subf %get3A_2296, %get3A_2344 : vector<16xf32>
    %abs3A_2346 = math.absf %sub3A_2345 : vector<16xf32>
    %add3A_2347 = arith.addf %add3A_2330, %abs3A_2346 : vector<16xf32>
    %mul3A_2348 = arith.constant 10 : i32
    %mul3A_2349 = arith.muli %select_n3A_2292, %mul3A_2348 : i32
    %add3A_2350 = arith.constant 3 : i32
    %add3A_2351 = arith.addi %mul3A_2349, %add3A_2350 : i32
    %mul3A_2352 = arith.constant 2 : i32
    %mul3A_2353 = arith.muli %add3A_2351, %mul3A_2352 : i32
    %add3A_2354 = arith.addi %mul3A_2353, %sub3A_2268 : i32
    %mul3A_2355 = arith.constant 80 : i32
    %mul3A_2356 = arith.muli %arg0, %mul3A_2355 : i32
    %sub3A_2357 = arith.subi %add3A_2354, %mul3A_2356 : i32
    %mul3A_2358 = arith.constant 16 : i32
    %mul3A_2359 = arith.muli %sub3A_2357, %mul3A_2358 : i32
    %get3A_2360 = arith.index_cast %mul3A_2359 : i32 to index
    %get3A_2361 = tpu.vector_load %arg10[%get3A_2360] {strides = array<i32>} : memref<1280xf32, #tpu.memory_space<vmem>>, vector<16xf32>,
    %sub3A_2362 = arith.subf %get3A_2296, %get3A_2361 : vector<16xf32>
    %abs3A_2363 = math.absf %sub3A_2362 : vector<16xf32>
    %add3A_2364 = arith.addf %add3A_2347, %abs3A_2363 : vector<16xf32>
    %mul3A_2365 = arith.constant 10 : i32
    %mul3A_2366 = arith.muli %select_n3A_2292, %mul3A_2365 : i32
    %add3A_2367 = arith.constant 4 : i32
    %add3A_2368 = arith.addi %mul3A_2366, %add3A_2367 : i32
    %mul3A_2369 = arith.constant 2 : i32
    %mul3A_2370 = arith.muli %add3A_2368, %mul3A_2369 : i32
    %add3A_2371 = arith.addi %mul3A_2370, %sub3A_2268 : i32
    %mul3A_2372 = arith.constant 80 : i32
    %mul3A_2373 = arith.muli %arg0, %mul3A_2372 : i32
    %sub3A_2374 = arith.subi %add3A_2371, %mul3A_2373 : i32
    %mul3A_2375 = arith.constant 16 : i32
    %mul3A_2376 = arith.muli %sub3A_2374, %mul3A_2375 : i32
    %get3A_2377 = arith.index_cast %mul3A_2376 : i32 to index
    %get3A_2378 = tpu.vector_load %arg10[%get3A_2377] {strides = array<i32>} : memref<1280xf32, #tpu.memory_space<vmem>>, vector<16xf32>,
    %sub3A_2379 = arith.subf %get3A_2296, %get3A_2378 : vector<16xf32>
    %abs3A_2380 = math.absf %sub3A_2379 : vector<16xf32>
    %add3A_2381 = arith.addf %add3A_2364, %abs3A_2380 : vector<16xf32>
    %mul3A_2382 = arith.constant 10 : i32
    %mul3A_2383 = arith.muli %select_n3A_2292, %mul3A_2382 : i32
    %add3A_2384 = arith.constant 5 : i32
    %add3A_2385 = arith.addi %mul3A_2383, %add3A_2384 : i32
    %mul3A_2386 = arith.constant 2 : i32
    %mul3A_2387 = arith.muli %add3A_2385, %mul3A_2386 : i32
    %add3A_2388 = arith.addi %mul3A_2387, %sub3A_2268 : i32
    %mul3A_2389 = arith.constant 80 : i32
    %mul3A_2390 = arith.muli %arg0, %mul3A_2389 : i32
    %sub3A_2391 = arith.subi %add3A_2388, %mul3A_2390 : i32
    %mul3A_2392 = arith.constant 16 : i32
    %mul3A_2393 = arith.muli %sub3A_2391, %mul3A_2392 : i32
    %get3A_2394 = arith.index_cast %mul3A_2393 : i32 to index
    %get3A_2395 = tpu.vector_load %arg10[%get3A_2394] {strides = array<i32>} : memref<1280xf32, #tpu.memory_space<vmem>>, vector<16xf32>,
    %sub3A_2396 = arith.subf %get3A_2296, %get3A_2395 : vector<16xf32>
    %abs3A_2397 = math.absf %sub3A_2396 : vector<16xf32>
    %add3A_2398 = arith.addf %add3A_2381, %abs3A_2397 : vector<16xf32>
    %mul3A_2399 = arith.constant 10 : i32
    %mul3A_2400 = arith.muli %select_n3A_2292, %mul3A_2399 : i32
    %add3A_2401 = arith.constant 6 : i32
    %add3A_2402 = arith.addi %mul3A_2400, %add3A_2401 : i32
    %mul3A_2403 = arith.constant 2 : i32
    %mul3A_2404 = arith.muli %add3A_2402, %mul3A_2403 : i32
    %add3A_2405 = arith.addi %mul3A_2404, %sub3A_2268 : i32
    %mul3A_2406 = arith.constant 80 : i32
    %mul3A_2407 = arith.muli %arg0, %mul3A_2406 : i32
    %sub3A_2408 = arith.subi %add3A_2405, %mul3A_2407 : i32
    %mul3A_2409 = arith.constant 16 : i32
    %mul3A_2410 = arith.muli %sub3A_2408, %mul3A_2409 : i32
    %get3A_2411 = arith.index_cast %mul3A_2410 : i32 to index
    %get3A_2412 = tpu.vector_load %arg10[%get3A_2411] {strides = array<i32>} : memref<1280xf32, #tpu.memory_space<vmem>>, vector<16xf32>,
    %sub3A_2413 = arith.subf %get3A_2296, %get3A_2412 : vector<16xf32>
    %abs3A_2414 = math.absf %sub3A_2413 : vector<16xf32>
    %add3A_2415 = arith.addf %add3A_2398, %abs3A_2414 : vector<16xf32>
    %mul3A_2416 = arith.constant 10 : i32
    %mul3A_2417 = arith.muli %select_n3A_2292, %mul3A_2416 : i32
    %add3A_2418 = arith.constant 7 : i32
    %add3A_2419 = arith.addi %mul3A_2417, %add3A_2418 : i32
    %mul3A_2420 = arith.constant 2 : i32
    %mul3A_2421 = arith.muli %add3A_2419, %mul3A_2420 : i32
    %add3A_2422 = arith.addi %mul3A_2421, %sub3A_2268 : i32
    %mul3A_2423 = arith.constant 80 : i32
    %mul3A_2424 = arith.muli %arg0, %mul3A_2423 : i32
    %sub3A_2425 = arith.subi %add3A_2422, %mul3A_2424 : i32
    %mul3A_2426 = arith.constant 16 : i32
    %mul3A_2427 = arith.muli %sub3A_2425, %mul3A_2426 : i32
    %get3A_2428 = arith.index_cast %mul3A_2427 : i32 to index
    %get3A_2429 = tpu.vector_load %arg10[%get3A_2428] {strides = array<i32>} : memref<1280xf32, #tpu.memory_space<vmem>>, vector<16xf32>,
    %sub3A_2430 = arith.subf %get3A_2296, %get3A_2429 : vector<16xf32>
    %abs3A_2431 = math.absf %sub3A_2430 : vector<16xf32>
    %add3A_2432 = arith.addf %add3A_2415, %abs3A_2431 : vector<16xf32>
    %mul3A_2433 = arith.constant 10 : i32
    %mul3A_2434 = arith.muli %select_n3A_2292, %mul3A_2433 : i32
    %add3A_2435 = arith.constant 8 : i32
    %add3A_2436 = arith.addi %mul3A_2434, %add3A_2435 : i32
    %mul3A_2437 = arith.constant 2 : i32
    %mul3A_2438 = arith.muli %add3A_2436, %mul3A_2437 : i32
    %add3A_2439 = arith.addi %mul3A_2438, %sub3A_2268 : i32
    %mul3A_2440 = arith.constant 80 : i32
    %mul3A_2441 = arith.muli %arg0, %mul3A_2440 : i32
    %sub3A_2442 = arith.subi %add3A_2439, %mul3A_2441 : i32
    %mul3A_2443 = arith.constant 16 : i32
    %mul3A_2444 = arith.muli %sub3A_2442, %mul3A_2443 : i32
    %get3A_2445 = arith.index_cast %mul3A_2444 : i32 to index
    %get3A_2446 = tpu.vector_load %arg10[%get3A_2445] {strides = array<i32>} : memref<1280xf32, #tpu.memory_space<vmem>>, vector<16xf32>,
    %sub3A_2447 = arith.subf %get3A_2296, %get3A_2446 : vector<16xf32>
    %abs3A_2448 = math.absf %sub3A_2447 : vector<16xf32>
    %add3A_2449 = arith.addf %add3A_2432, %abs3A_2448 : vector<16xf32>
    %mul3A_2450 = arith.constant 10 : i32
    %mul3A_2451 = arith.muli %select_n3A_2292, %mul3A_2450 : i32
    %add3A_2452 = arith.constant 9 : i32
    %add3A_2453 = arith.addi %mul3A_2451, %add3A_2452 : i32
    %mul3A_2454 = arith.constant 2 : i32
    %mul3A_2455 = arith.muli %add3A_2453, %mul3A_2454 : i32
    %add3A_2456 = arith.addi %mul3A_2455, %sub3A_2268 : i32
    %mul3A_2457 = arith.constant 80 : i32
    %mul3A_2458 = arith.muli %arg0, %mul3A_2457 : i32
    %sub3A_2459 = arith.subi %add3A_2456, %mul3A_2458 : i32
    %mul3A_2460 = arith.constant 16 : i32
    %mul3A_2461 = arith.muli %sub3A_2459, %mul3A_2460 : i32
    %get3A_2462 = arith.index_cast %mul3A_2461 : i32 to index
    %get3A_2463 = tpu.vector_load %arg10[%get3A_2462] {strides = array<i32>} : memref<1280xf32, #tpu.memory_space<vmem>>, vector<16xf32>,
    %sub3A_2464 = arith.subf %get3A_2296, %get3A_2463 : vector<16xf32>
    %abs3A_2465 = math.absf %sub3A_2464 : vector<16xf32>
    %add3A_2466 = arith.addf %add3A_2449, %abs3A_2465 : vector<16xf32>
    %mul3A_2467 = arith.constant 5 : i32
    %mul3A_2468 = arith.muli %arg1, %mul3A_2467 : i32
    %add3A_2469 = arith.constant 1 : i32
    %add3A_2470 = arith.addi %mul3A_2468, %add3A_2469 : i32
    %mul3A_2471 = arith.constant 5 : i32
    %mul3A_2472 = arith.muli %add3A, %mul3A_2471 : i32
    %add3A_2473 = arith.constant 1 : i32
    %add3A_2474 = arith.addi %mul3A_2472, %add3A_2473 : i32
    %jit3A_2475 = arith.constant 2 : i32
    %div3A_2476 = arith.divsi %add3A_2474, %jit3A_2475 : i32
    %sign3A_2477 = arith.constant 0 : i32
    %sign3A_2478 = arith.cmpi sgt, %add3A_2474, %sign3A_2477 : i32
    %sign3A_2479 = arith.extui %sign3A_2478 : i1 to i32
    %sign3A_2480 = arith.constant 0 : i32
    %sign3A_2481 = arith.cmpi slt, %add3A_2474, %sign3A_2480 : i32
    %sign3A_2482 = arith.extui %sign3A_2481 : i1 to i32
    %sign3A_2483 = arith.subi %sign3A_2479, %sign3A_2482 : i32
    %sign3A_2484 = arith.constant 0 : i32
    %sign3A_2485 = arith.cmpi sgt, %jit3A_2475, %sign3A_2484 : i32
    %sign3A_2486 = arith.extui %sign3A_2485 : i1 to i32
    %sign3A_2487 = arith.constant 0 : i32
    %sign3A_2488 = arith.cmpi slt, %jit3A_2475, %sign3A_2487 : i32
    %sign3A_2489 = arith.extui %sign3A_2488 : i1 to i32
    %sign3A_2490 = arith.subi %sign3A_2486, %sign3A_2489 : i32
    %ne3A_2491 = arith.cmpi ne, %sign3A_2483, %sign3A_2490 : i32
    %rem3A_2492 = arith.remsi %add3A_2474, %jit3A_2475 : i32
    %ne3A_2493 = arith.constant 0 : i32
    %ne3A_2494 = arith.cmpi ne, %rem3A_2492, %ne3A_2493 : i32
    %and3A_2495 = arith.andi %ne3A_2491, %ne3A_2494 : i1
    %sub3A_2496 = arith.constant 1 : i32
    %sub3A_2497 = arith.subi %div3A_2476, %sub3A_2496 : i32
    %select_n3A_2498 = arith.select %and3A_2495, %sub3A_2497, %div3A_2476 : i32
    %mul3A_2499 = arith.constant 2 : i32
    %mul3A_2500 = arith.muli %select_n3A_2498, %mul3A_2499 : i32
    %sub3A_2501 = arith.subi %add3A_2474, %mul3A_2500 : i32
    %jit3A_2502 = arith.constant 10 : i32
    %div3A_2503 = arith.divsi %select_n3A_2498, %jit3A_2502 : i32
    %sign3A_2504 = arith.constant 0 : i32
    %sign3A_2505 = arith.cmpi sgt, %select_n3A_2498, %sign3A_2504 : i32
    %sign3A_2506 = arith.extui %sign3A_2505 : i1 to i32
    %sign3A_2507 = arith.constant 0 : i32
    %sign3A_2508 = arith.cmpi slt, %select_n3A_2498, %sign3A_2507 : i32
    %sign3A_2509 = arith.extui %sign3A_2508 : i1 to i32
    %sign3A_2510 = arith.subi %sign3A_2506, %sign3A_2509 : i32
    %sign3A_2511 = arith.constant 0 : i32
    %sign3A_2512 = arith.cmpi sgt, %jit3A_2502, %sign3A_2511 : i32
    %sign3A_2513 = arith.extui %sign3A_2512 : i1 to i32
    %sign3A_2514 = arith.constant 0 : i32
    %sign3A_2515 = arith.cmpi slt, %jit3A_2502, %sign3A_2514 : i32
    %sign3A_2516 = arith.extui %sign3A_2515 : i1 to i32
    %sign3A_2517 = arith.subi %sign3A_2513, %sign3A_2516 : i32
    %ne3A_2518 = arith.cmpi ne, %sign3A_2510, %sign3A_2517 : i32
    %rem3A_2519 = arith.remsi %select_n3A_2498, %jit3A_2502 : i32
    %ne3A_2520 = arith.constant 0 : i32
    %ne3A_2521 = arith.cmpi ne, %rem3A_2519, %ne3A_2520 : i32
    %and3A_2522 = arith.andi %ne3A_2518, %ne3A_2521 : i1
    %sub3A_2523 = arith.constant 1 : i32
    %sub3A_2524 = arith.subi %div3A_2503, %sub3A_2523 : i32
    %select_n3A_2525 = arith.select %and3A_2522, %sub3A_2524, %div3A_2503 : i32
    %mul3A_2526 = arith.constant 16 : i32
    %mul3A_2527 = arith.muli %add3A_2470, %mul3A_2526 : i32
    %get3A_2528 = arith.index_cast %mul3A_2527 : i32 to index
    %get3A_2529 = tpu.vector_load %arg10[%get3A_2528] {strides = array<i32>} : memref<1280xf32, #tpu.memory_space<vmem>>, vector<16xf32>,
    %mul3A_2530 = arith.constant 10 : i32
    %mul3A_2531 = arith.muli %select_n3A_2525, %mul3A_2530 : i32
    %add3A_2532 = arith.constant 0 : i32
    %add3A_2533 = arith.addi %mul3A_2531, %add3A_2532 : i32
    %mul3A_2534 = arith.constant 2 : i32
    %mul3A_2535 = arith.muli %add3A_2533, %mul3A_2534 : i32
    %add3A_2536 = arith.addi %mul3A_2535, %sub3A_2501 : i32
    %mul3A_2537 = arith.constant 80 : i32
    %mul3A_2538 = arith.muli %arg0, %mul3A_2537 : i32
    %sub3A_2539 = arith.subi %add3A_2536, %mul3A_2538 : i32
    %mul3A_2540 = arith.constant 16 : i32
    %mul3A_2541 = arith.muli %sub3A_2539, %mul3A_2540 : i32
    %get3A_2542 = arith.index_cast %mul3A_2541 : i32 to index
    %get3A_2543 = tpu.vector_load %arg10[%get3A_2542] {strides = array<i32>} : memref<1280xf32, #tpu.memory_space<vmem>>, vector<16xf32>,
    %sub3A_2544 = arith.subf %get3A_2529, %get3A_2543 : vector<16xf32>
    %abs3A_2545 = math.absf %sub3A_2544 : vector<16xf32>
    %add3A_2546 = arith.addf %add3A_2466, %abs3A_2545 : vector<16xf32>
    %mul3A_2547 = arith.constant 10 : i32
    %mul3A_2548 = arith.muli %select_n3A_2525, %mul3A_2547 : i32
    %add3A_2549 = arith.constant 1 : i32
    %add3A_2550 = arith.addi %mul3A_2548, %add3A_2549 : i32
    %mul3A_2551 = arith.constant 2 : i32
    %mul3A_2552 = arith.muli %add3A_2550, %mul3A_2551 : i32
    %add3A_2553 = arith.addi %mul3A_2552, %sub3A_2501 : i32
    %mul3A_2554 = arith.constant 80 : i32
    %mul3A_2555 = arith.muli %arg0, %mul3A_2554 : i32
    %sub3A_2556 = arith.subi %add3A_2553, %mul3A_2555 : i32
    %mul3A_2557 = arith.constant 16 : i32
    %mul3A_2558 = arith.muli %sub3A_2556, %mul3A_2557 : i32
    %get3A_2559 = arith.index_cast %mul3A_2558 : i32 to index
    %get3A_2560 = tpu.vector_load %arg10[%get3A_2559] {strides = array<i32>} : memref<1280xf32, #tpu.memory_space<vmem>>, vector<16xf32>,
    %sub3A_2561 = arith.subf %get3A_2529, %get3A_2560 : vector<16xf32>
    %abs3A_2562 = math.absf %sub3A_2561 : vector<16xf32>
    %add3A_2563 = arith.addf %add3A_2546, %abs3A_2562 : vector<16xf32>
    %mul3A_2564 = arith.constant 10 : i32
    %mul3A_2565 = arith.muli %select_n3A_2525, %mul3A_2564 : i32
    %add3A_2566 = arith.constant 2 : i32
    %add3A_2567 = arith.addi %mul3A_2565, %add3A_2566 : i32
    %mul3A_2568 = arith.constant 2 : i32
    %mul3A_2569 = arith.muli %add3A_2567, %mul3A_2568 : i32
    %add3A_2570 = arith.addi %mul3A_2569, %sub3A_2501 : i32
    %mul3A_2571 = arith.constant 80 : i32
    %mul3A_2572 = arith.muli %arg0, %mul3A_2571 : i32
    %sub3A_2573 = arith.subi %add3A_2570, %mul3A_2572 : i32
    %mul3A_2574 = arith.constant 16 : i32
    %mul3A_2575 = arith.muli %sub3A_2573, %mul3A_2574 : i32
    %get3A_2576 = arith.index_cast %mul3A_2575 : i32 to index
    %get3A_2577 = tpu.vector_load %arg10[%get3A_2576] {strides = array<i32>} : memref<1280xf32, #tpu.memory_space<vmem>>, vector<16xf32>,
    %sub3A_2578 = arith.subf %get3A_2529, %get3A_2577 : vector<16xf32>
    %abs3A_2579 = math.absf %sub3A_2578 : vector<16xf32>
    %add3A_2580 = arith.addf %add3A_2563, %abs3A_2579 : vector<16xf32>
    %mul3A_2581 = arith.constant 10 : i32
    %mul3A_2582 = arith.muli %select_n3A_2525, %mul3A_2581 : i32
    %add3A_2583 = arith.constant 3 : i32
    %add3A_2584 = arith.addi %mul3A_2582, %add3A_2583 : i32
    %mul3A_2585 = arith.constant 2 : i32
    %mul3A_2586 = arith.muli %add3A_2584, %mul3A_2585 : i32
    %add3A_2587 = arith.addi %mul3A_2586, %sub3A_2501 : i32
    %mul3A_2588 = arith.constant 80 : i32
    %mul3A_2589 = arith.muli %arg0, %mul3A_2588 : i32
    %sub3A_2590 = arith.subi %add3A_2587, %mul3A_2589 : i32
    %mul3A_2591 = arith.constant 16 : i32
    %mul3A_2592 = arith.muli %sub3A_2590, %mul3A_2591 : i32
    %get3A_2593 = arith.index_cast %mul3A_2592 : i32 to index
    %get3A_2594 = tpu.vector_load %arg10[%get3A_2593] {strides = array<i32>} : memref<1280xf32, #tpu.memory_space<vmem>>, vector<16xf32>,
    %sub3A_2595 = arith.subf %get3A_2529, %get3A_2594 : vector<16xf32>
    %abs3A_2596 = math.absf %sub3A_2595 : vector<16xf32>
    %add3A_2597 = arith.addf %add3A_2580, %abs3A_2596 : vector<16xf32>
    %mul3A_2598 = arith.constant 10 : i32
    %mul3A_2599 = arith.muli %select_n3A_2525, %mul3A_2598 : i32
    %add3A_2600 = arith.constant 4 : i32
    %add3A_2601 = arith.addi %mul3A_2599, %add3A_2600 : i32
    %mul3A_2602 = arith.constant 2 : i32
    %mul3A_2603 = arith.muli %add3A_2601, %mul3A_2602 : i32
    %add3A_2604 = arith.addi %mul3A_2603, %sub3A_2501 : i32
    %mul3A_2605 = arith.constant 80 : i32
    %mul3A_2606 = arith.muli %arg0, %mul3A_2605 : i32
    %sub3A_2607 = arith.subi %add3A_2604, %mul3A_2606 : i32
    %mul3A_2608 = arith.constant 16 : i32
    %mul3A_2609 = arith.muli %sub3A_2607, %mul3A_2608 : i32
    %get3A_2610 = arith.index_cast %mul3A_2609 : i32 to index
    %get3A_2611 = tpu.vector_load %arg10[%get3A_2610] {strides = array<i32>} : memref<1280xf32, #tpu.memory_space<vmem>>, vector<16xf32>,
    %sub3A_2612 = arith.subf %get3A_2529, %get3A_2611 : vector<16xf32>
    %abs3A_2613 = math.absf %sub3A_2612 : vector<16xf32>
    %add3A_2614 = arith.addf %add3A_2597, %abs3A_2613 : vector<16xf32>
    %mul3A_2615 = arith.constant 10 : i32
    %mul3A_2616 = arith.muli %select_n3A_2525, %mul3A_2615 : i32
    %add3A_2617 = arith.constant 5 : i32
    %add3A_2618 = arith.addi %mul3A_2616, %add3A_2617 : i32
    %mul3A_2619 = arith.constant 2 : i32
    %mul3A_2620 = arith.muli %add3A_2618, %mul3A_2619 : i32
    %add3A_2621 = arith.addi %mul3A_2620, %sub3A_2501 : i32
    %mul3A_2622 = arith.constant 80 : i32
    %mul3A_2623 = arith.muli %arg0, %mul3A_2622 : i32
    %sub3A_2624 = arith.subi %add3A_2621, %mul3A_2623 : i32
    %mul3A_2625 = arith.constant 16 : i32
    %mul3A_2626 = arith.muli %sub3A_2624, %mul3A_2625 : i32
    %get3A_2627 = arith.index_cast %mul3A_2626 : i32 to index
    %get3A_2628 = tpu.vector_load %arg10[%get3A_2627] {strides = array<i32>} : memref<1280xf32, #tpu.memory_space<vmem>>, vector<16xf32>,
    %sub3A_2629 = arith.subf %get3A_2529, %get3A_2628 : vector<16xf32>
    %abs3A_2630 = math.absf %sub3A_2629 : vector<16xf32>
    %add3A_2631 = arith.addf %add3A_2614, %abs3A_2630 : vector<16xf32>
    %mul3A_2632 = arith.constant 10 : i32
    %mul3A_2633 = arith.muli %select_n3A_2525, %mul3A_2632 : i32
    %add3A_2634 = arith.constant 6 : i32
    %add3A_2635 = arith.addi %mul3A_2633, %add3A_2634 : i32
    %mul3A_2636 = arith.constant 2 : i32
    %mul3A_2637 = arith.muli %add3A_2635, %mul3A_2636 : i32
    %add3A_2638 = arith.addi %mul3A_2637, %sub3A_2501 : i32
    %mul3A_2639 = arith.constant 80 : i32
    %mul3A_2640 = arith.muli %arg0, %mul3A_2639 : i32
    %sub3A_2641 = arith.subi %add3A_2638, %mul3A_2640 : i32
    %mul3A_2642 = arith.constant 16 : i32
    %mul3A_2643 = arith.muli %sub3A_2641, %mul3A_2642 : i32
    %get3A_2644 = arith.index_cast %mul3A_2643 : i32 to index
    %get3A_2645 = tpu.vector_load %arg10[%get3A_2644] {strides = array<i32>} : memref<1280xf32, #tpu.memory_space<vmem>>, vector<16xf32>,
    %sub3A_2646 = arith.subf %get3A_2529, %get3A_2645 : vector<16xf32>
    %abs3A_2647 = math.absf %sub3A_2646 : vector<16xf32>
    %add3A_2648 = arith.addf %add3A_2631, %abs3A_2647 : vector<16xf32>
    %mul3A_2649 = arith.constant 10 : i32
    %mul3A_2650 = arith.muli %select_n3A_2525, %mul3A_2649 : i32
    %add3A_2651 = arith.constant 7 : i32
    %add3A_2652 = arith.addi %mul3A_2650, %add3A_2651 : i32
    %mul3A_2653 = arith.constant 2 : i32
    %mul3A_2654 = arith.muli %add3A_2652, %mul3A_2653 : i32
    %add3A_2655 = arith.addi %mul3A_2654, %sub3A_2501 : i32
    %mul3A_2656 = arith.constant 80 : i32
    %mul3A_2657 = arith.muli %arg0, %mul3A_2656 : i32
    %sub3A_2658 = arith.subi %add3A_2655, %mul3A_2657 : i32
    %mul3A_2659 = arith.constant 16 : i32
    %mul3A_2660 = arith.muli %sub3A_2658, %mul3A_2659 : i32
    %get3A_2661 = arith.index_cast %mul3A_2660 : i32 to index
    %get3A_2662 = tpu.vector_load %arg10[%get3A_2661] {strides = array<i32>} : memref<1280xf32, #tpu.memory_space<vmem>>, vector<16xf32>,
    %sub3A_2663 = arith.subf %get3A_2529, %get3A_2662 : vector<16xf32>
    %abs3A_2664 = math.absf %sub3A_2663 : vector<16xf32>
    %add3A_2665 = arith.addf %add3A_2648, %abs3A_2664 : vector<16xf32>
    %mul3A_2666 = arith.constant 10 : i32
    %mul3A_2667 = arith.muli %select_n3A_2525, %mul3A_2666 : i32
    %add3A_2668 = arith.constant 8 : i32
    %add3A_2669 = arith.addi %mul3A_2667, %add3A_2668 : i32
    %mul3A_2670 = arith.constant 2 : i32
    %mul3A_2671 = arith.muli %add3A_2669, %mul3A_2670 : i32
    %add3A_2672 = arith.addi %mul3A_2671, %sub3A_2501 : i32
    %mul3A_2673 = arith.constant 80 : i32
    %mul3A_2674 = arith.muli %arg0, %mul3A_2673 : i32
    %sub3A_2675 = arith.subi %add3A_2672, %mul3A_2674 : i32
    %mul3A_2676 = arith.constant 16 : i32
    %mul3A_2677 = arith.muli %sub3A_2675, %mul3A_2676 : i32
    %get3A_2678 = arith.index_cast %mul3A_2677 : i32 to index
    %get3A_2679 = tpu.vector_load %arg10[%get3A_2678] {strides = array<i32>} : memref<1280xf32, #tpu.memory_space<vmem>>, vector<16xf32>,
    %sub3A_2680 = arith.subf %get3A_2529, %get3A_2679 : vector<16xf32>
    %abs3A_2681 = math.absf %sub3A_2680 : vector<16xf32>
    %add3A_2682 = arith.addf %add3A_2665, %abs3A_2681 : vector<16xf32>
    %mul3A_2683 = arith.constant 10 : i32
    %mul3A_2684 = arith.muli %select_n3A_2525, %mul3A_2683 : i32
    %add3A_2685 = arith.constant 9 : i32
    %add3A_2686 = arith.addi %mul3A_2684, %add3A_2685 : i32
    %mul3A_2687 = arith.constant 2 : i32
    %mul3A_2688 = arith.muli %add3A_2686, %mul3A_2687 : i32
    %add3A_2689 = arith.addi %mul3A_2688, %sub3A_2501 : i32
    %mul3A_2690 = arith.constant 80 : i32
    %mul3A_2691 = arith.muli %arg0, %mul3A_2690 : i32
    %sub3A_2692 = arith.subi %add3A_2689, %mul3A_2691 : i32
    %mul3A_2693 = arith.constant 16 : i32
    %mul3A_2694 = arith.muli %sub3A_2692, %mul3A_2693 : i32
    %get3A_2695 = arith.index_cast %mul3A_2694 : i32 to index
    %get3A_2696 = tpu.vector_load %arg10[%get3A_2695] {strides = array<i32>} : memref<1280xf32, #tpu.memory_space<vmem>>, vector<16xf32>,
    %sub3A_2697 = arith.subf %get3A_2529, %get3A_2696 : vector<16xf32>
    %abs3A_2698 = math.absf %sub3A_2697 : vector<16xf32>
    %add3A_2699 = arith.addf %add3A_2682, %abs3A_2698 : vector<16xf32>
    %mul3A_2700 = arith.constant 5 : i32
    %mul3A_2701 = arith.muli %arg1, %mul3A_2700 : i32
    %add3A_2702 = arith.constant 2 : i32
    %add3A_2703 = arith.addi %mul3A_2701, %add3A_2702 : i32
    %mul3A_2704 = arith.constant 5 : i32
    %mul3A_2705 = arith.muli %add3A, %mul3A_2704 : i32
    %add3A_2706 = arith.constant 2 : i32
    %add3A_2707 = arith.addi %mul3A_2705, %add3A_2706 : i32
    %jit3A_2708 = arith.constant 2 : i32
    %div3A_2709 = arith.divsi %add3A_2707, %jit3A_2708 : i32
    %sign3A_2710 = arith.constant 0 : i32
    %sign3A_2711 = arith.cmpi sgt, %add3A_2707, %sign3A_2710 : i32
    %sign3A_2712 = arith.extui %sign3A_2711 : i1 to i32
    %sign3A_2713 = arith.constant 0 : i32
    %sign3A_2714 = arith.cmpi slt, %add3A_2707, %sign3A_2713 : i32
    %sign3A_2715 = arith.extui %sign3A_2714 : i1 to i32
    %sign3A_2716 = arith.subi %sign3A_2712, %sign3A_2715 : i32
    %sign3A_2717 = arith.constant 0 : i32
    %sign3A_2718 = arith.cmpi sgt, %jit3A_2708, %sign3A_2717 : i32
    %sign3A_2719 = arith.extui %sign3A_2718 : i1 to i32
    %sign3A_2720 = arith.constant 0 : i32
    %sign3A_2721 = arith.cmpi slt, %jit3A_2708, %sign3A_2720 : i32
    %sign3A_2722 = arith.extui %sign3A_2721 : i1 to i32
    %sign3A_2723 = arith.subi %sign3A_2719, %sign3A_2722 : i32
    %ne3A_2724 = arith.cmpi ne, %sign3A_2716, %sign3A_2723 : i32
    %rem3A_2725 = arith.remsi %add3A_2707, %jit3A_2708 : i32
    %ne3A_2726 = arith.constant 0 : i32
    %ne3A_2727 = arith.cmpi ne, %rem3A_2725, %ne3A_2726 : i32
    %and3A_2728 = arith.andi %ne3A_2724, %ne3A_2727 : i1
    %sub3A_2729 = arith.constant 1 : i32
    %sub3A_2730 = arith.subi %div3A_2709, %sub3A_2729 : i32
    %select_n3A_2731 = arith.select %and3A_2728, %sub3A_2730, %div3A_2709 : i32
    %mul3A_2732 = arith.constant 2 : i32
    %mul3A_2733 = arith.muli %select_n3A_2731, %mul3A_2732 : i32
    %sub3A_2734 = arith.subi %add3A_2707, %mul3A_2733 : i32
    %jit3A_2735 = arith.constant 10 : i32
    %div3A_2736 = arith.divsi %select_n3A_2731, %jit3A_2735 : i32
    %sign3A_2737 = arith.constant 0 : i32
    %sign3A_2738 = arith.cmpi sgt, %select_n3A_2731, %sign3A_2737 : i32
    %sign3A_2739 = arith.extui %sign3A_2738 : i1 to i32
    %sign3A_2740 = arith.constant 0 : i32
    %sign3A_2741 = arith.cmpi slt, %select_n3A_2731, %sign3A_2740 : i32
    %sign3A_2742 = arith.extui %sign3A_2741 : i1 to i32
    %sign3A_2743 = arith.subi %sign3A_2739, %sign3A_2742 : i32
    %sign3A_2744 = arith.constant 0 : i32
    %sign3A_2745 = arith.cmpi sgt, %jit3A_2735, %sign3A_2744 : i32
    %sign3A_2746 = arith.extui %sign3A_2745 : i1 to i32
    %sign3A_2747 = arith.constant 0 : i32
    %sign3A_2748 = arith.cmpi slt, %jit3A_2735, %sign3A_2747 : i32
    %sign3A_2749 = arith.extui %sign3A_2748 : i1 to i32
    %sign3A_2750 = arith.subi %sign3A_2746, %sign3A_2749 : i32
    %ne3A_2751 = arith.cmpi ne, %sign3A_2743, %sign3A_2750 : i32
    %rem3A_2752 = arith.remsi %select_n3A_2731, %jit3A_2735 : i32
    %ne3A_2753 = arith.constant 0 : i32
    %ne3A_2754 = arith.cmpi ne, %rem3A_2752, %ne3A_2753 : i32
    %and3A_2755 = arith.andi %ne3A_2751, %ne3A_2754 : i1
    %sub3A_2756 = arith.constant 1 : i32
    %sub3A_2757 = arith.subi %div3A_2736, %sub3A_2756 : i32
    %select_n3A_2758 = arith.select %and3A_2755, %sub3A_2757, %div3A_2736 : i32
    %mul3A_2759 = arith.constant 16 : i32
    %mul3A_2760 = arith.muli %add3A_2703, %mul3A_2759 : i32
    %get3A_2761 = arith.index_cast %mul3A_2760 : i32 to index
    %get3A_2762 = tpu.vector_load %arg10[%get3A_2761] {strides = array<i32>} : memref<1280xf32, #tpu.memory_space<vmem>>, vector<16xf32>,
    %mul3A_2763 = arith.constant 10 : i32
    %mul3A_2764 = arith.muli %select_n3A_2758, %mul3A_2763 : i32
    %add3A_2765 = arith.constant 0 : i32
    %add3A_2766 = arith.addi %mul3A_2764, %add3A_2765 : i32
    %mul3A_2767 = arith.constant 2 : i32
    %mul3A_2768 = arith.muli %add3A_2766, %mul3A_2767 : i32
    %add3A_2769 = arith.addi %mul3A_2768, %sub3A_2734 : i32
    %mul3A_2770 = arith.constant 80 : i32
    %mul3A_2771 = arith.muli %arg0, %mul3A_2770 : i32
    %sub3A_2772 = arith.subi %add3A_2769, %mul3A_2771 : i32
    %mul3A_2773 = arith.constant 16 : i32
    %mul3A_2774 = arith.muli %sub3A_2772, %mul3A_2773 : i32
    %get3A_2775 = arith.index_cast %mul3A_2774 : i32 to index
    %get3A_2776 = tpu.vector_load %arg10[%get3A_2775] {strides = array<i32>} : memref<1280xf32, #tpu.memory_space<vmem>>, vector<16xf32>,
    %sub3A_2777 = arith.subf %get3A_2762, %get3A_2776 : vector<16xf32>
    %abs3A_2778 = math.absf %sub3A_2777 : vector<16xf32>
    %add3A_2779 = arith.addf %add3A_2699, %abs3A_2778 : vector<16xf32>
    %mul3A_2780 = arith.constant 10 : i32
    %mul3A_2781 = arith.muli %select_n3A_2758, %mul3A_2780 : i32
    %add3A_2782 = arith.constant 1 : i32
    %add3A_2783 = arith.addi %mul3A_2781, %add3A_2782 : i32
    %mul3A_2784 = arith.constant 2 : i32
    %mul3A_2785 = arith.muli %add3A_2783, %mul3A_2784 : i32
    %add3A_2786 = arith.addi %mul3A_2785, %sub3A_2734 : i32
    %mul3A_2787 = arith.constant 80 : i32
    %mul3A_2788 = arith.muli %arg0, %mul3A_2787 : i32
    %sub3A_2789 = arith.subi %add3A_2786, %mul3A_2788 : i32
    %mul3A_2790 = arith.constant 16 : i32
    %mul3A_2791 = arith.muli %sub3A_2789, %mul3A_2790 : i32
    %get3A_2792 = arith.index_cast %mul3A_2791 : i32 to index
    %get3A_2793 = tpu.vector_load %arg10[%get3A_2792] {strides = array<i32>} : memref<1280xf32, #tpu.memory_space<vmem>>, vector<16xf32>,
    %sub3A_2794 = arith.subf %get3A_2762, %get3A_2793 : vector<16xf32>
    %abs3A_2795 = math.absf %sub3A_2794 : vector<16xf32>
    %add3A_2796 = arith.addf %add3A_2779, %abs3A_2795 : vector<16xf32>
    %mul3A_2797 = arith.constant 10 : i32
    %mul3A_2798 = arith.muli %select_n3A_2758, %mul3A_2797 : i32
    %add3A_2799 = arith.constant 2 : i32
    %add3A_2800 = arith.addi %mul3A_2798, %add3A_2799 : i32
    %mul3A_2801 = arith.constant 2 : i32
    %mul3A_2802 = arith.muli %add3A_2800, %mul3A_2801 : i32
    %add3A_2803 = arith.addi %mul3A_2802, %sub3A_2734 : i32
    %mul3A_2804 = arith.constant 80 : i32
    %mul3A_2805 = arith.muli %arg0, %mul3A_2804 : i32
    %sub3A_2806 = arith.subi %add3A_2803, %mul3A_2805 : i32
    %mul3A_2807 = arith.constant 16 : i32
    %mul3A_2808 = arith.muli %sub3A_2806, %mul3A_2807 : i32
    %get3A_2809 = arith.index_cast %mul3A_2808 : i32 to index
    %get3A_2810 = tpu.vector_load %arg10[%get3A_2809] {strides = array<i32>} : memref<1280xf32, #tpu.memory_space<vmem>>, vector<16xf32>,
    %sub3A_2811 = arith.subf %get3A_2762, %get3A_2810 : vector<16xf32>
    %abs3A_2812 = math.absf %sub3A_2811 : vector<16xf32>
    %add3A_2813 = arith.addf %add3A_2796, %abs3A_2812 : vector<16xf32>
    %mul3A_2814 = arith.constant 10 : i32
    %mul3A_2815 = arith.muli %select_n3A_2758, %mul3A_2814 : i32
    %add3A_2816 = arith.constant 3 : i32
    %add3A_2817 = arith.addi %mul3A_2815, %add3A_2816 : i32
    %mul3A_2818 = arith.constant 2 : i32
    %mul3A_2819 = arith.muli %add3A_2817, %mul3A_2818 : i32
    %add3A_2820 = arith.addi %mul3A_2819, %sub3A_2734 : i32
    %mul3A_2821 = arith.constant 80 : i32
    %mul3A_2822 = arith.muli %arg0, %mul3A_2821 : i32
    %sub3A_2823 = arith.subi %add3A_2820, %mul3A_2822 : i32
    %mul3A_2824 = arith.constant 16 : i32
    %mul3A_2825 = arith.muli %sub3A_2823, %mul3A_2824 : i32
    %get3A_2826 = arith.index_cast %mul3A_2825 : i32 to index
    %get3A_2827 = tpu.vector_load %arg10[%get3A_2826] {strides = array<i32>} : memref<1280xf32, #tpu.memory_space<vmem>>, vector<16xf32>,
    %sub3A_2828 = arith.subf %get3A_2762, %get3A_2827 : vector<16xf32>
    %abs3A_2829 = math.absf %sub3A_2828 : vector<16xf32>
    %add3A_2830 = arith.addf %add3A_2813, %abs3A_2829 : vector<16xf32>
    %mul3A_2831 = arith.constant 10 : i32
    %mul3A_2832 = arith.muli %select_n3A_2758, %mul3A_2831 : i32
    %add3A_2833 = arith.constant 4 : i32
    %add3A_2834 = arith.addi %mul3A_2832, %add3A_2833 : i32
    %mul3A_2835 = arith.constant 2 : i32
    %mul3A_2836 = arith.muli %add3A_2834, %mul3A_2835 : i32
    %add3A_2837 = arith.addi %mul3A_2836, %sub3A_2734 : i32
    %mul3A_2838 = arith.constant 80 : i32
    %mul3A_2839 = arith.muli %arg0, %mul3A_2838 : i32
    %sub3A_2840 = arith.subi %add3A_2837, %mul3A_2839 : i32
    %mul3A_2841 = arith.constant 16 : i32
    %mul3A_2842 = arith.muli %sub3A_2840, %mul3A_2841 : i32
    %get3A_2843 = arith.index_cast %mul3A_2842 : i32 to index
    %get3A_2844 = tpu.vector_load %arg10[%get3A_2843] {strides = array<i32>} : memref<1280xf32, #tpu.memory_space<vmem>>, vector<16xf32>,
    %sub3A_2845 = arith.subf %get3A_2762, %get3A_2844 : vector<16xf32>
    %abs3A_2846 = math.absf %sub3A_2845 : vector<16xf32>
    %add3A_2847 = arith.addf %add3A_2830, %abs3A_2846 : vector<16xf32>
    %mul3A_2848 = arith.constant 10 : i32
    %mul3A_2849 = arith.muli %select_n3A_2758, %mul3A_2848 : i32
    %add3A_2850 = arith.constant 5 : i32
    %add3A_2851 = arith.addi %mul3A_2849, %add3A_2850 : i32
    %mul3A_2852 = arith.constant 2 : i32
    %mul3A_2853 = arith.muli %add3A_2851, %mul3A_2852 : i32
    %add3A_2854 = arith.addi %mul3A_2853, %sub3A_2734 : i32
    %mul3A_2855 = arith.constant 80 : i32
    %mul3A_2856 = arith.muli %arg0, %mul3A_2855 : i32
    %sub3A_2857 = arith.subi %add3A_2854, %mul3A_2856 : i32
    %mul3A_2858 = arith.constant 16 : i32
    %mul3A_2859 = arith.muli %sub3A_2857, %mul3A_2858 : i32
    %get3A_2860 = arith.index_cast %mul3A_2859 : i32 to index
    %get3A_2861 = tpu.vector_load %arg10[%get3A_2860] {strides = array<i32>} : memref<1280xf32, #tpu.memory_space<vmem>>, vector<16xf32>,
    %sub3A_2862 = arith.subf %get3A_2762, %get3A_2861 : vector<16xf32>
    %abs3A_2863 = math.absf %sub3A_2862 : vector<16xf32>
    %add3A_2864 = arith.addf %add3A_2847, %abs3A_2863 : vector<16xf32>
    %mul3A_2865 = arith.constant 10 : i32
    %mul3A_2866 = arith.muli %select_n3A_2758, %mul3A_2865 : i32
    %add3A_2867 = arith.constant 6 : i32
    %add3A_2868 = arith.addi %mul3A_2866, %add3A_2867 : i32
    %mul3A_2869 = arith.constant 2 : i32
    %mul3A_2870 = arith.muli %add3A_2868, %mul3A_2869 : i32
    %add3A_2871 = arith.addi %mul3A_2870, %sub3A_2734 : i32
    %mul3A_2872 = arith.constant 80 : i32
    %mul3A_2873 = arith.muli %arg0, %mul3A_2872 : i32
    %sub3A_2874 = arith.subi %add3A_2871, %mul3A_2873 : i32
    %mul3A_2875 = arith.constant 16 : i32
    %mul3A_2876 = arith.muli %sub3A_2874, %mul3A_2875 : i32
    %get3A_2877 = arith.index_cast %mul3A_2876 : i32 to index
    %get3A_2878 = tpu.vector_load %arg10[%get3A_2877] {strides = array<i32>} : memref<1280xf32, #tpu.memory_space<vmem>>, vector<16xf32>,
    %sub3A_2879 = arith.subf %get3A_2762, %get3A_2878 : vector<16xf32>
    %abs3A_2880 = math.absf %sub3A_2879 : vector<16xf32>
    %add3A_2881 = arith.addf %add3A_2864, %abs3A_2880 : vector<16xf32>
    %mul3A_2882 = arith.constant 10 : i32
    %mul3A_2883 = arith.muli %select_n3A_2758, %mul3A_2882 : i32
    %add3A_2884 = arith.constant 7 : i32
    %add3A_2885 = arith.addi %mul3A_2883, %add3A_2884 : i32
    %mul3A_2886 = arith.constant 2 : i32
    %mul3A_2887 = arith.muli %add3A_2885, %mul3A_2886 : i32
    %add3A_2888 = arith.addi %mul3A_2887, %sub3A_2734 : i32
    %mul3A_2889 = arith.constant 80 : i32
    %mul3A_2890 = arith.muli %arg0, %mul3A_2889 : i32
    %sub3A_2891 = arith.subi %add3A_2888, %mul3A_2890 : i32
    %mul3A_2892 = arith.constant 16 : i32
    %mul3A_2893 = arith.muli %sub3A_2891, %mul3A_2892 : i32
    %get3A_2894 = arith.index_cast %mul3A_2893 : i32 to index
    %get3A_2895 = tpu.vector_load %arg10[%get3A_2894] {strides = array<i32>} : memref<1280xf32, #tpu.memory_space<vmem>>, vector<16xf32>,
    %sub3A_2896 = arith.subf %get3A_2762, %get3A_2895 : vector<16xf32>
    %abs3A_2897 = math.absf %sub3A_2896 : vector<16xf32>
    %add3A_2898 = arith.addf %add3A_2881, %abs3A_2897 : vector<16xf32>
    %mul3A_2899 = arith.constant 10 : i32
    %mul3A_2900 = arith.muli %select_n3A_2758, %mul3A_2899 : i32
    %add3A_2901 = arith.constant 8 : i32
    %add3A_2902 = arith.addi %mul3A_2900, %add3A_2901 : i32
    %mul3A_2903 = arith.constant 2 : i32
    %mul3A_2904 = arith.muli %add3A_2902, %mul3A_2903 : i32
    %add3A_2905 = arith.addi %mul3A_2904, %sub3A_2734 : i32
    %mul3A_2906 = arith.constant 80 : i32
    %mul3A_2907 = arith.muli %arg0, %mul3A_2906 : i32
    %sub3A_2908 = arith.subi %add3A_2905, %mul3A_2907 : i32
    %mul3A_2909 = arith.constant 16 : i32
    %mul3A_2910 = arith.muli %sub3A_2908, %mul3A_2909 : i32
    %get3A_2911 = arith.index_cast %mul3A_2910 : i32 to index
    %get3A_2912 = tpu.vector_load %arg10[%get3A_2911] {strides = array<i32>} : memref<1280xf32, #tpu.memory_space<vmem>>, vector<16xf32>,
    %sub3A_2913 = arith.subf %get3A_2762, %get3A_2912 : vector<16xf32>
    %abs3A_2914 = math.absf %sub3A_2913 : vector<16xf32>
    %add3A_2915 = arith.addf %add3A_2898, %abs3A_2914 : vector<16xf32>
    %mul3A_2916 = arith.constant 10 : i32
    %mul3A_2917 = arith.muli %select_n3A_2758, %mul3A_2916 : i32
    %add3A_2918 = arith.constant 9 : i32
    %add3A_2919 = arith.addi %mul3A_2917, %add3A_2918 : i32
    %mul3A_2920 = arith.constant 2 : i32
    %mul3A_2921 = arith.muli %add3A_2919, %mul3A_2920 : i32
    %add3A_2922 = arith.addi %mul3A_2921, %sub3A_2734 : i32
    %mul3A_2923 = arith.constant 80 : i32
    %mul3A_2924 = arith.muli %arg0, %mul3A_2923 : i32
    %sub3A_2925 = arith.subi %add3A_2922, %mul3A_2924 : i32
    %mul3A_2926 = arith.constant 16 : i32
    %mul3A_2927 = arith.muli %sub3A_2925, %mul3A_2926 : i32
    %get3A_2928 = arith.index_cast %mul3A_2927 : i32 to index
    %get3A_2929 = tpu.vector_load %arg10[%get3A_2928] {strides = array<i32>} : memref<1280xf32, #tpu.memory_space<vmem>>, vector<16xf32>,
    %sub3A_2930 = arith.subf %get3A_2762, %get3A_2929 : vector<16xf32>
    %abs3A_2931 = math.absf %sub3A_2930 : vector<16xf32>
    %add3A_2932 = arith.addf %add3A_2915, %abs3A_2931 : vector<16xf32>
    %mul3A_2933 = arith.constant 5 : i32
    %mul3A_2934 = arith.muli %arg1, %mul3A_2933 : i32
    %add3A_2935 = arith.constant 3 : i32
    %add3A_2936 = arith.addi %mul3A_2934, %add3A_2935 : i32
    %mul3A_2937 = arith.constant 5 : i32
    %mul3A_2938 = arith.muli %add3A, %mul3A_2937 : i32
    %add3A_2939 = arith.constant 3 : i32
    %add3A_2940 = arith.addi %mul3A_2938, %add3A_2939 : i32
    %jit3A_2941 = arith.constant 2 : i32
    %div3A_2942 = arith.divsi %add3A_2940, %jit3A_2941 : i32
    %sign3A_2943 = arith.constant 0 : i32
    %sign3A_2944 = arith.cmpi sgt, %add3A_2940, %sign3A_2943 : i32
    %sign3A_2945 = arith.extui %sign3A_2944 : i1 to i32
    %sign3A_2946 = arith.constant 0 : i32
    %sign3A_2947 = arith.cmpi slt, %add3A_2940, %sign3A_2946 : i32
    %sign3A_2948 = arith.extui %sign3A_2947 : i1 to i32
    %sign3A_2949 = arith.subi %sign3A_2945, %sign3A_2948 : i32
    %sign3A_2950 = arith.constant 0 : i32
    %sign3A_2951 = arith.cmpi sgt, %jit3A_2941, %sign3A_2950 : i32
    %sign3A_2952 = arith.extui %sign3A_2951 : i1 to i32
    %sign3A_2953 = arith.constant 0 : i32
    %sign3A_2954 = arith.cmpi slt, %jit3A_2941, %sign3A_2953 : i32
    %sign3A_2955 = arith.extui %sign3A_2954 : i1 to i32
    %sign3A_2956 = arith.subi %sign3A_2952, %sign3A_2955 : i32
    %ne3A_2957 = arith.cmpi ne, %sign3A_2949, %sign3A_2956 : i32
    %rem3A_2958 = arith.remsi %add3A_2940, %jit3A_2941 : i32
    %ne3A_2959 = arith.constant 0 : i32
    %ne3A_2960 = arith.cmpi ne, %rem3A_2958, %ne3A_2959 : i32
    %and3A_2961 = arith.andi %ne3A_2957, %ne3A_2960 : i1
    %sub3A_2962 = arith.constant 1 : i32
    %sub3A_2963 = arith.subi %div3A_2942, %sub3A_2962 : i32
    %select_n3A_2964 = arith.select %and3A_2961, %sub3A_2963, %div3A_2942 : i32
    %mul3A_2965 = arith.constant 2 : i32
    %mul3A_2966 = arith.muli %select_n3A_2964, %mul3A_2965 : i32
    %sub3A_2967 = arith.subi %add3A_2940, %mul3A_2966 : i32
    %jit3A_2968 = arith.constant 10 : i32
    %div3A_2969 = arith.divsi %select_n3A_2964, %jit3A_2968 : i32
    %sign3A_2970 = arith.constant 0 : i32
    %sign3A_2971 = arith.cmpi sgt, %select_n3A_2964, %sign3A_2970 : i32
    %sign3A_2972 = arith.extui %sign3A_2971 : i1 to i32
    %sign3A_2973 = arith.constant 0 : i32
    %sign3A_2974 = arith.cmpi slt, %select_n3A_2964, %sign3A_2973 : i32
    %sign3A_2975 = arith.extui %sign3A_2974 : i1 to i32
    %sign3A_2976 = arith.subi %sign3A_2972, %sign3A_2975 : i32
    %sign3A_2977 = arith.constant 0 : i32
    %sign3A_2978 = arith.cmpi sgt, %jit3A_2968, %sign3A_2977 : i32
    %sign3A_2979 = arith.extui %sign3A_2978 : i1 to i32
    %sign3A_2980 = arith.constant 0 : i32
    %sign3A_2981 = arith.cmpi slt, %jit3A_2968, %sign3A_2980 : i32
    %sign3A_2982 = arith.extui %sign3A_2981 : i1 to i32
    %sign3A_2983 = arith.subi %sign3A_2979, %sign3A_2982 : i32
    %ne3A_2984 = arith.cmpi ne, %sign3A_2976, %sign3A_2983 : i32
    %rem3A_2985 = arith.remsi %select_n3A_2964, %jit3A_2968 : i32
    %ne3A_2986 = arith.constant 0 : i32
    %ne3A_2987 = arith.cmpi ne, %rem3A_2985, %ne3A_2986 : i32
    %and3A_2988 = arith.andi %ne3A_2984, %ne3A_2987 : i1
    %sub3A_2989 = arith.constant 1 : i32
    %sub3A_2990 = arith.subi %div3A_2969, %sub3A_2989 : i32
    %select_n3A_2991 = arith.select %and3A_2988, %sub3A_2990, %div3A_2969 : i32
    %mul3A_2992 = arith.constant 16 : i32
    %mul3A_2993 = arith.muli %add3A_2936, %mul3A_2992 : i32
    %get3A_2994 = arith.index_cast %mul3A_2993 : i32 to index
    %get3A_2995 = tpu.vector_load %arg10[%get3A_2994] {strides = array<i32>} : memref<1280xf32, #tpu.memory_space<vmem>>, vector<16xf32>,
    %mul3A_2996 = arith.constant 10 : i32
    %mul3A_2997 = arith.muli %select_n3A_2991, %mul3A_2996 : i32
    %add3A_2998 = arith.constant 0 : i32
    %add3A_2999 = arith.addi %mul3A_2997, %add3A_2998 : i32
    %mul3A_3000 = arith.constant 2 : i32
    %mul3A_3001 = arith.muli %add3A_2999, %mul3A_3000 : i32
    %add3A_3002 = arith.addi %mul3A_3001, %sub3A_2967 : i32
    %mul3A_3003 = arith.constant 80 : i32
    %mul3A_3004 = arith.muli %arg0, %mul3A_3003 : i32
    %sub3A_3005 = arith.subi %add3A_3002, %mul3A_3004 : i32
    %mul3A_3006 = arith.constant 16 : i32
    %mul3A_3007 = arith.muli %sub3A_3005, %mul3A_3006 : i32
    %get3A_3008 = arith.index_cast %mul3A_3007 : i32 to index
    %get3A_3009 = tpu.vector_load %arg10[%get3A_3008] {strides = array<i32>} : memref<1280xf32, #tpu.memory_space<vmem>>, vector<16xf32>,
    %sub3A_3010 = arith.subf %get3A_2995, %get3A_3009 : vector<16xf32>
    %abs3A_3011 = math.absf %sub3A_3010 : vector<16xf32>
    %add3A_3012 = arith.addf %add3A_2932, %abs3A_3011 : vector<16xf32>
    %mul3A_3013 = arith.constant 10 : i32
    %mul3A_3014 = arith.muli %select_n3A_2991, %mul3A_3013 : i32
    %add3A_3015 = arith.constant 1 : i32
    %add3A_3016 = arith.addi %mul3A_3014, %add3A_3015 : i32
    %mul3A_3017 = arith.constant 2 : i32
    %mul3A_3018 = arith.muli %add3A_3016, %mul3A_3017 : i32
    %add3A_3019 = arith.addi %mul3A_3018, %sub3A_2967 : i32
    %mul3A_3020 = arith.constant 80 : i32
    %mul3A_3021 = arith.muli %arg0, %mul3A_3020 : i32
    %sub3A_3022 = arith.subi %add3A_3019, %mul3A_3021 : i32
    %mul3A_3023 = arith.constant 16 : i32
    %mul3A_3024 = arith.muli %sub3A_3022, %mul3A_3023 : i32
    %get3A_3025 = arith.index_cast %mul3A_3024 : i32 to index
    %get3A_3026 = tpu.vector_load %arg10[%get3A_3025] {strides = array<i32>} : memref<1280xf32, #tpu.memory_space<vmem>>, vector<16xf32>,
    %sub3A_3027 = arith.subf %get3A_2995, %get3A_3026 : vector<16xf32>
    %abs3A_3028 = math.absf %sub3A_3027 : vector<16xf32>
    %add3A_3029 = arith.addf %add3A_3012, %abs3A_3028 : vector<16xf32>
    %mul3A_3030 = arith.constant 10 : i32
    %mul3A_3031 = arith.muli %select_n3A_2991, %mul3A_3030 : i32
    %add3A_3032 = arith.constant 2 : i32
    %add3A_3033 = arith.addi %mul3A_3031, %add3A_3032 : i32
    %mul3A_3034 = arith.constant 2 : i32
    %mul3A_3035 = arith.muli %add3A_3033, %mul3A_3034 : i32
    %add3A_3036 = arith.addi %mul3A_3035, %sub3A_2967 : i32
    %mul3A_3037 = arith.constant 80 : i32
    %mul3A_3038 = arith.muli %arg0, %mul3A_3037 : i32
    %sub3A_3039 = arith.subi %add3A_3036, %mul3A_3038 : i32
    %mul3A_3040 = arith.constant 16 : i32
    %mul3A_3041 = arith.muli %sub3A_3039, %mul3A_3040 : i32
    %get3A_3042 = arith.index_cast %mul3A_3041 : i32 to index
    %get3A_3043 = tpu.vector_load %arg10[%get3A_3042] {strides = array<i32>} : memref<1280xf32, #tpu.memory_space<vmem>>, vector<16xf32>,
    %sub3A_3044 = arith.subf %get3A_2995, %get3A_3043 : vector<16xf32>
    %abs3A_3045 = math.absf %sub3A_3044 : vector<16xf32>
    %add3A_3046 = arith.addf %add3A_3029, %abs3A_3045 : vector<16xf32>
    %mul3A_3047 = arith.constant 10 : i32
    %mul3A_3048 = arith.muli %select_n3A_2991, %mul3A_3047 : i32
    %add3A_3049 = arith.constant 3 : i32
    %add3A_3050 = arith.addi %mul3A_3048, %add3A_3049 : i32
    %mul3A_3051 = arith.constant 2 : i32
    %mul3A_3052 = arith.muli %add3A_3050, %mul3A_3051 : i32
    %add3A_3053 = arith.addi %mul3A_3052, %sub3A_2967 : i32
    %mul3A_3054 = arith.constant 80 : i32
    %mul3A_3055 = arith.muli %arg0, %mul3A_3054 : i32
    %sub3A_3056 = arith.subi %add3A_3053, %mul3A_3055 : i32
    %mul3A_3057 = arith.constant 16 : i32
    %mul3A_3058 = arith.muli %sub3A_3056, %mul3A_3057 : i32
    %get3A_3059 = arith.index_cast %mul3A_3058 : i32 to index
    %get3A_3060 = tpu.vector_load %arg10[%get3A_3059] {strides = array<i32>} : memref<1280xf32, #tpu.memory_space<vmem>>, vector<16xf32>,
    %sub3A_3061 = arith.subf %get3A_2995, %get3A_3060 : vector<16xf32>
    %abs3A_3062 = math.absf %sub3A_3061 : vector<16xf32>
    %add3A_3063 = arith.addf %add3A_3046, %abs3A_3062 : vector<16xf32>
    %mul3A_3064 = arith.constant 10 : i32
    %mul3A_3065 = arith.muli %select_n3A_2991, %mul3A_3064 : i32
    %add3A_3066 = arith.constant 4 : i32
    %add3A_3067 = arith.addi %mul3A_3065, %add3A_3066 : i32
    %mul3A_3068 = arith.constant 2 : i32
    %mul3A_3069 = arith.muli %add3A_3067, %mul3A_3068 : i32
    %add3A_3070 = arith.addi %mul3A_3069, %sub3A_2967 : i32
    %mul3A_3071 = arith.constant 80 : i32
    %mul3A_3072 = arith.muli %arg0, %mul3A_3071 : i32
    %sub3A_3073 = arith.subi %add3A_3070, %mul3A_3072 : i32
    %mul3A_3074 = arith.constant 16 : i32
    %mul3A_3075 = arith.muli %sub3A_3073, %mul3A_3074 : i32
    %get3A_3076 = arith.index_cast %mul3A_3075 : i32 to index
    %get3A_3077 = tpu.vector_load %arg10[%get3A_3076] {strides = array<i32>} : memref<1280xf32, #tpu.memory_space<vmem>>, vector<16xf32>,
    %sub3A_3078 = arith.subf %get3A_2995, %get3A_3077 : vector<16xf32>
    %abs3A_3079 = math.absf %sub3A_3078 : vector<16xf32>
    %add3A_3080 = arith.addf %add3A_3063, %abs3A_3079 : vector<16xf32>
    %mul3A_3081 = arith.constant 10 : i32
    %mul3A_3082 = arith.muli %select_n3A_2991, %mul3A_3081 : i32
    %add3A_3083 = arith.constant 5 : i32
    %add3A_3084 = arith.addi %mul3A_3082, %add3A_3083 : i32
    %mul3A_3085 = arith.constant 2 : i32
    %mul3A_3086 = arith.muli %add3A_3084, %mul3A_3085 : i32
    %add3A_3087 = arith.addi %mul3A_3086, %sub3A_2967 : i32
    %mul3A_3088 = arith.constant 80 : i32
    %mul3A_3089 = arith.muli %arg0, %mul3A_3088 : i32
    %sub3A_3090 = arith.subi %add3A_3087, %mul3A_3089 : i32
    %mul3A_3091 = arith.constant 16 : i32
    %mul3A_3092 = arith.muli %sub3A_3090, %mul3A_3091 : i32
    %get3A_3093 = arith.index_cast %mul3A_3092 : i32 to index
    %get3A_3094 = tpu.vector_load %arg10[%get3A_3093] {strides = array<i32>} : memref<1280xf32, #tpu.memory_space<vmem>>, vector<16xf32>,
    %sub3A_3095 = arith.subf %get3A_2995, %get3A_3094 : vector<16xf32>
    %abs3A_3096 = math.absf %sub3A_3095 : vector<16xf32>
    %add3A_3097 = arith.addf %add3A_3080, %abs3A_3096 : vector<16xf32>
    %mul3A_3098 = arith.constant 10 : i32
    %mul3A_3099 = arith.muli %select_n3A_2991, %mul3A_3098 : i32
    %add3A_3100 = arith.constant 6 : i32
    %add3A_3101 = arith.addi %mul3A_3099, %add3A_3100 : i32
    %mul3A_3102 = arith.constant 2 : i32
    %mul3A_3103 = arith.muli %add3A_3101, %mul3A_3102 : i32
    %add3A_3104 = arith.addi %mul3A_3103, %sub3A_2967 : i32
    %mul3A_3105 = arith.constant 80 : i32
    %mul3A_3106 = arith.muli %arg0, %mul3A_3105 : i32
    %sub3A_3107 = arith.subi %add3A_3104, %mul3A_3106 : i32
    %mul3A_3108 = arith.constant 16 : i32
    %mul3A_3109 = arith.muli %sub3A_3107, %mul3A_3108 : i32
    %get3A_3110 = arith.index_cast %mul3A_3109 : i32 to index
    %get3A_3111 = tpu.vector_load %arg10[%get3A_3110] {strides = array<i32>} : memref<1280xf32, #tpu.memory_space<vmem>>, vector<16xf32>,
    %sub3A_3112 = arith.subf %get3A_2995, %get3A_3111 : vector<16xf32>
    %abs3A_3113 = math.absf %sub3A_3112 : vector<16xf32>
    %add3A_3114 = arith.addf %add3A_3097, %abs3A_3113 : vector<16xf32>
    %mul3A_3115 = arith.constant 10 : i32
    %mul3A_3116 = arith.muli %select_n3A_2991, %mul3A_3115 : i32
    %add3A_3117 = arith.constant 7 : i32
    %add3A_3118 = arith.addi %mul3A_3116, %add3A_3117 : i32
    %mul3A_3119 = arith.constant 2 : i32
    %mul3A_3120 = arith.muli %add3A_3118, %mul3A_3119 : i32
    %add3A_3121 = arith.addi %mul3A_3120, %sub3A_2967 : i32
    %mul3A_3122 = arith.constant 80 : i32
    %mul3A_3123 = arith.muli %arg0, %mul3A_3122 : i32
    %sub3A_3124 = arith.subi %add3A_3121, %mul3A_3123 : i32
    %mul3A_3125 = arith.constant 16 : i32
    %mul3A_3126 = arith.muli %sub3A_3124, %mul3A_3125 : i32
    %get3A_3127 = arith.index_cast %mul3A_3126 : i32 to index
    %get3A_3128 = tpu.vector_load %arg10[%get3A_3127] {strides = array<i32>} : memref<1280xf32, #tpu.memory_space<vmem>>, vector<16xf32>,
    %sub3A_3129 = arith.subf %get3A_2995, %get3A_3128 : vector<16xf32>
    %abs3A_3130 = math.absf %sub3A_3129 : vector<16xf32>
    %add3A_3131 = arith.addf %add3A_3114, %abs3A_3130 : vector<16xf32>
    %mul3A_3132 = arith.constant 10 : i32
    %mul3A_3133 = arith.muli %select_n3A_2991, %mul3A_3132 : i32
    %add3A_3134 = arith.constant 8 : i32
    %add3A_3135 = arith.addi %mul3A_3133, %add3A_3134 : i32
    %mul3A_3136 = arith.constant 2 : i32
    %mul3A_3137 = arith.muli %add3A_3135, %mul3A_3136 : i32
    %add3A_3138 = arith.addi %mul3A_3137, %sub3A_2967 : i32
    %mul3A_3139 = arith.constant 80 : i32
    %mul3A_3140 = arith.muli %arg0, %mul3A_3139 : i32
    %sub3A_3141 = arith.subi %add3A_3138, %mul3A_3140 : i32
    %mul3A_3142 = arith.constant 16 : i32
    %mul3A_3143 = arith.muli %sub3A_3141, %mul3A_3142 : i32
    %get3A_3144 = arith.index_cast %mul3A_3143 : i32 to index
    %get3A_3145 = tpu.vector_load %arg10[%get3A_3144] {strides = array<i32>} : memref<1280xf32, #tpu.memory_space<vmem>>, vector<16xf32>,
    %sub3A_3146 = arith.subf %get3A_2995, %get3A_3145 : vector<16xf32>
    %abs3A_3147 = math.absf %sub3A_3146 : vector<16xf32>
    %add3A_3148 = arith.addf %add3A_3131, %abs3A_3147 : vector<16xf32>
    %mul3A_3149 = arith.constant 10 : i32
    %mul3A_3150 = arith.muli %select_n3A_2991, %mul3A_3149 : i32
    %add3A_3151 = arith.constant 9 : i32
    %add3A_3152 = arith.addi %mul3A_3150, %add3A_3151 : i32
    %mul3A_3153 = arith.constant 2 : i32
    %mul3A_3154 = arith.muli %add3A_3152, %mul3A_3153 : i32
    %add3A_3155 = arith.addi %mul3A_3154, %sub3A_2967 : i32
    %mul3A_3156 = arith.constant 80 : i32
    %mul3A_3157 = arith.muli %arg0, %mul3A_3156 : i32
    %sub3A_3158 = arith.subi %add3A_3155, %mul3A_3157 : i32
    %mul3A_3159 = arith.constant 16 : i32
    %mul3A_3160 = arith.muli %sub3A_3158, %mul3A_3159 : i32
    %get3A_3161 = arith.index_cast %mul3A_3160 : i32 to index
    %get3A_3162 = tpu.vector_load %arg10[%get3A_3161] {strides = array<i32>} : memref<1280xf32, #tpu.memory_space<vmem>>, vector<16xf32>,
    %sub3A_3163 = arith.subf %get3A_2995, %get3A_3162 : vector<16xf32>
    %abs3A_3164 = math.absf %sub3A_3163 : vector<16xf32>
    %add3A_3165 = arith.addf %add3A_3148, %abs3A_3164 : vector<16xf32>
    %mul3A_3166 = arith.constant 5 : i32
    %mul3A_3167 = arith.muli %arg1, %mul3A_3166 : i32
    %add3A_3168 = arith.constant 4 : i32
    %add3A_3169 = arith.addi %mul3A_3167, %add3A_3168 : i32
    %mul3A_3170 = arith.constant 5 : i32
    %mul3A_3171 = arith.muli %add3A, %mul3A_3170 : i32
    %add3A_3172 = arith.constant 4 : i32
    %add3A_3173 = arith.addi %mul3A_3171, %add3A_3172 : i32
    %jit3A_3174 = arith.constant 2 : i32
    %div3A_3175 = arith.divsi %add3A_3173, %jit3A_3174 : i32
    %sign3A_3176 = arith.constant 0 : i32
    %sign3A_3177 = arith.cmpi sgt, %add3A_3173, %sign3A_3176 : i32
    %sign3A_3178 = arith.extui %sign3A_3177 : i1 to i32
    %sign3A_3179 = arith.constant 0 : i32
    %sign3A_3180 = arith.cmpi slt, %add3A_3173, %sign3A_3179 : i32
    %sign3A_3181 = arith.extui %sign3A_3180 : i1 to i32
    %sign3A_3182 = arith.subi %sign3A_3178, %sign3A_3181 : i32
    %sign3A_3183 = arith.constant 0 : i32
    %sign3A_3184 = arith.cmpi sgt, %jit3A_3174, %sign3A_3183 : i32
    %sign3A_3185 = arith.extui %sign3A_3184 : i1 to i32
    %sign3A_3186 = arith.constant 0 : i32
    %sign3A_3187 = arith.cmpi slt, %jit3A_3174, %sign3A_3186 : i32
    %sign3A_3188 = arith.extui %sign3A_3187 : i1 to i32
    %sign3A_3189 = arith.subi %sign3A_3185, %sign3A_3188 : i32
    %ne3A_3190 = arith.cmpi ne, %sign3A_3182, %sign3A_3189 : i32
    %rem3A_3191 = arith.remsi %add3A_3173, %jit3A_3174 : i32
    %ne3A_3192 = arith.constant 0 : i32
    %ne3A_3193 = arith.cmpi ne, %rem3A_3191, %ne3A_3192 : i32
    %and3A_3194 = arith.andi %ne3A_3190, %ne3A_3193 : i1
    %sub3A_3195 = arith.constant 1 : i32
    %sub3A_3196 = arith.subi %div3A_3175, %sub3A_3195 : i32
    %select_n3A_3197 = arith.select %and3A_3194, %sub3A_3196, %div3A_3175 : i32
    %mul3A_3198 = arith.constant 2 : i32
    %mul3A_3199 = arith.muli %select_n3A_3197, %mul3A_3198 : i32
    %sub3A_3200 = arith.subi %add3A_3173, %mul3A_3199 : i32
    %jit3A_3201 = arith.constant 10 : i32
    %div3A_3202 = arith.divsi %select_n3A_3197, %jit3A_3201 : i32
    %sign3A_3203 = arith.constant 0 : i32
    %sign3A_3204 = arith.cmpi sgt, %select_n3A_3197, %sign3A_3203 : i32
    %sign3A_3205 = arith.extui %sign3A_3204 : i1 to i32
    %sign3A_3206 = arith.constant 0 : i32
    %sign3A_3207 = arith.cmpi slt, %select_n3A_3197, %sign3A_3206 : i32
    %sign3A_3208 = arith.extui %sign3A_3207 : i1 to i32
    %sign3A_3209 = arith.subi %sign3A_3205, %sign3A_3208 : i32
    %sign3A_3210 = arith.constant 0 : i32
    %sign3A_3211 = arith.cmpi sgt, %jit3A_3201, %sign3A_3210 : i32
    %sign3A_3212 = arith.extui %sign3A_3211 : i1 to i32
    %sign3A_3213 = arith.constant 0 : i32
    %sign3A_3214 = arith.cmpi slt, %jit3A_3201, %sign3A_3213 : i32
    %sign3A_3215 = arith.extui %sign3A_3214 : i1 to i32
    %sign3A_3216 = arith.subi %sign3A_3212, %sign3A_3215 : i32
    %ne3A_3217 = arith.cmpi ne, %sign3A_3209, %sign3A_3216 : i32
    %rem3A_3218 = arith.remsi %select_n3A_3197, %jit3A_3201 : i32
    %ne3A_3219 = arith.constant 0 : i32
    %ne3A_3220 = arith.cmpi ne, %rem3A_3218, %ne3A_3219 : i32
    %and3A_3221 = arith.andi %ne3A_3217, %ne3A_3220 : i1
    %sub3A_3222 = arith.constant 1 : i32
    %sub3A_3223 = arith.subi %div3A_3202, %sub3A_3222 : i32
    %select_n3A_3224 = arith.select %and3A_3221, %sub3A_3223, %div3A_3202 : i32
    %mul3A_3225 = arith.constant 16 : i32
    %mul3A_3226 = arith.muli %add3A_3169, %mul3A_3225 : i32
    %get3A_3227 = arith.index_cast %mul3A_3226 : i32 to index
    %get3A_3228 = tpu.vector_load %arg10[%get3A_3227] {strides = array<i32>} : memref<1280xf32, #tpu.memory_space<vmem>>, vector<16xf32>,
    %mul3A_3229 = arith.constant 10 : i32
    %mul3A_3230 = arith.muli %select_n3A_3224, %mul3A_3229 : i32
    %add3A_3231 = arith.constant 0 : i32
    %add3A_3232 = arith.addi %mul3A_3230, %add3A_3231 : i32
    %mul3A_3233 = arith.constant 2 : i32
    %mul3A_3234 = arith.muli %add3A_3232, %mul3A_3233 : i32
    %add3A_3235 = arith.addi %mul3A_3234, %sub3A_3200 : i32
    %mul3A_3236 = arith.constant 80 : i32
    %mul3A_3237 = arith.muli %arg0, %mul3A_3236 : i32
    %sub3A_3238 = arith.subi %add3A_3235, %mul3A_3237 : i32
    %mul3A_3239 = arith.constant 16 : i32
    %mul3A_3240 = arith.muli %sub3A_3238, %mul3A_3239 : i32
    %get3A_3241 = arith.index_cast %mul3A_3240 : i32 to index
    %get3A_3242 = tpu.vector_load %arg10[%get3A_3241] {strides = array<i32>} : memref<1280xf32, #tpu.memory_space<vmem>>, vector<16xf32>,
    %sub3A_3243 = arith.subf %get3A_3228, %get3A_3242 : vector<16xf32>
    %abs3A_3244 = math.absf %sub3A_3243 : vector<16xf32>
    %add3A_3245 = arith.addf %add3A_3165, %abs3A_3244 : vector<16xf32>
    %mul3A_3246 = arith.constant 10 : i32
    %mul3A_3247 = arith.muli %select_n3A_3224, %mul3A_3246 : i32
    %add3A_3248 = arith.constant 1 : i32
    %add3A_3249 = arith.addi %mul3A_3247, %add3A_3248 : i32
    %mul3A_3250 = arith.constant 2 : i32
    %mul3A_3251 = arith.muli %add3A_3249, %mul3A_3250 : i32
    %add3A_3252 = arith.addi %mul3A_3251, %sub3A_3200 : i32
    %mul3A_3253 = arith.constant 80 : i32
    %mul3A_3254 = arith.muli %arg0, %mul3A_3253 : i32
    %sub3A_3255 = arith.subi %add3A_3252, %mul3A_3254 : i32
    %mul3A_3256 = arith.constant 16 : i32
    %mul3A_3257 = arith.muli %sub3A_3255, %mul3A_3256 : i32
    %get3A_3258 = arith.index_cast %mul3A_3257 : i32 to index
    %get3A_3259 = tpu.vector_load %arg10[%get3A_3258] {strides = array<i32>} : memref<1280xf32, #tpu.memory_space<vmem>>, vector<16xf32>,
    %sub3A_3260 = arith.subf %get3A_3228, %get3A_3259 : vector<16xf32>
    %abs3A_3261 = math.absf %sub3A_3260 : vector<16xf32>
    %add3A_3262 = arith.addf %add3A_3245, %abs3A_3261 : vector<16xf32>
    %mul3A_3263 = arith.constant 10 : i32
    %mul3A_3264 = arith.muli %select_n3A_3224, %mul3A_3263 : i32
    %add3A_3265 = arith.constant 2 : i32
    %add3A_3266 = arith.addi %mul3A_3264, %add3A_3265 : i32
    %mul3A_3267 = arith.constant 2 : i32
    %mul3A_3268 = arith.muli %add3A_3266, %mul3A_3267 : i32
    %add3A_3269 = arith.addi %mul3A_3268, %sub3A_3200 : i32
    %mul3A_3270 = arith.constant 80 : i32
    %mul3A_3271 = arith.muli %arg0, %mul3A_3270 : i32
    %sub3A_3272 = arith.subi %add3A_3269, %mul3A_3271 : i32
    %mul3A_3273 = arith.constant 16 : i32
    %mul3A_3274 = arith.muli %sub3A_3272, %mul3A_3273 : i32
    %get3A_3275 = arith.index_cast %mul3A_3274 : i32 to index
    %get3A_3276 = tpu.vector_load %arg10[%get3A_3275] {strides = array<i32>} : memref<1280xf32, #tpu.memory_space<vmem>>, vector<16xf32>,
    %sub3A_3277 = arith.subf %get3A_3228, %get3A_3276 : vector<16xf32>
    %abs3A_3278 = math.absf %sub3A_3277 : vector<16xf32>
    %add3A_3279 = arith.addf %add3A_3262, %abs3A_3278 : vector<16xf32>
    %mul3A_3280 = arith.constant 10 : i32
    %mul3A_3281 = arith.muli %select_n3A_3224, %mul3A_3280 : i32
    %add3A_3282 = arith.constant 3 : i32
    %add3A_3283 = arith.addi %mul3A_3281, %add3A_3282 : i32
    %mul3A_3284 = arith.constant 2 : i32
    %mul3A_3285 = arith.muli %add3A_3283, %mul3A_3284 : i32
    %add3A_3286 = arith.addi %mul3A_3285, %sub3A_3200 : i32
    %mul3A_3287 = arith.constant 80 : i32
    %mul3A_3288 = arith.muli %arg0, %mul3A_3287 : i32
    %sub3A_3289 = arith.subi %add3A_3286, %mul3A_3288 : i32
    %mul3A_3290 = arith.constant 16 : i32
    %mul3A_3291 = arith.muli %sub3A_3289, %mul3A_3290 : i32
    %get3A_3292 = arith.index_cast %mul3A_3291 : i32 to index
    %get3A_3293 = tpu.vector_load %arg10[%get3A_3292] {strides = array<i32>} : memref<1280xf32, #tpu.memory_space<vmem>>, vector<16xf32>,
    %sub3A_3294 = arith.subf %get3A_3228, %get3A_3293 : vector<16xf32>
    %abs3A_3295 = math.absf %sub3A_3294 : vector<16xf32>
    %add3A_3296 = arith.addf %add3A_3279, %abs3A_3295 : vector<16xf32>
    %mul3A_3297 = arith.constant 10 : i32
    %mul3A_3298 = arith.muli %select_n3A_3224, %mul3A_3297 : i32
    %add3A_3299 = arith.constant 4 : i32
    %add3A_3300 = arith.addi %mul3A_3298, %add3A_3299 : i32
    %mul3A_3301 = arith.constant 2 : i32
    %mul3A_3302 = arith.muli %add3A_3300, %mul3A_3301 : i32
    %add3A_3303 = arith.addi %mul3A_3302, %sub3A_3200 : i32
    %mul3A_3304 = arith.constant 80 : i32
    %mul3A_3305 = arith.muli %arg0, %mul3A_3304 : i32
    %sub3A_3306 = arith.subi %add3A_3303, %mul3A_3305 : i32
    %mul3A_3307 = arith.constant 16 : i32
    %mul3A_3308 = arith.muli %sub3A_3306, %mul3A_3307 : i32
    %get3A_3309 = arith.index_cast %mul3A_3308 : i32 to index
    %get3A_3310 = tpu.vector_load %arg10[%get3A_3309] {strides = array<i32>} : memref<1280xf32, #tpu.memory_space<vmem>>, vector<16xf32>,
    %sub3A_3311 = arith.subf %get3A_3228, %get3A_3310 : vector<16xf32>
    %abs3A_3312 = math.absf %sub3A_3311 : vector<16xf32>
    %add3A_3313 = arith.addf %add3A_3296, %abs3A_3312 : vector<16xf32>
    %mul3A_3314 = arith.constant 10 : i32
    %mul3A_3315 = arith.muli %select_n3A_3224, %mul3A_3314 : i32
    %add3A_3316 = arith.constant 5 : i32
    %add3A_3317 = arith.addi %mul3A_3315, %add3A_3316 : i32
    %mul3A_3318 = arith.constant 2 : i32
    %mul3A_3319 = arith.muli %add3A_3317, %mul3A_3318 : i32
    %add3A_3320 = arith.addi %mul3A_3319, %sub3A_3200 : i32
    %mul3A_3321 = arith.constant 80 : i32
    %mul3A_3322 = arith.muli %arg0, %mul3A_3321 : i32
    %sub3A_3323 = arith.subi %add3A_3320, %mul3A_3322 : i32
    %mul3A_3324 = arith.constant 16 : i32
    %mul3A_3325 = arith.muli %sub3A_3323, %mul3A_3324 : i32
    %get3A_3326 = arith.index_cast %mul3A_3325 : i32 to index
    %get3A_3327 = tpu.vector_load %arg10[%get3A_3326] {strides = array<i32>} : memref<1280xf32, #tpu.memory_space<vmem>>, vector<16xf32>,
    %sub3A_3328 = arith.subf %get3A_3228, %get3A_3327 : vector<16xf32>
    %abs3A_3329 = math.absf %sub3A_3328 : vector<16xf32>
    %add3A_3330 = arith.addf %add3A_3313, %abs3A_3329 : vector<16xf32>
    %mul3A_3331 = arith.constant 10 : i32
    %mul3A_3332 = arith.muli %select_n3A_3224, %mul3A_3331 : i32
    %add3A_3333 = arith.constant 6 : i32
    %add3A_3334 = arith.addi %mul3A_3332, %add3A_3333 : i32
    %mul3A_3335 = arith.constant 2 : i32
    %mul3A_3336 = arith.muli %add3A_3334, %mul3A_3335 : i32
    %add3A_3337 = arith.addi %mul3A_3336, %sub3A_3200 : i32
    %mul3A_3338 = arith.constant 80 : i32
    %mul3A_3339 = arith.muli %arg0, %mul3A_3338 : i32
    %sub3A_3340 = arith.subi %add3A_3337, %mul3A_3339 : i32
    %mul3A_3341 = arith.constant 16 : i32
    %mul3A_3342 = arith.muli %sub3A_3340, %mul3A_3341 : i32
    %get3A_3343 = arith.index_cast %mul3A_3342 : i32 to index
    %get3A_3344 = tpu.vector_load %arg10[%get3A_3343] {strides = array<i32>} : memref<1280xf32, #tpu.memory_space<vmem>>, vector<16xf32>,
    %sub3A_3345 = arith.subf %get3A_3228, %get3A_3344 : vector<16xf32>
    %abs3A_3346 = math.absf %sub3A_3345 : vector<16xf32>
    %add3A_3347 = arith.addf %add3A_3330, %abs3A_3346 : vector<16xf32>
    %mul3A_3348 = arith.constant 10 : i32
    %mul3A_3349 = arith.muli %select_n3A_3224, %mul3A_3348 : i32
    %add3A_3350 = arith.constant 7 : i32
    %add3A_3351 = arith.addi %mul3A_3349, %add3A_3350 : i32
    %mul3A_3352 = arith.constant 2 : i32
    %mul3A_3353 = arith.muli %add3A_3351, %mul3A_3352 : i32
    %add3A_3354 = arith.addi %mul3A_3353, %sub3A_3200 : i32
    %mul3A_3355 = arith.constant 80 : i32
    %mul3A_3356 = arith.muli %arg0, %mul3A_3355 : i32
    %sub3A_3357 = arith.subi %add3A_3354, %mul3A_3356 : i32
    %mul3A_3358 = arith.constant 16 : i32
    %mul3A_3359 = arith.muli %sub3A_3357, %mul3A_3358 : i32
    %get3A_3360 = arith.index_cast %mul3A_3359 : i32 to index
    %get3A_3361 = tpu.vector_load %arg10[%get3A_3360] {strides = array<i32>} : memref<1280xf32, #tpu.memory_space<vmem>>, vector<16xf32>,
    %sub3A_3362 = arith.subf %get3A_3228, %get3A_3361 : vector<16xf32>
    %abs3A_3363 = math.absf %sub3A_3362 : vector<16xf32>
    %add3A_3364 = arith.addf %add3A_3347, %abs3A_3363 : vector<16xf32>
    %mul3A_3365 = arith.constant 10 : i32
    %mul3A_3366 = arith.muli %select_n3A_3224, %mul3A_3365 : i32
    %add3A_3367 = arith.constant 8 : i32
    %add3A_3368 = arith.addi %mul3A_3366, %add3A_3367 : i32
    %mul3A_3369 = arith.constant 2 : i32
    %mul3A_3370 = arith.muli %add3A_3368, %mul3A_3369 : i32
    %add3A_3371 = arith.addi %mul3A_3370, %sub3A_3200 : i32
    %mul3A_3372 = arith.constant 80 : i32
    %mul3A_3373 = arith.muli %arg0, %mul3A_3372 : i32
    %sub3A_3374 = arith.subi %add3A_3371, %mul3A_3373 : i32
    %mul3A_3375 = arith.constant 16 : i32
    %mul3A_3376 = arith.muli %sub3A_3374, %mul3A_3375 : i32
    %get3A_3377 = arith.index_cast %mul3A_3376 : i32 to index
    %get3A_3378 = tpu.vector_load %arg10[%get3A_3377] {strides = array<i32>} : memref<1280xf32, #tpu.memory_space<vmem>>, vector<16xf32>,
    %sub3A_3379 = arith.subf %get3A_3228, %get3A_3378 : vector<16xf32>
    %abs3A_3380 = math.absf %sub3A_3379 : vector<16xf32>
    %add3A_3381 = arith.addf %add3A_3364, %abs3A_3380 : vector<16xf32>
    %mul3A_3382 = arith.constant 10 : i32
    %mul3A_3383 = arith.muli %select_n3A_3224, %mul3A_3382 : i32
    %add3A_3384 = arith.constant 9 : i32
    %add3A_3385 = arith.addi %mul3A_3383, %add3A_3384 : i32
    %mul3A_3386 = arith.constant 2 : i32
    %mul3A_3387 = arith.muli %add3A_3385, %mul3A_3386 : i32
    %add3A_3388 = arith.addi %mul3A_3387, %sub3A_3200 : i32
    %mul3A_3389 = arith.constant 80 : i32
    %mul3A_3390 = arith.muli %arg0, %mul3A_3389 : i32
    %sub3A_3391 = arith.subi %add3A_3388, %mul3A_3390 : i32
    %mul3A_3392 = arith.constant 16 : i32
    %mul3A_3393 = arith.muli %sub3A_3391, %mul3A_3392 : i32
    %get3A_3394 = arith.index_cast %mul3A_3393 : i32 to index
    %get3A_3395 = tpu.vector_load %arg10[%get3A_3394] {strides = array<i32>} : memref<1280xf32, #tpu.memory_space<vmem>>, vector<16xf32>,
    %sub3A_3396 = arith.subf %get3A_3228, %get3A_3395 : vector<16xf32>
    %abs3A_3397 = math.absf %sub3A_3396 : vector<16xf32>
    %add3A_3398 = arith.addf %add3A_3381, %abs3A_3397 : vector<16xf32>
    %swap3A_3399 = arith.constant 0 : index
    %swap3A_3400 = tpu.vector_load %arg11[%swap3A_3399] {strides = array<i32>} : memref<32xf32, #tpu.memory_space<vmem>>, vector<16xf32>,
    tpu.vector_store %arg11[%swap3A_3399], %add3A_2229 {strides = array<i32>} : memref<32xf32, #tpu.memory_space<vmem>>, vector<16xf32>,
    %swap3A_3401 = arith.constant 16 : index
    %swap3A_3402 = tpu.vector_load %arg11[%swap3A_3401] {strides = array<i32>} : memref<32xf32, #tpu.memory_space<vmem>>, vector<16xf32>,
    tpu.vector_store %arg11[%swap3A_3401], %add3A_3398 {strides = array<i32>} : memref<32xf32, #tpu.memory_space<vmem>>, vector<16xf32>,
    %mul3A_3403 = arith.constant 32 : i32
    %mul3A_3404 = arith.muli %arg1, %mul3A_3403 : i32
    "tpu.region"() ({
      %run_scoped3A = tpu.sem_alloc : memref<!tpu.dma_semaphore, #tpu.memory_space<semaphore_mem>>
      %dma_start3A_3409 = tpu.memref_slice %arg15[%mul3A_3404] : memref<512xf32, #tpu.memory_space<vmem_shared>> -> memref<32xf32, #tpu.memory_space<vmem_shared>>
      %dma_start3A_3410 = tpu.memref_slice %arg15[%mul3A_3404] : memref<512xf32, #tpu.memory_space<vmem_shared>> -> memref<32xf32, #tpu.memory_space<vmem_shared>>
      tpu.enqueue_dma source(%arg11 : memref<32xf32, #tpu.memory_space<vmem>>) target(%dma_start3A_3410 : memref<32xf32, #tpu.memory_space<vmem_shared>>) target_semaphore(%run_scoped3A : memref<!tpu.dma_semaphore, #tpu.memory_space<semaphore_mem>>)
      %dma_wait3A_3411 = tpu.memref_slice %arg15[%mul3A_3404] : memref<512xf32, #tpu.memory_space<vmem_shared>> -> memref<32xf32, #tpu.memory_space<vmem_shared>>
      %dma_wait3A_3412 = tpu.memref_slice %arg15[%mul3A_3404] : memref<512xf32, #tpu.memory_space<vmem_shared>> -> memref<32xf32, #tpu.memory_space<vmem_shared>>
      tpu.wait_dma2 semaphore(%run_scoped3A : memref<!tpu.dma_semaphore, #tpu.memory_space<semaphore_mem>>) src(%arg11 : memref<32xf32, #tpu.memory_space<vmem>>) dst(%dma_wait3A_3412 : memref<32xf32, #tpu.memory_space<vmem_shared>>)
      tpu.yield
    }) : () -> ()
    %barrier3A_3405 = arith.constant 0 : index
    tpu.barrier barrier_id(%barrier3A_3405)
    %eq3A = arith.constant 0 : i32
    %eq3A_3406 = arith.cmpi eq, %arg1, %eq3A : i32
    %convert_element_type3A_3407 = arith.extui %eq3A_3406 : i1 to i32
    %cond3A = arith.constant 0 : i32
    %cond3A_3408 = arith.cmpi ne, %convert_element_type3A_3407, %cond3A : i32
    scf.if %cond3A_3408 {
      "tpu.region"() ({
        %run_scoped3A = tpu.sem_alloc : memref<!tpu.dma_semaphore, #tpu.memory_space<semaphore_mem>>
        tpu.enqueue_dma source(%arg15 : memref<512xf32, #tpu.memory_space<vmem_shared>>) target(%arg12 : memref<512xf32, #tpu.memory_space<vmem>>) target_semaphore(%run_scoped3A : memref<!tpu.dma_semaphore, #tpu.memory_space<semaphore_mem>>)
        tpu.wait_dma2 semaphore(%run_scoped3A : memref<!tpu.dma_semaphore, #tpu.memory_space<semaphore_mem>>) src(%arg15 : memref<512xf32, #tpu.memory_space<vmem_shared>>) dst(%arg12 : memref<512xf32, #tpu.memory_space<vmem>>)
        tpu.yield
      }) : () -> ()
      %scan3A = arith.constant 0 : i32
      %scan3A_3409 = arith.constant 16 : i32
      %scan3A_3410 = arith.addi %scan3A, %scan3A_3409 : i32
      %scan3A_3411 = arith.constant 1 : i32
      %scan3A_3412:2 = scf.for %scan3A_3435 = %scan3A to %scan3A_3410 step %scan3A_3411 iter_args(%scan3A_3436 = %broadcast_in_dim3A_1, %scan3A_3437 = %broadcast_in_dim3A_1) -> (vector<16xf32>, vector<16xf32>)  : i32 {
        %mul3A_3438 = arith.constant 32 : i32
        %mul3A_3439 = arith.muli %scan3A_3435, %mul3A_3438 : i32
        %get3A_3440 = arith.index_cast %mul3A_3439 : i32 to index
        %get3A_3441 = tpu.vector_load %arg12[%get3A_3440] {strides = array<i32>} : memref<512xf32, #tpu.memory_space<vmem>>, vector<16xf32>,
        %add3A_3442 = arith.addf %scan3A_3436, %get3A_3441 : vector<16xf32>
        %mul3A_3443 = arith.constant 32 : i32
        %mul3A_3444 = arith.muli %scan3A_3435, %mul3A_3443 : i32
        %add3A_3445 = arith.constant 16 : i32
        %add3A_3446 = arith.addi %mul3A_3444, %add3A_3445 : i32
        %get3A_3447 = arith.index_cast %add3A_3446 : i32 to index
        %get3A_3448 = tpu.vector_load %arg12[%get3A_3447] {strides = array<i32>} : memref<512xf32, #tpu.memory_space<vmem>>, vector<16xf32>,
        %add3A_3449 = arith.addf %scan3A_3437, %get3A_3448 : vector<16xf32>
        scf.yield %add3A_3442, %add3A_3449 : vector<16xf32>, vector<16xf32>
      }
      %scan3A_3413 = arith.constant 16 : i32
      %eq3A_3414 = arith.constant 0 : i32
      %eq3A_3415 = vector.broadcast %eq3A_3414 : i32 to vector<16xi32>
      %eq3A_3416 = arith.cmpi eq, %iota3A, %eq3A_3415 : vector<16xi32>
      %reduce_sum3A = arith.constant true
      %reduce_sum3A_3417 = vector.broadcast %reduce_sum3A : i1 to vector<16xi1>
      %reduce_sum3A_3418 = tpu.scan <sum>, %scan3A_3412#0 masked %reduce_sum3A_3417 : vector<16xf32>, vector<16xi1> -> vector<16xf32>
      %reduce_sum3A_3419 = vector.extract %reduce_sum3A_3418[15] : f32 from vector<16xf32>
      %eq3A_3420 = arith.constant 1 : i32
      %eq3A_3421 = vector.broadcast %eq3A_3420 : i32 to vector<16xi32>
      %eq3A_3422 = arith.cmpi eq, %iota3A, %eq3A_3421 : vector<16xi32>
      %reduce_sum3A_3423 = arith.constant true
      %reduce_sum3A_3424 = vector.broadcast %reduce_sum3A_3423 : i1 to vector<16xi1>
      %reduce_sum3A_3425 = tpu.scan <sum>, %scan3A_3412#1 masked %reduce_sum3A_3424 : vector<16xf32>, vector<16xi1> -> vector<16xf32>
      %reduce_sum3A_3426 = vector.extract %reduce_sum3A_3425[15] : f32 from vector<16xf32>
      %jit3A_3427 = arith.constant 0.000000e+00 : f32
      %broadcast_in_dim3A_3428 = vector.broadcast %reduce_sum3A_3426 : f32 to vector<16xf32>
      %broadcast_in_dim3A_3429 = vector.broadcast %jit3A_3427 : f32 to vector<16xf32>
      %select_n3A_3430 = arith.select %eq3A_3422, %broadcast_in_dim3A_3428, %broadcast_in_dim3A_3429 : vector<16xi1>, vector<16xf32>
      %broadcast_in_dim3A_3431 = vector.broadcast %reduce_sum3A_3419 : f32 to vector<16xf32>
      %select_n3A_3432 = arith.select %eq3A_3416, %broadcast_in_dim3A_3431, %select_n3A_3430 : vector<16xi1>, vector<16xf32>
      %swap3A_3433 = arith.constant 0 : index
      %swap3A_3434 = tpu.vector_load %arg13[%swap3A_3433] {strides = array<i32>} : memref<16xf32, #tpu.memory_space<vmem>>, vector<16xf32>,
      tpu.vector_store %arg13[%swap3A_3433], %select_n3A_3432 {strides = array<i32>} : memref<16xf32, #tpu.memory_space<vmem>>, vector<16xf32>,
      "tpu.region"() ({
        %run_scoped3A = tpu.sem_alloc : memref<!tpu.dma_semaphore, #tpu.memory_space<semaphore_mem>>
        %dma_start3A_3435 = arith.constant 0 : i32
        %dma_start3A_3436 = tpu.memref_slice %arg4[%arg0, %dma_start3A_3435] : memref<2x16xf32, #tpu.memory_space<hbm>> -> memref<1x16xf32, #tpu.memory_space<hbm>>
        %dma_start3A_3437 = tpu.memref_squeeze %dma_start3A_3436 : memref<1x16xf32, #tpu.memory_space<hbm>> -> memref<16xf32, #tpu.memory_space<hbm>>
        %dma_start3A_3438 = arith.constant 0 : i32
        %dma_start3A_3439 = tpu.memref_slice %arg4[%arg0, %dma_start3A_3438] : memref<2x16xf32, #tpu.memory_space<hbm>> -> memref<1x16xf32, #tpu.memory_space<hbm>>
        %dma_start3A_3440 = tpu.memref_squeeze %dma_start3A_3439 : memref<1x16xf32, #tpu.memory_space<hbm>> -> memref<16xf32, #tpu.memory_space<hbm>>
        tpu.enqueue_dma source(%arg13 : memref<16xf32, #tpu.memory_space<vmem>>) target(%dma_start3A_3440 : memref<16xf32, #tpu.memory_space<hbm>>) target_semaphore(%run_scoped3A : memref<!tpu.dma_semaphore, #tpu.memory_space<semaphore_mem>>)
        %dma_wait3A_3441 = arith.constant 0 : i32
        %dma_wait3A_3442 = tpu.memref_slice %arg4[%arg0, %dma_wait3A_3441] : memref<2x16xf32, #tpu.memory_space<hbm>> -> memref<1x16xf32, #tpu.memory_space<hbm>>
        %dma_wait3A_3443 = tpu.memref_squeeze %dma_wait3A_3442 : memref<1x16xf32, #tpu.memory_space<hbm>> -> memref<16xf32, #tpu.memory_space<hbm>>
        %dma_wait3A_3444 = arith.constant 0 : i32
        %dma_wait3A_3445 = tpu.memref_slice %arg4[%arg0, %dma_wait3A_3444] : memref<2x16xf32, #tpu.memory_space<hbm>> -> memref<1x16xf32, #tpu.memory_space<hbm>>
        %dma_wait3A_3446 = tpu.memref_squeeze %dma_wait3A_3445 : memref<1x16xf32, #tpu.memory_space<hbm>> -> memref<16xf32, #tpu.memory_space<hbm>>
        tpu.wait_dma2 semaphore(%run_scoped3A : memref<!tpu.dma_semaphore, #tpu.memory_space<semaphore_mem>>) src(%arg13 : memref<16xf32, #tpu.memory_space<vmem>>) dst(%dma_wait3A_3446 : memref<16xf32, #tpu.memory_space<hbm>>)
        tpu.yield
      }) : () -> ()
    } else {
    }
    return
  }
}

</mosaic_0001>

<sc_bundles>
// kernel: kernel.3.cloned.1.call-start
scs
__scs_entry_jumppad:
0x0: {  	(pc) =	sbr.rel $0x88, $3  }
0x1: {  	(tag) =	ssettag $0x0;
	lr =	simm.s32 $0x1  }
0x2: {  	[smem:$0x3F9F] =	sst lr;
	_ =	strace $0xD0000000  }
0x3: {  	_ = 	snop  }
0x4: {  	_ = 	snop  }
0x5: {  	_ = 	snop  }
0x6: {  	_ = 	snop  }
0x7: {  	_ = 	snop  }
__scs_overlays_trampoline_lowered:
0x8: {  	[smem:$0x3FAE] =	sst s0  }
0x9: {  	[smem:$0x3FAF] =	sst s1  }
0xa: {  	[smem:$0x3FB0] =	sst s2  }
0xb: {  	[smem:$0x3FB1] =	sst s3  }
0xc: {  	[smem:$0x3FB2] =	sst s4  }
0xd: {  	[smem:$0x3FB3] =	sst s5  }
0xe: {  	[smem:$0x3FB4] =	sst s6  }
0xf: {  	[smem:$0x3FB5] =	sst s7  }
0x10: {  	[smem:$0x3FB6] =	sst s8  }
0x11: {  	[smem:$0x3FB7] =	sst s9;
	s0 =	simm.s32 @!p0 $0x0  }
0x12: {  	s1 =	sld [smem:$0x3F9D];
	s0 =	simm.s32 @p0 $0x1  }
0x13: {  	[smem:$0x3FB8] =	sst s0;
	s0 =	simm.s32 @!p1 $0x0  }
0x14: {  	s2 =	sld [smem:$0x3F9C];
	s0 =	simm.s32 @p1 $0x1  }
0x15: {  	[smem:$0x3FB9] =	sst s0;
	s0 =	simm.s32 @!p2 $0x0  }
0x16: {  	s3 =	sld [smem:$0x3FDB];
	s0 =	simm.s32 @p2 $0x1  }
0x17: {  	s4 =	simm.s32 $0x1BF5;
	[smem:$0x3FBB] =	sst s0  }
0x18: {  	s0 =	sld [smem:$0x3F9E];
	_ =	swait.ge [sflag:s4], $0x0  }
0x19: {  	s7 =	sld [smem:$0x3F9F]  }
0x1a: {  	s8 =	sadd.s32 $0xFFFFE003, lr  }
0x1b: {  	s9 =	sadd.s32 $0xFFFFFEF7, lr;
	s5 =	simm.s32 $0xFFFFFFFF;
	p2 =	slt.u32 s8, $0xFFFFF086  }
0x1c: {  	p1 =	slt.u32 s9, $0xF7A;
	s5 =	simm.s32 @!p2 $0x0  }
0x1d: {  	s5 =	simm.s32 @p1 $0x1;
	p0 =	seq.s32 s7, s2  }
0x1e: {  	s7 =	smul.u32 @!p0 $0xF7A, s2;
	p2 =	seq.s32 @!p0 s5, $0x0  }
0x1f: {  	s9 =	smul.u32 $0xF7A, s1;
	s8 =	simm.s32 @!p0 $0x1BF5;
	p2 =	por !p2, p0  }
0x20: {  	[sflag:s8] =	ssyncset.s32 @!p0 $0xFFFFF086;
	s6 =	sadd.s32 @!p0 s3, s7;
	s7 =	simm.s32 @!p0 $0x108  }
0x21: {  	s3 =	sadd.s32 s3, s9;
	s6 =	sadd.s32 @!p0 $0x88, s6;
	s7 =	simm.s32 @p2 $0x1082  }
0x22: {  	[simem:s7], [sflag:s8] =	dma.local @!p0 [hbm:s6], $0xF7A  }
0x23: {  	s9 =	sor.u32 $0xD0000000, s2;
	s6 =	simm.s32 $0x108;
	_ =	swait.ge @!p0 [sflag:s8], $0x0  }
0x24: {  	s3 =	sadd.s32 $0x88, s3;
	s6 =	simm.s32 @!p1 $0x1082;
	[sflag:s4] =	ssyncset.s32 $0xFFFFF086  }
0x25: {  	[simem:s6], [sflag:s4] =	dma.local [hbm:s3], $0xF7A  }
0x26: {  	[smem:$0x3F9F] =	sst s1;
	(tag) =	ssettag s2;
	_ =	strace s9  }
0x27: {  	s1 =	sld [smem:$0x3FAF]  }
0x28: {  	s2 =	sld [smem:$0x3FB0]  }
0x29: {  	s4 =	sld [smem:$0x3FB2]  }
0x2a: {  	p0 =	seq.s32 s5, $0x0;
	s5 =	sld [smem:$0x3FB3]  }
0x2b: {  	s6 =	sld [smem:$0x3FB4]  }
0x2c: {  	s7 =	sld [smem:$0x3FB5]  }
0x2d: {  	s3 =	simm.s32 $0x108;
	s8 =	sld [smem:$0x3FB6]  }
0x2e: {  	s3 =	simm.s32 @!p0 $0x1082;
	s9 =	sld [smem:$0x3FB7]  }
0x2f: {  	lr =	sadd.s32 s0, s3;
	s0 =	sld [smem:$0x3FAE]  }
0x30: {  	s3 =	sld [smem:$0x3FB1]  }
0x31: {  	[smem:$0x3FBA] =	sst s10  }
0x32: {  	s10 =	sld [smem:$0x3FB8];
	_ =	sdelay $0x3  }
0x33: {  	p0 =	seq.s32 s10, $0x1;
	s10 =	sld [smem:$0x3FBA];
	_ =	sdelay $0x3  }
0x34: {  	[smem:$0x3FBA] =	sst s10  }
0x35: {  	s10 =	sld [smem:$0x3FB9];
	_ =	sdelay $0x3  }
0x36: {  	p1 =	seq.s32 s10, $0x1;
	s10 =	sld [smem:$0x3FBA];
	_ =	sdelay $0x3  }
0x37: {  	[smem:$0x3FBA] =	sst s10  }
0x38: {  	s10 =	sld [smem:$0x3FBB]  }
0x39: {  	_ = 	snop;
	(pc) =	sbr.ind lr, $3  }
0x3a: {  	_ = 	snop  }
0x3b: {  	_ = 	snop  }
0x3c: {  	p2 =	seq.s32 s10, $0x1;
	s10 =	sld [smem:$0x3FBA]  }
0x3d: {  	_ =	shalt  }
0x3e: {  	_ =	shalt  }
0x3f: {  	_ =	shalt  }
0x40: {  	_ =	shalt  }
0x41: {  	_ =	shalt  }
0x42: {  	_ =	shalt  }
0x43: {  	_ =	shalt  }
0x44: {  	_ =	shalt  }
0x45: {  	_ =	shalt  }
0x46: {  	_ =	shalt  }
0x47: {  	_ =	shalt  }
0x48: {  	_ =	shalt  }
0x49: {  	_ =	shalt  }
0x4a: {  	_ =	shalt  }
0x4b: {  	_ =	shalt  }
0x4c: {  	_ =	shalt  }
0x4d: {  	_ =	shalt  }
0x4e: {  	_ =	shalt  }
0x4f: {  	_ =	shalt  }
0x50: {  	_ =	shalt  }
0x51: {  	_ =	shalt  }
0x52: {  	_ =	shalt  }
0x53: {  	_ =	shalt  }
0x54: {  	_ =	shalt  }
0x55: {  	_ =	shalt  }
0x56: {  	_ =	shalt  }
0x57: {  	_ =	shalt  }
0x58: {  	_ =	shalt  }
0x59: {  	_ =	shalt  }
0x5a: {  	_ =	shalt  }
0x5b: {  	_ =	shalt  }
0x5c: {  	_ =	shalt  }
0x5d: {  	_ =	shalt  }
0x5e: {  	_ =	shalt  }
0x5f: {  	_ =	shalt  }
0x60: {  	_ =	shalt  }
0x61: {  	_ =	shalt  }
0x62: {  	_ =	shalt  }
0x63: {  	_ =	shalt  }
0x64: {  	_ =	shalt  }
0x65: {  	_ =	shalt  }
0x66: {  	_ =	shalt  }
0x67: {  	_ =	shalt  }
0x68: {  	_ =	shalt  }
0x69: {  	_ =	shalt  }
0x6a: {  	_ =	shalt  }
0x6b: {  	_ =	shalt  }
0x6c: {  	_ =	shalt  }
0x6d: {  	_ =	shalt  }
0x6e: {  	_ =	shalt  }
0x6f: {  	_ =	shalt  }
0x70: {  	_ =	shalt  }
0x71: {  	_ =	shalt  }
0x72: {  	_ =	shalt  }
0x73: {  	_ =	shalt  }
0x74: {  	_ =	shalt  }
0x75: {  	_ =	shalt  }
0x76: {  	_ =	shalt  }
0x77: {  	_ =	shalt  }
0x78: {  	_ =	shalt  }
0x79: {  	_ =	shalt  }
0x7a: {  	_ =	shalt  }
0x7b: {  	_ =	shalt  }
0x7c: {  	_ =	shalt  }
0x7d: {  	_ =	shalt  }
0x7e: {  	_ =	shalt  }
0x7f: {  	_ =	shalt  }
0x80: {  	_ =	shalt  }
0x81: {  	_ =	shalt  }
0x82: {  	_ =	shalt  }
0x83: {  	_ =	shalt  }
0x84: {  	_ =	shalt  }
0x85: {  	_ =	shalt  }
0x86: {  	_ =	shalt  }
0x87: {  	_ =	shalt  }
.Lfunc_end0:
.L_simem_size_0:
called_computation_lowered:
.L_overlay_start_0:
0x88: {  	s2 =	sld [smem:$0x3FD9]  }
0x89: {  	s3 =	sld [smem:$0x3FFE];
	_ =	sdelay $0x1  }
0x8a: {  	s1 =	srdreg.scid  }
0x8b: {  	s0 =	sand.u32 $0x1, s1  }
0x8c: {  	s17 =	sshll.u32 s0, $0xA;
	s2 =	sadd.s32 s3, s2  }
0x8d: {  	s2 =	sadd.s32 s2, s17  }
0x8e: {  	[smem:$0x3FC6] =	sst s2  }
0x8f: {  	_ = 	snop  }
0x90: {  	s2 =	sld [smem:$0x3FC9]  }
0x91: {  	s18 =	sld [smem:$0x3FD0];
	(tm) =	ssettm $0x1  }
0x92: {  	s4 =	sld [smem:$0x3FFB];
	_ =	sdelay $0x3  }
0x93: {  	_ =	strace s4  }
0x94: {  	s4 =	sld [smem:$0x3FFC];
	_ =	sdelay $0x3  }
0x95: {  	_ =	strace s4  }
0x96: {  	s4 =	sld [smem:$0x3FFD];
	_ =	sdelay $0x3  }
0x97: {  	_ =	strace s4  }
0x98: {  	_ =	strace $0x8FFFFFFF  }
0x99: {  	s19 =	sld [smem:$0x3FDB];
	_ =	sdelay $0x1  }
0x9a: {  	s5 =	simm.s32 $_scs_section_size  }
0x9b: {  	s6 =	simm.s32 $_size__tile_overlayer_lowered;
	s7 =	simm.s32 $_tile_overlayer_lowered  }
0x9c: {  	s22 =	simm.s32 $0x1BFF;
	s21 =	sshll.u32 s7, $0x1;
	s4 =	sadd.s32 s5, s19  }
0x9d: {  	s8 =	simm.s32 $0x0;
	s20 =	sshll.u32 s6, $0x1;
	s6 =	sadd.s32 s21, s4  }
0x9e: {  	[timem:s8], [sflag:s22] =	dma.local [hbm:s6], s20  }
0x9f: {  	_ =	swait.ge [sflag:s22], s20  }
0xa0: {  	s5 =	ssub.s32 $0x0, s20;
	[sflag:s22] =	ssyncset.done $0x0  }
0xa1: {  	[sflag:s22] =	ssyncadd.s32 s5;
	_ =	sdelay $0x1  }
0xa2: {  	s23 =	simm.s32 $0x1B8B  }
0xa3: {  	_ =	swait.ge [sflag:s23], $0x1  }
0xa4: {  	[sflag:s23] =	ssyncset.done $0x0  }
0xa5: {  	s25 =	simm.s32 $0x1B8E;
	s24 =	sld [smem:$0x3FFE];
	[sflag:s23] =	ssyncadd.s32 $0xFFFFFFFF  }
0xa6: {  	s26 =	simm.s32 $execute0_lowered;
	[smem:$0x3FD2] =	sst s25  }
0xa7: {  	s6 =	sshll.u32 s26, $0x1;
	_ =	strace $0x80000046;
	[dreg:$0x1] =	wrdreg $0xFFFFFFFF  }
0xa8: {  	s28 =	simm.s32 $_size_execute0_lowered;
	s4 =	sadd.s32 s4, s6;
	[dreg:$0x0] =	wrdreg $0x0  }
0xa9: {  	s6 =	sshll.u32 s28, $0x1;
	[dreg:$0x2] =	wrdreg s4  }
0xaa: {  	[dreg:$0x3] =	wrdreg s6  }
0xab: {  	[dreg:$0x4] =	wrdreg $0xC0  }
0xac: {  	_ =	task [dreg:s8], $0x5FFFF  }
0xad: {  	[dreg:$0x1] =	wrdreg $0xFFFFFFFF  }
0xae: {  	[dreg:$0x0] =	wrdreg $0x60  }
0xaf: {  	[dreg:$0x2] =	wrdreg s2  }
0xb0: {  	[dreg:$0x3] =	wrdreg s24  }
0xb1: {  	[dreg:$0x4] =	wrdreg s18  }
0xb2: {  	[dreg:$0x5] =	wrdreg $0x12D00  }
0xb3: {  	[dreg:$0x6] =	wrdreg $0x13200  }
0xb4: {  	[dreg:$0x7] =	wrdreg $0x9  }
0xb5: {  	_ =	task.clear_ibuf [dreg:s8], $0x8FFFF;
	_ =	strace $0x90000046  }
0xb6: {  	s29 =	simm.s32 $0x9;
	_ =	strace $0x80000048  }
0xb7: {  	_ =	swait.ge [sflag:s29], $0x1  }
0xb8: {  	[sflag:s29] =	ssyncadd.s32 $0xFFFFFFFF  }
0xb9: {  	_ =	strace $0x90000048  }
0xba: {  	_ =	sfence  }
0xbb: {  	s30 =	sld [smem:$0x0];
	_ =	sdelay $0x2  }
0xbc: {  	s31 =	sshll.u32 s1, $0xD;
	s1 =	sshrl.u32 s1, $0x2  }
0xbd: {  	s3 =	sand.u32 $0x4000, s31;
	s1 =	sadd.s32 s1, s30  }
0xbe: {  	s0 =	sor.u32 s3, s0;
	s1 =	sshll.u32 s1, $0x11  }
0xbf: {  	s0 =	sor.u32 s1, s0  }
0xc0: {  	s0 =	sadd.s32 $0x8F2B, s0  }
0xc1: {  	[sflag:s0] =	ssyncadd.remote.s32 $0x1  }
0xc2: {  	_ =	sfence.sel $0xFFFF  }
0xc3: {  	[dreg:$0x0] =	wrdreg $0xFFFFFFFF;
	(pc) =	sbr.abs _section_cstart, $3  }
0xc4: {  	[dreg:$0x1] =	wrdreg $0xFFFFFFFF  }
0xc5: {  	_ =	task.clear_ibuf [dreg:s8], $0x2FFFF;
	_ =	strace $0x9FFFFFFF  }
0xc6: {  	(tm) =	ssettm $0x7FFFFFFF  }
0xc7: {  	_ =	shalt  }
tec
execute0_lowered:
.L_overlay_start_1:
0x0: {  	(tag) =	ssettag $0x1  }
0x1: {  	s0 =	srdreg.scid  }
0x2: {  	s3 =	sand.u32 $0x1, s0  }
0x3: {  	s1 =	stileid.u32;
	s0 =	sshll.u32 s3, $0x4  }
0x4: {  	s5 =	rddreg [dreg:$0x1];
	s8 =	ssub.s32 $0x2, s3;
	s1 =	sor.u32 s1, s0  }
0x5: {  	s0 =	simm.s32 $0x0;
	s10 =	sshrl.u32 s8, $0x1;
	s2 =	smul.u32 $0x5, s1  }
0x6: {  	[smem:$0x7FF] =	sst s0;
	s8 =	ssub.s32 s8, s10;
	s1 =	sshrl.u32 s1, $0x2  }
0x7: {  	[smem:$0x781] =	sst s8;
	s23 =	smul.u32 $0x880000, s1  }
0x8: {  	s6 =	sshrl.u32 s2, $0x1;
	s8 =	sand.u32 $0x1, s2;
	s21 =	sadd.s32 $0x1, s2  }
0x9: {  	s12 =	sadd.s32 $0x2, s2;
	s15 =	sadd.s32 $0x3, s2;
	s2 =	sadd.s32 $0x4, s2  }
0xa: {  	s4 =	smul.u32 $0x22, s6;
	s11 =	sand.u32 $0xFF, s21;
	s14 =	sshll.u32 s8, $0x12  }
0xb: {  	s13 =	sand.u32 $0xFF, s12;
	s25 =	sshrl.u32 s21, $0x1;
	s11 =	smul.u32 $0xCD, s11  }
0xc: {  	s19 =	sand.u32 $0xFF, s15;
	s12 =	sshrl.u32 s12, $0x1;
	s24 =	smul.u32 $0xCD, s13  }
0xd: {  	s22 =	sor.u32 s23, s14;
	s10 =	ssub.s32 s25, s6;
	s19 =	smul.u32 $0xCD, s19  }
0xe: {  	s12 =	ssub.s32 s12, s6;
	s20 =	sand.u32 $0x1FF8, s4;
	s11 =	sshrl.u32 s11, $0xC  }
0xf: {  	s7 =	smin.u32 s20, $0xA30;
	s17 =	sshrl.u32 s24, $0xC;
	s26 =	smul.u32 $0x880000, s11  }
0x10: {  	s20 =	sand.u32 $0xFF, s2;
	s19 =	sshrl.u32 s19, $0xC;
	s18 =	smul.u32 $0x880000, s17  }
0x11: {  	s24 =	sand.u32 $0x1, s15;
	s9 =	sshrl.u32 s7, $0x3;
	s23 =	smul.u32 $0xCD, s20  }
0x12: {  	s4 =	ssub.s32 s4, s7;
	s16 =	smul.u32 $0x880000, s19;
	s7 =	sshll.u32 s24, $0x12  }
0x13: {  	s11 =	smul.u32 $0x14, s11;
	s5 =	sadd.s32 s9, s5;
	s9 =	sand.u32 $0x1, s21  }
0x14: {  	s17 =	smul.u32 $0x14, s17;
	s21 =	sshll.u32 s9, $0x12;
	s20 =	sor.u32 s14, s18  }
0x15: {  	s7 =	sor.u32 s16, s7;
	s18 =	smul.u32 $0x50, s3;
	s3 =	sshll.u32 s3, $0x1  }
0x16: {  	s5 =	sadd.s32 $0x600, s5;
	s13 =	sor.u32 s26, s21;
	s21 =	sshrl.u32 s23, $0xC  }
0x17: {  	s26 =	sshrl.u32 s15, $0x1;
	s23 =	smul.u32 $0x14, s1;
	s15 =	sshrl.u32 s2, $0x1  }
0x18: {  	s1 =	rddreg [dreg:$0x0];
	s25 =	smul.u32 $0x880000, s21;
	s26 =	ssub.s32 s26, s6  }
0x19: {  	s6 =	ssub.s32 s15, s6;
	s21 =	smul.u32 $0x14, s21;
	s16 =	sor.u32 s8, s23  }
0x1a: {  	s2 =	sor.u32 s14, s25;
	s14 =	ssub.s32 s16, s18;
	s25 =	smul.u32 $0x14, s19  }
0x1b: {  	s19 =	sor.u32 s9, s11;
	s9 =	ssub.s32 s9, s18;
	s16 =	sor.u32 s8, s17  }
0x1c: {  	s9 =	sadd.s32 s9, s11;
	s28 =	ssub.s32 s19, s18;
	s29 =	ssub.s32 s16, s18  }
0x1d: {  	s19 =	smul.u32 $0x11, s26;
	s15 =	sor.u32 s24, s25;
	s24 =	ssub.s32 s24, s18  }
0x1e: {  	s25 =	sadd.s32 s24, s25;
	s24 =	ssub.s32 s8, s18;
	s8 =	sor.u32 s8, s21  }
0x1f: {  	s11 =	ssub.s32 s15, s18;
	s15 =	ssub.s32 s8, s18;
	s16 =	sadd.s32 s24, s23  }
0x20: {  	s18 =	rddreg [dreg:$0x2];
	s17 =	sadd.s32 s24, s17;
	s23 =	smul.u32 $0x11, s10  }
0x21: {  	s30 =	sadd.s32 s24, s21;
	s21 =	smul.u32 $0x11, s12;
	s10 =	sshll.u32 s14, $0x6  }
0x22: {  	s3 =	sadd.s32 s18, s3;
	s24 =	sshra.s32 s10, $0x2;
	s10 =	stileid.u32  }
0x23: {  	s12 =	sshll.u32 s16, $0x6;
	[dreg:$0x6] =	wrdreg s3;
	s3 =	smul.u32 $0x11, s6  }
0x24: {  	s14 =	sadd.s32 $0x180, s12;
	s26 =	sadd.s32 $0x200, s12;
	s31 =	sadd.s32 $0x280, s12  }
0x25: {  	s16 =	sadd.s32 $0x300, s12;
	s18 =	sadd.s32 $0x380, s12;
	s8 =	sadd.s32 $0x400, s12  }
0x26: {  	s6 =	sadd.s32 $0x480, s12;
	_ =	strace $0x80000047;
	[dreg:$0x7] =	wrdreg s5  }
0x27: {  	s5 =	sadd.s32 $0x100, s12;
	[smem:$0x78A] =	sst s8;
	s8 =	smul.u32 $0x140, s10  }
0x28: {  	[smem:$0x78B] =	sst s6;
	s12 =	sshll.u32 s28, $0x6;
	s10 =	sshll.u32 s9, $0x6  }
0x29: {  	s6 =	sshll.u32 s11, $0x6;
	s9 =	sshra.s32 s12, $0x2;
	s12 =	sadd.s32 $0x100, s10  }
0x2a: {  	s11 =	sshra.s32 s6, $0x2;
	s5 =	sshra.s32 s5, $0x2;
	[smem:$0x78C] =	sst s12  }
0x2b: {  	s6 =	sshll.u32 s25, $0x6;
	s12 =	sadd.s32 $0x180, s10;
	[dreg:$0x9] =	wrdreg s5  }
0x2c: {  	s25 =	sadd.s32 $0x100, s6;
	[smem:$0x790] =	sst s12  }
0x2d: {  	s12 =	sadd.s32 $0x200, s10;
	[smem:$0x7E0] =	sst s25  }
0x2e: {  	s25 =	sadd.s32 $0x200, s6;
	[smem:$0x7AB] =	sst s12  }
0x2f: {  	s12 =	sadd.s32 $0x280, s10;
	[smem:$0x7E4] =	sst s25  }
0x30: {  	s25 =	sadd.s32 $0x300, s6;
	[smem:$0x7BB] =	sst s12  }
0x31: {  	s12 =	sadd.s32 $0x300, s10;
	[smem:$0x7E9] =	sst s25  }
0x32: {  	[smem:$0x7CC] =	sst s12;
	s12 =	sadd.s32 $0x380, s10  }
0x33: {  	[smem:$0x7CD] =	sst s12;
	s12 =	sadd.s32 $0x400, s10  }
0x34: {  	[smem:$0x7CE] =	sst s12;
	s12 =	sadd.s32 $0x480, s10  }
0x35: {  	s25 =	sadd.s32 $0x400, s6;
	[smem:$0x7D0] =	sst s12;
	s12 =	sshll.u32 s17, $0x6  }
0x36: {  	[smem:$0x7EC] =	sst s25;
	s17 =	sadd.s32 $0x100, s12  }
0x37: {  	[smem:$0x7D1] =	sst s17;
	s17 =	sadd.s32 $0x180, s12  }
0x38: {  	[smem:$0x7D2] =	sst s17;
	s17 =	sadd.s32 $0x200, s12  }
0x39: {  	[smem:$0x7D5] =	sst s17;
	s17 =	sadd.s32 $0x280, s12  }
0x3a: {  	[smem:$0x7D6] =	sst s17;
	s17 =	sadd.s32 $0x300, s12  }
0x3b: {  	[smem:$0x7D7] =	sst s17;
	s17 =	sadd.s32 $0x380, s12  }
0x3c: {  	[smem:$0x7DA] =	sst s17;
	s17 =	sadd.s32 $0x400, s12  }
0x3d: {  	[smem:$0x7DB] =	sst s17;
	s17 =	sadd.s32 $0x480, s12  }
0x3e: {  	[smem:$0x7DC] =	sst s17;
	s17 =	sadd.s32 $0x180, s6  }
0x3f: {  	[smem:$0x7E2] =	sst s17;
	s17 =	sadd.s32 $0x280, s6  }
0x40: {  	[smem:$0x7E8] =	sst s17;
	s17 =	sadd.s32 $0x380, s6  }
0x41: {  	[smem:$0x7EA] =	sst s17;
	s17 =	sshll.u32 s15, $0x6  }
0x42: {  	s6 =	sadd.s32 $0x480, s6;
	s12 =	sshra.s32 s17, $0x2;
	s17 =	stileid.u32  }
0x43: {  	[smem:$0x7ED] =	sst s6;
	s6 =	sshll.u32 s30, $0x6;
	s25 =	smul.u32 $0x50, s17  }
0x44: {  	p0 =	sne.s32 s17, $0x0;
	s15 =	sshll.u32 s17, $0x5;
	s17 =	sld [smem:$0x781]  }
0x45: {  	[smem:$0x7FA] =	sst s25;
	s25 =	sadd.s32 $0x100, s6  }
0x46: {  	[smem:$0x7EE] =	sst s25;
	s25 =	sadd.s32 $0x180, s6  }
0x47: {  	[smem:$0x7F0] =	sst s25;
	s25 =	sadd.s32 $0x200, s6  }
0x48: {  	[smem:$0x7F1] =	sst s25;
	s25 =	sadd.s32 $0x280, s6  }
0x49: {  	[smem:$0x7F2] =	sst s25;
	s25 =	sadd.s32 $0x300, s6  }
0x4a: {  	[smem:$0x7F4] =	sst s25;
	s25 =	sadd.s32 $0x380, s6  }
0x4b: {  	[smem:$0x7F5] =	sst s25;
	s25 =	sadd.s32 $0x400, s6  }
0x4c: {  	[smem:$0x7F6] =	sst s25  }
0x4d: {  	s6 =	sadd.s32 $0x480, s6;
	s25 =	rddreg [dreg:$0x4]  }
0x4e: {  	[smem:$0x7F9] =	sst s6;
	s6 =	sadd.s32 s15, s25  }
0x4f: {  	s25 =	sshra.s32 s14, $0x2;
	[dreg:$0x8] =	wrdreg s6  }
0x50: {  	s14 =	sshra.s32 s31, $0x2;
	[dreg:$0xa] =	wrdreg s25  }
0x51: {  	s15 =	smax.u32 s17, $0x1;
	s17 =	sshra.s32 s16, $0x2;
	[dreg:$0xc] =	wrdreg s14  }
0x52: {  	s6 =	sshra.s32 s26, $0x2;
	[dreg:$0xd] =	wrdreg s17  }
0x53: {  	s25 =	sshra.s32 s18, $0x2;
	[dreg:$0xb] =	wrdreg s6  }
0x54: {  	v0 =	vlaneseq.u32;
	s26 =	sadd.s32 $0x380000, s22;
	[dreg:$0xe] =	wrdreg s25  }
0x55: {  	v1 =	vmul.u32 $0x2, v0;
	v24 =	vmul.u32 $0x4000, v0;
	[smem:$0x782] =	sst s26;
	s26 =	sadd.s32 $0x500000, s22  }
0x56: {  	s14 =	sadd.s32 $0x300000, s22;
	s6 =	sadd.s32 $0x280000, s22;
	[smem:$0x783] =	sst s26  }
0x57: {  	v2 =	vor.u32 $0x1, v1;
	s17 =	sadd.s32 $0x40, s4;
	v62 =	vor.u32 s14, v24;
	s14 =	sadd.s32 $0x600000, s13;
	v61 =	vor.u32 s6, v24;
	s6 =	sld [smem:$0x782]  }
0x58: {  	v29 =	vadd.s32 s17, v1;
	v30 =	vadd.s32 s17, v2;
	s17 =	sadd.s32 $0xD, s23;
	[smem:$0x7A1] =	sst s14  }
0x59: {  	s25 =	sadd.s32 $0x80000, s22;
	s26 =	sadd.s32 $0x580000, s22;
	[smem:$0x7A2] =	sst s17  }
0x5a: {  	v57 =	vor.u32 s25, v24;
	s25 =	sadd.s32 $0xA, s23;
	[smem:$0x784] =	sst s26  }
0x5b: {  	s14 =	sadd.s32 $0xE, s23;
	[smem:$0x79C] =	sst s25  }
0x5c: {  	s17 =	sadd.s32 $0x700000, s13;
	[smem:$0x7A4] =	sst s14  }
0x5d: {  	s26 =	sadd.s32 $0x600000, s22;
	[smem:$0x7A5] =	sst s17  }
0x5e: {  	s25 =	sadd.s32 $0x580000, s13;
	[smem:$0x785] =	sst s26  }
0x5f: {  	[smem:$0x79F] =	sst s25  }
0x60: {  	s14 =	sadd.s32 $0x780000, s13;
	s25 =	sld [smem:$0x783]  }
0x61: {  	s17 =	sadd.s32 $0x10, s23;
	[smem:$0x7A7] =	sst s14  }
0x62: {  	s26 =	sadd.s32 $0x680000, s22;
	[smem:$0x7A8] =	sst s17  }
0x63: {  	[smem:$0x786] =	sst s26  }
0x64: {  	s28 =	sadd.s32 $0x100000, s22;
	s26 =	sadd.s32 $0x700000, s22;
	v63 =	vor.u32 s6, v24;
	s6 =	sld [smem:$0x785]  }
0x65: {  	s5 =	sadd.s32 $0x200000, s22;
	[smem:$0x787] =	sst s26;
	s26 =	sadd.s32 $0x780000, s22  }
0x66: {  	s10 =	sshll.u32 s29, $0x6;
	s29 =	sadd.s32 $0x180000, s22;
	[smem:$0x788] =	sst s26  }
0x67: {  	s30 =	sadd.s32 $0x400000, s22;
	s26 =	sadd.s32 $0x800000, s22;
	v6 =	vor.u32 s25, v24;
	s25 =	sld [smem:$0x786]  }
0x68: {  	v0 =	vor.u32 s22, v24;
	s31 =	sadd.s32 $0x480000, s22;
	s22 =	sadd.s32 $0x9, s23;
	[smem:$0x789] =	sst s26  }
0x69: {  	[smem:$0x79B] =	sst s22  }
0x6a: {  	s26 =	sadd.s32 $0x1, s23;
	v8 =	vor.u32 s6, v24;
	s6 =	sld [smem:$0x788]  }
0x6b: {  	s22 =	sadd.s32 $0xB, s23;
	[smem:$0x78D] =	sst s26  }
0x6c: {  	s26 =	sadd.s32 $0x80000, s13;
	[smem:$0x79E] =	sst s22  }
0x6d: {  	s22 =	sadd.s32 $0x680000, s13;
	[smem:$0x78E] =	sst s26  }
0x6e: {  	[smem:$0x7A3] =	sst s22  }
0x6f: {  	v9 =	vor.u32 s25, v24;
	s25 =	sld [smem:$0x789]  }
0x70: {  	s26 =	sadd.s32 $0x2, s23;
	s14 =	sld [smem:$0x78D]  }
0x71: {  	s22 =	sadd.s32 $0xF, s23;
	[smem:$0x78F] =	sst s26  }
0x72: {  	[smem:$0x7A6] =	sst s22  }
0x73: {  	s26 =	sadd.s32 $0x100000, s13;
	v11 =	vor.u32 s6, v24;
	s6 =	sld [smem:$0x78B]  }
0x74: {  	[smem:$0x791] =	sst s26;
	s26 =	sadd.s32 $0x3, s23  }
0x75: {  	[smem:$0x792] =	sst s26;
	s26 =	sadd.s32 $0x180000, s13  }
0x76: {  	[smem:$0x793] =	sst s26;
	s26 =	sadd.s32 $0x4, s23  }
0x77: {  	[smem:$0x794] =	sst s26;
	s26 =	sadd.s32 $0x200000, s13  }
0x78: {  	[smem:$0x795] =	sst s26;
	s26 =	sadd.s32 $0x280000, s13  }
0x79: {  	[smem:$0x796] =	sst s26;
	s26 =	sadd.s32 $0x6, s23  }
0x7a: {  	[smem:$0x797] =	sst s26;
	s26 =	sadd.s32 $0x7, s23  }
0x7b: {  	[smem:$0x798] =	sst s26;
	s26 =	sadd.s32 $0x380000, s13  }
0x7c: {  	[smem:$0x799] =	sst s26;
	s26 =	sadd.s32 $0x400000, s13  }
0x7d: {  	[smem:$0x79A] =	sst s26;
	s26 =	sadd.s32 $0x500000, s13  }
0x7e: {  	[smem:$0x79D] =	sst s26;
	s26 =	sadd.s32 $0xC, s23  }
0x7f: {  	[smem:$0x7A0] =	sst s26  }
0x80: {  	s18 =	sadd.s32 $0x60, s4;
	s26 =	sld [smem:$0x784]  }
0x81: {  	v31 =	vadd.s32 s18, v1;
	v32 =	vadd.s32 s18, v2;
	s18 =	sadd.s32 $0x8, s23;
	s22 =	sadd.s32 $0x800000, s13;
	s17 =	sld [smem:$0x78E]  }
0x82: {  	v38 =	vmov s18;
	s18 =	sadd.s32 $0x300000, s20;
	[smem:$0x7A9] =	sst s22  }
0x83: {  	v56 =	vmov s21;
	[tilespmem:$0x1F6C0] =	vst v9;
	v9 =	vor.u32 s18, v24;
	s18 =	sadd.s32 $0x400000, s7;
	v7 =	vor.u32 s26, v24;
	s26 =	sld [smem:$0x787]  }
0x84: {  	[tilespmem:$0x1F920] =	vst v56;
	s22 =	sld [smem:$0x78F];
	v56 =	vor.u32 s18, v24;
	s18 =	sadd.s32 $0x400000, s2  }
0x85: {  	[smem:$0x7EB] =	sst s18  }
0x86: {  	v12 =	vor.u32 s25, v24;
	s25 =	sadd.s32 $0x1, s21;
	v10 =	vor.u32 s26, v24;
	s26 =	sld [smem:$0x78A]  }
0x87: {  	v25 =	vadd.s32 s4, v1;
	v14 =	vor.u32 s13, v24;
	s16 =	sadd.s32 $0x20, s4;
	[smem:$0x7AA] =	sst s25  }
0x88: {  	v58 =	vor.u32 s28, v24;
	s28 =	sadd.s32 $0x480000, s13;
	v27 =	vadd.s32 s16, v1;
	v28 =	vadd.s32 s16, v2;
	s16 =	sadd.s32 $0x300000, s13;
	s13 =	sld [smem:$0x78C]  }
0x89: {  	v26 =	vadd.s32 s4, v2;
	v13 =	vmov s23;
	v60 =	vor.u32 s5, v24;
	s4 =	sadd.s32 $0x5, s23;
	s23 =	sld [smem:$0x790];
	s5 =	sshra.s32 s26, $0x2  }
0x8a: {  	[dreg:$0xf] =	wrdreg s5;
	s5 =	sshra.s32 s6, $0x2  }
0x8b: {  	[dreg:$0x10] =	wrdreg s5;
	s5 =	sshra.s32 s13, $0x2  }
0x8c: {  	[dreg:$0x11] =	wrdreg s5;
	s5 =	sshra.s32 s23, $0x2  }
0x8d: {  	[dreg:$0x12] =	wrdreg s5  }
0x8e: {  	s5 =	sld [smem:$0x797]  }
0x8f: {  	v15 =	vmov s14;
	s14 =	sld [smem:$0x793]  }
0x90: {  	v16 =	vor.u32 s17, v24;
	s17 =	sld [smem:$0x794]  }
0x91: {  	v34 =	vmov s5;
	s5 =	sld [smem:$0x79A]  }
0x92: {  	v17 =	vmov s22;
	s22 =	sld [smem:$0x795]  }
0x93: {  	s25 =	sld [smem:$0x796]  }
0x94: {  	v39 =	vor.u32 s5, v24;
	s5 =	sld [smem:$0x79B]  }
0x95: {  	v21 =	vmov s17;
	s17 =	sadd.s32 $0x5, s21;
	v22 =	vor.u32 s22, v24;
	s22 =	sld [smem:$0x798]  }
0x96: {  	[smem:$0x7AC] =	sst s17  }
0x97: {  	v33 =	vor.u32 s25, v24;
	s25 =	sld [smem:$0x799];
	v40 =	vmov s5;
	s5 =	sadd.s32 $0x9, s21  }
0x98: {  	v36 =	vmov s22;
	s22 =	sadd.s32 $0x7, s21;
	[smem:$0x7AD] =	sst s5  }
0x99: {  	[tilespmem:$0x1F6D0] =	vst v10;
	v10 =	vmov s22;
	s22 =	sadd.s32 $0x380000, s7;
	s5 =	sld [smem:$0x79C]  }
0x9a: {  	[smem:$0x7C3] =	sst s22  }
0x9b: {  	s26 =	sld [smem:$0x791]  }
0x9c: {  	[tilespmem:$0x1F5F0] =	vst v0;
	s23 =	sadd.s32 $0x3, s21;
	v42 =	vmov s5;
	s5 =	sld [smem:$0x79D]  }
0x9d: {  	[tilespmem:$0x1F650] =	vst v62;
	s13 =	sld [smem:$0x792];
	v62 =	vmov s23;
	s23 =	sadd.s32 $0x100000, s7  }
0x9e: {  	[tilespmem:$0x1F700] =	vst v13;
	v18 =	vor.u32 s26, v24;
	s26 =	sadd.s32 $0x180000, s20;
	[smem:$0x7BD] =	sst s23  }
0x9f: {  	[tilespmem:$0x1F660] =	vst v63;
	v63 =	vor.u32 s26, v24;
	s26 =	sadd.s32 $0x200000, s7;
	v43 =	vor.u32 s5, v24;
	s5 =	sld [smem:$0x79E]  }
0xa0: {  	[tilespmem:$0x1F710] =	vst v14;
	s23 =	sadd.s32 $0x4, s19;
	[smem:$0x7C1] =	sst s26  }
0xa1: {  	[tilespmem:$0x1F610] =	vst v58;
	v41 =	vor.u32 s28, v24;
	[smem:$0x7C0] =	sst s23  }
0xa2: {  	[tilespmem:$0x1F830] =	vst v41;
	s23 =	sld [smem:$0x7AD];
	v44 =	vmov s5;
	s5 =	sadd.s32 $0x480000, s20  }
0xa3: {  	[tilespmem:$0x1F630] =	vst v60;
	v59 =	vor.u32 s29, v24;
	s29 =	sadd.s32 $0x400000, s20;
	[smem:$0x7AE] =	sst s5;
	s5 =	sadd.s32 $0xA, s21  }
0xa4: {  	[tilespmem:$0x1F620] =	vst v59;
	v13 =	vor.u32 s29, v24;
	[smem:$0x7AF] =	sst s5;
	s5 =	sadd.s32 $0x500000, s20  }
0xa5: {  	[tilespmem:$0x1FA30] =	vst v13;
	v13 =	vmov s3;
	v19 =	vmov s13;
	s13 =	sadd.s32 $0x2, s21;
	[smem:$0x7B0] =	sst s5  }
0xa6: {  	[tilespmem:$0x1FD60] =	vst v13;
	v4 =	vor.u32 s30, v24;
	s30 =	sadd.s32 $0x4, s21;
	v60 =	vmov s13;
	s13 =	sadd.s32 $0x3, s19;
	s5 =	sld [smem:$0x79F]  }
0xa7: {  	[tilespmem:$0x1F670] =	vst v4;
	v4 =	vmov s30;
	[smem:$0x7BE] =	sst s13  }
0xa8: {  	[tilespmem:$0x1F9A0] =	vst v4;
	v20 =	vor.u32 s14, v24;
	s14 =	sadd.s32 $0x100000, s20;
	s13 =	sld [smem:$0x7AC]  }
0xa9: {  	[tilespmem:$0x1F640] =	vst v61;
	v61 =	vor.u32 s14, v24;
	s14 =	sadd.s32 $0x2, s19;
	v14 =	vmov s23;
	s23 =	sadd.s32 $0x500000, s7;
	v45 =	vor.u32 s5, v24;
	s5 =	sld [smem:$0x7A0]  }
0xaa: {  	v5 =	vor.u32 s31, v24;
	[smem:$0x7C4] =	sst s23;
	[tilespmem:$0x1F850] =	vst v43;
	v43 =	vmov s14;
	s14 =	sadd.s32 $0x3, s3  }
0xab: {  	[tilespmem:$0x1F680] =	vst v5;
	v23 =	vmov s4;
	[smem:$0x7D4] =	sst s14  }
0xac: {  	v35 =	vor.u32 s16, v24;
	[tilespmem:$0x1F7A0] =	vst v23;
	v46 =	vmov s5;
	s5 =	sld [smem:$0x7A1]  }
0xad: {  	s31 =	sadd.s32 $0x200000, s20;
	[tilespmem:$0x1F7D0] =	vst v35;
	v37 =	vor.u32 s25, v24;
	s25 =	sadd.s32 $0x380000, s20;
	s14 =	sld [smem:$0x7C0]  }
0xae: {  	v5 =	vor.u32 s31, v24;
	[tilespmem:$0x1F6E0] =	vst v11;
	v11 =	vor.u32 s25, v24;
	s25 =	sld [smem:$0x7AE]  }
0xaf: {  	[tilespmem:$0x1F9B0] =	vst v5;
	s22 =	sld [smem:$0x7B0];
	v47 =	vor.u32 s5, v24;
	s5 =	sadd.s32 $0xB, s21  }
0xb0: {  	s30 =	sadd.s32 $0xD, s19;
	[tilespmem:$0x1F600] =	vst v57;
	[smem:$0x7B1] =	sst s5;
	s5 =	sadd.s32 $0x580000, s20  }
0xb1: {  	v5 =	vmov s30;
	[tilespmem:$0x1F800] =	vst v38;
	[smem:$0x7B2] =	sst s5;
	s5 =	sadd.s32 $0xC, s21  }
0xb2: {  	[tilespmem:$0x1FCE0] =	vst v5;
	[smem:$0x7B3] =	sst s5  }
0xb3: {  	[tilespmem:$0x1F740] =	vst v17;
	v17 =	vor.u32 s22, v24;
	s22 =	sadd.s32 $0xB, s19;
	s5 =	sld [smem:$0x7A2]  }
0xb4: {  	s29 =	sadd.s32 $0x9, s19;
	v57 =	vor.u32 s20, v24;
	[tilespmem:$0x1F970] =	vst v61;
	s26 =	sld [smem:$0x7AF];
	v61 =	vmov s22;
	s22 =	sadd.s32 $0xD, s3  }
0xb5: {  	vm1 =	vlt.s32 v26, $0x6F;
	[tilespmem:$0x1F930] =	vst v57;
	v57 =	vmov s29;
	[smem:$0x7F7] =	sst s22  }
0xb6: {  	[tilespmem:$0x1FC60] =	vst v57;
	v57 =	vnsel vm1, $0x6F, v26;
	s22 =	sadd.s32 $0xF, s3;
	v48 =	vmov s5;
	s5 =	sld [smem:$0x7A3]  }
0xb7: {  	[tilespmem:$0x1FF90] =	vst v57;
	[smem:$0x7FC] =	sst s22  }
0xb8: {  	[tilespmem:$0x1F720] =	vst v15;
	v15 =	vor.u32 s25, v24;
	s25 =	sld [smem:$0x7B1]  }
0xb9: {  	[tilespmem:$0x1F890] =	vst v47;
	v47 =	vmov s14;
	s14 =	sadd.s32 $0x200000, s2;
	v49 =	vor.u32 s5, v24;
	s5 =	sld [smem:$0x7A4]  }
0xba: {  	[tilespmem:$0x1F690] =	vst v6;
	[smem:$0x7D9] =	sst s14  }
0xbb: {  	[tilespmem:$0x1F730] =	vst v16;
	v16 =	vmov s26;
	s14 =	sadd.s32 $0x280000, s2;
	s26 =	sld [smem:$0x7B2]  }
0xbc: {  	[tilespmem:$0x1F6B0] =	vst v8;
	[smem:$0x7DE] =	sst s14;
	v50 =	vmov s5;
	s5 =	sadd.s32 $0x600000, s20  }
0xbd: {  	[tilespmem:$0x1F9F0] =	vst v9;
	[smem:$0x7B4] =	sst s5;
	s5 =	sadd.s32 $0xD, s21  }
0xbe: {  	[tilespmem:$0x1FC50] =	vst v56;
	[smem:$0x7B5] =	sst s5  }
0xbf: {  	vm0 =	vlt.s32 v25, $0x6E;
	[tilespmem:$0x1F760] =	vst v19;
	v19 =	vor.u32 s26, v24;
	s5 =	sadd.s32 $0x680000, s20;
	s26 =	sld [smem:$0x7B4]  }
0xc0: {  	s28 =	sadd.s32 $0x8, s21;
	v56 =	vnsel vm0, $0x6E, v25;
	[tilespmem:$0x1F6F0] =	vst v12;
	[smem:$0x7B6] =	sst s5  }
0xc1: {  	v12 =	vmov s28;
	[tilespmem:$0x1FF80] =	vst v56;
	s5 =	sld [smem:$0x7A5]  }
0xc2: {  	[tilespmem:$0x1FA20] =	vst v12;
	s23 =	sld [smem:$0x7B3]  }
0xc3: {  	[tilespmem:$0x1F780] =	vst v21;
	v21 =	vor.u32 s26, v24;
	s26 =	sld [smem:$0x7B5]  }
0xc4: {  	[tilespmem:$0x1F750] =	vst v18;
	v18 =	vmov s25;
	s25 =	sadd.s32 $0xC, s19;
	v51 =	vor.u32 s5, v24;
	s5 =	sld [smem:$0x7A6]  }
0xc5: {  	[tilespmem:$0x1F770] =	vst v20;
	[smem:$0x7C5] =	sst s25  }
0xc6: {  	s17 =	sadd.s32 $0x6, s21;
	[tilespmem:$0x1F790] =	vst v22;
	v22 =	vmov s26;
	s26 =	sld [smem:$0x7B6]  }
0xc7: {  	[tilespmem:$0x1F7B0] =	vst v33;
	s25 =	sadd.s32 $0x680000, s7;
	v20 =	vmov s23;
	s23 =	sadd.s32 $0x580000, s7;
	v52 =	vmov s5;
	s5 =	sld [smem:$0x7A7]  }
0xc8: {  	v8 =	vmov s17;
	[tilespmem:$0x1F980] =	vst v62;
	[smem:$0x7C6] =	sst s25;
	v62 =	vor.u32 s23, v24;
	s23 =	sadd.s32 $0x680000, s2  }
0xc9: {  	[tilespmem:$0x1F9E0] =	vst v8;
	[smem:$0x7F8] =	sst s23;
	v23 =	vor.u32 s26, v24;
	s26 =	sadd.s32 $0x600000, s7  }
0xca: {  	[tilespmem:$0x1F7E0] =	vst v36;
	v53 =	vor.u32 s5, v24;
	s5 =	sadd.s32 $0xE, s21;
	v4 =	vor.u32 s26, v24;
	s26 =	sld [smem:$0x7C6]  }
0xcb: {  	[tilespmem:$0x1F7F0] =	vst v37;
	[smem:$0x7B7] =	sst s5;
	s5 =	sadd.s32 $0xF, s21  }
0xcc: {  	s16 =	sadd.s32 $0x280000, s20;
	[tilespmem:$0x1FA10] =	vst v11;
	[smem:$0x7B8] =	sst s5  }
0xcd: {  	[tilespmem:$0x1F6A0] =	vst v7;
	v7 =	vor.u32 s16, v24;
	s5 =	sadd.s32 $0x10, s21;
	s25 =	sld [smem:$0x7B7]  }
0xce: {  	[tilespmem:$0x1F9D0] =	vst v7;
	[smem:$0x7B9] =	sst s5  }
0xcf: {  	s16 =	sadd.s32 $0x7, s19;
	[tilespmem:$0x1FA00] =	vst v10;
	s6 =	sadd.s32 $0x80000, s20;
	s5 =	sld [smem:$0x7A8]  }
0xd0: {  	s28 =	sadd.s32 $0xA, s19;
	v59 =	vor.u32 s6, v24;
	[tilespmem:$0x1F8F0] =	vst v53;
	v53 =	vmov s16;
	s16 =	sld [smem:$0x7C3]  }
0xd1: {  	[tilespmem:$0x1F950] =	vst v59;
	v59 =	vmov s28;
	s21 =	sadd.s32 $0x800000, s20;
	v33 =	vmov s25;
	s25 =	sld [smem:$0x7B8]  }
0xd2: {  	[tilespmem:$0x1FC80] =	vst v59;
	v38 =	vor.u32 s21, v24;
	s21 =	sadd.s32 $0x10, s19;
	v54 =	vmov s5;
	s5 =	sld [smem:$0x7A9]  }
0xd3: {  	vm1 =	vlt.s32 v28, $0x6F;
	[tilespmem:$0x1F990] =	vst v63;
	[smem:$0x7CA] =	sst s21  }
0xd4: {  	s4 =	sadd.s32 $0x700000, s20;
	v59 =	vnsel vm1, $0x6F, v28;
	[tilespmem:$0x1F900] =	vst v54;
	v54 =	vor.u32 s16, v24;
	s16 =	sld [smem:$0x7C4]  }
0xd5: {  	[tilespmem:$0x1FFB0] =	vst v59;
	v35 =	vmov s25;
	s25 =	sadd.s32 $0x700000, s7;
	v55 =	vor.u32 s5, v24;
	s5 =	sadd.s32 $0x780000, s20;
	s20 =	sld [smem:$0x7AA]  }
0xd6: {  	[tilespmem:$0x1F960] =	vst v60;
	[smem:$0x7C7] =	sst s25;
	s25 =	sadd.s32 $0xF, s19  }
0xd7: {  	s17 =	sadd.s32 $0x8, s19;
	[tilespmem:$0x1F7C0] =	vst v34;
	[smem:$0x7C8] =	sst s25  }
0xd8: {  	v34 =	vor.u32 s4, v24;
	s4 =	sadd.s32 $0xE, s19;
	[tilespmem:$0x1F910] =	vst v55;
	s25 =	sld [smem:$0x7B9];
	v55 =	vmov s17;
	s17 =	sadd.s32 $0xC, s3  }
0xd9: {  	[tilespmem:$0x1FAF0] =	vst v34;
	v7 =	vmov s4;
	[smem:$0x7F3] =	sst s17  }
0xda: {  	[tilespmem:$0x1FD00] =	vst v7;
	s17 =	sld [smem:$0x7C7]  }
0xdb: {  	v6 =	vmov s13;
	[tilespmem:$0x1F810] =	vst v39;
	s23 =	sld [smem:$0x7C8]  }
0xdc: {  	[tilespmem:$0x1F9C0] =	vst v6;
	v39 =	vmov s19;
	v58 =	vmov s20;
	s20 =	sld [smem:$0x7AB];
	v37 =	vmov s25;
	s25 =	sadd.s32 $0x780000, s7  }
0xdd: {  	[tilespmem:$0x1FB40] =	vst v39;
	[smem:$0x7C9] =	sst s25  }
0xde: {  	[tilespmem:$0x1F820] =	vst v40;
	v40 =	vor.u32 s7, v24;
	v8 =	vor.u32 s17, v24;
	s17 =	sld [smem:$0x7CA]  }
0xdf: {  	[tilespmem:$0x1FB50] =	vst v40;
	s25 =	sadd.s32 $0x800000, s7;
	v9 =	vmov s23;
	s23 =	sld [smem:$0x7CC]  }
0xe0: {  	[tilespmem:$0x1F840] =	vst v42;
	[smem:$0x7CB] =	sst s25  }
0xe1: {  	[tilespmem:$0x1FA40] =	vst v14;
	v14 =	vor.u32 s2, v24;
	s25 =	sld [smem:$0x7BB]  }
0xe2: {  	s29 =	sadd.s32 $0x500000, s2;
	[tilespmem:$0x1FD70] =	vst v14;
	v6 =	vor.u32 s26, v24;
	s6 =	sshra.s32 s20, $0x2;
	s26 =	sld [smem:$0x7C9]  }
0xe3: {  	[tilespmem:$0x1FB80] =	vst v43;
	v43 =	vor.u32 s29, v24;
	s20 =	sadd.s32 $0x1, s19;
	[dreg:$0x13] =	wrdreg s6  }
0xe4: {  	[tilespmem:$0x1FEB0] =	vst v43;
	[smem:$0x7BA] =	sst s20  }
0xe5: {  	[tilespmem:$0x1F860] =	vst v44;
	s20 =	sadd.s32 $0x80000, s7;
	s22 =	sld [smem:$0x7CB]  }
0xe6: {  	[tilespmem:$0x1FA50] =	vst v15;
	[smem:$0x7BC] =	sst s20  }
0xe7: {  	[tilespmem:$0x1F870] =	vst v45;
	s20 =	sadd.s32 $0x180000, s7;
	s21 =	sld [smem:$0x7BA]  }
0xe8: {  	[tilespmem:$0x1FA60] =	vst v16;
	[smem:$0x7BF] =	sst s20  }
0xe9: {  	s31 =	sadd.s32 $0x5, s19;
	[tilespmem:$0x1FA70] =	vst v17;
	s20 =	sadd.s32 $0x6, s19;
	s19 =	sld [smem:$0x7BC]  }
0xea: {  	[tilespmem:$0x1FCA0] =	vst v61;
	v36 =	vor.u32 s5, v24;
	s6 =	sadd.s32 $0x280000, s7;
	s5 =	sshra.s32 s25, $0x2;
	s25 =	sld [smem:$0x7BD]  }
0xeb: {  	[tilespmem:$0x1F8C0] =	vst v50;
	v50 =	vor.u32 s6, v24;
	s6 =	sadd.s32 $0x5, s3;
	v10 =	vor.u32 s26, v24;
	s26 =	sld [smem:$0x7CD]  }
0xec: {  	[tilespmem:$0x1FAD0] =	vst v23;
	v60 =	vor.u32 s16, v24;
	s16 =	sadd.s32 $0xE, s3;
	v23 =	vmov s6;
	s6 =	sld [smem:$0x7E2]  }
0xed: {  	[tilespmem:$0x1FBF0] =	vst v50;
	v50 =	vmov s16;
	s16 =	sld [smem:$0x7FC]  }
0xee: {  	[tilespmem:$0x1F880] =	vst v46;
	[smem:$0x7C2] =	sst s20  }
0xef: {  	s13 =	sadd.s32 $0x300000, s7;
	[tilespmem:$0x1FBC0] =	vst v47;
	[dreg:$0x14] =	wrdreg s5  }
0xf0: {  	[tilespmem:$0x1FA80] =	vst v18;
	s20 =	sadd.s32 $0x480000, s7;
	s7 =	sadd.s32 $0x80000, s2;
	v12 =	vor.u32 s22, v24;
	s22 =	sld [smem:$0x7D2]  }
0xf1: {  	[tilespmem:$0x1F8A0] =	vst v48;
	[smem:$0x7CF] =	sst s7  }
0xf2: {  	[tilespmem:$0x1FA90] =	vst v19;
	s5 =	sadd.s32 $0x180000, s2;
	s14 =	sld [smem:$0x7C2]  }
0xf3: {  	[tilespmem:$0x1FAA0] =	vst v20;
	s7 =	sadd.s32 $0x100000, s2;
	v20 =	vor.u32 s5, v24;
	s5 =	sld [smem:$0x7D7]  }
0xf4: {  	[tilespmem:$0x1FCB0] =	vst v62;
	[smem:$0x7D3] =	sst s7  }
0xf5: {  	vm1 =	vlt.s32 v31, $0x6E;
	[tilespmem:$0x1F8B0] =	vst v49;
	v44 =	vor.u32 s25, v24;
	s25 =	sld [smem:$0x7BE]  }
0xf6: {  	v62 =	vnsel vm1, $0x6E, v31;
	[tilespmem:$0x1F940] =	vst v58;
	v58 =	vor.u32 s20, v24;
	s20 =	sadd.s32 $0xA, s3;
	s7 =	sld [smem:$0x7BF]  }
0xf7: {  	v49 =	vmov s31;
	[tilespmem:$0x1FFE0] =	vst v62;
	[smem:$0x7EF] =	sst s20  }
0xf8: {  	[tilespmem:$0x1FBE0] =	vst v49;
	s20 =	sld [smem:$0x7C5]  }
0xf9: {  	[tilespmem:$0x1FAB0] =	vst v21;
	v41 =	vmov s21;
	s21 =	sadd.s32 $0x1, s3;
	s4 =	sld [smem:$0x7CF]  }
0xfa: {  	s18 =	sadd.s32 $0x480000, s2;
	[tilespmem:$0x1F8D0] =	vst v51;
	v15 =	vmov s21;
	s21 =	sld [smem:$0x7D1]  }
0xfb: {  	[tilespmem:$0x1FB60] =	vst v41;
	v42 =	vor.u32 s19, v24;
	s19 =	sadd.s32 $0x2, s3;
	v41 =	vor.u32 s18, v24;
	s18 =	sld [smem:$0x7F0]  }
0xfc: {  	[tilespmem:$0x1FAC0] =	vst v22;
	v17 =	vmov s19;
	s19 =	sld [smem:$0x7D0];
	v51 =	vmov s14;
	s14 =	sadd.s32 $0x380000, s2  }
0xfd: {  	[tilespmem:$0x1F8E0] =	vst v52;
	v52 =	vor.u32 s13, v24;
	[smem:$0x7E7] =	sst s14  }
0xfe: {  	s28 =	sadd.s32 $0xB, s3;
	[tilespmem:$0x1FC10] =	vst v52;
	v16 =	vor.u32 s4, v24;
	s4 =	sld [smem:$0x7D6]  }
0xff: {  	[tilespmem:$0x1FB90] =	vst v44;
	v44 =	vmov s28;
	v45 =	vmov s25;
	s25 =	sadd.s32 $0x4, s3;
	s28 =	sshra.s32 s18, $0x2;
	s18 =	sld [smem:$0x7F8]  }
0x100: {  	[tilespmem:$0x1FCD0] =	vst v4;
	[smem:$0x7D8] =	sst s25  }
0x101: {  	[tilespmem:$0x1FC20] =	vst v53;
	v63 =	vmov s20;
	s20 =	sadd.s32 $0x700000, s2;
	s25 =	sld [smem:$0x7C1]  }
0x102: {  	[tilespmem:$0x1FB30] =	vst v38;
	v46 =	vor.u32 s7, v24;
	s7 =	sadd.s32 $0x300000, s2;
	[smem:$0x7FB] =	sst s20  }
0x103: {  	s13 =	sadd.s32 $0x8, s3;
	[tilespmem:$0x1FB00] =	vst v35;
	s14 =	sadd.s32 $0x600000, s2;
	v35 =	vor.u32 s7, v24;
	s7 =	sld [smem:$0x7E4]  }
0x104: {  	[tilespmem:$0x1FCF0] =	vst v6;
	v38 =	vmov s13;
	s20 =	sadd.s32 $0x10, s3;
	v47 =	vor.u32 s14, v24;
	s14 =	sld [smem:$0x7F7]  }
0x105: {  	s31 =	sadd.s32 $0x580000, s2;
	[tilespmem:$0x1FE60] =	vst v38;
	v11 =	vmov s17;
	s17 =	sadd.s32 $0x780000, s2;
	[smem:$0x7FD] =	sst s20  }
0x106: {  	[tilespmem:$0x1FAE0] =	vst v33;
	s20 =	sadd.s32 $0x800000, s2;
	s2 =	sshra.s32 s23, $0x2;
	s23 =	sld [smem:$0x7D3]  }
0x107: {  	[tilespmem:$0x1FC30] =	vst v54;
	[dreg:$0x15] =	wrdreg s2  }
0x108: {  	[tilespmem:$0x1FB10] =	vst v36;
	s2 =	sshra.s32 s26, $0x2;
	s26 =	sld [smem:$0x7D4]  }
0x109: {  	vm2 =	vlt.s32 v29, $0x6E;
	[tilespmem:$0x1FC40] =	vst v55;
	v49 =	vor.u32 s18, v24;
	s18 =	sld [smem:$0x7FD]  }
0x10a: {  	[tilespmem:$0x1FC90] =	vst v60;
	v60 =	vnsel vm2, $0x6E, v29;
	v48 =	vor.u32 s25, v24;
	s25 =	sadd.s32 $0x6, s3;
	[dreg:$0x16] =	wrdreg s2  }
0x10b: {  	[tilespmem:$0x1FFC0] =	vst v60;
	[smem:$0x7DF] =	sst s25  }
0x10c: {  	[tilespmem:$0x1FB20] =	vst v37;
	s25 =	sadd.s32 $0x7, s3;
	v18 =	vor.u32 s23, v24;
	s23 =	sld [smem:$0x7DB]  }
0x10d: {  	[tilespmem:$0x1FD10] =	vst v8;
	[smem:$0x7E6] =	sst s25  }
0x10e: {  	[tilespmem:$0x1FD20] =	vst v9;
	s25 =	sadd.s32 $0x9, s3;
	s3 =	sld [smem:$0x7CE]  }
0x10f: {  	[tilespmem:$0x1FBD0] =	vst v48;
	v48 =	vmov s14;
	s14 =	sld [smem:$0x7FB]  }
0x110: {  	[tilespmem:$0x1FD40] =	vst v11;
	v19 =	vmov s26;
	s26 =	sld [smem:$0x7DC]  }
0x111: {  	[tilespmem:$0x1FD30] =	vst v10;
	s2 =	sshra.s32 s3, $0x2;
	s3 =	sld [smem:$0x7D5]  }
0x112: {  	[tilespmem:$0x1FE00] =	vst v23;
	[dreg:$0x17] =	wrdreg s2  }
0x113: {  	v53 =	vor.u32 s17, v24;
	[tilespmem:$0x1FF20] =	vst v50;
	s2 =	sshra.s32 s19, $0x2;
	s19 =	sld [smem:$0x7D8]  }
0x114: {  	[tilespmem:$0x1FF50] =	vst v53;
	[dreg:$0x18] =	wrdreg s2  }
0x115: {  	[tilespmem:$0x1FD50] =	vst v12;
	s2 =	sshra.s32 s21, $0x2;
	s21 =	sld [smem:$0x7D9]  }
0x116: {  	[tilespmem:$0x1FC70] =	vst v58;
	[dreg:$0x19] =	wrdreg s2  }
0x117: {  	[tilespmem:$0x1FDD0] =	vst v20;
	s2 =	sshra.s32 s22, $0x2;
	s22 =	sld [smem:$0x7DA]  }
0x118: {  	[tilespmem:$0x1FB70] =	vst v42;
	[dreg:$0x1a] =	wrdreg s2  }
0x119: {  	[tilespmem:$0x1FD80] =	vst v15;
	s2 =	sshra.s32 s3, $0x2;
	s3 =	sld [smem:$0x7DE]  }
0x11a: {  	vm0 =	vlt.s32 v27, $0x6E;
	v52 =	vmov s16;
	[tilespmem:$0x1FE90] =	vst v41;
	v21 =	vmov s19;
	s19 =	sld [smem:$0x7E6]  }
0x11b: {  	v58 =	vnsel vm0, $0x6E, v27;
	[tilespmem:$0x1FF40] =	vst v52;
	[dreg:$0x1b] =	wrdreg s2  }
0x11c: {  	[tilespmem:$0x1FFA0] =	vst v58;
	s2 =	sshra.s32 s4, $0x2;
	s4 =	sld [smem:$0x7DF]  }
0x11d: {  	vm0 =	vlt.s32 v30, $0x6F;
	[tilespmem:$0x1FDA0] =	vst v17;
	v22 =	vor.u32 s21, v24;
	s21 =	sld [smem:$0x7E7]  }
0x11e: {  	v61 =	vnsel vm0, $0x6F, v30;
	[tilespmem:$0x1FEC0] =	vst v44;
	[dreg:$0x1c] =	wrdreg s2  }
0x11f: {  	[tilespmem:$0x1FFD0] =	vst v61;
	s2 =	sshra.s32 s5, $0x2;
	s5 =	sld [smem:$0x7E0]  }
0x120: {  	[tilespmem:$0x1FC00] =	vst v51;
	[dreg:$0x1d] =	wrdreg s2  }
0x121: {  	[tilespmem:$0x1FBA0] =	vst v45;
	s2 =	sshra.s32 s22, $0x2;
	s22 =	sld [smem:$0x7E8]  }
0x122: {  	[tilespmem:$0x1FBB0] =	vst v46;
	v33 =	vor.u32 s3, v24;
	s3 =	sld [smem:$0x7EB]  }
0x123: {  	[tilespmem:$0x1FCC0] =	vst v63;
	v36 =	vmov s19;
	s19 =	sld [smem:$0x7F1]  }
0x124: {  	[tilespmem:$0x1FD90] =	vst v16;
	[dreg:$0x1e] =	wrdreg s2  }
0x125: {  	v45 =	vor.u32 s31, v24;
	[tilespmem:$0x1FE30] =	vst v35;
	s2 =	sshra.s32 s23, $0x2;
	s23 =	sld [smem:$0x7E9]  }
0x126: {  	vm2 =	vlt.s32 v32, $0x6F;
	[tilespmem:$0x1FED0] =	vst v45;
	v34 =	vmov s4;
	s4 =	sld [smem:$0x7EC]  }
0x127: {  	v63 =	vnsel vm2, $0x6F, v32;
	[tilespmem:$0x1FEF0] =	vst v47;
	[dreg:$0x1f] =	wrdreg s2  }
0x128: {  	[tilespmem:$0x1FFF0] =	vst v63;
	s2 =	sshra.s32 s26, $0x2;
	s26 =	sld [smem:$0x7EA]  }
0x129: {  	v55 =	vor.u32 s20, v24;
	[tilespmem:$0x1FF10] =	vst v49;
	[smem:$0x7DD] =	sst s2  }
0x12a: {  	[tilespmem:$0x1FF70] =	vst v55;
	s2 =	sshra.s32 s5, $0x2;
	s5 =	sld [smem:$0x7ED]  }
0x12b: {  	[tilespmem:$0x1FDB0] =	vst v18;
	v39 =	vor.u32 s3, v24;
	s3 =	sld [smem:$0x7F2]  }
0x12c: {  	[tilespmem:$0x1FF00] =	vst v48;
	s29 =	sshra.s32 s19, $0x2;
	s19 =	sld [smem:$0x7F9]  }
0x12d: {  	v54 =	vmov s18;
	[tilespmem:$0x1FDC0] =	vst v19;
	[smem:$0x7E1] =	sst s2  }
0x12e: {  	v40 =	vmov s25;
	[tilespmem:$0x1FF60] =	vst v54;
	s2 =	sshra.s32 s6, $0x2;
	s6 =	sld [smem:$0x7EE]  }
0x12f: {  	[tilespmem:$0x1FE80] =	vst v40;
	v51 =	vor.u32 s14, v24;
	s13 =	sshra.s32 s23, $0x2;
	s23 =	sshra.s32 s4, $0x2;
	s4 =	sld [smem:$0x7F3]  }
0x130: {  	[tilespmem:$0x1FF30] =	vst v51;
	[smem:$0x7E3] =	sst s2  }
0x131: {  	s8 =	sshrl.u32 s8, $0x2;
	[tilespmem:$0x1FDE0] =	vst v21;
	s2 =	sshra.s32 s7, $0x2;
	s7 =	sld [smem:$0x7EF]  }
0x132: {  	s10 =	sshra.s32 s10, $0x2;
	s17 =	simm.s32 $0x10;
	[tilespmem:$0x1FDF0] =	vst v22;
	[smem:$0x7E5] =	sst s2  }
0x133: {  	s16 =	simm.s32 $0x80;
	[tilespmem:$0x1FE10] =	vst v33;
	s25 =	sshra.s32 s5, $0x2;
	s5 =	sld [smem:$0x7F4]  }
0x134: {  	s18 =	simm.s32 $0x1;
	s14 =	simm.s32 $0x70;
	[tilespmem:$0x1FE40] =	vst v36;
	s2 =	sld [smem:$0x7FA]  }
.Ltmp0:
0x135: {  	v37 =	vor.u32 s21, v24;
	[tilespmem:$0x1FE20] =	vst v34;
	s21 =	sshra.s32 s22, $0x2;
	v42 =	vmov s7;
	s7 =	sld [smem:$0x7F6];
	(pc) =	sbr.rel .LBB2_1-.Ltmp0, $4  }
0x136: {  	[tilespmem:$0x1FE50] =	vst v37;
	s22 =	sshra.s32 s26, $0x2;
	s26 =	sshra.s32 s6, $0x2;
	s6 =	sld [smem:$0x7F5]  }
0x137: {  	[tilespmem:$0x1FE70] =	vst v39;
	s30 =	sshra.s32 s3, $0x2;
	v46 =	vmov s4;
	s31 =	sshra.s32 s5, $0x2;
	s5 =	sshra.s32 s19, $0x2  }
0x138: {  	[tilespmem:$0x1FEE0] =	vst v46;
	s19 =	smov.u32 s2;
	s4 =	sshra.s32 s7, $0x2;
	s7 =	rddreg [dreg:$0x3]  }
0x139: {  	vm1 =	vcmask $0x3F04;
	vm0 =	vcmask $0x704;
	[tilespmem:$0x1FEA0] =	vst v42;
	s3 =	sshra.s32 s6, $0x2;
	s6 =	simm.s32 $0x2;
	s2 =	sadd.s32 s2, s7  }
.LBB2_3:
0x13a: {  	s15 =	sadd.s32 $0xFFFFFFFF, s15  }
0x13b: {  	p1 =	sne.s32 s15, $0x0  }
.Ltmp1:
0x13c: {  	_ = 	snop;
	(pc) =	sbr.rel @!p1 .LBB2_4-.Ltmp1, $1  }
0x13d: {  	_ =	sdelay $0x3  }
.LBB2_1:
0x13e: {  	s7 =	rddreg [dreg:$0x7]  }
0x13f: {  	[tilespmem:s0], [sflag:$0x2] =	stream.linear.gather [hbm4b:s7+s0], $0x70, $0x38;
	[tilespmem:$0x1340] =	vst v63  }
0x140: {  	_ =	swait.ge [sflag:s6], $0x70  }
0x141: {  	v0 =	vld [tilespmem:$0x1FF80]  }
0x142: {  	v1 =	vld [tilespmem:$0x1FF90];
	_ =	sdelay $0x4  }
0x143: {  	[sflag:s6] =	ssyncset.done $0x0  }
0x144: {  	[sflag:s6] =	ssyncadd.s32 $0xFFFFFF90  }
0x145: {  	v0 =	vld.idx.msk [tilespmem:v0+s0+$0x0], $0xffff  }
0x146: {  	v1 =	vld.idx.msk [tilespmem:v1+s0+$0x0], $0xffff;
	_ =	sdelay $0x3  }
0x147: {  	v0 =	vmul.f32 $1.280000000e+02, v0  }
0x148: {  	v1 =	vmul.f32 $1.280000000e+02, v1  }
0x149: {  	v31 =	vld [tilespmem:$0x1FFA0];
	v0 =	vmax.f32 v0, $0.0e+00  }
0x14a: {  	v32 =	vld [tilespmem:$0x1FFB0];
	v1 =	vmax.f32 v1, $0.0e+00;
	v0 =	vmin.f32 v0, $1.270000000e+02  }
0x14b: {  	v1 =	vmin.f32 v1, $1.270000000e+02;
	v0 =	vtrunc.f32 v0  }
0x14c: {  	v1 =	vtrunc.f32 v1;
	v0 =	vcvt.f32.s32 v0  }
0x14d: {  	v1 =	vcvt.f32.s32 v1  }
0x14e: {  	v0 =	vshll.u32 v0, $0x7  }
0x14f: {  	v0 =	vadd.s32 v1, v0  }
0x150: {  	[tilespmem:$0x70] =	vst v0  }
0x151: {  	v0 =	vld.idx.msk [tilespmem:v31+s0+$0x0], $0xffff  }
0x152: {  	v1 =	vld.idx.msk [tilespmem:v32+s0+$0x0], $0xffff;
	_ =	sdelay $0x3  }
0x153: {  	v0 =	vmul.f32 $1.280000000e+02, v0  }
0x154: {  	v1 =	vmul.f32 $1.280000000e+02, v1  }
0x155: {  	v33 =	vld [tilespmem:$0x1FFC0];
	v0 =	vmax.f32 v0, $0.0e+00  }
0x156: {  	v34 =	vld [tilespmem:$0x1FFD0];
	v1 =	vmax.f32 v1, $0.0e+00;
	v0 =	vmin.f32 v0, $1.270000000e+02  }
0x157: {  	v1 =	vmin.f32 v1, $1.270000000e+02;
	v0 =	vtrunc.f32 v0  }
0x158: {  	v1 =	vtrunc.f32 v1;
	v0 =	vcvt.f32.s32 v0  }
0x159: {  	v1 =	vcvt.f32.s32 v1  }
0x15a: {  	v0 =	vshll.u32 v0, $0x7  }
0x15b: {  	v0 =	vadd.s32 v1, v0  }
0x15c: {  	[tilespmem:$0x80] =	vst v0  }
0x15d: {  	v0 =	vld.idx.msk [tilespmem:v33+s0+$0x0], $0xffff  }
0x15e: {  	v1 =	vld.idx.msk [tilespmem:v34+s0+$0x0], $0xffff;
	_ =	sdelay $0x3  }
0x15f: {  	v0 =	vmul.f32 $1.280000000e+02, v0  }
0x160: {  	v1 =	vmul.f32 $1.280000000e+02, v1  }
0x161: {  	v35 =	vld [tilespmem:$0x1FFE0];
	v0 =	vmax.f32 v0, $0.0e+00  }
0x162: {  	v36 =	vld [tilespmem:$0x1FFF0];
	v1 =	vmax.f32 v1, $0.0e+00;
	v0 =	vmin.f32 v0, $1.270000000e+02  }
0x163: {  	v1 =	vmin.f32 v1, $1.270000000e+02;
	v0 =	vtrunc.f32 v0  }
0x164: {  	v1 =	vtrunc.f32 v1;
	v0 =	vcvt.f32.s32 v0  }
0x165: {  	v1 =	vcvt.f32.s32 v1  }
0x166: {  	v0 =	vshll.u32 v0, $0x7  }
0x167: {  	v0 =	vadd.s32 v1, v0  }
0x168: {  	[tilespmem:$0x90] =	vst v0  }
0x169: {  	v0 =	vld.idx.msk [tilespmem:v35+s0+$0x0], $0xffff  }
0x16a: {  	v1 =	vld.idx.msk [tilespmem:v36+s0+$0x0], $0xffff;
	_ =	sdelay $0x3  }
0x16b: {  	v0 =	vmul.f32 $1.280000000e+02, v0  }
0x16c: {  	v1 =	vmul.f32 $1.280000000e+02, v1  }
0x16d: {  	v0 =	vmax.f32 v0, $0.0e+00  }
0x16e: {  	v1 =	vmax.f32 v1, $0.0e+00;
	v0 =	vmin.f32 v0, $1.270000000e+02  }
0x16f: {  	v1 =	vmin.f32 v1, $1.270000000e+02;
	v0 =	vtrunc.f32 v0  }
0x170: {  	v1 =	vtrunc.f32 v1;
	v0 =	vcvt.f32.s32 v0  }
0x171: {  	v1 =	vcvt.f32.s32 v1  }
0x172: {  	v0 =	vshll.u32 v0, $0x7  }
0x173: {  	v0 =	vadd.s32 v1, v0  }
0x174: {  	v37 =	vld [tilespmem:$0x1F5F0];
	[tilespmem:$0xA0] =	vst v0  }
0x175: {  	v0 =	vld.msk [tilespmem:s14+$0x0], $0xffff;
	_ =	sdelay $0x1  }
0x176: {  	v38 =	vimm.s32 $0x1;
	_ =	sdelay $0x2  }
0x177: {  	v0 =	vadd.s32 v0, v37  }
0x178: {  	v39 =	vld [tilespmem:$0x1F600];
	[tilespmem:$0xB0] =	vst v0  }
0x179: {  	v0 =	vld.idx.msk [tilespmem:v38+s14+$0x0], $0xffff;
	_ =	sdelay $0x1  }
0x17a: {  	v40 =	vimm.s32 $0x2;
	_ =	sdelay $0x2  }
0x17b: {  	v0 =	vadd.s32 v0, v39  }
0x17c: {  	v41 =	vld [tilespmem:$0x1F610];
	[tilespmem:$0xC0] =	vst v0  }
0x17d: {  	v0 =	vld.idx.msk [tilespmem:v40+s14+$0x0], $0xffff;
	_ =	sdelay $0x1  }
0x17e: {  	v42 =	vimm.s32 $0x3;
	_ =	sdelay $0x2  }
0x17f: {  	v0 =	vadd.s32 v0, v41  }
0x180: {  	v43 =	vld [tilespmem:$0x1F620];
	[tilespmem:$0xD0] =	vst v0  }
0x181: {  	v0 =	vld.idx.msk [tilespmem:v42+s14+$0x0], $0xffff;
	_ =	sdelay $0x1  }
0x182: {  	v44 =	vimm.s32 $0x4;
	_ =	sdelay $0x2  }
0x183: {  	v0 =	vadd.s32 v0, v43  }
0x184: {  	v45 =	vld [tilespmem:$0x1F630];
	[tilespmem:$0xE0] =	vst v0  }
0x185: {  	v0 =	vld.idx.msk [tilespmem:v44+s14+$0x0], $0xffff;
	_ =	sdelay $0x1  }
0x186: {  	v46 =	vimm.s32 $0x5;
	_ =	sdelay $0x2  }
0x187: {  	v0 =	vadd.s32 v0, v45  }
0x188: {  	v47 =	vld [tilespmem:$0x1F640];
	[tilespmem:$0xF0] =	vst v0  }
0x189: {  	v0 =	vld.idx.msk [tilespmem:v46+s14+$0x0], $0xffff;
	_ =	sdelay $0x1  }
0x18a: {  	v48 =	vimm.s32 $0x6;
	_ =	sdelay $0x2  }
0x18b: {  	v0 =	vadd.s32 v0, v47  }
0x18c: {  	v49 =	vld [tilespmem:$0x1F650];
	[tilespmem:$0x100] =	vst v0  }
0x18d: {  	v0 =	vld.idx.msk [tilespmem:v48+s14+$0x0], $0xffff;
	_ =	sdelay $0x1  }
0x18e: {  	v50 =	vimm.s32 $0x7;
	_ =	sdelay $0x2  }
0x18f: {  	v0 =	vadd.s32 v0, v49  }
0x190: {  	v51 =	vld [tilespmem:$0x1F660];
	[tilespmem:$0x110] =	vst v0  }
0x191: {  	v0 =	vld.idx.msk [tilespmem:v50+s14+$0x0], $0xffff;
	_ =	sdelay $0x1  }
0x192: {  	v52 =	vimm.s32 $0x8;
	_ =	sdelay $0x2  }
0x193: {  	v0 =	vadd.s32 v0, v51  }
0x194: {  	v53 =	vld [tilespmem:$0x1F670];
	[tilespmem:$0x120] =	vst v0  }
0x195: {  	v0 =	vld.idx.msk [tilespmem:v52+s14+$0x0], $0xffff;
	_ =	sdelay $0x1  }
0x196: {  	v54 =	vimm.s32 $0x9;
	_ =	sdelay $0x2  }
0x197: {  	v0 =	vadd.s32 v0, v53  }
0x198: {  	v55 =	vld [tilespmem:$0x1F680];
	[tilespmem:$0x130] =	vst v0  }
0x199: {  	v0 =	vld.idx.msk [tilespmem:v54+s14+$0x0], $0xffff;
	_ =	sdelay $0x1  }
0x19a: {  	v56 =	vimm.s32 $0xA;
	_ =	sdelay $0x2  }
0x19b: {  	v0 =	vadd.s32 v0, v55  }
0x19c: {  	v57 =	vld [tilespmem:$0x1F690];
	[tilespmem:$0x140] =	vst v0  }
0x19d: {  	v0 =	vld.idx.msk [tilespmem:v56+s14+$0x0], $0xffff;
	_ =	sdelay $0x1  }
0x19e: {  	v58 =	vimm.s32 $0xB;
	_ =	sdelay $0x2  }
0x19f: {  	v0 =	vadd.s32 v0, v57  }
0x1a0: {  	v59 =	vld [tilespmem:$0x1F6A0];
	[tilespmem:$0x150] =	vst v0  }
0x1a1: {  	v0 =	vld.idx.msk [tilespmem:v58+s14+$0x0], $0xffff;
	_ =	sdelay $0x1  }
0x1a2: {  	v60 =	vimm.s32 $0xC;
	_ =	sdelay $0x2  }
0x1a3: {  	v0 =	vadd.s32 v0, v59  }
0x1a4: {  	v61 =	vld [tilespmem:$0x1F6B0];
	[tilespmem:$0x160] =	vst v0  }
0x1a5: {  	v0 =	vld.idx.msk [tilespmem:v60+s14+$0x0], $0xffff;
	_ =	sdelay $0x1  }
0x1a6: {  	v62 =	vimm.s32 $0xD;
	_ =	sdelay $0x2  }
0x1a7: {  	v0 =	vadd.s32 v0, v61  }
0x1a8: {  	v63 =	vld [tilespmem:$0x1F6C0];
	[tilespmem:$0x170] =	vst v0  }
0x1a9: {  	v0 =	vld.idx.msk [tilespmem:v62+s14+$0x0], $0xffff;
	_ =	sdelay $0x1  }
0x1aa: {  	v4 =	vimm.s32 $0xE;
	_ =	sdelay $0x2  }
0x1ab: {  	v0 =	vadd.s32 v0, v63  }
0x1ac: {  	v5 =	vld [tilespmem:$0x1F6D0];
	[tilespmem:$0x180] =	vst v0  }
0x1ad: {  	v0 =	vld.idx.msk [tilespmem:v4+s14+$0x0], $0xffff;
	_ =	sdelay $0x1  }
0x1ae: {  	v6 =	vimm.s32 $0xF;
	_ =	sdelay $0x2  }
0x1af: {  	v0 =	vadd.s32 v0, v5  }
0x1b0: {  	v7 =	vld [tilespmem:$0x1F6E0];
	[tilespmem:$0x190] =	vst v0  }
0x1b1: {  	v0 =	vld.idx.msk [tilespmem:v6+s14+$0x0], $0xffff;
	_ =	sdelay $0x1  }
0x1b2: {  	v8 =	vimm.s32 $0x10;
	_ =	sdelay $0x2  }
0x1b3: {  	v0 =	vadd.s32 v0, v7  }
0x1b4: {  	v9 =	vld [tilespmem:$0x1F6F0];
	[tilespmem:$0x1A0] =	vst v0  }
0x1b5: {  	v0 =	vld.idx.msk [tilespmem:v8+s14+$0x0], $0xffff;
	_ =	sdelay $0x3  }
0x1b6: {  	v10 =	vld [tilespmem:$0x1F700]  }
0x1b7: {  	v0 =	vadd.s32 v0, v9  }
0x1b8: {  	s20 =	simm.s32 $0x600;
	s7 =	simm.s32 $0xB0;
	[tilespmem:$0x1B0] =	vst v0  }
0x1b9: {  	[tilespmem:s20], [sflag:$0x1] =	stream.indirect.gather [hbm4b:s1+s16], $0x1, s7, s16, $0xb8;
	[tilespmem:$0x1340] =	vst v63  }
0x1ba: {  	s7 =	simm.s32 $0x130;
	s20 =	simm.s32 $0x680  }
0x1bb: {  	[tilespmem:s20], [sflag:$0x1] =	stream.indirect.gather [hbm4b:s1+s16], $0x1, s7, s16, $0xb8;
	[tilespmem:$0x1340] =	vst v63  }
0x1bc: {  	v11 =	vld [tilespmem:$0x1F710];
	s7 =	simm.s32 $0x1B0;
	s20 =	simm.s32 $0x700  }
0x1bd: {  	v12 =	vld [tilespmem:$0x1F720];
	[tilespmem:s20], [sflag:$0x1] =	stream.indirect.gather [hbm4b:s1+s17], $0x1, s7, s17, $0xb8  }
0x1be: {  	v0 =	vld.idx.msk [tilespmem:v10+s14+$0x0], $0xffff;
	_ =	sdelay $0x4  }
0x1bf: {  	v0 =	vadd.s32 v0, v11  }
0x1c0: {  	[tilespmem:$0x1C0] =	vst v0  }
0x1c1: {  	v0 =	vld.idx.msk [tilespmem:v12+s14+$0x0], $0xffff  }
0x1c2: {  	v14 =	vld [tilespmem:$0x1F740]  }
0x1c3: {  	v13 =	vld [tilespmem:$0x1F730];
	_ =	sdelay $0x4  }
0x1c4: {  	v15 =	vld [tilespmem:$0x1F750];
	v0 =	vadd.s32 v0, v13  }
0x1c5: {  	v16 =	vld [tilespmem:$0x1F760];
	[tilespmem:$0x1D0] =	vst v0  }
0x1c6: {  	v0 =	vld.idx.msk [tilespmem:v14+s14+$0x0], $0xffff;
	_ =	sdelay $0x4  }
0x1c7: {  	v17 =	vld [tilespmem:$0x1F770];
	v0 =	vadd.s32 v0, v15  }
0x1c8: {  	v18 =	vld [tilespmem:$0x1F780];
	[tilespmem:$0x1E0] =	vst v0  }
0x1c9: {  	v0 =	vld.idx.msk [tilespmem:v16+s14+$0x0], $0xffff;
	_ =	sdelay $0x4  }
0x1ca: {  	v19 =	vld [tilespmem:$0x1F790];
	v0 =	vadd.s32 v0, v17  }
0x1cb: {  	v20 =	vld [tilespmem:$0x1F7A0];
	[tilespmem:$0x1F0] =	vst v0  }
0x1cc: {  	v0 =	vld.idx.msk [tilespmem:v18+s14+$0x0], $0xffff;
	_ =	sdelay $0x4  }
0x1cd: {  	v21 =	vld [tilespmem:$0x1F7B0];
	v0 =	vadd.s32 v0, v19  }
0x1ce: {  	v22 =	vld [tilespmem:$0x1F7C0];
	[tilespmem:$0x200] =	vst v0  }
0x1cf: {  	v0 =	vld.idx.msk [tilespmem:v20+s14+$0x0], $0xffff;
	_ =	sdelay $0x4  }
0x1d0: {  	v23 =	vld [tilespmem:$0x1F7D0];
	v0 =	vadd.s32 v0, v21  }
0x1d1: {  	v24 =	vld [tilespmem:$0x1F7E0];
	[tilespmem:$0x210] =	vst v0  }
0x1d2: {  	v0 =	vld.idx.msk [tilespmem:v22+s14+$0x0], $0xffff;
	_ =	sdelay $0x4  }
0x1d3: {  	v25 =	vld [tilespmem:$0x1F7F0];
	v0 =	vadd.s32 v0, v23  }
0x1d4: {  	v26 =	vld [tilespmem:$0x1F800];
	[tilespmem:$0x220] =	vst v0  }
0x1d5: {  	v0 =	vld.idx.msk [tilespmem:v24+s14+$0x0], $0xffff;
	_ =	sdelay $0x4  }
0x1d6: {  	v27 =	vld [tilespmem:$0x1F810];
	v0 =	vadd.s32 v0, v25  }
0x1d7: {  	v28 =	vld [tilespmem:$0x1F820];
	[tilespmem:$0x230] =	vst v0  }
0x1d8: {  	v0 =	vld.idx.msk [tilespmem:v26+s14+$0x0], $0xffff;
	_ =	sdelay $0x4  }
0x1d9: {  	v29 =	vld [tilespmem:$0x1F830];
	v0 =	vadd.s32 v0, v27  }
0x1da: {  	v30 =	vld [tilespmem:$0x1F840];
	[tilespmem:$0x240] =	vst v0  }
0x1db: {  	v0 =	vld.idx.msk [tilespmem:v28+s14+$0x0], $0xffff;
	_ =	sdelay $0x4  }
0x1dc: {  	v31 =	vld [tilespmem:$0x1F850];
	v0 =	vadd.s32 v0, v29  }
0x1dd: {  	v32 =	vld [tilespmem:$0x1F860];
	[tilespmem:$0x250] =	vst v0  }
0x1de: {  	v0 =	vld.idx.msk [tilespmem:v30+s14+$0x0], $0xffff;
	_ =	sdelay $0x4  }
0x1df: {  	v33 =	vld [tilespmem:$0x1F870];
	v0 =	vadd.s32 v0, v31  }
0x1e0: {  	v34 =	vld [tilespmem:$0x1F880];
	[tilespmem:$0x260] =	vst v0  }
0x1e1: {  	v0 =	vld.idx.msk [tilespmem:v32+s14+$0x0], $0xffff;
	_ =	sdelay $0x4  }
0x1e2: {  	v35 =	vld [tilespmem:$0x1F890];
	v0 =	vadd.s32 v0, v33  }
0x1e3: {  	v36 =	vld [tilespmem:$0x1F8A0];
	[tilespmem:$0x270] =	vst v0  }
0x1e4: {  	v0 =	vld.idx.msk [tilespmem:v34+s14+$0x0], $0xffff;
	_ =	sdelay $0x4  }
0x1e5: {  	v37 =	vld [tilespmem:$0x1F8B0];
	v0 =	vadd.s32 v0, v35  }
0x1e6: {  	v38 =	vld [tilespmem:$0x1F8C0];
	[tilespmem:$0x280] =	vst v0  }
0x1e7: {  	v0 =	vld.idx.msk [tilespmem:v36+s14+$0x0], $0xffff;
	_ =	sdelay $0x4  }
0x1e8: {  	v39 =	vld [tilespmem:$0x1F8D0];
	v0 =	vadd.s32 v0, v37  }
0x1e9: {  	v40 =	vld [tilespmem:$0x1F8E0];
	[tilespmem:$0x290] =	vst v0  }
0x1ea: {  	v0 =	vld.idx.msk [tilespmem:v38+s14+$0x0], $0xffff;
	_ =	sdelay $0x4  }
0x1eb: {  	v41 =	vld [tilespmem:$0x1F8F0];
	v0 =	vadd.s32 v0, v39  }
0x1ec: {  	v42 =	vld [tilespmem:$0x1F900];
	[tilespmem:$0x2A0] =	vst v0  }
0x1ed: {  	v0 =	vld.idx.msk [tilespmem:v40+s14+$0x0], $0xffff;
	_ =	sdelay $0x4  }
0x1ee: {  	v0 =	vadd.s32 v0, v41  }
0x1ef: {  	v43 =	vld [tilespmem:$0x1F910];
	[tilespmem:$0x2B0] =	vst v0  }
0x1f0: {  	v0 =	vld.idx.msk [tilespmem:v42+s14+$0x0], $0xffff;
	_ =	sdelay $0x3  }
0x1f1: {  	v44 =	vld [tilespmem:$0x1F920]  }
0x1f2: {  	v0 =	vadd.s32 v0, v43  }
0x1f3: {  	s7 =	simm.s32 $0x1C0;
	s20 =	simm.s32 $0x710;
	[tilespmem:$0x2C0] =	vst v0  }
0x1f4: {  	[tilespmem:s20], [sflag:$0x1] =	stream.indirect.gather [hbm4b:s1+s16], $0x1, s7, s16, $0xb8;
	[tilespmem:$0x1340] =	vst v63  }
0x1f5: {  	s7 =	simm.s32 $0x240;
	s20 =	simm.s32 $0x790  }
0x1f6: {  	[tilespmem:s20], [sflag:$0x1] =	stream.indirect.gather [hbm4b:s1+s16], $0x1, s7, s16, $0xb8;
	[tilespmem:$0x1340] =	vst v63  }
0x1f7: {  	v45 =	vld [tilespmem:$0x1F930];
	s7 =	simm.s32 $0x2C0;
	s20 =	simm.s32 $0x810  }
0x1f8: {  	v46 =	vld [tilespmem:$0x1F940];
	[tilespmem:s20], [sflag:$0x1] =	stream.indirect.gather [hbm4b:s1+s17], $0x1, s7, s17, $0xb8  }
0x1f9: {  	v0 =	vld.idx.msk [tilespmem:v44+s14+$0x0], $0xffff;
	_ =	sdelay $0x4  }
0x1fa: {  	v47 =	vld [tilespmem:$0x1F950];
	v0 =	vadd.s32 v0, v45  }
0x1fb: {  	v48 =	vld [tilespmem:$0x1F960];
	[tilespmem:$0x2D0] =	vst v0  }
0x1fc: {  	v0 =	vld.idx.msk [tilespmem:v46+s14+$0x0], $0xffff;
	_ =	sdelay $0x4  }
0x1fd: {  	v49 =	vld [tilespmem:$0x1F970];
	v0 =	vadd.s32 v0, v47  }
0x1fe: {  	v50 =	vld [tilespmem:$0x1F980];
	[tilespmem:$0x2E0] =	vst v0  }
0x1ff: {  	v0 =	vld.idx.msk [tilespmem:v48+s14+$0x0], $0xffff;
	_ =	sdelay $0x4  }
0x200: {  	v51 =	vld [tilespmem:$0x1F990];
	v0 =	vadd.s32 v0, v49  }
0x201: {  	v52 =	vld [tilespmem:$0x1F9A0];
	[tilespmem:$0x2F0] =	vst v0  }
0x202: {  	v0 =	vld.idx.msk [tilespmem:v50+s14+$0x0], $0xffff;
	_ =	sdelay $0x4  }
0x203: {  	v53 =	vld [tilespmem:$0x1F9B0];
	v0 =	vadd.s32 v0, v51  }
0x204: {  	v54 =	vld [tilespmem:$0x1F9C0];
	[tilespmem:$0x300] =	vst v0  }
0x205: {  	v0 =	vld.idx.msk [tilespmem:v52+s14+$0x0], $0xffff;
	_ =	sdelay $0x4  }
0x206: {  	v55 =	vld [tilespmem:$0x1F9D0];
	v0 =	vadd.s32 v0, v53  }
0x207: {  	v56 =	vld [tilespmem:$0x1F9E0];
	[tilespmem:$0x310] =	vst v0  }
0x208: {  	v0 =	vld.idx.msk [tilespmem:v54+s14+$0x0], $0xffff;
	_ =	sdelay $0x4  }
0x209: {  	v57 =	vld [tilespmem:$0x1F9F0];
	v0 =	vadd.s32 v0, v55  }
0x20a: {  	v58 =	vld [tilespmem:$0x1FA00];
	[tilespmem:$0x320] =	vst v0  }
0x20b: {  	v0 =	vld.idx.msk [tilespmem:v56+s14+$0x0], $0xffff;
	_ =	sdelay $0x4  }
0x20c: {  	v59 =	vld [tilespmem:$0x1FA10];
	v0 =	vadd.s32 v0, v57  }
0x20d: {  	v60 =	vld [tilespmem:$0x1FA20];
	[tilespmem:$0x330] =	vst v0  }
0x20e: {  	v0 =	vld.idx.msk [tilespmem:v58+s14+$0x0], $0xffff;
	_ =	sdelay $0x4  }
0x20f: {  	v61 =	vld [tilespmem:$0x1FA30];
	v0 =	vadd.s32 v0, v59  }
0x210: {  	v62 =	vld [tilespmem:$0x1FA40];
	[tilespmem:$0x340] =	vst v0  }
0x211: {  	v0 =	vld.idx.msk [tilespmem:v60+s14+$0x0], $0xffff;
	_ =	sdelay $0x4  }
0x212: {  	v63 =	vld [tilespmem:$0x1FA50];
	v0 =	vadd.s32 v0, v61  }
0x213: {  	v4 =	vld [tilespmem:$0x1FA60];
	[tilespmem:$0x350] =	vst v0  }
0x214: {  	v0 =	vld.idx.msk [tilespmem:v62+s14+$0x0], $0xffff;
	_ =	sdelay $0x4  }
0x215: {  	v5 =	vld [tilespmem:$0x1FA70];
	v0 =	vadd.s32 v0, v63  }
0x216: {  	v6 =	vld [tilespmem:$0x1FA80];
	[tilespmem:$0x360] =	vst v0  }
0x217: {  	v0 =	vld.idx.msk [tilespmem:v4+s14+$0x0], $0xffff;
	_ =	sdelay $0x4  }
0x218: {  	v7 =	vld [tilespmem:$0x1FA90];
	v0 =	vadd.s32 v0, v5  }
0x219: {  	v8 =	vld [tilespmem:$0x1FAA0];
	[tilespmem:$0x370] =	vst v0  }
0x21a: {  	v0 =	vld.idx.msk [tilespmem:v6+s14+$0x0], $0xffff;
	_ =	sdelay $0x4  }
0x21b: {  	v9 =	vld [tilespmem:$0x1FAB0];
	v0 =	vadd.s32 v0, v7  }
0x21c: {  	v10 =	vld [tilespmem:$0x1FAC0];
	[tilespmem:$0x380] =	vst v0  }
0x21d: {  	v0 =	vld.idx.msk [tilespmem:v8+s14+$0x0], $0xffff;
	_ =	sdelay $0x4  }
0x21e: {  	v11 =	vld [tilespmem:$0x1FAD0];
	v0 =	vadd.s32 v0, v9  }
0x21f: {  	v12 =	vld [tilespmem:$0x1FAE0];
	[tilespmem:$0x390] =	vst v0  }
0x220: {  	v0 =	vld.idx.msk [tilespmem:v10+s14+$0x0], $0xffff;
	_ =	sdelay $0x4  }
0x221: {  	v13 =	vld [tilespmem:$0x1FAF0];
	v0 =	vadd.s32 v0, v11  }
0x222: {  	v14 =	vld [tilespmem:$0x1FB00];
	[tilespmem:$0x3A0] =	vst v0  }
0x223: {  	v0 =	vld.idx.msk [tilespmem:v12+s14+$0x0], $0xffff;
	_ =	sdelay $0x4  }
0x224: {  	v15 =	vld [tilespmem:$0x1FB10];
	v0 =	vadd.s32 v0, v13  }
0x225: {  	v16 =	vld [tilespmem:$0x1FB20];
	[tilespmem:$0x3B0] =	vst v0  }
0x226: {  	v0 =	vld.idx.msk [tilespmem:v14+s14+$0x0], $0xffff;
	_ =	sdelay $0x4  }
0x227: {  	v0 =	vadd.s32 v0, v15  }
0x228: {  	v17 =	vld [tilespmem:$0x1FB30];
	[tilespmem:$0x3C0] =	vst v0  }
0x229: {  	v0 =	vld.idx.msk [tilespmem:v16+s14+$0x0], $0xffff;
	_ =	sdelay $0x3  }
0x22a: {  	v18 =	vld [tilespmem:$0x1FB40]  }
0x22b: {  	v0 =	vadd.s32 v0, v17  }
0x22c: {  	s7 =	simm.s32 $0x2D0;
	s20 =	simm.s32 $0x820;
	[tilespmem:$0x3D0] =	vst v0  }
0x22d: {  	[tilespmem:s20], [sflag:$0x1] =	stream.indirect.gather [hbm4b:s1+s16], $0x1, s7, s16, $0xb8;
	[tilespmem:$0x1340] =	vst v63  }
0x22e: {  	s7 =	simm.s32 $0x350;
	s20 =	simm.s32 $0x8A0  }
0x22f: {  	[tilespmem:s20], [sflag:$0x1] =	stream.indirect.gather [hbm4b:s1+s16], $0x1, s7, s16, $0xb8;
	[tilespmem:$0x1340] =	vst v63  }
0x230: {  	v19 =	vld [tilespmem:$0x1FB50];
	s7 =	simm.s32 $0x3D0;
	s20 =	simm.s32 $0x920  }
0x231: {  	v20 =	vld [tilespmem:$0x1FB60];
	[tilespmem:s20], [sflag:$0x1] =	stream.indirect.gather [hbm4b:s1+s17], $0x1, s7, s17, $0xb8  }
0x232: {  	v0 =	vld.idx.msk [tilespmem:v18+s14+$0x0], $0xffff;
	_ =	sdelay $0x4  }
0x233: {  	v21 =	vld [tilespmem:$0x1FB70];
	v0 =	vadd.s32 v0, v19  }
0x234: {  	v22 =	vld [tilespmem:$0x1FB80];
	[tilespmem:$0x3E0] =	vst v0  }
0x235: {  	v0 =	vld.idx.msk [tilespmem:v20+s14+$0x0], $0xffff;
	_ =	sdelay $0x4  }
0x236: {  	v23 =	vld [tilespmem:$0x1FB90];
	v0 =	vadd.s32 v0, v21  }
0x237: {  	v24 =	vld [tilespmem:$0x1FBA0];
	[tilespmem:$0x3F0] =	vst v0  }
0x238: {  	v0 =	vld.idx.msk [tilespmem:v22+s14+$0x0], $0xffff;
	_ =	sdelay $0x4  }
0x239: {  	v25 =	vld [tilespmem:$0x1FBB0];
	v0 =	vadd.s32 v0, v23  }
0x23a: {  	v26 =	vld [tilespmem:$0x1FBC0];
	[tilespmem:$0x400] =	vst v0  }
0x23b: {  	v0 =	vld.idx.msk [tilespmem:v24+s14+$0x0], $0xffff;
	_ =	sdelay $0x4  }
0x23c: {  	v27 =	vld [tilespmem:$0x1FBD0];
	v0 =	vadd.s32 v0, v25  }
0x23d: {  	v28 =	vld [tilespmem:$0x1FBE0];
	[tilespmem:$0x410] =	vst v0  }
0x23e: {  	v0 =	vld.idx.msk [tilespmem:v26+s14+$0x0], $0xffff;
	_ =	sdelay $0x4  }
0x23f: {  	v29 =	vld [tilespmem:$0x1FBF0];
	v0 =	vadd.s32 v0, v27  }
0x240: {  	v30 =	vld [tilespmem:$0x1FC00];
	[tilespmem:$0x420] =	vst v0  }
0x241: {  	v0 =	vld.idx.msk [tilespmem:v28+s14+$0x0], $0xffff;
	_ =	sdelay $0x4  }
0x242: {  	v31 =	vld [tilespmem:$0x1FC10];
	v0 =	vadd.s32 v0, v29  }
0x243: {  	v32 =	vld [tilespmem:$0x1FC20];
	[tilespmem:$0x430] =	vst v0  }
0x244: {  	v0 =	vld.idx.msk [tilespmem:v30+s14+$0x0], $0xffff;
	_ =	sdelay $0x4  }
0x245: {  	v33 =	vld [tilespmem:$0x1FC30];
	v0 =	vadd.s32 v0, v31  }
0x246: {  	v34 =	vld [tilespmem:$0x1FC40];
	[tilespmem:$0x440] =	vst v0  }
0x247: {  	v0 =	vld.idx.msk [tilespmem:v32+s14+$0x0], $0xffff;
	_ =	sdelay $0x4  }
0x248: {  	v35 =	vld [tilespmem:$0x1FC50];
	v0 =	vadd.s32 v0, v33  }
0x249: {  	v36 =	vld [tilespmem:$0x1FC60];
	[tilespmem:$0x450] =	vst v0  }
0x24a: {  	v0 =	vld.idx.msk [tilespmem:v34+s14+$0x0], $0xffff;
	_ =	sdelay $0x4  }
0x24b: {  	v37 =	vld [tilespmem:$0x1FC70];
	v0 =	vadd.s32 v0, v35  }
0x24c: {  	v38 =	vld [tilespmem:$0x1FC80];
	[tilespmem:$0x460] =	vst v0  }
0x24d: {  	v0 =	vld.idx.msk [tilespmem:v36+s14+$0x0], $0xffff;
	_ =	sdelay $0x4  }
0x24e: {  	v39 =	vld [tilespmem:$0x1FC90];
	v0 =	vadd.s32 v0, v37  }
0x24f: {  	v40 =	vld [tilespmem:$0x1FCA0];
	[tilespmem:$0x470] =	vst v0  }
0x250: {  	v0 =	vld.idx.msk [tilespmem:v38+s14+$0x0], $0xffff;
	_ =	sdelay $0x4  }
0x251: {  	v41 =	vld [tilespmem:$0x1FCB0];
	v0 =	vadd.s32 v0, v39  }
0x252: {  	v42 =	vld [tilespmem:$0x1FCC0];
	[tilespmem:$0x480] =	vst v0  }
0x253: {  	v0 =	vld.idx.msk [tilespmem:v40+s14+$0x0], $0xffff;
	_ =	sdelay $0x4  }
0x254: {  	v43 =	vld [tilespmem:$0x1FCD0];
	v0 =	vadd.s32 v0, v41  }
0x255: {  	v44 =	vld [tilespmem:$0x1FCE0];
	[tilespmem:$0x490] =	vst v0  }
0x256: {  	v0 =	vld.idx.msk [tilespmem:v42+s14+$0x0], $0xffff;
	_ =	sdelay $0x4  }
0x257: {  	v45 =	vld [tilespmem:$0x1FCF0];
	v0 =	vadd.s32 v0, v43  }
0x258: {  	v46 =	vld [tilespmem:$0x1FD00];
	[tilespmem:$0x4A0] =	vst v0  }
0x259: {  	v0 =	vld.idx.msk [tilespmem:v44+s14+$0x0], $0xffff;
	_ =	sdelay $0x4  }
0x25a: {  	v47 =	vld [tilespmem:$0x1FD10];
	v0 =	vadd.s32 v0, v45  }
0x25b: {  	v48 =	vld [tilespmem:$0x1FD20];
	[tilespmem:$0x4B0] =	vst v0  }
0x25c: {  	v0 =	vld.idx.msk [tilespmem:v46+s14+$0x0], $0xffff;
	_ =	sdelay $0x4  }
0x25d: {  	v49 =	vld [tilespmem:$0x1FD30];
	v0 =	vadd.s32 v0, v47  }
0x25e: {  	v50 =	vld [tilespmem:$0x1FD40];
	[tilespmem:$0x4C0] =	vst v0  }
0x25f: {  	v0 =	vld.idx.msk [tilespmem:v48+s14+$0x0], $0xffff;
	_ =	sdelay $0x4  }
0x260: {  	v0 =	vadd.s32 v0, v49  }
0x261: {  	v51 =	vld [tilespmem:$0x1FD50];
	[tilespmem:$0x4D0] =	vst v0  }
0x262: {  	v0 =	vld.idx.msk [tilespmem:v50+s14+$0x0], $0xffff;
	_ =	sdelay $0x3  }
0x263: {  	v52 =	vld [tilespmem:$0x1FD60]  }
0x264: {  	v0 =	vadd.s32 v0, v51  }
0x265: {  	s7 =	simm.s32 $0x3E0;
	s20 =	simm.s32 $0x930;
	[tilespmem:$0x4E0] =	vst v0  }
0x266: {  	[tilespmem:s20], [sflag:$0x1] =	stream.indirect.gather [hbm4b:s1+s16], $0x1, s7, s16, $0xb8;
	[tilespmem:$0x1340] =	vst v63  }
0x267: {  	s7 =	simm.s32 $0x460;
	s20 =	simm.s32 $0x9B0  }
0x268: {  	[tilespmem:s20], [sflag:$0x1] =	stream.indirect.gather [hbm4b:s1+s16], $0x1, s7, s16, $0xb8;
	[tilespmem:$0x1340] =	vst v63  }
0x269: {  	v53 =	vld [tilespmem:$0x1FD70];
	s7 =	simm.s32 $0x4E0;
	s20 =	simm.s32 $0xA30  }
0x26a: {  	v54 =	vld [tilespmem:$0x1FD80];
	[tilespmem:s20], [sflag:$0x1] =	stream.indirect.gather [hbm4b:s1+s17], $0x1, s7, s17, $0xb8  }
0x26b: {  	v0 =	vld.idx.msk [tilespmem:v52+s14+$0x0], $0xffff;
	_ =	sdelay $0x4  }
0x26c: {  	v55 =	vld [tilespmem:$0x1FD90];
	v0 =	vadd.s32 v0, v53  }
0x26d: {  	v56 =	vld [tilespmem:$0x1FDA0];
	[tilespmem:$0x4F0] =	vst v0  }
0x26e: {  	v0 =	vld.idx.msk [tilespmem:v54+s14+$0x0], $0xffff;
	_ =	sdelay $0x4  }
0x26f: {  	v57 =	vld [tilespmem:$0x1FDB0];
	v0 =	vadd.s32 v0, v55  }
0x270: {  	v58 =	vld [tilespmem:$0x1FDC0];
	[tilespmem:$0x500] =	vst v0  }
0x271: {  	v0 =	vld.idx.msk [tilespmem:v56+s14+$0x0], $0xffff;
	_ =	sdelay $0x4  }
0x272: {  	v59 =	vld [tilespmem:$0x1FDD0];
	v0 =	vadd.s32 v0, v57  }
0x273: {  	v60 =	vld [tilespmem:$0x1FDE0];
	[tilespmem:$0x510] =	vst v0  }
0x274: {  	v0 =	vld.idx.msk [tilespmem:v58+s14+$0x0], $0xffff;
	_ =	sdelay $0x4  }
0x275: {  	v61 =	vld [tilespmem:$0x1FDF0];
	v0 =	vadd.s32 v0, v59  }
0x276: {  	v62 =	vld [tilespmem:$0x1FE00];
	[tilespmem:$0x520] =	vst v0  }
0x277: {  	v0 =	vld.idx.msk [tilespmem:v60+s14+$0x0], $0xffff;
	_ =	sdelay $0x4  }
0x278: {  	v63 =	vld [tilespmem:$0x1FE10];
	v0 =	vadd.s32 v0, v61  }
0x279: {  	v4 =	vld [tilespmem:$0x1FE20];
	[tilespmem:$0x530] =	vst v0  }
0x27a: {  	v0 =	vld.idx.msk [tilespmem:v62+s14+$0x0], $0xffff;
	_ =	sdelay $0x4  }
0x27b: {  	v5 =	vld [tilespmem:$0x1FE30];
	v0 =	vadd.s32 v0, v63  }
0x27c: {  	v6 =	vld [tilespmem:$0x1FE40];
	[tilespmem:$0x540] =	vst v0  }
0x27d: {  	v0 =	vld.idx.msk [tilespmem:v4+s14+$0x0], $0xffff;
	_ =	sdelay $0x4  }
0x27e: {  	v7 =	vld [tilespmem:$0x1FE50];
	v0 =	vadd.s32 v0, v5  }
0x27f: {  	v8 =	vld [tilespmem:$0x1FE60];
	[tilespmem:$0x550] =	vst v0  }
0x280: {  	v0 =	vld.idx.msk [tilespmem:v6+s14+$0x0], $0xffff;
	_ =	sdelay $0x4  }
0x281: {  	v9 =	vld [tilespmem:$0x1FE70];
	v0 =	vadd.s32 v0, v7  }
0x282: {  	v10 =	vld [tilespmem:$0x1FE80];
	[tilespmem:$0x560] =	vst v0  }
0x283: {  	v0 =	vld.idx.msk [tilespmem:v8+s14+$0x0], $0xffff;
	_ =	sdelay $0x4  }
0x284: {  	v11 =	vld [tilespmem:$0x1FE90];
	v0 =	vadd.s32 v0, v9  }
0x285: {  	v12 =	vld [tilespmem:$0x1FEA0];
	[tilespmem:$0x570] =	vst v0  }
0x286: {  	v0 =	vld.idx.msk [tilespmem:v10+s14+$0x0], $0xffff;
	_ =	sdelay $0x4  }
0x287: {  	v13 =	vld [tilespmem:$0x1FEB0];
	v0 =	vadd.s32 v0, v11  }
0x288: {  	v14 =	vld [tilespmem:$0x1FEC0];
	[tilespmem:$0x580] =	vst v0  }
0x289: {  	v0 =	vld.idx.msk [tilespmem:v12+s14+$0x0], $0xffff;
	_ =	sdelay $0x4  }
0x28a: {  	v15 =	vld [tilespmem:$0x1FED0];
	v0 =	vadd.s32 v0, v13  }
0x28b: {  	v16 =	vld [tilespmem:$0x1FEE0];
	[tilespmem:$0x590] =	vst v0  }
0x28c: {  	v0 =	vld.idx.msk [tilespmem:v14+s14+$0x0], $0xffff;
	_ =	sdelay $0x4  }
0x28d: {  	v17 =	vld [tilespmem:$0x1FEF0];
	v0 =	vadd.s32 v0, v15  }
0x28e: {  	v18 =	vld [tilespmem:$0x1FF00];
	[tilespmem:$0x5A0] =	vst v0  }
0x28f: {  	v0 =	vld.idx.msk [tilespmem:v16+s14+$0x0], $0xffff;
	_ =	sdelay $0x4  }
0x290: {  	v19 =	vld [tilespmem:$0x1FF10];
	v0 =	vadd.s32 v0, v17  }
0x291: {  	v20 =	vld [tilespmem:$0x1FF20];
	[tilespmem:$0x5B0] =	vst v0  }
0x292: {  	v0 =	vld.idx.msk [tilespmem:v18+s14+$0x0], $0xffff;
	_ =	sdelay $0x4  }
0x293: {  	v21 =	vld [tilespmem:$0x1FF30];
	v0 =	vadd.s32 v0, v19  }
0x294: {  	v22 =	vld [tilespmem:$0x1FF40];
	[tilespmem:$0x5C0] =	vst v0  }
0x295: {  	v0 =	vld.idx.msk [tilespmem:v20+s14+$0x0], $0xffff;
	_ =	sdelay $0x4  }
0x296: {  	v23 =	vld [tilespmem:$0x1FF50];
	v0 =	vadd.s32 v0, v21  }
0x297: {  	v24 =	vld [tilespmem:$0x1FF60];
	[tilespmem:$0x5D0] =	vst v0  }
0x298: {  	v0 =	vld.idx.msk [tilespmem:v22+s14+$0x0], $0xffff;
	_ =	sdelay $0x4  }
0x299: {  	v0 =	vadd.s32 v0, v23  }
0x29a: {  	v25 =	vld [tilespmem:$0x1FF70];
	[tilespmem:$0x5E0] =	vst v0  }
0x29b: {  	v0 =	vld.idx.msk [tilespmem:v24+s14+$0x0], $0xffff;
	_ =	sdelay $0x4  }
0x29c: {  	v0 =	vadd.s32 v0, v25  }
0x29d: {  	s7 =	simm.s32 $0x4F0;
	s20 =	simm.s32 $0xA40;
	[tilespmem:$0x5F0] =	vst v0  }
0x29e: {  	[tilespmem:s20], [sflag:$0x1] =	stream.indirect.gather [hbm4b:s1+s16], $0x1, s7, s16, $0xb8;
	[tilespmem:$0x1340] =	vst v63  }
0x29f: {  	s7 =	simm.s32 $0x570;
	s20 =	simm.s32 $0xAC0  }
0x2a0: {  	[tilespmem:s20], [sflag:$0x1] =	stream.indirect.gather [hbm4b:s1+s16], $0x1, s7, s16, $0xb8;
	[tilespmem:$0x1340] =	vst v63  }
0x2a1: {  	s7 =	simm.s32 $0x5F0;
	s20 =	simm.s32 $0xB40  }
0x2a2: {  	[tilespmem:s20], [sflag:$0x1] =	stream.indirect.gather [hbm4b:s1+s17], $0x1, s7, s17, $0xb8;
	[tilespmem:$0x1340] =	vst v63  }
0x2a3: {  	_ =	swait.ge [sflag:s18], $0x80  }
0x2a4: {  	[sflag:s18] =	ssyncset.done $0x0  }
0x2a5: {  	[sflag:s18] =	ssyncadd.s32 $0xFFFFFF80  }
0x2a6: {  	_ =	swait.ge [sflag:s18], $0x80  }
0x2a7: {  	[sflag:s18] =	ssyncset.done $0x0  }
0x2a8: {  	[sflag:s18] =	ssyncadd.s32 $0xFFFFFF80  }
0x2a9: {  	_ =	swait.ge [sflag:s18], $0x10  }
0x2aa: {  	[sflag:s18] =	ssyncset.done $0x0  }
0x2ab: {  	[sflag:s18] =	ssyncadd.s32 $0xFFFFFFF0  }
0x2ac: {  	_ =	swait.ge [sflag:s18], $0x80  }
0x2ad: {  	[sflag:s18] =	ssyncset.done $0x0  }
0x2ae: {  	[sflag:s18] =	ssyncadd.s32 $0xFFFFFF80  }
0x2af: {  	_ =	swait.ge [sflag:s18], $0x80  }
0x2b0: {  	[sflag:s18] =	ssyncset.done $0x0  }
0x2b1: {  	[sflag:s18] =	ssyncadd.s32 $0xFFFFFF80  }
0x2b2: {  	_ =	swait.ge [sflag:s18], $0x10  }
0x2b3: {  	[sflag:s18] =	ssyncset.done $0x0  }
0x2b4: {  	[sflag:s18] =	ssyncadd.s32 $0xFFFFFFF0  }
0x2b5: {  	_ =	swait.ge [sflag:s18], $0x80  }
0x2b6: {  	[sflag:s18] =	ssyncset.done $0x0  }
0x2b7: {  	[sflag:s18] =	ssyncadd.s32 $0xFFFFFF80  }
0x2b8: {  	_ =	swait.ge [sflag:s18], $0x80  }
0x2b9: {  	[sflag:s18] =	ssyncset.done $0x0  }
0x2ba: {  	[sflag:s18] =	ssyncadd.s32 $0xFFFFFF80  }
0x2bb: {  	_ =	swait.ge [sflag:s18], $0x10  }
0x2bc: {  	[sflag:s18] =	ssyncset.done $0x0  }
0x2bd: {  	[sflag:s18] =	ssyncadd.s32 $0xFFFFFFF0  }
0x2be: {  	_ =	swait.ge [sflag:s18], $0x80  }
0x2bf: {  	[sflag:s18] =	ssyncset.done $0x0  }
0x2c0: {  	[sflag:s18] =	ssyncadd.s32 $0xFFFFFF80  }
0x2c1: {  	_ =	swait.ge [sflag:s18], $0x80  }
0x2c2: {  	[sflag:s18] =	ssyncset.done $0x0  }
0x2c3: {  	[sflag:s18] =	ssyncadd.s32 $0xFFFFFF80  }
0x2c4: {  	_ =	swait.ge [sflag:s18], $0x10  }
0x2c5: {  	[sflag:s18] =	ssyncset.done $0x0  }
0x2c6: {  	[sflag:s18] =	ssyncadd.s32 $0xFFFFFFF0  }
0x2c7: {  	_ =	swait.ge [sflag:s18], $0x80  }
0x2c8: {  	[sflag:s18] =	ssyncset.done $0x0  }
0x2c9: {  	[sflag:s18] =	ssyncadd.s32 $0xFFFFFF80  }
0x2ca: {  	_ =	swait.ge [sflag:s18], $0x80  }
0x2cb: {  	[sflag:s18] =	ssyncset.done $0x0  }
0x2cc: {  	[sflag:s18] =	ssyncadd.s32 $0xFFFFFF80  }
0x2cd: {  	_ =	swait.ge [sflag:s18], $0x10  }
0x2ce: {  	[sflag:s18] =	ssyncset.done $0x0  }
0x2cf: {  	[sflag:s18] =	ssyncadd.s32 $0xFFFFFFF0  }
0x2d0: {  	v26 =	vld [tilespmem:$0x600]  }
0x2d1: {  	v27 =	vld [tilespmem:$0x610];
	_ =	sdelay $0x1  }
0x2d2: {  	v2 =	vld [tilespmem:$0x620];
	_ =	sdelay $0x1  }
0x2d3: {  	v3 =	vld [tilespmem:$0x630]  }
0x2d4: {  	v4 =	vadd.f32 v27, v26  }
0x2d5: {  	v5 =	vld [tilespmem:$0x640]  }
0x2d6: {  	v4 =	vadd.f32 v2, v4  }
0x2d7: {  	v7 =	vld [tilespmem:$0x650]  }
0x2d8: {  	v4 =	vadd.f32 v3, v4  }
0x2d9: {  	v8 =	vld [tilespmem:$0x660]  }
0x2da: {  	v4 =	vadd.f32 v5, v4  }
0x2db: {  	v9 =	vld [tilespmem:$0x670]  }
0x2dc: {  	v4 =	vadd.f32 v7, v4  }
0x2dd: {  	v10 =	vld [tilespmem:$0x680]  }
0x2de: {  	v4 =	vadd.f32 v8, v4  }
0x2df: {  	v11 =	vld [tilespmem:$0x690]  }
0x2e0: {  	v4 =	vadd.f32 v9, v4  }
0x2e1: {  	v12 =	vld [tilespmem:$0x6A0]  }
0x2e2: {  	v4 =	vadd.f32 v10, v4  }
0x2e3: {  	v30 =	vld [tilespmem:$0x6B0]  }
0x2e4: {  	v4 =	vadd.f32 v11, v4  }
0x2e5: {  	v37 =	vld [tilespmem:$0x6C0]  }
0x2e6: {  	v4 =	vadd.f32 v12, v4  }
0x2e7: {  	v38 =	vld [tilespmem:$0x6D0]  }
0x2e8: {  	v4 =	vadd.f32 v30, v4  }
0x2e9: {  	v39 =	vld [tilespmem:$0x6E0]  }
0x2ea: {  	v4 =	vadd.f32 v37, v4  }
0x2eb: {  	v40 =	vld [tilespmem:$0x6F0]  }
0x2ec: {  	v41 =	vld [tilespmem:$0x700];
	v4 =	vadd.f32 v38, v4  }
0x2ed: {  	v42 =	vld [tilespmem:$0x710]  }
0x2ee: {  	v43 =	vld [tilespmem:$0x720];
	v4 =	vadd.f32 v39, v4;
	_ =	sdelay $0x1  }
0x2ef: {  	v44 =	vld [tilespmem:$0x730];
	v4 =	vadd.f32 v40, v4  }
0x2f0: {  	v51 =	vld [tilespmem:$0x740]  }
0x2f1: {  	v36 =	vld [tilespmem:$0x750];
	v4 =	vadd.f32 v41, v4  }
0x2f2: {  	v35 =	vld [tilespmem:$0x760];
	v50 =	vadd.f32 v43, v42  }
0x2f3: {  	v34 =	vld [tilespmem:$0x770];
	v6 =	vmul.f32 $5.882352960e-02, v4  }
0x2f4: {  	v33 =	vld [tilespmem:$0x780];
	v4 =	vadd.f32 v44, v50  }
0x2f5: {  	v29 =	vld [tilespmem:$0x790];
	v0 =	vsub.f32 v26, v6;
	v1 =	vsub.f32 v27, v6  }
0x2f6: {  	v28 =	vld [tilespmem:$0x7A0];
	v2 =	vsub.f32 v2, v6  }
0x2f7: {  	v25 =	vld [tilespmem:$0x7E0];
	v4 =	vadd.f32 v51, v4;
	v0 =	vand.u32 $0x7FFFFFFF, v0;
	v1 =	vand.u32 $0x7FFFFFFF, v1  }
0x2f8: {  	v24 =	vld [tilespmem:$0x7F0];
	v0 =	vadd.f32 v1, v0  }
0x2f9: {  	v23 =	vld [tilespmem:$0x800];
	v53 =	vsub.f32 v3, v6;
	v52 =	vand.u32 $0x7FFFFFFF, v2;
	v54 =	vadd.f32 v36, v4  }
0x2fa: {  	v22 =	vld [tilespmem:$0x810];
	v0 =	vadd.f32 v0, v52  }
0x2fb: {  	v21 =	vld [tilespmem:$0x820];
	v56 =	vsub.f32 v5, v6;
	v55 =	vand.u32 $0x7FFFFFFF, v53;
	v3 =	vadd.f32 v35, v54  }
0x2fc: {  	v20 =	vld [tilespmem:$0x830];
	v0 =	vadd.f32 v0, v55  }
0x2fd: {  	v19 =	vld [tilespmem:$0x840];
	v58 =	vsub.f32 v7, v6;
	v57 =	vand.u32 $0x7FFFFFFF, v56;
	v3 =	vadd.f32 v34, v3  }
0x2fe: {  	v18 =	vld [tilespmem:$0x850];
	v0 =	vadd.f32 v0, v57  }
0x2ff: {  	v17 =	vld [tilespmem:$0x860];
	v60 =	vsub.f32 v8, v6;
	v59 =	vand.u32 $0x7FFFFFFF, v58;
	v3 =	vadd.f32 v33, v3  }
0x300: {  	v50 =	vld [tilespmem:$0x7B0];
	v0 =	vadd.f32 v0, v59  }
0x301: {  	v16 =	vld [tilespmem:$0x870];
	v62 =	vsub.f32 v9, v6;
	v61 =	vand.u32 $0x7FFFFFFF, v60;
	v3 =	vadd.f32 v29, v3  }
0x302: {  	v27 =	vld [tilespmem:$0x7C0];
	v0 =	vadd.f32 v0, v61  }
0x303: {  	v15 =	vld [tilespmem:$0x880];
	v7 =	vsub.f32 v10, v6;
	v63 =	vand.u32 $0x7FFFFFFF, v62;
	v3 =	vadd.f32 v28, v3  }
0x304: {  	v26 =	vld [tilespmem:$0x7D0];
	v0 =	vadd.f32 v0, v63  }
0x305: {  	v14 =	vld [tilespmem:$0x890];
	v9 =	vsub.f32 v11, v6;
	v8 =	vand.u32 $0x7FFFFFFF, v7;
	v3 =	vadd.f32 v50, v3  }
0x306: {  	v13 =	vld [tilespmem:$0x8A0];
	v0 =	vadd.f32 v0, v8  }
0x307: {  	v11 =	vsub.f32 v12, v6;
	v12 =	vld [tilespmem:$0x8B0];
	v10 =	vand.u32 $0x7FFFFFFF, v9;
	v3 =	vadd.f32 v27, v3  }
0x308: {  	v5 =	vld [tilespmem:$0x910];
	v0 =	vadd.f32 v0, v10  }
0x309: {  	v32 =	vsub.f32 v30, v6;
	v31 =	vand.u32 $0x7FFFFFFF, v11;
	v11 =	vld [tilespmem:$0x8C0];
	v3 =	vadd.f32 v26, v3  }
0x30a: {  	v46 =	vsub.f32 v37, v6;
	v9 =	vld [tilespmem:$0x8E0];
	v0 =	vadd.f32 v0, v31  }
0x30b: {  	v48 =	vsub.f32 v38, v6;
	v45 =	vand.u32 $0x7FFFFFFF, v32;
	v7 =	vld [tilespmem:$0x900];
	v3 =	vadd.f32 v25, v3  }
0x30c: {  	v4 =	vld [tilespmem:$0x920];
	v0 =	vadd.f32 v0, v45  }
0x30d: {  	v47 =	vand.u32 $0x7FFFFFFF, v46;
	v49 =	vand.u32 $0x7FFFFFFF, v48;
	v48 =	vld [tilespmem:$0xA50];
	v3 =	vadd.f32 v24, v3  }
0x30e: {  	v58 =	vld [tilespmem:$0xA60];
	v0 =	vadd.f32 v0, v47  }
0x30f: {  	v52 =	vsub.f32 v39, v6;
	v3 =	vadd.f32 v23, v3;
	v47 =	vld [tilespmem:$0x940]  }
0x310: {  	v0 =	vadd.f32 v0, v49;
	v49 =	vld [tilespmem:$0xA40]  }
0x311: {  	v54 =	vsub.f32 v40, v6;
	v53 =	vand.u32 $0x7FFFFFFF, v52;
	v55 =	vadd.f32 v22, v3;
	v3 =	vld [tilespmem:$0x930]  }
0x312: {  	v32 =	vadd.f32 v20, v21;
	v46 =	vld [tilespmem:$0x960];
	v1 =	vadd.f32 v0, v53  }
0x313: {  	v56 =	vsub.f32 v41, v6;
	v2 =	vand.u32 $0x7FFFFFFF, v54;
	v45 =	vld [tilespmem:$0x950];
	v30 =	vmul.f32 $5.882352960e-02, v55  }
0x314: {  	v62 =	vld [tilespmem:$0x980];
	v40 =	vadd.f32 v19, v32;
	v1 =	vadd.f32 v1, v2  }
0x315: {  	v37 =	vand.u32 $0x7FFFFFFF, v56;
	v53 =	vld [tilespmem:$0xA70];
	v57 =	vsub.f32 v42, v30;
	v54 =	vadd.f32 v48, v49  }
0x316: {  	v41 =	vld [tilespmem:$0xAA0];
	v52 =	vadd.f32 v47, v3;
	v37 =	vadd.f32 v1, v37  }
0x317: {  	v63 =	vld [tilespmem:$0x970];
	v31 =	vsub.f32 v43, v30;
	v38 =	vand.u32 $0x7FFFFFFF, v57;
	v61 =	vadd.f32 v58, v54  }
0x318: {  	v55 =	vld [tilespmem:$0xA80];
	v37 =	vadd.f32 v38, v37;
	v38 =	vadd.f32 v45, v52  }
0x319: {  	v60 =	vld [tilespmem:$0x9A0];
	v59 =	vadd.f32 v18, v40;
	v0 =	vsub.f32 v44, v30  }
0x31a: {  	v44 =	vld [tilespmem:$0xA90];
	v39 =	vand.u32 $0x7FFFFFFF, v31;
	v40 =	vadd.f32 v53, v61;
	v38 =	vadd.f32 v46, v38  }
0x31b: {  	v37 =	vadd.f32 v37, v39;
	v39 =	vadd.f32 v17, v59;
	v59 =	vld [tilespmem:$0x990]  }
0x31c: {  	v56 =	vld [tilespmem:$0x9D0];
	v31 =	vsub.f32 v51, v30;
	v38 =	vadd.f32 v63, v38  }
0x31d: {  	v8 =	vld [tilespmem:$0x8F0];
	v42 =	vand.u32 $0x7FFFFFFF, v0;
	v40 =	vadd.f32 v55, v40;
	v39 =	vadd.f32 v16, v39  }
0x31e: {  	v37 =	vadd.f32 v37, v42;
	v42 =	vld [tilespmem:$0xAB0];
	v38 =	vadd.f32 v62, v38  }
0x31f: {  	v43 =	vand.u32 $0x7FFFFFFF, v31;
	v61 =	vld [tilespmem:$0x9B0];
	v40 =	vadd.f32 v44, v40;
	v39 =	vadd.f32 v15, v39  }
0x320: {  	v37 =	vadd.f32 v37, v43;
	v43 =	vld [tilespmem:$0xAC0];
	v38 =	vadd.f32 v59, v38  }
0x321: {  	[tilespmem:$0x1F5C0] =	vst v58;
	v58 =	vld [tilespmem:$0x9C0];
	v32 =	vadd.f32 v41, v40;
	v39 =	vadd.f32 v14, v39  }
0x322: {  	[tilespmem:$0x1F5D0] =	vst v53;
	v52 =	vsub.f32 v36, v30;
	v40 =	vld [tilespmem:$0xAD0];
	v53 =	vadd.f32 v60, v38  }
0x323: {  	v10 =	vld [tilespmem:$0x8D0];
	v1 =	vadd.f32 v42, v32;
	v0 =	vadd.f32 v13, v39  }
0x324: {  	v35 =	vsub.f32 v35, v30;
	v36 =	vld [tilespmem:$0xAE0];
	v2 =	vadd.f32 v61, v53  }
0x325: {  	v57 =	vld [tilespmem:$0x9E0];
	v52 =	vand.u32 $0x7FFFFFFF, v52;
	v39 =	vadd.f32 v43, v1;
	v38 =	vadd.f32 v12, v0  }
0x326: {  	v52 =	vadd.f32 v37, v52;
	v37 =	vld [tilespmem:$0xAF0];
	v51 =	vadd.f32 v58, v2  }
0x327: {  	v35 =	vand.u32 $0x7FFFFFFF, v35;
	v54 =	vld [tilespmem:$0x9F0];
	v39 =	vadd.f32 v40, v39;
	v53 =	vadd.f32 v11, v38  }
0x328: {  	[tilespmem:$0x1F5E0] =	vst v55;
	v55 =	vadd.f32 v52, v35;
	v38 =	vld [tilespmem:$0xB00];
	v31 =	vadd.f32 v56, v51  }
0x329: {  	v52 =	vld [tilespmem:$0xA00];
	v39 =	vadd.f32 v36, v39;
	v0 =	vadd.f32 v10, v53  }
0x32a: {  	v35 =	vld [tilespmem:$0xB10];
	v1 =	vsub.f32 v34, v30;
	v2 =	vadd.f32 v57, v31  }
0x32b: {  	v51 =	vld [tilespmem:$0xA10];
	v39 =	vadd.f32 v37, v39;
	v31 =	vadd.f32 v9, v0  }
0x32c: {  	v32 =	vsub.f32 v33, v30;
	v34 =	vld [tilespmem:$0xB20];
	v33 =	vadd.f32 v54, v2  }
0x32d: {  	v53 =	vand.u32 $0x7FFFFFFF, v1;
	v39 =	vadd.f32 v38, v39;
	v0 =	vadd.f32 v8, v31;
	v31 =	vld [tilespmem:$0xA20]  }
0x32e: {  	v53 =	vadd.f32 v55, v53;
	v55 =	vadd.f32 v52, v33;
	v33 =	vld [tilespmem:$0xB30]  }
0x32f: {  	v32 =	vand.u32 $0x7FFFFFFF, v32;
	v1 =	vadd.f32 v35, v39;
	v39 =	vld [tilespmem:$0xA30];
	v0 =	vadd.f32 v7, v0  }
0x330: {  	v53 =	vadd.f32 v53, v32;
	v32 =	vld [tilespmem:$0xB40];
	v55 =	vadd.f32 v51, v55  }
0x331: {  	v1 =	vadd.f32 v34, v1;
	v0 =	vadd.f32 v5, v0  }
0x332: {  	v29 =	vsub.f32 v29, v30;
	v55 =	vadd.f32 v31, v55  }
0x333: {  	v0 =	vadd.f32 v4, v0;
	v1 =	vadd.f32 v33, v1  }
0x334: {  	v29 =	vand.u32 $0x7FFFFFFF, v29;
	v55 =	vadd.f32 v39, v55  }
0x335: {  	[tilespmem:$0xB50] =	vst v6;
	v2 =	vsub.f32 v28, v30;
	v28 =	vmul.f32 $5.882352960e-02, v0;
	v0 =	vadd.f32 v32, v1  }
0x336: {  	[tilespmem:$0xB60] =	vst v30;
	v29 =	vadd.f32 v53, v29;
	v6 =	vmul.f32 $5.882352960e-02, v55  }
0x337: {  	v53 =	vsub.f32 v50, v30;
	v1 =	vand.u32 $0x7FFFFFFF, v2;
	[tilespmem:$0xB70] =	vst v28;
	v50 =	vmul.f32 $5.882352960e-02, v0  }
0x338: {  	v1 =	vadd.f32 v29, v1;
	[tilespmem:$0xB80] =	vst v6  }
0x339: {  	s20 =	simm.s32 $0xB50;
	v27 =	vsub.f32 v27, v30;
	v55 =	vand.u32 $0x7FFFFFFF, v53;
	[tilespmem:$0xB90] =	vst v50  }
0x33a: {  	v0 =	vadd.f32 v1, v55;
	[spmem:s2] =	stream.linear.scatter [tilespmem:s20], [sflag:$0x2], $0x50, $0x38;
	[tilespmem:$0x1340] =	vst v63  }
0x33b: {  	v29 =	vand.u32 $0x7FFFFFFF, v27;
	v53 =	vsub.f32 v26, v30;
	_ =	swait.ge [sflag:s6], $0x50  }
0x33c: {  	v0 =	vadd.f32 v0, v29;
	[sflag:s6] =	ssyncset.done $0x0  }
0x33d: {  	v26 =	vsub.f32 v25, v30;
	v55 =	vand.u32 $0x7FFFFFFF, v53;
	[sflag:s6] =	ssyncadd.s32 $0xFFFFFFB0  }
0x33e: {  	v0 =	vadd.f32 v0, v55;
	[bflag:$0x0] =	sbarrier.arrive $0xFFFF  }
0x33f: {  	v27 =	vand.u32 $0x7FFFFFFF, v26;
	v29 =	vsub.f32 v24, v30;
	s20 =	simm.s32 $0xBA0;
	s7 =	rddreg [dreg:$0x3]  }
0x340: {  	v0 =	vadd.f32 v0, v27;
	[tilespmem:s20], [sflag:$0x2] =	stream.linear.gather [spmem:s7], $0x500, $0x38;
	[tilespmem:$0x1340] =	vst v63  }
0x341: {  	v53 =	vand.u32 $0x7FFFFFFF, v29;
	v55 =	vsub.f32 v23, v30;
	_ =	swait.ge [sflag:s6], $0x500  }
0x342: {  	v0 =	vadd.f32 v0, v53;
	[sflag:s6] =	ssyncset.done $0x0  }
0x343: {  	v24 =	vsub.f32 v22, v30;
	v23 =	vand.u32 $0x7FFFFFFF, v55;
	[sflag:s6] =	ssyncadd.s32 $0xFFFFFB00  }
0x344: {  	v0 =	vadd.f32 v0, v23;
	v1 =	vld [tilespmem:s19+$0xBA0]  }
0x345: {  	v21 =	vsub.f32 v21, v28;
	v2 =	vand.u32 $0x7FFFFFFF, v24;
	v25 =	vld [tilespmem:s24+$0xBA0]  }
0x346: {  	s20 =	rddreg [dreg:$0x9];
	v0 =	vadd.f32 v0, v2;
	v26 =	vld [tilespmem:s24+$0xBC0]  }
0x347: {  	v20 =	vsub.f32 v20, v28;
	v21 =	vand.u32 $0x7FFFFFFF, v21;
	v27 =	vld [tilespmem:s20+$0xBA0]  }
0x348: {  	v0 =	vadd.f32 v21, v0  }
0x349: {  	v19 =	vsub.f32 v19, v28;
	v20 =	vand.u32 $0x7FFFFFFF, v20;
	s20 =	rddreg [dreg:$0xa]  }
0x34a: {  	v18 =	vsub.f32 v18, v28;
	v29 =	vld [tilespmem:s20+$0xBA0];
	v0 =	vadd.f32 v0, v20  }
0x34b: {  	s20 =	rddreg [dreg:$0xb];
	v22 =	vsub.f32 v1, v25;
	v2 =	vsub.f32 v1, v26  }
0x34c: {  	v17 =	vsub.f32 v17, v28;
	v19 =	vand.u32 $0x7FFFFFFF, v19;
	v30 =	vld [tilespmem:s20+$0xBA0];
	v21 =	vsub.f32 v1, v27  }
0x34d: {  	s20 =	rddreg [dreg:$0xc];
	v0 =	vadd.f32 v0, v19;
	v22 =	vand.u32 $0x7FFFFFFF, v22;
	v2 =	vand.u32 $0x7FFFFFFF, v2  }
0x34e: {  	v16 =	vsub.f32 v16, v28;
	v18 =	vand.u32 $0x7FFFFFFF, v18;
	v53 =	vld [tilespmem:s20+$0xBA0];
	v2 =	vadd.f32 v2, v22  }
0x34f: {  	s20 =	rddreg [dreg:$0xd];
	v20 =	vsub.f32 v1, v29;
	v55 =	vand.u32 $0x7FFFFFFF, v21;
	v0 =	vadd.f32 v0, v18  }
0x350: {  	v15 =	vsub.f32 v15, v28;
	v17 =	vand.u32 $0x7FFFFFFF, v17;
	v23 =	vld [tilespmem:s20+$0xBA0];
	v2 =	vadd.f32 v55, v2  }
0x351: {  	s20 =	rddreg [dreg:$0xe];
	v19 =	vsub.f32 v1, v30;
	v24 =	vand.u32 $0x7FFFFFFF, v20;
	v0 =	vadd.f32 v0, v17  }
0x352: {  	v14 =	vsub.f32 v14, v28;
	v16 =	vand.u32 $0x7FFFFFFF, v16;
	v25 =	vld [tilespmem:s20+$0xBA0];
	v2 =	vadd.f32 v24, v2  }
0x353: {  	s20 =	rddreg [dreg:$0xf];
	v27 =	vsub.f32 v1, v53;
	v26 =	vand.u32 $0x7FFFFFFF, v19;
	v0 =	vadd.f32 v0, v16  }
0x354: {  	v13 =	vsub.f32 v13, v28;
	v15 =	vand.u32 $0x7FFFFFFF, v15;
	v29 =	vld [tilespmem:s20+$0xBA0];
	v2 =	vadd.f32 v26, v2  }
0x355: {  	s20 =	rddreg [dreg:$0x10];
	v18 =	vsub.f32 v1, v23;
	v30 =	vand.u32 $0x7FFFFFFF, v27;
	v0 =	vadd.f32 v0, v15  }
0x356: {  	v12 =	vsub.f32 v12, v28;
	v14 =	vand.u32 $0x7FFFFFFF, v14;
	v53 =	vld [tilespmem:s20+$0xBA0];
	v2 =	vadd.f32 v30, v2  }
0x357: {  	v20 =	vld [tilespmem:s9+$0xBA0];
	v17 =	vsub.f32 v1, v25;
	v55 =	vand.u32 $0x7FFFFFFF, v18;
	v0 =	vadd.f32 v0, v14  }
0x358: {  	v11 =	vsub.f32 v11, v28;
	v13 =	vand.u32 $0x7FFFFFFF, v13;
	v18 =	vld [tilespmem:s8+$0xBB0];
	v2 =	vadd.f32 v55, v2  }
0x359: {  	v21 =	vand.u32 $0x7FFFFFFF, v17;
	v16 =	vsub.f32 v1, v29;
	v0 =	vadd.f32 v0, v13  }
0x35a: {  	v10 =	vsub.f32 v10, v28;
	v12 =	vand.u32 $0x7FFFFFFF, v12;
	v22 =	vld [tilespmem:s9+$0xBC0];
	v2 =	vadd.f32 v21, v2  }
0x35b: {  	s20 =	rddreg [dreg:$0x11];
	v1 =	vsub.f32 v1, v53;
	v23 =	vand.u32 $0x7FFFFFFF, v16;
	v0 =	vadd.f32 v0, v12  }
0x35c: {  	v9 =	vsub.f32 v9, v28;
	v11 =	vand.u32 $0x7FFFFFFF, v11;
	v24 =	vld [tilespmem:s20+$0xBA0];
	v2 =	vadd.f32 v23, v2  }
0x35d: {  	s20 =	rddreg [dreg:$0x12];
	v1 =	vand.u32 $0x7FFFFFFF, v1;
	v25 =	vsub.f32 v18, v20;
	v0 =	vadd.f32 v0, v11  }
0x35e: {  	v8 =	vsub.f32 v8, v28;
	v10 =	vand.u32 $0x7FFFFFFF, v10;
	v26 =	vld [tilespmem:s20+$0xBA0];
	v1 =	vadd.f32 v1, v2  }
0x35f: {  	s20 =	rddreg [dreg:$0x13];
	v29 =	vsub.f32 v18, v22;
	v27 =	vand.u32 $0x7FFFFFFF, v25;
	v0 =	vadd.f32 v0, v10  }
0x360: {  	v7 =	vsub.f32 v7, v28;
	v9 =	vand.u32 $0x7FFFFFFF, v9;
	v30 =	vld [tilespmem:s20+$0xBA0];
	v1 =	vadd.f32 v27, v1  }
0x361: {  	s20 =	rddreg [dreg:$0x14];
	v53 =	vand.u32 $0x7FFFFFFF, v29;
	v55 =	vsub.f32 v18, v24;
	v0 =	vadd.f32 v0, v9  }
0x362: {  	v5 =	vsub.f32 v5, v28;
	v8 =	vand.u32 $0x7FFFFFFF, v8;
	v12 =	vld [tilespmem:s20+$0xBA0];
	v1 =	vadd.f32 v53, v1  }
0x363: {  	v13 =	vand.u32 $0x7FFFFFFF, v55;
	s20 =	rddreg [dreg:$0x15];
	v2 =	vsub.f32 v18, v26;
	v0 =	vadd.f32 v0, v8  }
0x364: {  	v4 =	vsub.f32 v4, v28;
	v7 =	vand.u32 $0x7FFFFFFF, v7;
	v14 =	vld [tilespmem:s20+$0xBA0];
	v1 =	vadd.f32 v13, v1  }
0x365: {  	v15 =	vsub.f32 v18, v30;
	s20 =	rddreg [dreg:$0x16];
	v2 =	vand.u32 $0x7FFFFFFF, v2;
	v0 =	vadd.f32 v0, v7  }
0x366: {  	v5 =	vand.u32 $0x7FFFFFFF, v5;
	v3 =	vsub.f32 v3, v6;
	v16 =	vld [tilespmem:s20+$0xBA0];
	v1 =	vadd.f32 v2, v1  }
0x367: {  	s20 =	rddreg [dreg:$0x17];
	v17 =	vand.u32 $0x7FFFFFFF, v15;
	v19 =	vsub.f32 v18, v12;
	v0 =	vadd.f32 v0, v5  }
0x368: {  	v4 =	vand.u32 $0x7FFFFFFF, v4;
	v29 =	vsub.f32 v46, v6;
	v20 =	vld [tilespmem:s20+$0xBA0];
	v1 =	vadd.f32 v17, v1  }
0x369: {  	s20 =	rddreg [dreg:$0x18];
	v22 =	vsub.f32 v18, v14;
	v21 =	vand.u32 $0x7FFFFFFF, v19;
	v0 =	vadd.f32 v0, v4  }
0x36a: {  	v3 =	vand.u32 $0x7FFFFFFF, v3;
	v23 =	vsub.f32 v47, v6;
	v24 =	vld [tilespmem:s20+$0xBA0];
	v1 =	vadd.f32 v21, v1  }
0x36b: {  	v27 =	vld [tilespmem:s10+$0xBA0];
	v25 =	vand.u32 $0x7FFFFFFF, v22;
	v2 =	vsub.f32 v18, v16;
	v0 =	vadd.f32 v3, v0  }
0x36c: {  	v26 =	vsub.f32 v45, v6;
	v8 =	vand.u32 $0x7FFFFFFF, v23;
	v7 =	vld [tilespmem:s8+$0xBC0];
	v1 =	vadd.f32 v25, v1  }
0x36d: {  	v5 =	vsub.f32 v18, v20;
	v2 =	vand.u32 $0x7FFFFFFF, v2;
	v0 =	vadd.f32 v0, v8  }
0x36e: {  	v46 =	vsub.f32 v63, v6;
	v30 =	vld [tilespmem:s10+$0xBC0];
	v28 =	vand.u32 $0x7FFFFFFF, v26;
	v1 =	vadd.f32 v2, v1  }
0x36f: {  	s20 =	rddreg [dreg:$0x19];
	v4 =	vsub.f32 v18, v24;
	v5 =	vand.u32 $0x7FFFFFFF, v5;
	v0 =	vadd.f32 v0, v28  }
0x370: {  	v55 =	vsub.f32 v62, v6;
	v45 =	vand.u32 $0x7FFFFFFF, v29;
	v47 =	vld [tilespmem:s20+$0xBA0];
	v1 =	vadd.f32 v5, v1  }
0x371: {  	s20 =	rddreg [dreg:$0x1a];
	v4 =	vand.u32 $0x7FFFFFFF, v4;
	v3 =	vsub.f32 v7, v27;
	v0 =	vadd.f32 v0, v45  }
0x372: {  	v15 =	vsub.f32 v60, v6;
	v62 =	vld [tilespmem:s20+$0xBA0];
	v53 =	vand.u32 $0x7FFFFFFF, v46;
	v1 =	vadd.f32 v4, v1  }
0x373: {  	s20 =	rddreg [dreg:$0x1b];
	v3 =	vand.u32 $0x7FFFFFFF, v3;
	v2 =	vsub.f32 v7, v30;
	v0 =	vadd.f32 v0, v53  }
0x374: {  	v63 =	vand.u32 $0x7FFFFFFF, v55;
	v12 =	vsub.f32 v59, v6;
	v13 =	vld [tilespmem:s20+$0xBA0];
	v1 =	vadd.f32 v3, v1  }
0x375: {  	s20 =	rddreg [dreg:$0x1c];
	v2 =	vand.u32 $0x7FFFFFFF, v2;
	v5 =	vsub.f32 v7, v47;
	v0 =	vadd.f32 v0, v63  }
0x376: {  	v14 =	vand.u32 $0x7FFFFFFF, v12;
	v16 =	vld [tilespmem:s20+$0xBA0];
	v18 =	vsub.f32 v61, v6;
	v1 =	vadd.f32 v2, v1  }
0x377: {  	s20 =	rddreg [dreg:$0x1d];
	v5 =	vand.u32 $0x7FFFFFFF, v5;
	v4 =	vsub.f32 v7, v62;
	v0 =	vadd.f32 v0, v14  }
0x378: {  	v19 =	vld [tilespmem:s20+$0xBA0];
	v17 =	vand.u32 $0x7FFFFFFF, v15;
	v24 =	vsub.f32 v56, v6;
	v1 =	vadd.f32 v5, v1  }
0x379: {  	s20 =	rddreg [dreg:$0x1e];
	v4 =	vand.u32 $0x7FFFFFFF, v4;
	v3 =	vsub.f32 v7, v13;
	v0 =	vadd.f32 v0, v17  }
0x37a: {  	v22 =	vld [tilespmem:s20+$0xBA0];
	s20 =	rddreg [dreg:$0x1f];
	v20 =	vand.u32 $0x7FFFFFFF, v18;
	v21 =	vsub.f32 v58, v6;
	v1 =	vadd.f32 v4, v1  }
0x37b: {  	v25 =	vld [tilespmem:s20+$0xBA0];
	s20 =	sld [smem:$0x7DD];
	v3 =	vand.u32 $0x7FFFFFFF, v3;
	v2 =	vsub.f32 v7, v16;
	v0 =	vadd.f32 v0, v20  }
0x37c: {  	v27 =	vsub.f32 v57, v6;
	v23 =	vand.u32 $0x7FFFFFFF, v21;
	v1 =	vadd.f32 v3, v1  }
0x37d: {  	v2 =	vand.u32 $0x7FFFFFFF, v2;
	v5 =	vsub.f32 v7, v19;
	v0 =	vadd.f32 v0, v23  }
0x37e: {  	v26 =	vand.u32 $0x7FFFFFFF, v24;
	v30 =	vsub.f32 v54, v6;
	v28 =	vld [tilespmem:s20+$0xBA0];
	v1 =	vadd.f32 v2, v1  }
0x37f: {  	v29 =	vld [tilespmem:s8+$0xBD0];
	s20 =	sld [smem:$0x7E1];
	v5 =	vand.u32 $0x7FFFFFFF, v5;
	v4 =	vsub.f32 v7, v22;
	v0 =	vadd.f32 v0, v26  }
0x380: {  	v9 =	vand.u32 $0x7FFFFFFF, v27;
	v45 =	vld [tilespmem:s11+$0xBA0];
	v47 =	vsub.f32 v52, v6;
	v1 =	vadd.f32 v5, v1  }
0x381: {  	v52 =	vld [tilespmem:s11+$0xBC0];
	v4 =	vand.u32 $0x7FFFFFFF, v4;
	v3 =	vsub.f32 v7, v25;
	v0 =	vadd.f32 v0, v9  }
0x382: {  	v46 =	vand.u32 $0x7FFFFFFF, v30;
	v55 =	vld [tilespmem:s20+$0xBA0];
	s20 =	sld [smem:$0x7E3];
	v1 =	vadd.f32 v4, v1  }
0x383: {  	v2 =	vsub.f32 v7, v28;
	v3 =	vand.u32 $0x7FFFFFFF, v3;
	v0 =	vadd.f32 v0, v46  }
0x384: {  	v54 =	vsub.f32 v51, v6;
	v53 =	vand.u32 $0x7FFFFFFF, v47;
	v1 =	vadd.f32 v3, v1  }
0x385: {  	v58 =	vld [tilespmem:s20+$0xBA0];
	s20 =	sld [smem:$0x7E5];
	v2 =	vand.u32 $0x7FFFFFFF, v2;
	v5 =	vsub.f32 v29, v45;
	v0 =	vadd.f32 v0, v53  }
0x386: {  	v57 =	vsub.f32 v31, v6;
	v56 =	vand.u32 $0x7FFFFFFF, v54;
	v1 =	vadd.f32 v2, v1  }
0x387: {  	v5 =	vand.u32 $0x7FFFFFFF, v5;
	v4 =	vsub.f32 v29, v52;
	v0 =	vadd.f32 v0, v56  }
0x388: {  	v59 =	vand.u32 $0x7FFFFFFF, v57;
	v6 =	vsub.f32 v39, v6;
	v60 =	vld [tilespmem:s20+$0xBA0];
	v1 =	vadd.f32 v5, v1  }
0x389: {  	v12 =	vld [tilespmem:$0x1F5C0];
	v4 =	vand.u32 $0x7FFFFFFF, v4;
	v3 =	vsub.f32 v29, v55;
	v0 =	vadd.f32 v0, v59  }
0x38a: {  	v61 =	vsub.f32 v49, v50;
	v6 =	vand.u32 $0x7FFFFFFF, v6;
	v62 =	vld [tilespmem:s21+$0xBA0];
	v1 =	vadd.f32 v4, v1  }
0x38b: {  	v15 =	vld [tilespmem:$0x1F5D0];
	v3 =	vand.u32 $0x7FFFFFFF, v3;
	v2 =	vsub.f32 v29, v58;
	v0 =	vadd.f32 v0, v6  }
0x38c: {  	v10 =	vld [tilespmem:s13+$0xBA0];
	v63 =	vand.u32 $0x7FFFFFFF, v61;
	v9 =	vsub.f32 v48, v50;
	v1 =	vadd.f32 v3, v1  }
0x38d: {  	v18 =	vld [tilespmem:$0x1F5E0];
	v2 =	vand.u32 $0x7FFFFFFF, v2;
	v5 =	vsub.f32 v29, v60;
	v0 =	vadd.f32 v63, v0  }
0x38e: {  	v13 =	vld [tilespmem:s22+$0xBA0];
	v7 =	vsub.f32 v12, v50;
	v11 =	vand.u32 $0x7FFFFFFF, v9;
	v1 =	vadd.f32 v2, v1  }
0x38f: {  	v5 =	vand.u32 $0x7FFFFFFF, v5;
	v4 =	vsub.f32 v29, v62;
	v0 =	vadd.f32 v0, v11  }
0x390: {  	v16 =	vld [tilespmem:s23+$0xBA0];
	v14 =	vand.u32 $0x7FFFFFFF, v7;
	v7 =	vsub.f32 v15, v50;
	v1 =	vadd.f32 v5, v1  }
0x391: {  	v4 =	vand.u32 $0x7FFFFFFF, v4;
	v3 =	vsub.f32 v29, v10;
	v0 =	vadd.f32 v0, v14  }
0x392: {  	v19 =	vld [tilespmem:s25+$0xBA0];
	v17 =	vand.u32 $0x7FFFFFFF, v7;
	v7 =	vsub.f32 v18, v50;
	v1 =	vadd.f32 v4, v1  }
0x393: {  	v20 =	vld [tilespmem:s8+$0xBE0];
	v3 =	vand.u32 $0x7FFFFFFF, v3;
	v2 =	vsub.f32 v29, v13;
	v0 =	vadd.f32 v0, v17  }
0x394: {  	v21 =	vsub.f32 v44, v50;
	v22 =	vld [tilespmem:s12+$0xBA0];
	v7 =	vand.u32 $0x7FFFFFFF, v7;
	v1 =	vadd.f32 v3, v1  }
0x395: {  	v2 =	vand.u32 $0x7FFFFFFF, v2;
	v5 =	vsub.f32 v29, v16;
	v0 =	vadd.f32 v0, v7  }
0x396: {  	v24 =	vsub.f32 v41, v50;
	v23 =	vand.u32 $0x7FFFFFFF, v21;
	v25 =	vld [tilespmem:s12+$0xBC0];
	v1 =	vadd.f32 v2, v1  }
0x397: {  	v4 =	vsub.f32 v29, v19;
	v5 =	vand.u32 $0x7FFFFFFF, v5;
	v0 =	vadd.f32 v0, v23  }
0x398: {  	v27 =	vsub.f32 v42, v50;
	v26 =	vand.u32 $0x7FFFFFFF, v24;
	v28 =	vld [tilespmem:s26+$0xBA0];
	v1 =	vadd.f32 v5, v1  }
0x399: {  	v4 =	vand.u32 $0x7FFFFFFF, v4;
	v3 =	vsub.f32 v20, v22;
	v0 =	vadd.f32 v0, v26  }
0x39a: {  	v31 =	vld [tilespmem:s28+$0xBA0];
	v30 =	vsub.f32 v43, v50;
	v29 =	vand.u32 $0x7FFFFFFF, v27;
	v1 =	vadd.f32 v4, v1  }
0x39b: {  	v3 =	vand.u32 $0x7FFFFFFF, v3;
	v2 =	vsub.f32 v20, v25;
	v0 =	vadd.f32 v0, v29  }
0x39c: {  	v41 =	vsub.f32 v40, v50;
	v42 =	vld [tilespmem:s29+$0xBA0];
	v39 =	vand.u32 $0x7FFFFFFF, v30;
	v1 =	vadd.f32 v3, v1  }
0x39d: {  	v2 =	vand.u32 $0x7FFFFFFF, v2;
	v5 =	vsub.f32 v20, v28;
	v0 =	vadd.f32 v0, v39  }
0x39e: {  	v44 =	vsub.f32 v36, v50;
	v43 =	vand.u32 $0x7FFFFFFF, v41;
	v45 =	vld [tilespmem:s30+$0xBA0];
	v1 =	vadd.f32 v2, v1  }
0x39f: {  	v5 =	vand.u32 $0x7FFFFFFF, v5;
	v4 =	vsub.f32 v20, v31;
	v0 =	vadd.f32 v0, v43  }
0x3a0: {  	v47 =	vsub.f32 v37, v50;
	v48 =	vld [tilespmem:s31+$0xBA0];
	v46 =	vand.u32 $0x7FFFFFFF, v44;
	v1 =	vadd.f32 v5, v1  }
0x3a1: {  	v4 =	vand.u32 $0x7FFFFFFF, v4;
	v3 =	vsub.f32 v20, v42;
	v0 =	vadd.f32 v0, v46  }
0x3a2: {  	v51 =	vsub.f32 v38, v50;
	v49 =	vand.u32 $0x7FFFFFFF, v47;
	v52 =	vld [tilespmem:s3+$0xBA0];
	v1 =	vadd.f32 v4, v1  }
0x3a3: {  	v3 =	vand.u32 $0x7FFFFFFF, v3;
	v2 =	vsub.f32 v20, v45;
	v0 =	vadd.f32 v0, v49  }
0x3a4: {  	v54 =	vsub.f32 v35, v50;
	v53 =	vand.u32 $0x7FFFFFFF, v51;
	v55 =	vld [tilespmem:s4+$0xBA0];
	v1 =	vadd.f32 v3, v1  }
0x3a5: {  	v2 =	vand.u32 $0x7FFFFFFF, v2;
	v5 =	vsub.f32 v20, v48;
	v0 =	vadd.f32 v0, v53  }
0x3a6: {  	v57 =	vsub.f32 v34, v50;
	v56 =	vand.u32 $0x7FFFFFFF, v54;
	v58 =	vld [tilespmem:s5+$0xBA0];
	v1 =	vadd.f32 v2, v1  }
0x3a7: {  	v5 =	vand.u32 $0x7FFFFFFF, v5;
	v4 =	vsub.f32 v20, v52;
	v0 =	vadd.f32 v0, v56  }
0x3a8: {  	v59 =	vand.u32 $0x7FFFFFFF, v57;
	v60 =	vsub.f32 v33, v50;
	v1 =	vadd.f32 v5, v1  }
0x3a9: {  	v4 =	vand.u32 $0x7FFFFFFF, v4;
	v3 =	vsub.f32 v20, v55;
	v0 =	vadd.f32 v0, v59  }
0x3aa: {  	v61 =	vsub.f32 v32, v50;
	v62 =	vand.u32 $0x7FFFFFFF, v60;
	v1 =	vadd.f32 v4, v1  }
0x3ab: {  	v2 =	vsub.f32 v20, v58;
	v3 =	vand.u32 $0x7FFFFFFF, v3;
	v0 =	vadd.f32 v0, v62  }
0x3ac: {  	v63 =	vand.u32 $0x7FFFFFFF, v61;
	v1 =	vadd.f32 v3, v1  }
0x3ad: {  	v2 =	vand.u32 $0x7FFFFFFF, v2;
	v0 =	vadd.f32 v0, v63  }
0x3ae: {  	v1 =	vadd.f32 v2, v1  }
0x3af: {  	[tilespmem:$0x10A0] =	vst v0  }
0x3b0: {  	s7 =	rddreg [dreg:$0x8];
	s20 =	simm.s32 $0x10A0;
	[tilespmem:$0x10B0] =	vst v1  }
0x3b1: {  	[spmem:s7] =	stream.linear.scatter [tilespmem:s20], [sflag:$0x2], $0x20, $0x38;
	[tilespmem:$0x1340] =	vst v63  }
.Ltmp2:
0x3b2: {  	_ =	swait.ge [sflag:s6], $0x20;
	(pc) =	sbr.rel @p0 .LBB2_3-.Ltmp2, $3  }
0x3b3: {  	[sflag:s6] =	ssyncset.done $0x0  }
0x3b4: {  	[sflag:s6] =	ssyncadd.s32 $0xFFFFFFE0  }
0x3b5: {  	[bflag:$0x0] =	sbarrier.arrive $0xFFFF;
	_ =	sdelay $0x1  }
0x3b6: {  	s7 =	rddreg [dreg:$0x4];
	s20 =	simm.s32 $0x10C0  }
0x3b7: {  	[tilespmem:s20], [sflag:$0x2] =	stream.linear.gather [spmem:s7], $0x200, $0x38;
	[tilespmem:$0x1340] =	vst v63  }
0x3b8: {  	_ =	swait.ge [sflag:s6], $0x200  }
0x3b9: {  	[sflag:s6] =	ssyncset.done $0x0  }
0x3ba: {  	[sflag:s6] =	ssyncadd.s32 $0xFFFFFE00  }
0x3bb: {  	v0 =	vld [tilespmem:$0x10C0]  }
0x3bc: {  	v1 =	vld [tilespmem:$0x10D0]  }
0x3bd: {  	v2 =	vld [tilespmem:$0x10E0]  }
0x3be: {  	v3 =	vld [tilespmem:$0x10F0]  }
0x3bf: {  	v4 =	vld [tilespmem:$0x1100]  }
0x3c0: {  	v5 =	vld [tilespmem:$0x1110];
	v0 =	vadd.f32 $0.0e+00, v0  }
0x3c1: {  	v6 =	vld [tilespmem:$0x1120];
	v1 =	vadd.f32 $0.0e+00, v1  }
0x3c2: {  	v39 =	vld [tilespmem:$0x1130];
	v0 =	vadd.f32 v2, v0  }
0x3c3: {  	v40 =	vld [tilespmem:$0x1140];
	v1 =	vadd.f32 v3, v1  }
0x3c4: {  	v41 =	vld [tilespmem:$0x1150];
	v0 =	vadd.f32 v4, v0  }
0x3c5: {  	v42 =	vld [tilespmem:$0x1160];
	v1 =	vadd.f32 v5, v1  }
0x3c6: {  	v43 =	vld [tilespmem:$0x1170];
	v0 =	vadd.f32 v6, v0  }
0x3c7: {  	v44 =	vld [tilespmem:$0x1180];
	v1 =	vadd.f32 v39, v1  }
0x3c8: {  	v45 =	vld [tilespmem:$0x1190];
	v0 =	vadd.f32 v40, v0  }
0x3c9: {  	v46 =	vld [tilespmem:$0x11A0];
	v1 =	vadd.f32 v41, v1  }
0x3ca: {  	v47 =	vld [tilespmem:$0x11B0];
	v0 =	vadd.f32 v42, v0  }
0x3cb: {  	v48 =	vld [tilespmem:$0x11C0];
	v1 =	vadd.f32 v43, v1  }
0x3cc: {  	v49 =	vld [tilespmem:$0x11D0];
	v0 =	vadd.f32 v44, v0  }
0x3cd: {  	v50 =	vld [tilespmem:$0x11E0];
	v1 =	vadd.f32 v45, v1  }
0x3ce: {  	v51 =	vld [tilespmem:$0x11F0];
	v0 =	vadd.f32 v46, v0  }
0x3cf: {  	v52 =	vld [tilespmem:$0x1200];
	v1 =	vadd.f32 v47, v1  }
0x3d0: {  	v53 =	vld [tilespmem:$0x1210];
	v0 =	vadd.f32 v48, v0  }
0x3d1: {  	v54 =	vld [tilespmem:$0x1220];
	v1 =	vadd.f32 v49, v1  }
0x3d2: {  	v55 =	vld [tilespmem:$0x1230];
	v0 =	vadd.f32 v50, v0  }
0x3d3: {  	v56 =	vld [tilespmem:$0x1240];
	v1 =	vadd.f32 v51, v1  }
0x3d4: {  	v57 =	vld [tilespmem:$0x1250];
	v0 =	vadd.f32 v52, v0  }
0x3d5: {  	v58 =	vld [tilespmem:$0x1260];
	v1 =	vadd.f32 v53, v1  }
0x3d6: {  	v59 =	vld [tilespmem:$0x1270];
	v0 =	vadd.f32 v54, v0  }
0x3d7: {  	v60 =	vld [tilespmem:$0x1280];
	v1 =	vadd.f32 v55, v1  }
0x3d8: {  	v61 =	vld [tilespmem:$0x1290];
	v0 =	vadd.f32 v56, v0  }
0x3d9: {  	v62 =	vld [tilespmem:$0x12A0];
	v1 =	vadd.f32 v57, v1  }
0x3da: {  	v63 =	vld [tilespmem:$0x12B0];
	v0 =	vadd.f32 v58, v0  }
0x3db: {  	v1 =	vadd.f32 v59, v1  }
0x3dc: {  	v0 =	vadd.f32 v60, v0  }
0x3dd: {  	v1 =	vadd.f32 v61, v1  }
0x3de: {  	v0 =	vadd.f32 v62, v0  }
0x3df: {  	v1 =	vadd.f32 v63, v1  }
0x3e0: {  	(xrf2) =	vadd.scan.msk.f32 $0xffff, v0  }
0x3e1: {  	(xrf2) =	vadd.scan.msk.f32 $0xffff, v1;
	_ =	sdelay $0x8  }
0x3e2: {  	v0, _, _ =	vpop (xrf2)  }
0x3e3: {  	v1, _, _ =	vpop (xrf2)  }
0x3e4: {  	v1 =	vbroadcast v1, $0xF  }
0x3e5: {  	v0 =	vbroadcast v0, $0xF  }
0x3e6: {  	v1 =	vnsel vm0, $0x0, v1  }
0x3e7: {  	v0 =	vsel vm1, v1, v0  }
.Ltmp3:
0x3e8: {  	s20 =	simm.s32 $0x12C0;
	s7 =	rddreg [dreg:$0x6];
	[tilespmem:$0x12C0] =	vst v0;
	(pc) =	sbr.rel .LBB2_3-.Ltmp3, $4  }
0x3e9: {  	[hbm4b:s7+s0] =	stream.linear.scatter [tilespmem:s20], [sflag:$0x2], $0x10, $0x38;
	[tilespmem:$0x1340] =	vst v63  }
0x3ea: {  	_ =	swait.ge [sflag:s6], $0x10  }
0x3eb: {  	[sflag:s6] =	ssyncset.done $0x0  }
0x3ec: {  	[sflag:s6] =	ssyncadd.s32 $0xFFFFFFF0  }
.LBB2_4:
0x3ed: {  	_ =	sfence.sel $0x180000  }
0x3ee: {  	[bflag:$0x0] =	sbarrier.arrive $0xFFFF  }
0x3ef: {  	_ =	strace $0x90000047  }
0x3f0: {  	[bflag:$0x2] =	sbarrier.arrive $0xFFFF  }
0x3f1: {  	s0 =	rddreg [dreg:$0x5]  }
0x3f2: {  	s0 =	sadd.s32 @!p0 $0x100000, s0  }
0x3f3: {  	[sflag:s0] =	ssyncadd.tile.s32 @!p0 $0x1;
	_ =	shalt  }
.Lfunc_end2:
_tile_overlayer_lowered:
.L_overlay_start_2:
0x3f4: {  	(tag) =	ssettag $0x2  }
0x3f5: {  	s0 =	rddreg [dreg:$0x0];
	s2 =	stileid.u32  }
0x3f6: {  	s1 =	rddreg [dreg:$0x1];
	p0 =	sne.s32 s2, $0x0  }
0x3f7: {  	s3 =	rddreg [dreg:$0x2];
	[bflag:$0x3] =	sbarrier.arrive $0xFFFF;
	s2 =	simm.s32 @!p0 $0x1C02  }
0x3f8: {  	[timem:s3], [sflag:s2] =	dma.local @!p0 [hbm:s0], s1  }
0x3f9: {  	s0 =	simm.s32 @!p0 $0x2  }
0x3fa: {  	_ =	swait.ge @!p0 [sflag:s0], s1  }
0x3fb: {  	s1 =	ssub.s32 @!p0 $0x0, s1;
	[sflag:s0] =	ssyncset.done @!p0 $0x0  }
0x3fc: {  	[sflag:s0] =	ssyncadd.s32 @!p0 s1  }
0x3fd: {  	[bflag:$0x3] =	sbarrier.arrive $0xFFFF  }
0x3fe: {  	_ =	shalt  }

</sc_bundles>
